<compile_context>
chip_gen: v7x
topology: tpu7x:2x2x1
jax: 0.10.2.dev20260603
libtpu: 0.0.44.dev20260713+nightly
codegen_flags: <defaults>
</compile_context>

<pallas_src>
import functools

import jax
import jax.numpy as jnp
from jax import lax
from jax.experimental import pallas as pl
from jax.experimental.pallas import tpu as pltpu
from jax.experimental.pallas import tpu_sc as plsc

_NC, _NS = 2, 16


def _sc_mesh():
    return plsc.VectorSubcoreMesh(
        core_axis_name="c", subcore_axis_name="s", num_cores=_NC,
        num_subcores=_NS,
    )




@functools.lru_cache(maxsize=None)
def _make_wstack(num_rels: int, num_bases: int, h: int):

    def body(a_ref, v_ref, out_ref):
        r = pl.program_id(0)
        acc = a_ref[r, 0] * v_ref[0]
        for b in range(1, num_bases):
            acc = acc + a_ref[r, b] * v_ref[b]
        out_ref[...] = acc

    return pl.pallas_call(
        body,
        grid=(num_rels,),
        in_specs=[
            pl.BlockSpec((num_rels, num_bases), lambda r: (0, 0)),
            pl.BlockSpec((num_bases, h, h), lambda r: (0, 0, 0)),
        ],
        out_specs=pl.BlockSpec((h, h), lambda r: (0, r)),
        out_shape=jax.ShapeDtypeStruct((h, num_rels * h), jnp.float32),
    )


@functools.lru_cache(maxsize=None)
def _make_matmul(n: int, h: int, num_rels: int, bn: int):
    nb = n // bn

    def body(x_ref, w_ref, out_ref):
        y = jnp.dot(
            x_ref[...].astype(jnp.bfloat16),
            w_ref[...].astype(jnp.bfloat16),
            preferred_element_type=jnp.float32,
        )
        for r in range(num_rels):
            out_ref[r] = y[:, r * h:(r + 1) * h]

    return pl.pallas_call(
        body,
        grid=(nb,),
        in_specs=[
            pl.BlockSpec((bn, h), lambda i: (i, 0)),
            pl.BlockSpec((h, num_rels * h), lambda i: (0, 0)),
        ],
        out_specs=pl.BlockSpec((num_rels, bn, h), lambda i: (0, i, 0)),
        out_shape=jax.ShapeDtypeStruct((num_rels, n, h), jnp.float32),
    )


@functools.lru_cache(maxsize=None)
def _make_finish(n: int, n_pad: int, h: int, bn: int, relu: bool):

    def body(acc_ref, deg_ref, x_ref, loop_ref, b_ref, out_ref):
        acc = acc_ref[0] + acc_ref[1]
        deg = deg_ref[0] + deg_ref[1]
        norm = jnp.where(deg > 0.0, 1.0 / jnp.maximum(deg, 1.0), 0.0)
        y = acc * norm + jnp.dot(
            x_ref[...], loop_ref[...], preferred_element_type=jnp.float32
        ) + b_ref[...]
        if relu:
            y = jnp.maximum(y, 0.0)
        out_ref[...] = y

    return pl.pallas_call(
        body,
        grid=(n // bn,),
        in_specs=[
            pl.BlockSpec((2, bn, h), lambda i: (0, i, 0)),
            pl.BlockSpec((2, bn, 1), lambda i: (0, i, 0)),
            pl.BlockSpec((bn, h), lambda i: (i, 0)),
            pl.BlockSpec((h, h), lambda i: (0, 0)),
            pl.BlockSpec((1, h), lambda i: (0, 0)),
        ],
        out_specs=pl.BlockSpec((bn, h), lambda i: (i, 0)),
        out_shape=jax.ShapeDtypeStruct((n, h), jnp.float32),
    )




@functools.lru_cache(maxsize=None)
def _make_sc_deg(n_pad: int, rows_per_tile: int):
    nrows = n_pad // 128
    n_writers = nrows // 8

    def body(dst_hbm, deg_out, dstb, degl, iotab, deg_sh):
        cid = lax.axis_index("c")
        sid = lax.axis_index("s")
        wid = cid * _NS + sid

        zeros16 = jnp.zeros((16,), jnp.float32)
        ones16 = jnp.ones((16,), jnp.float32)
        iota16 = lax.iota(jnp.int32, 16)

        def fill_body(i, _):
            for j in range(128 // 16):
                degl[i, pl.ds(j * 16, 16)] = zeros16
            return 0

        lax.fori_loop(0, nrows, fill_body, 0)
        for j in range(nrows // 16):
            iotab[pl.ds(j * 16, 16)] = iota16 + j * 16

        @pl.when(sid < n_writers)
        def _():
            pltpu.sync_copy(
                degl.at[pl.ds(0, 8)], deg_sh.at[pl.ds(sid * 8, 8)]
            )
        plsc.subcore_barrier()

        pltpu.sync_copy(dst_hbm.at[pl.ds(wid * rows_per_tile, rows_per_tile)],
                        dstb)

        def chunk_body(c, _):
            for j in range(128 // 16):
                dvec = dstb[c, pl.ds(j * 16, 16)]
                hi = lax.shift_right_logical(dvec, 7)
                lo = lax.bitwise_and(dvec, 127)
                plsc.addupdate_scatter(degl, [hi, lo], ones16)
            return 0

        lax.fori_loop(0, rows_per_tile, chunk_body, 0)

        pltpu.sync_copy(degl, deg_sh.at[iotab], add=True)
        plsc.subcore_barrier()

        @pl.when(sid < n_writers)
        def _():
            pltpu.sync_copy(
                deg_sh.at[pl.ds(sid * 8, 8)],
                deg_out.at[cid, pl.ds(sid * 8, 8)],
            )

    return pl.kernel(
        body,
        mesh=_sc_mesh(),
        compiler_params=pltpu.CompilerParams(needs_layout_passes=False),
        out_type=[jax.ShapeDtypeStruct((_NC, nrows, 128), jnp.float32)],
        scratch_types=[
            pltpu.VMEM((rows_per_tile, 128), jnp.int32),
            pltpu.VMEM((nrows, 128), jnp.float32),
            pltpu.VMEM((nrows,), jnp.int32),
            pltpu.VMEM_SHARED((nrows, 128), jnp.float32),
        ],
    )


@functools.lru_cache(maxsize=None)
def _make_sc_agg(n_pad: int, rows_per_tile: int, h: int, n_nodes: int):
    rows_per_sub = n_pad // _NS
    n128 = rows_per_sub // 128
    n_stages = 2
    stage_rows = rows_per_tile // n_stages

    def body(src_hbm, et_hbm, dst_hbm, t_hbm, acc_out,
             dstb, gidxb, rows0, rows1, acc_sh,
             gsem0, gsem1, ssem0, ssem1):
        cid = lax.axis_index("c")
        sid = lax.axis_index("s")
        wid = cid * _NS + sid
        base_row = wid * rows_per_tile

        zeros16 = jnp.zeros((16,), jnp.float32)

        def fill_body(i, _):
            for j in range(h // 16):
                rows0[i, pl.ds(j * 16, 16)] = zeros16
            return 0

        lax.fori_loop(0, 128, fill_body, 0)
        for k in range(n128):
            pltpu.sync_copy(
                rows0, acc_sh.at[pl.ds(sid * rows_per_sub + k * 128, 128)]
            )
        plsc.subcore_barrier()

        bufs = (rows0, rows1)
        gsems = (gsem0, gsem1)
        ssems = (ssem0, ssem1)
        nhalf = stage_rows // 2

        for s in range(n_stages):
            base = base_row + s * stage_rows

            pltpu.sync_copy(et_hbm.at[pl.ds(base, stage_rows)], dstb)

            def gidx1_body(c, _):
                for j in range(128 // 16):
                    gidxb[c, pl.ds(j * 16, 16)] = (
                        dstb[c, pl.ds(j * 16, 16)] * n_nodes
                    )
                return 0

            lax.fori_loop(0, stage_rows, gidx1_body, 0)
            pltpu.sync_copy(src_hbm.at[pl.ds(base, stage_rows)], dstb)

            def gidx2_body(c, _):
                for j in range(128 // 16):
                    gidxb[c, pl.ds(j * 16, 16)] = (
                        gidxb[c, pl.ds(j * 16, 16)] + dstb[c, pl.ds(j * 16, 16)]
                    )
                return 0

            lax.fori_loop(0, stage_rows, gidx2_body, 0)
            pltpu.sync_copy(dst_hbm.at[pl.ds(base, stage_rows)], dstb)

            pltpu.async_copy(t_hbm.at[gidxb.at[0]], rows0, gsem0)
            pltpu.async_copy(t_hbm.at[gidxb.at[1]], rows1, gsem1)

            def chunk_body(i, _):
                scat = []
                for p in range(2):
                    k = 2 * i + p
                    pltpu.make_async_copy(
                        t_hbm.at[gidxb.at[k]], bufs[p], gsems[p]
                    ).wait()
                    scat.append(pltpu.async_copy(
                        bufs[p], acc_sh.at[dstb.at[k]], ssems[p], add=True
                    ))
                for p in range(2):
                    scat[p].wait()

                    @pl.when(i < nhalf - 1)
                    def _(p=p):
                        pltpu.async_copy(
                            t_hbm.at[gidxb.at[2 * i + 2 + p]], bufs[p], gsems[p]
                        )
                return 0

            lax.fori_loop(0, nhalf, chunk_body, 0)
        plsc.subcore_barrier()

        pltpu.sync_copy(
            acc_sh.at[pl.ds(sid * rows_per_sub, rows_per_sub)],
            acc_out.at[cid, pl.ds(sid * rows_per_sub, rows_per_sub)],
        )

    return pl.kernel(
        body,
        mesh=_sc_mesh(),
        compiler_params=pltpu.CompilerParams(needs_layout_passes=False),
        out_type=[jax.ShapeDtypeStruct((_NC, n_pad, h), jnp.float32)],
        scratch_types=[
            pltpu.VMEM((rows_per_tile // 2, 128), jnp.int32),
            pltpu.VMEM((rows_per_tile // 2, 128), jnp.int32),
            pltpu.VMEM((128, h), jnp.float32),
            pltpu.VMEM((128, h), jnp.float32),
            pltpu.VMEM_SHARED((n_pad, h), jnp.float32),
            pltpu.SemaphoreType.DMA,
            pltpu.SemaphoreType.DMA,
            pltpu.SemaphoreType.DMA,
            pltpu.SemaphoreType.DMA,
        ],
    )




def kernel(node_feats, edge_index, etype, V1, a1, loop1, b1, V2, a2, loop2, b2):
    n, h = node_feats.shape
    num_bases = V1.shape[0]
    num_rels = a1.shape[0]
    e = etype.shape[0]
    nw = _NC * _NS

    n_pad = ((n + _NS * 128 - 1) // (_NS * 128)) * (_NS * 128)
    rows_per_tile = ((e + nw * 128 - 1) // (nw * 128) + 7) // 8 * 8
    e_pad = rows_per_tile * 128 * nw

    src = edge_index[0].astype(jnp.int32)
    dst = edge_index[1].astype(jnp.int32)
    et = etype.astype(jnp.int32)

    npad = e_pad - e
    pad_i = jnp.arange(npad, dtype=jnp.int32)
    src_p = jnp.concatenate([src, (pad_i * 7919) % n])
    et_p = jnp.concatenate([et, jnp.zeros((npad,), jnp.int32)])
    dst_p = jnp.concatenate([dst, n + (pad_i % (n_pad - n))])

    src2 = src_p.reshape(nw * rows_per_tile, 128)
    et2 = et_p.reshape(nw * rows_per_tile, 128)
    dst2 = dst_p.reshape(nw * rows_per_tile, 128)

    wstack_fn = _make_wstack(num_rels, num_bases, h)
    mm_fn = _make_matmul(n, h, num_rels, 1000)
    deg_fn = _make_sc_deg(n_pad, rows_per_tile)
    agg_fn = _make_sc_agg(n_pad, rows_per_tile, h, n)
    fin_relu = _make_finish(n, n_pad, h, 1000, True)
    fin_last = _make_finish(n, n_pad, h, 1000, False)

    b1r = b1.reshape(1, h)
    b2r = b2.reshape(1, h)

    (degp,) = deg_fn(dst2)
    degp = degp.reshape(_NC, n_pad, 1)

    t1 = mm_fn(node_feats, wstack_fn(a1, V1)).reshape(num_rels * n, h)
    (accp1,) = agg_fn(src2, et2, dst2, t1)
    out1 = fin_relu(accp1, degp, node_feats, loop1, b1r)

    t2 = mm_fn(out1, wstack_fn(a2, V2)).reshape(num_rels * n, h)
    (accp2,) = agg_fn(src2, et2, dst2, t2)
    out2 = fin_last(accp2, degp, out1, loop2, b2r)
    return out2

# --- scband reference (transcript-rebuilt; emitter-appended) ---
"""Pipeline reference for scband-gcargcn-369367188073 (READ-ONLY COPY).

The authoritative reference and input builder live on the scoring server;
editing this copy changes nothing except your own understanding.
"""

import jax, jax.numpy as jnp
import numpy as np

N_NODES = 10000
N_EDGES = 320000
H_DIM = 128
NUM_RELS = 8
NUM_BASES = 8  # num_bases=-1 -> num_rels


def setup_inputs(seed: int = 0) -> dict:
    key = jax.random.key(seed)
    ks = jax.random.split(key, 12)
    node_feats = jax.random.normal(ks[0], (N_NODES, H_DIM), dtype=jnp.float32)
    edge_index = jax.random.randint(ks[1], (2, N_EDGES), 0, N_NODES, dtype=jnp.int64)
    etype = jax.random.randint(ks[2], (N_EDGES,), 0, NUM_RELS, dtype=jnp.int64)
    s = 0.05
    # Layer 1 params (RelGraphConv with basis regularizer + self-loop + bias)
    V1 = jax.random.normal(ks[3], (NUM_BASES, H_DIM, H_DIM), dtype=jnp.float32) * s
    a1 = jax.random.normal(ks[4], (NUM_RELS, NUM_BASES), dtype=jnp.float32) * s
    loop1 = jax.random.normal(ks[5], (H_DIM, H_DIM), dtype=jnp.float32) * s
    b1 = jnp.zeros((H_DIM,), dtype=jnp.float32)
    # Layer 2 params
    V2 = jax.random.normal(ks[6], (NUM_BASES, H_DIM, H_DIM), dtype=jnp.float32) * s
    a2 = jax.random.normal(ks[7], (NUM_RELS, NUM_BASES), dtype=jnp.float32) * s
    loop2 = jax.random.normal(ks[8], (H_DIM, H_DIM), dtype=jnp.float32) * s
    b2 = jnp.zeros((H_DIM,), dtype=jnp.float32)
    return {
        "node_feats": node_feats,
        "edge_index": edge_index,
        "etype": etype,
        "V1": V1, "a1": a1, "loop1": loop1, "b1": b1,
        "V2": V2, "a2": a2, "loop2": loop2, "b2": b2,
    }


def reference(node_feats, edge_index, etype, V1, a1, loop1, b1, V2, a2, loop2, b2):
    src = edge_index[0]
    dst = edge_index[1]
    N = node_feats.shape[0]
    E = src.shape[0]
    # dgl.norm_by_dst: 1 / in_degree(dst), 0 for isolated nodes
    deg = jax.ops.segment_sum(jnp.ones((E,), dtype=jnp.float32), dst, num_segments=N)
    norm_node = jnp.where(deg > 0, 1.0 / jnp.maximum(deg, 1.0), 0.0)
    norm = norm_node[dst]  # [E]

    def rel_layer(h, V, a, loop, b):
        # basis-decomposed relation weights: W_r = sum_b a[r,b] * V[b]
        Wr = jnp.einsum('rb,bio->rio', a, V)          # [R, in, out]
        h_rel = jnp.einsum('ni,rio->nro', h, Wr)       # [N, R, out]
        m = h_rel[src, etype] * norm[:, None]          # gather per edge, normalize
        agg = jax.ops.segment_sum(m, dst, num_segments=N)  # scatter-add to dst
        return agg + h @ loop + b                      # self-loop + bias

    # in_proj is None since in_dim == h_dim
    h = rel_layer(node_feats, V1, a1, loop1, b1)
    h = jax.nn.relu(h)  # dropout p=0.0 is identity
    h = rel_layer(h, V2, a2, loop2, b2)
    return h

if __name__ == "__main__":
    import jax
    _d = setup_inputs()
    print(jax.jit(kernel)(*tuple(_d.values())))

</pallas_src>

<mosaic_0001>
#map = affine_map<(d0, d1) -> (0, 0)>
#map1 = affine_map<(d0, d1) -> (0, 0, 0)>
module attributes {stable_mosaic.version = 14 : i64} {
  func.func @body(%arg0: i32, %arg1: i32, %arg2: memref<2560x128xi32, #tpu.memory_space<hbm>>, %arg3: memref<2x80x128xf32, #tpu.memory_space<hbm>>, %arg4: memref<80x128xi32, #tpu.memory_space<vmem>>, %arg5: memref<80x128xf32, #tpu.memory_space<vmem>>, %arg6: memref<80xi32, #tpu.memory_space<vmem>>, %arg7: memref<80x128xf32, #tpu.memory_space<vmem_shared>>) attributes {dimension_semantics = [#tpu.dimension_semantics<core_parallel>, #tpu.dimension_semantics<subcore_parallel>], iteration_bounds = array<i64: 2, 16>, scalar_prefetch = 0 : i64, scratch_operands = 4 : i64, tpu.core_type = #tpu.core_type<sc_vector_subcore>, window_params = [{transform_indices = #map}, {transform_indices = #map1}]} {
    %mul3A = arith.constant 16 : i32
    %mul3A_0 = arith.muli %arg0, %mul3A : i32
    %add3A = arith.addi %mul3A_0, %arg1 : i32
    %broadcast_in_dim3A = arith.constant 0.000000e+00 : f32
    %broadcast_in_dim3A_1 = vector.broadcast %broadcast_in_dim3A : f32 to vector<16xf32>
    %broadcast_in_dim3A_2 = arith.constant 1.000000e+00 : f32
    %broadcast_in_dim3A_3 = vector.broadcast %broadcast_in_dim3A_2 : f32 to vector<16xf32>
    %iota3A = tpu.iota {dimensions = array<i32: 0>} : vector<16xi32>
    %scan3A = arith.constant 0 : i32
    %scan3A_4 = arith.constant 0 : i32
    %scan3A_5 = arith.constant 80 : i32
    %scan3A_6 = arith.addi %scan3A_4, %scan3A_5 : i32
    %scan3A_7 = arith.constant 1 : i32
    %scan3A_8 = scf.for %scan3A_51 = %scan3A_4 to %scan3A_6 step %scan3A_7 iter_args(%scan3A_52 = %scan3A) -> (i32)  : i32 {
      %swap3A_53 = arith.index_cast %scan3A_51 : i32 to index
      %swap3A_54 = arith.constant 0 : index
      %swap3A_55 = tpu.vector_load %arg5[%swap3A_53, %swap3A_54] {strides = array<i32>} : memref<80x128xf32, #tpu.memory_space<vmem>>, vector<16xf32>,
      tpu.vector_store %arg5[%swap3A_53, %swap3A_54], %broadcast_in_dim3A_1 {strides = array<i32>} : memref<80x128xf32, #tpu.memory_space<vmem>>, vector<16xf32>,
      %swap3A_56 = arith.index_cast %scan3A_51 : i32 to index
      %swap3A_57 = arith.constant 16 : index
      %swap3A_58 = tpu.vector_load %arg5[%swap3A_56, %swap3A_57] {strides = array<i32>} : memref<80x128xf32, #tpu.memory_space<vmem>>, vector<16xf32>,
      tpu.vector_store %arg5[%swap3A_56, %swap3A_57], %broadcast_in_dim3A_1 {strides = array<i32>} : memref<80x128xf32, #tpu.memory_space<vmem>>, vector<16xf32>,
      %swap3A_59 = arith.index_cast %scan3A_51 : i32 to index
      %swap3A_60 = arith.constant 32 : index
      %swap3A_61 = tpu.vector_load %arg5[%swap3A_59, %swap3A_60] {strides = array<i32>} : memref<80x128xf32, #tpu.memory_space<vmem>>, vector<16xf32>,
      tpu.vector_store %arg5[%swap3A_59, %swap3A_60], %broadcast_in_dim3A_1 {strides = array<i32>} : memref<80x128xf32, #tpu.memory_space<vmem>>, vector<16xf32>,
      %swap3A_62 = arith.index_cast %scan3A_51 : i32 to index
      %swap3A_63 = arith.constant 48 : index
      %swap3A_64 = tpu.vector_load %arg5[%swap3A_62, %swap3A_63] {strides = array<i32>} : memref<80x128xf32, #tpu.memory_space<vmem>>, vector<16xf32>,
      tpu.vector_store %arg5[%swap3A_62, %swap3A_63], %broadcast_in_dim3A_1 {strides = array<i32>} : memref<80x128xf32, #tpu.memory_space<vmem>>, vector<16xf32>,
      %swap3A_65 = arith.index_cast %scan3A_51 : i32 to index
      %swap3A_66 = arith.constant 64 : index
      %swap3A_67 = tpu.vector_load %arg5[%swap3A_65, %swap3A_66] {strides = array<i32>} : memref<80x128xf32, #tpu.memory_space<vmem>>, vector<16xf32>,
      tpu.vector_store %arg5[%swap3A_65, %swap3A_66], %broadcast_in_dim3A_1 {strides = array<i32>} : memref<80x128xf32, #tpu.memory_space<vmem>>, vector<16xf32>,
      %swap3A_68 = arith.index_cast %scan3A_51 : i32 to index
      %swap3A_69 = arith.constant 80 : index
      %swap3A_70 = tpu.vector_load %arg5[%swap3A_68, %swap3A_69] {strides = array<i32>} : memref<80x128xf32, #tpu.memory_space<vmem>>, vector<16xf32>,
      tpu.vector_store %arg5[%swap3A_68, %swap3A_69], %broadcast_in_dim3A_1 {strides = array<i32>} : memref<80x128xf32, #tpu.memory_space<vmem>>, vector<16xf32>,
      %swap3A_71 = arith.index_cast %scan3A_51 : i32 to index
      %swap3A_72 = arith.constant 96 : index
      %swap3A_73 = tpu.vector_load %arg5[%swap3A_71, %swap3A_72] {strides = array<i32>} : memref<80x128xf32, #tpu.memory_space<vmem>>, vector<16xf32>,
      tpu.vector_store %arg5[%swap3A_71, %swap3A_72], %broadcast_in_dim3A_1 {strides = array<i32>} : memref<80x128xf32, #tpu.memory_space<vmem>>, vector<16xf32>,
      %swap3A_74 = arith.index_cast %scan3A_51 : i32 to index
      %swap3A_75 = arith.constant 112 : index
      %swap3A_76 = tpu.vector_load %arg5[%swap3A_74, %swap3A_75] {strides = array<i32>} : memref<80x128xf32, #tpu.memory_space<vmem>>, vector<16xf32>,
      tpu.vector_store %arg5[%swap3A_74, %swap3A_75], %broadcast_in_dim3A_1 {strides = array<i32>} : memref<80x128xf32, #tpu.memory_space<vmem>>, vector<16xf32>,
      %scan3A_77 = arith.constant 0 : i32
      scf.yield %scan3A_77 : i32
    }
    %scan3A_9 = arith.constant 80 : i32
    %add3A_10 = arith.constant 0 : i32
    %add3A_11 = vector.broadcast %add3A_10 : i32 to vector<16xi32>
    %add3A_12 = arith.addi %iota3A, %add3A_11 : vector<16xi32>
    %swap3A = arith.constant 0 : index
    %swap3A_13 = tpu.vector_load %arg6[%swap3A] {strides = array<i32>} : memref<80xi32, #tpu.memory_space<vmem>>, vector<16xi32>,
    tpu.vector_store %arg6[%swap3A], %add3A_12 {strides = array<i32>} : memref<80xi32, #tpu.memory_space<vmem>>, vector<16xi32>,
    %add3A_14 = arith.constant 16 : i32
    %add3A_15 = vector.broadcast %add3A_14 : i32 to vector<16xi32>
    %add3A_16 = arith.addi %iota3A, %add3A_15 : vector<16xi32>
    %swap3A_17 = arith.constant 16 : index
    %swap3A_18 = tpu.vector_load %arg6[%swap3A_17] {strides = array<i32>} : memref<80xi32, #tpu.memory_space<vmem>>, vector<16xi32>,
    tpu.vector_store %arg6[%swap3A_17], %add3A_16 {strides = array<i32>} : memref<80xi32, #tpu.memory_space<vmem>>, vector<16xi32>,
    %add3A_19 = arith.constant 32 : i32
    %add3A_20 = vector.broadcast %add3A_19 : i32 to vector<16xi32>
    %add3A_21 = arith.addi %iota3A, %add3A_20 : vector<16xi32>
    %swap3A_22 = arith.constant 32 : index
    %swap3A_23 = tpu.vector_load %arg6[%swap3A_22] {strides = array<i32>} : memref<80xi32, #tpu.memory_space<vmem>>, vector<16xi32>,
    tpu.vector_store %arg6[%swap3A_22], %add3A_21 {strides = array<i32>} : memref<80xi32, #tpu.memory_space<vmem>>, vector<16xi32>,
    %add3A_24 = arith.constant 48 : i32
    %add3A_25 = vector.broadcast %add3A_24 : i32 to vector<16xi32>
    %add3A_26 = arith.addi %iota3A, %add3A_25 : vector<16xi32>
    %swap3A_27 = arith.constant 48 : index
    %swap3A_28 = tpu.vector_load %arg6[%swap3A_27] {strides = array<i32>} : memref<80xi32, #tpu.memory_space<vmem>>, vector<16xi32>,
    tpu.vector_store %arg6[%swap3A_27], %add3A_26 {strides = array<i32>} : memref<80xi32, #tpu.memory_space<vmem>>, vector<16xi32>,
    %add3A_29 = arith.constant 64 : i32
    %add3A_30 = vector.broadcast %add3A_29 : i32 to vector<16xi32>
    %add3A_31 = arith.addi %iota3A, %add3A_30 : vector<16xi32>
    %swap3A_32 = arith.constant 64 : index
    %swap3A_33 = tpu.vector_load %arg6[%swap3A_32] {strides = array<i32>} : memref<80xi32, #tpu.memory_space<vmem>>, vector<16xi32>,
    tpu.vector_store %arg6[%swap3A_32], %add3A_31 {strides = array<i32>} : memref<80xi32, #tpu.memory_space<vmem>>, vector<16xi32>,
    %lt3A = arith.constant 10 : i32
    %lt3A_34 = arith.cmpi slt, %arg1, %lt3A : i32
    %convert_element_type3A = arith.extui %lt3A_34 : i1 to i32
    %cond3A = arith.constant 0 : i32
    %cond3A_35 = arith.cmpi ne, %convert_element_type3A, %cond3A : i32
    scf.if %cond3A_35 {
      %mul3A_51 = arith.constant 8 : i32
      %mul3A_52 = arith.muli %arg1, %mul3A_51 : i32
      "tpu.region"() ({
        %run_scoped3A = tpu.sem_alloc : memref<!tpu.dma_semaphore, #tpu.memory_space<semaphore_mem>>
        %dma_start3A = arith.constant 0 : i32
        %dma_start3A_53 = arith.constant 0 : i32
        %dma_start3A_54 = tpu.memref_slice %arg5[%dma_start3A, %dma_start3A_53] : memref<80x128xf32, #tpu.memory_space<vmem>> -> memref<8x128xf32, #tpu.memory_space<vmem>>
        %dma_start3A_55 = arith.constant 0 : i32
        %dma_start3A_56 = tpu.memref_slice %arg7[%mul3A_52, %dma_start3A_55] : memref<80x128xf32, #tpu.memory_space<vmem_shared>> -> memref<8x128xf32, #tpu.memory_space<vmem_shared>>
        %dma_start3A_57 = arith.constant 0 : i32
        %dma_start3A_58 = tpu.memref_slice %arg7[%mul3A_52, %dma_start3A_57] : memref<80x128xf32, #tpu.memory_space<vmem_shared>> -> memref<8x128xf32, #tpu.memory_space<vmem_shared>>
        %dma_start3A_59 = arith.constant 0 : i32
        %dma_start3A_60 = arith.constant 0 : i32
        %dma_start3A_61 = tpu.memref_slice %arg5[%dma_start3A_59, %dma_start3A_60] : memref<80x128xf32, #tpu.memory_space<vmem>> -> memref<8x128xf32, #tpu.memory_space<vmem>>
        tpu.enqueue_dma source(%dma_start3A_61 : memref<8x128xf32, #tpu.memory_space<vmem>>) target(%dma_start3A_58 : memref<8x128xf32, #tpu.memory_space<vmem_shared>>) target_semaphore(%run_scoped3A : memref<!tpu.dma_semaphore, #tpu.memory_space<semaphore_mem>>)
        %dma_wait3A = arith.constant 0 : i32
        %dma_wait3A_62 = arith.constant 0 : i32
        %dma_wait3A_63 = tpu.memref_slice %arg5[%dma_wait3A, %dma_wait3A_62] : memref<80x128xf32, #tpu.memory_space<vmem>> -> memref<8x128xf32, #tpu.memory_space<vmem>>
        %dma_wait3A_64 = arith.constant 0 : i32
        %dma_wait3A_65 = tpu.memref_slice %arg7[%mul3A_52, %dma_wait3A_64] : memref<80x128xf32, #tpu.memory_space<vmem_shared>> -> memref<8x128xf32, #tpu.memory_space<vmem_shared>>
        %dma_wait3A_66 = arith.constant 0 : i32
        %dma_wait3A_67 = tpu.memref_slice %arg7[%mul3A_52, %dma_wait3A_66] : memref<80x128xf32, #tpu.memory_space<vmem_shared>> -> memref<8x128xf32, #tpu.memory_space<vmem_shared>>
        %dma_wait3A_68 = arith.constant 0 : i32
        %dma_wait3A_69 = arith.constant 0 : i32
        %dma_wait3A_70 = tpu.memref_slice %arg5[%dma_wait3A_68, %dma_wait3A_69] : memref<80x128xf32, #tpu.memory_space<vmem>> -> memref<8x128xf32, #tpu.memory_space<vmem>>
        tpu.wait_dma2 semaphore(%run_scoped3A : memref<!tpu.dma_semaphore, #tpu.memory_space<semaphore_mem>>) src(%dma_wait3A_70 : memref<8x128xf32, #tpu.memory_space<vmem>>) dst(%dma_wait3A_67 : memref<8x128xf32, #tpu.memory_space<vmem_shared>>)
        tpu.yield
      }) : () -> ()
    } else {
    }
    %barrier3A = arith.constant 0 : index
    tpu.barrier barrier_id(%barrier3A)
    %mul3A_36 = arith.constant 80 : i32
    %mul3A_37 = arith.muli %add3A, %mul3A_36 : i32
    "tpu.region"() ({
      %run_scoped3A = tpu.sem_alloc : memref<!tpu.dma_semaphore, #tpu.memory_space<semaphore_mem>>
      %dma_start3A = arith.constant 0 : i32
      %dma_start3A_51 = tpu.memref_slice %arg2[%mul3A_37, %dma_start3A] : memref<2560x128xi32, #tpu.memory_space<hbm>> -> memref<80x128xi32, #tpu.memory_space<hbm>>
      %dma_start3A_52 = arith.constant 0 : i32
      %dma_start3A_53 = tpu.memref_slice %arg2[%mul3A_37, %dma_start3A_52] : memref<2560x128xi32, #tpu.memory_space<hbm>> -> memref<80x128xi32, #tpu.memory_space<hbm>>
      tpu.enqueue_dma source(%dma_start3A_53 : memref<80x128xi32, #tpu.memory_space<hbm>>) target(%arg4 : memref<80x128xi32, #tpu.memory_space<vmem>>) target_semaphore(%run_scoped3A : memref<!tpu.dma_semaphore, #tpu.memory_space<semaphore_mem>>)
      %dma_wait3A = arith.constant 0 : i32
      %dma_wait3A_54 = tpu.memref_slice %arg2[%mul3A_37, %dma_wait3A] : memref<2560x128xi32, #tpu.memory_space<hbm>> -> memref<80x128xi32, #tpu.memory_space<hbm>>
      %dma_wait3A_55 = arith.constant 0 : i32
      %dma_wait3A_56 = tpu.memref_slice %arg2[%mul3A_37, %dma_wait3A_55] : memref<2560x128xi32, #tpu.memory_space<hbm>> -> memref<80x128xi32, #tpu.memory_space<hbm>>
      tpu.wait_dma2 semaphore(%run_scoped3A : memref<!tpu.dma_semaphore, #tpu.memory_space<semaphore_mem>>) src(%dma_wait3A_56 : memref<80x128xi32, #tpu.memory_space<hbm>>) dst(%arg4 : memref<80x128xi32, #tpu.memory_space<vmem>>)
      tpu.yield
    }) : () -> ()
    %scan3A_38 = arith.constant 0 : i32
    %scan3A_39 = arith.constant 0 : i32
    %scan3A_40 = arith.constant 80 : i32
    %scan3A_41 = arith.addi %scan3A_39, %scan3A_40 : i32
    %scan3A_42 = arith.constant 1 : i32
    %scan3A_43 = scf.for %scan3A_51 = %scan3A_39 to %scan3A_41 step %scan3A_42 iter_args(%scan3A_52 = %scan3A_38) -> (i32)  : i32 {
      %get3A = arith.index_cast %scan3A_51 : i32 to index
      %get3A_53 = arith.constant 0 : index
      %get3A_54 = tpu.vector_load %arg4[%get3A, %get3A_53] {strides = array<i32>} : memref<80x128xi32, #tpu.memory_space<vmem>>, vector<16xi32>,
      %shift_right_logical3A = arith.constant 7 : i32
      %shift_right_logical3A_55 = vector.broadcast %shift_right_logical3A : i32 to vector<16xi32>
      %shift_right_logical3A_56 = arith.shrui %get3A_54, %shift_right_logical3A_55 : vector<16xi32>
      %and3A = arith.constant 127 : i32
      %and3A_57 = vector.broadcast %and3A : i32 to vector<16xi32>
      %and3A_58 = arith.andi %get3A_54, %and3A_57 : vector<16xi32>
      tpu.vector_store_idx %arg5[%shift_right_logical3A_56, %and3A_58], %broadcast_in_dim3A_3 {add = true} : memref<80x128xf32, #tpu.memory_space<vmem>>[vector<16xi32>, vector<16xi32>], vector<16xf32>,
      %get3A_59 = arith.index_cast %scan3A_51 : i32 to index
      %get3A_60 = arith.constant 16 : index
      %get3A_61 = tpu.vector_load %arg4[%get3A_59, %get3A_60] {strides = array<i32>} : memref<80x128xi32, #tpu.memory_space<vmem>>, vector<16xi32>,
      %shift_right_logical3A_62 = arith.constant 7 : i32
      %shift_right_logical3A_63 = vector.broadcast %shift_right_logical3A_62 : i32 to vector<16xi32>
      %shift_right_logical3A_64 = arith.shrui %get3A_61, %shift_right_logical3A_63 : vector<16xi32>
      %and3A_65 = arith.constant 127 : i32
      %and3A_66 = vector.broadcast %and3A_65 : i32 to vector<16xi32>
      %and3A_67 = arith.andi %get3A_61, %and3A_66 : vector<16xi32>
      tpu.vector_store_idx %arg5[%shift_right_logical3A_64, %and3A_67], %broadcast_in_dim3A_3 {add = true} : memref<80x128xf32, #tpu.memory_space<vmem>>[vector<16xi32>, vector<16xi32>], vector<16xf32>,
      %get3A_68 = arith.index_cast %scan3A_51 : i32 to index
      %get3A_69 = arith.constant 32 : index
      %get3A_70 = tpu.vector_load %arg4[%get3A_68, %get3A_69] {strides = array<i32>} : memref<80x128xi32, #tpu.memory_space<vmem>>, vector<16xi32>,
      %shift_right_logical3A_71 = arith.constant 7 : i32
      %shift_right_logical3A_72 = vector.broadcast %shift_right_logical3A_71 : i32 to vector<16xi32>
      %shift_right_logical3A_73 = arith.shrui %get3A_70, %shift_right_logical3A_72 : vector<16xi32>
      %and3A_74 = arith.constant 127 : i32
      %and3A_75 = vector.broadcast %and3A_74 : i32 to vector<16xi32>
      %and3A_76 = arith.andi %get3A_70, %and3A_75 : vector<16xi32>
      tpu.vector_store_idx %arg5[%shift_right_logical3A_73, %and3A_76], %broadcast_in_dim3A_3 {add = true} : memref<80x128xf32, #tpu.memory_space<vmem>>[vector<16xi32>, vector<16xi32>], vector<16xf32>,
      %get3A_77 = arith.index_cast %scan3A_51 : i32 to index
      %get3A_78 = arith.constant 48 : index
      %get3A_79 = tpu.vector_load %arg4[%get3A_77, %get3A_78] {strides = array<i32>} : memref<80x128xi32, #tpu.memory_space<vmem>>, vector<16xi32>,
      %shift_right_logical3A_80 = arith.constant 7 : i32
      %shift_right_logical3A_81 = vector.broadcast %shift_right_logical3A_80 : i32 to vector<16xi32>
      %shift_right_logical3A_82 = arith.shrui %get3A_79, %shift_right_logical3A_81 : vector<16xi32>
      %and3A_83 = arith.constant 127 : i32
      %and3A_84 = vector.broadcast %and3A_83 : i32 to vector<16xi32>
      %and3A_85 = arith.andi %get3A_79, %and3A_84 : vector<16xi32>
      tpu.vector_store_idx %arg5[%shift_right_logical3A_82, %and3A_85], %broadcast_in_dim3A_3 {add = true} : memref<80x128xf32, #tpu.memory_space<vmem>>[vector<16xi32>, vector<16xi32>], vector<16xf32>,
      %get3A_86 = arith.index_cast %scan3A_51 : i32 to index
      %get3A_87 = arith.constant 64 : index
      %get3A_88 = tpu.vector_load %arg4[%get3A_86, %get3A_87] {strides = array<i32>} : memref<80x128xi32, #tpu.memory_space<vmem>>, vector<16xi32>,
      %shift_right_logical3A_89 = arith.constant 7 : i32
      %shift_right_logical3A_90 = vector.broadcast %shift_right_logical3A_89 : i32 to vector<16xi32>
      %shift_right_logical3A_91 = arith.shrui %get3A_88, %shift_right_logical3A_90 : vector<16xi32>
      %and3A_92 = arith.constant 127 : i32
      %and3A_93 = vector.broadcast %and3A_92 : i32 to vector<16xi32>
      %and3A_94 = arith.andi %get3A_88, %and3A_93 : vector<16xi32>
      tpu.vector_store_idx %arg5[%shift_right_logical3A_91, %and3A_94], %broadcast_in_dim3A_3 {add = true} : memref<80x128xf32, #tpu.memory_space<vmem>>[vector<16xi32>, vector<16xi32>], vector<16xf32>,
      %get3A_95 = arith.index_cast %scan3A_51 : i32 to index
      %get3A_96 = arith.constant 80 : index
      %get3A_97 = tpu.vector_load %arg4[%get3A_95, %get3A_96] {strides = array<i32>} : memref<80x128xi32, #tpu.memory_space<vmem>>, vector<16xi32>,
      %shift_right_logical3A_98 = arith.constant 7 : i32
      %shift_right_logical3A_99 = vector.broadcast %shift_right_logical3A_98 : i32 to vector<16xi32>
      %shift_right_logical3A_100 = arith.shrui %get3A_97, %shift_right_logical3A_99 : vector<16xi32>
      %and3A_101 = arith.constant 127 : i32
      %and3A_102 = vector.broadcast %and3A_101 : i32 to vector<16xi32>
      %and3A_103 = arith.andi %get3A_97, %and3A_102 : vector<16xi32>
      tpu.vector_store_idx %arg5[%shift_right_logical3A_100, %and3A_103], %broadcast_in_dim3A_3 {add = true} : memref<80x128xf32, #tpu.memory_space<vmem>>[vector<16xi32>, vector<16xi32>], vector<16xf32>,
      %get3A_104 = arith.index_cast %scan3A_51 : i32 to index
      %get3A_105 = arith.constant 96 : index
      %get3A_106 = tpu.vector_load %arg4[%get3A_104, %get3A_105] {strides = array<i32>} : memref<80x128xi32, #tpu.memory_space<vmem>>, vector<16xi32>,
      %shift_right_logical3A_107 = arith.constant 7 : i32
      %shift_right_logical3A_108 = vector.broadcast %shift_right_logical3A_107 : i32 to vector<16xi32>
      %shift_right_logical3A_109 = arith.shrui %get3A_106, %shift_right_logical3A_108 : vector<16xi32>
      %and3A_110 = arith.constant 127 : i32
      %and3A_111 = vector.broadcast %and3A_110 : i32 to vector<16xi32>
      %and3A_112 = arith.andi %get3A_106, %and3A_111 : vector<16xi32>
      tpu.vector_store_idx %arg5[%shift_right_logical3A_109, %and3A_112], %broadcast_in_dim3A_3 {add = true} : memref<80x128xf32, #tpu.memory_space<vmem>>[vector<16xi32>, vector<16xi32>], vector<16xf32>,
      %get3A_113 = arith.index_cast %scan3A_51 : i32 to index
      %get3A_114 = arith.constant 112 : index
      %get3A_115 = tpu.vector_load %arg4[%get3A_113, %get3A_114] {strides = array<i32>} : memref<80x128xi32, #tpu.memory_space<vmem>>, vector<16xi32>,
      %shift_right_logical3A_116 = arith.constant 7 : i32
      %shift_right_logical3A_117 = vector.broadcast %shift_right_logical3A_116 : i32 to vector<16xi32>
      %shift_right_logical3A_118 = arith.shrui %get3A_115, %shift_right_logical3A_117 : vector<16xi32>
      %and3A_119 = arith.constant 127 : i32
      %and3A_120 = vector.broadcast %and3A_119 : i32 to vector<16xi32>
      %and3A_121 = arith.andi %get3A_115, %and3A_120 : vector<16xi32>
      tpu.vector_store_idx %arg5[%shift_right_logical3A_118, %and3A_121], %broadcast_in_dim3A_3 {add = true} : memref<80x128xf32, #tpu.memory_space<vmem>>[vector<16xi32>, vector<16xi32>], vector<16xf32>,
      %scan3A_122 = arith.constant 0 : i32
      scf.yield %scan3A_122 : i32
    }
    %scan3A_44 = arith.constant 80 : i32
    "tpu.region"() ({
      %run_scoped3A = tpu.sem_alloc : memref<!tpu.dma_semaphore, #tpu.memory_space<semaphore_mem>>
      %dma_start3A = arith.constant 0 : i32
      %dma_start3A_51 = arith.constant 0 : i32
      %dma_start3A_52 = tpu.memref_slice %arg7[%dma_start3A, %dma_start3A_51] : memref<80x128xf32, #tpu.memory_space<vmem_shared>> -> memref<80x128xf32, #tpu.memory_space<vmem_shared>>
      tpu.enqueue_indirect_dma source(%arg5 : memref<80x128xf32, #tpu.memory_space<vmem>>) target(%dma_start3A_52 : memref<80x128xf32, #tpu.memory_space<vmem_shared>>) offsets(%arg6 : memref<80xi32, #tpu.memory_space<vmem>>) semaphore(%run_scoped3A : memref<!tpu.dma_semaphore, #tpu.memory_space<semaphore_mem>>) {add = true}
      %dma_wait3A = arith.constant 0 : i32
      %dma_wait3A_53 = arith.constant 0 : i32
      %dma_wait3A_54 = tpu.memref_slice %arg7[%dma_wait3A, %dma_wait3A_53] : memref<80x128xf32, #tpu.memory_space<vmem_shared>> -> memref<80x128xf32, #tpu.memory_space<vmem_shared>>
      tpu.wait_indirect_dma semaphore(%run_scoped3A : memref<!tpu.dma_semaphore, #tpu.memory_space<semaphore_mem>>) src(%arg5 : memref<80x128xf32, #tpu.memory_space<vmem>>) dst(%dma_wait3A_54 : memref<80x128xf32, #tpu.memory_space<vmem_shared>>)
      tpu.yield
    }) : () -> ()
    %barrier3A_45 = arith.constant 0 : index
    tpu.barrier barrier_id(%barrier3A_45)
    %lt3A_46 = arith.constant 10 : i32
    %lt3A_47 = arith.cmpi slt, %arg1, %lt3A_46 : i32
    %convert_element_type3A_48 = arith.extui %lt3A_47 : i1 to i32
    %cond3A_49 = arith.constant 0 : i32
    %cond3A_50 = arith.cmpi ne, %convert_element_type3A_48, %cond3A_49 : i32
    scf.if %cond3A_50 {
      %mul3A_51 = arith.constant 8 : i32
      %mul3A_52 = arith.muli %arg1, %mul3A_51 : i32
      %mul3A_53 = arith.constant 8 : i32
      %mul3A_54 = arith.muli %arg1, %mul3A_53 : i32
      "tpu.region"() ({
        %run_scoped3A = tpu.sem_alloc : memref<!tpu.dma_semaphore, #tpu.memory_space<semaphore_mem>>
        %dma_start3A = arith.constant 0 : i32
        %dma_start3A_55 = tpu.memref_slice %arg3[%arg0, %mul3A_54, %dma_start3A] : memref<2x80x128xf32, #tpu.memory_space<hbm>> -> memref<1x8x128xf32, #tpu.memory_space<hbm>>
        %dma_start3A_56 = tpu.memref_squeeze %dma_start3A_55 : memref<1x8x128xf32, #tpu.memory_space<hbm>> -> memref<8x128xf32, #tpu.memory_space<hbm>>
        %dma_start3A_57 = arith.constant 0 : i32
        %dma_start3A_58 = tpu.memref_slice %arg7[%mul3A_52, %dma_start3A_57] : memref<80x128xf32, #tpu.memory_space<vmem_shared>> -> memref<8x128xf32, #tpu.memory_space<vmem_shared>>
        tpu.enqueue_dma source(%dma_start3A_58 : memref<8x128xf32, #tpu.memory_space<vmem_shared>>) target(%dma_start3A_56 : memref<8x128xf32, #tpu.memory_space<hbm>>) target_semaphore(%run_scoped3A : memref<!tpu.dma_semaphore, #tpu.memory_space<semaphore_mem>>)
        %dma_wait3A = arith.constant 0 : i32
        %dma_wait3A_59 = tpu.memref_slice %arg3[%arg0, %mul3A_54, %dma_wait3A] : memref<2x80x128xf32, #tpu.memory_space<hbm>> -> memref<1x8x128xf32, #tpu.memory_space<hbm>>
        %dma_wait3A_60 = tpu.memref_squeeze %dma_wait3A_59 : memref<1x8x128xf32, #tpu.memory_space<hbm>> -> memref<8x128xf32, #tpu.memory_space<hbm>>
        %dma_wait3A_61 = arith.constant 0 : i32
        %dma_wait3A_62 = tpu.memref_slice %arg7[%mul3A_52, %dma_wait3A_61] : memref<80x128xf32, #tpu.memory_space<vmem_shared>> -> memref<8x128xf32, #tpu.memory_space<vmem_shared>>
        tpu.wait_dma2 semaphore(%run_scoped3A : memref<!tpu.dma_semaphore, #tpu.memory_space<semaphore_mem>>) src(%dma_wait3A_62 : memref<8x128xf32, #tpu.memory_space<vmem_shared>>) dst(%dma_wait3A_60 : memref<8x128xf32, #tpu.memory_space<hbm>>)
        tpu.yield
      }) : () -> ()
    } else {
    }
    return
  }
}

#map = affine_map<(d0, d1) -> (0, 0)>
#map1 = affine_map<(d0, d1) -> (0, 0, 0)>
module attributes {stable_mosaic.version = 14 : i64} {
  func.func @body(%arg0: i32, %arg1: i32, %arg2: memref<2560x128xi32, #tpu.memory_space<hbm>>, %arg3: memref<2560x128xi32, #tpu.memory_space<hbm>>, %arg4: memref<2560x128xi32, #tpu.memory_space<hbm>>, %arg5: memref<80000x128xf32, #tpu.memory_space<hbm>>, %arg6: memref<2x10240x128xf32, #tpu.memory_space<hbm>>, %arg7: memref<40x128xi32, #tpu.memory_space<vmem>>, %arg8: memref<40x128xi32, #tpu.memory_space<vmem>>, %arg9: memref<128x128xf32, #tpu.memory_space<vmem>>, %arg10: memref<128x128xf32, #tpu.memory_space<vmem>>, %arg11: memref<10240x128xf32, #tpu.memory_space<vmem_shared>>, %arg12: memref<!tpu.dma_semaphore, #tpu.memory_space<semaphore_mem>>, %arg13: memref<!tpu.dma_semaphore, #tpu.memory_space<semaphore_mem>>, %arg14: memref<!tpu.dma_semaphore, #tpu.memory_space<semaphore_mem>>, %arg15: memref<!tpu.dma_semaphore, #tpu.memory_space<semaphore_mem>>) attributes {dimension_semantics = [#tpu.dimension_semantics<core_parallel>, #tpu.dimension_semantics<subcore_parallel>], iteration_bounds = array<i64: 2, 16>, scalar_prefetch = 0 : i64, scratch_operands = 9 : i64, tpu.core_type = #tpu.core_type<sc_vector_subcore>, window_params = [{transform_indices = #map}, {transform_indices = #map}, {transform_indices = #map}, {transform_indices = #map}, {transform_indices = #map1}]} {
    %mul3A = arith.constant 16 : i32
    %mul3A_0 = arith.muli %arg0, %mul3A : i32
    %add3A = arith.addi %mul3A_0, %arg1 : i32
    %mul3A_1 = arith.constant 80 : i32
    %mul3A_2 = arith.muli %add3A, %mul3A_1 : i32
    %broadcast_in_dim3A = arith.constant 0.000000e+00 : f32
    %broadcast_in_dim3A_3 = vector.broadcast %broadcast_in_dim3A : f32 to vector<16xf32>
    %scan3A = arith.constant 0 : i32
    %scan3A_4 = arith.constant 0 : i32
    %scan3A_5 = arith.constant 128 : i32
    %scan3A_6 = arith.addi %scan3A_4, %scan3A_5 : i32
    %scan3A_7 = arith.constant 1 : i32
    %scan3A_8 = scf.for %scan3A_108 = %scan3A_4 to %scan3A_6 step %scan3A_7 iter_args(%scan3A_109 = %scan3A) -> (i32)  : i32 {
      %swap3A = arith.index_cast %scan3A_108 : i32 to index
      %swap3A_110 = arith.constant 0 : index
      %swap3A_111 = tpu.vector_load %arg9[%swap3A, %swap3A_110] {strides = array<i32>} : memref<128x128xf32, #tpu.memory_space<vmem>>, vector<16xf32>,
      tpu.vector_store %arg9[%swap3A, %swap3A_110], %broadcast_in_dim3A_3 {strides = array<i32>} : memref<128x128xf32, #tpu.memory_space<vmem>>, vector<16xf32>,
      %swap3A_112 = arith.index_cast %scan3A_108 : i32 to index
      %swap3A_113 = arith.constant 16 : index
      %swap3A_114 = tpu.vector_load %arg9[%swap3A_112, %swap3A_113] {strides = array<i32>} : memref<128x128xf32, #tpu.memory_space<vmem>>, vector<16xf32>,
      tpu.vector_store %arg9[%swap3A_112, %swap3A_113], %broadcast_in_dim3A_3 {strides = array<i32>} : memref<128x128xf32, #tpu.memory_space<vmem>>, vector<16xf32>,
      %swap3A_115 = arith.index_cast %scan3A_108 : i32 to index
      %swap3A_116 = arith.constant 32 : index
      %swap3A_117 = tpu.vector_load %arg9[%swap3A_115, %swap3A_116] {strides = array<i32>} : memref<128x128xf32, #tpu.memory_space<vmem>>, vector<16xf32>,
      tpu.vector_store %arg9[%swap3A_115, %swap3A_116], %broadcast_in_dim3A_3 {strides = array<i32>} : memref<128x128xf32, #tpu.memory_space<vmem>>, vector<16xf32>,
      %swap3A_118 = arith.index_cast %scan3A_108 : i32 to index
      %swap3A_119 = arith.constant 48 : index
      %swap3A_120 = tpu.vector_load %arg9[%swap3A_118, %swap3A_119] {strides = array<i32>} : memref<128x128xf32, #tpu.memory_space<vmem>>, vector<16xf32>,
      tpu.vector_store %arg9[%swap3A_118, %swap3A_119], %broadcast_in_dim3A_3 {strides = array<i32>} : memref<128x128xf32, #tpu.memory_space<vmem>>, vector<16xf32>,
      %swap3A_121 = arith.index_cast %scan3A_108 : i32 to index
      %swap3A_122 = arith.constant 64 : index
      %swap3A_123 = tpu.vector_load %arg9[%swap3A_121, %swap3A_122] {strides = array<i32>} : memref<128x128xf32, #tpu.memory_space<vmem>>, vector<16xf32>,
      tpu.vector_store %arg9[%swap3A_121, %swap3A_122], %broadcast_in_dim3A_3 {strides = array<i32>} : memref<128x128xf32, #tpu.memory_space<vmem>>, vector<16xf32>,
      %swap3A_124 = arith.index_cast %scan3A_108 : i32 to index
      %swap3A_125 = arith.constant 80 : index
      %swap3A_126 = tpu.vector_load %arg9[%swap3A_124, %swap3A_125] {strides = array<i32>} : memref<128x128xf32, #tpu.memory_space<vmem>>, vector<16xf32>,
      tpu.vector_store %arg9[%swap3A_124, %swap3A_125], %broadcast_in_dim3A_3 {strides = array<i32>} : memref<128x128xf32, #tpu.memory_space<vmem>>, vector<16xf32>,
      %swap3A_127 = arith.index_cast %scan3A_108 : i32 to index
      %swap3A_128 = arith.constant 96 : index
      %swap3A_129 = tpu.vector_load %arg9[%swap3A_127, %swap3A_128] {strides = array<i32>} : memref<128x128xf32, #tpu.memory_space<vmem>>, vector<16xf32>,
      tpu.vector_store %arg9[%swap3A_127, %swap3A_128], %broadcast_in_dim3A_3 {strides = array<i32>} : memref<128x128xf32, #tpu.memory_space<vmem>>, vector<16xf32>,
      %swap3A_130 = arith.index_cast %scan3A_108 : i32 to index
      %swap3A_131 = arith.constant 112 : index
      %swap3A_132 = tpu.vector_load %arg9[%swap3A_130, %swap3A_131] {strides = array<i32>} : memref<128x128xf32, #tpu.memory_space<vmem>>, vector<16xf32>,
      tpu.vector_store %arg9[%swap3A_130, %swap3A_131], %broadcast_in_dim3A_3 {strides = array<i32>} : memref<128x128xf32, #tpu.memory_space<vmem>>, vector<16xf32>,
      %scan3A_133 = arith.constant 0 : i32
      scf.yield %scan3A_133 : i32
    }
    %scan3A_9 = arith.constant 128 : i32
    %mul3A_10 = arith.constant 640 : i32
    %mul3A_11 = arith.muli %arg1, %mul3A_10 : i32
    %add3A_12 = arith.constant 0 : i32
    %add3A_13 = arith.addi %mul3A_11, %add3A_12 : i32
    "tpu.region"() ({
      %run_scoped3A = tpu.sem_alloc : memref<!tpu.dma_semaphore, #tpu.memory_space<semaphore_mem>>
      %dma_start3A_108 = arith.constant 0 : i32
      %dma_start3A_109 = tpu.memref_slice %arg11[%add3A_13, %dma_start3A_108] : memref<10240x128xf32, #tpu.memory_space<vmem_shared>> -> memref<128x128xf32, #tpu.memory_space<vmem_shared>>
      %dma_start3A_110 = arith.constant 0 : i32
      %dma_start3A_111 = tpu.memref_slice %arg11[%add3A_13, %dma_start3A_110] : memref<10240x128xf32, #tpu.memory_space<vmem_shared>> -> memref<128x128xf32, #tpu.memory_space<vmem_shared>>
      tpu.enqueue_dma source(%arg9 : memref<128x128xf32, #tpu.memory_space<vmem>>) target(%dma_start3A_111 : memref<128x128xf32, #tpu.memory_space<vmem_shared>>) target_semaphore(%run_scoped3A : memref<!tpu.dma_semaphore, #tpu.memory_space<semaphore_mem>>)
      %dma_wait3A = arith.constant 0 : i32
      %dma_wait3A_112 = tpu.memref_slice %arg11[%add3A_13, %dma_wait3A] : memref<10240x128xf32, #tpu.memory_space<vmem_shared>> -> memref<128x128xf32, #tpu.memory_space<vmem_shared>>
      %dma_wait3A_113 = arith.constant 0 : i32
      %dma_wait3A_114 = tpu.memref_slice %arg11[%add3A_13, %dma_wait3A_113] : memref<10240x128xf32, #tpu.memory_space<vmem_shared>> -> memref<128x128xf32, #tpu.memory_space<vmem_shared>>
      tpu.wait_dma2 semaphore(%run_scoped3A : memref<!tpu.dma_semaphore, #tpu.memory_space<semaphore_mem>>) src(%arg9 : memref<128x128xf32, #tpu.memory_space<vmem>>) dst(%dma_wait3A_114 : memref<128x128xf32, #tpu.memory_space<vmem_shared>>)
      tpu.yield
    }) : () -> ()
    %mul3A_14 = arith.constant 640 : i32
    %mul3A_15 = arith.muli %arg1, %mul3A_14 : i32
    %add3A_16 = arith.constant 128 : i32
    %add3A_17 = arith.addi %mul3A_15, %add3A_16 : i32
    "tpu.region"() ({
      %run_scoped3A = tpu.sem_alloc : memref<!tpu.dma_semaphore, #tpu.memory_space<semaphore_mem>>
      %dma_start3A_108 = arith.constant 0 : i32
      %dma_start3A_109 = tpu.memref_slice %arg11[%add3A_17, %dma_start3A_108] : memref<10240x128xf32, #tpu.memory_space<vmem_shared>> -> memref<128x128xf32, #tpu.memory_space<vmem_shared>>
      %dma_start3A_110 = arith.constant 0 : i32
      %dma_start3A_111 = tpu.memref_slice %arg11[%add3A_17, %dma_start3A_110] : memref<10240x128xf32, #tpu.memory_space<vmem_shared>> -> memref<128x128xf32, #tpu.memory_space<vmem_shared>>
      tpu.enqueue_dma source(%arg9 : memref<128x128xf32, #tpu.memory_space<vmem>>) target(%dma_start3A_111 : memref<128x128xf32, #tpu.memory_space<vmem_shared>>) target_semaphore(%run_scoped3A : memref<!tpu.dma_semaphore, #tpu.memory_space<semaphore_mem>>)
      %dma_wait3A = arith.constant 0 : i32
      %dma_wait3A_112 = tpu.memref_slice %arg11[%add3A_17, %dma_wait3A] : memref<10240x128xf32, #tpu.memory_space<vmem_shared>> -> memref<128x128xf32, #tpu.memory_space<vmem_shared>>
      %dma_wait3A_113 = arith.constant 0 : i32
      %dma_wait3A_114 = tpu.memref_slice %arg11[%add3A_17, %dma_wait3A_113] : memref<10240x128xf32, #tpu.memory_space<vmem_shared>> -> memref<128x128xf32, #tpu.memory_space<vmem_shared>>
      tpu.wait_dma2 semaphore(%run_scoped3A : memref<!tpu.dma_semaphore, #tpu.memory_space<semaphore_mem>>) src(%arg9 : memref<128x128xf32, #tpu.memory_space<vmem>>) dst(%dma_wait3A_114 : memref<128x128xf32, #tpu.memory_space<vmem_shared>>)
      tpu.yield
    }) : () -> ()
    %mul3A_18 = arith.constant 640 : i32
    %mul3A_19 = arith.muli %arg1, %mul3A_18 : i32
    %add3A_20 = arith.constant 256 : i32
    %add3A_21 = arith.addi %mul3A_19, %add3A_20 : i32
    "tpu.region"() ({
      %run_scoped3A = tpu.sem_alloc : memref<!tpu.dma_semaphore, #tpu.memory_space<semaphore_mem>>
      %dma_start3A_108 = arith.constant 0 : i32
      %dma_start3A_109 = tpu.memref_slice %arg11[%add3A_21, %dma_start3A_108] : memref<10240x128xf32, #tpu.memory_space<vmem_shared>> -> memref<128x128xf32, #tpu.memory_space<vmem_shared>>
      %dma_start3A_110 = arith.constant 0 : i32
      %dma_start3A_111 = tpu.memref_slice %arg11[%add3A_21, %dma_start3A_110] : memref<10240x128xf32, #tpu.memory_space<vmem_shared>> -> memref<128x128xf32, #tpu.memory_space<vmem_shared>>
      tpu.enqueue_dma source(%arg9 : memref<128x128xf32, #tpu.memory_space<vmem>>) target(%dma_start3A_111 : memref<128x128xf32, #tpu.memory_space<vmem_shared>>) target_semaphore(%run_scoped3A : memref<!tpu.dma_semaphore, #tpu.memory_space<semaphore_mem>>)
      %dma_wait3A = arith.constant 0 : i32
      %dma_wait3A_112 = tpu.memref_slice %arg11[%add3A_21, %dma_wait3A] : memref<10240x128xf32, #tpu.memory_space<vmem_shared>> -> memref<128x128xf32, #tpu.memory_space<vmem_shared>>
      %dma_wait3A_113 = arith.constant 0 : i32
      %dma_wait3A_114 = tpu.memref_slice %arg11[%add3A_21, %dma_wait3A_113] : memref<10240x128xf32, #tpu.memory_space<vmem_shared>> -> memref<128x128xf32, #tpu.memory_space<vmem_shared>>
      tpu.wait_dma2 semaphore(%run_scoped3A : memref<!tpu.dma_semaphore, #tpu.memory_space<semaphore_mem>>) src(%arg9 : memref<128x128xf32, #tpu.memory_space<vmem>>) dst(%dma_wait3A_114 : memref<128x128xf32, #tpu.memory_space<vmem_shared>>)
      tpu.yield
    }) : () -> ()
    %mul3A_22 = arith.constant 640 : i32
    %mul3A_23 = arith.muli %arg1, %mul3A_22 : i32
    %add3A_24 = arith.constant 384 : i32
    %add3A_25 = arith.addi %mul3A_23, %add3A_24 : i32
    "tpu.region"() ({
      %run_scoped3A = tpu.sem_alloc : memref<!tpu.dma_semaphore, #tpu.memory_space<semaphore_mem>>
      %dma_start3A_108 = arith.constant 0 : i32
      %dma_start3A_109 = tpu.memref_slice %arg11[%add3A_25, %dma_start3A_108] : memref<10240x128xf32, #tpu.memory_space<vmem_shared>> -> memref<128x128xf32, #tpu.memory_space<vmem_shared>>
      %dma_start3A_110 = arith.constant 0 : i32
      %dma_start3A_111 = tpu.memref_slice %arg11[%add3A_25, %dma_start3A_110] : memref<10240x128xf32, #tpu.memory_space<vmem_shared>> -> memref<128x128xf32, #tpu.memory_space<vmem_shared>>
      tpu.enqueue_dma source(%arg9 : memref<128x128xf32, #tpu.memory_space<vmem>>) target(%dma_start3A_111 : memref<128x128xf32, #tpu.memory_space<vmem_shared>>) target_semaphore(%run_scoped3A : memref<!tpu.dma_semaphore, #tpu.memory_space<semaphore_mem>>)
      %dma_wait3A = arith.constant 0 : i32
      %dma_wait3A_112 = tpu.memref_slice %arg11[%add3A_25, %dma_wait3A] : memref<10240x128xf32, #tpu.memory_space<vmem_shared>> -> memref<128x128xf32, #tpu.memory_space<vmem_shared>>
      %dma_wait3A_113 = arith.constant 0 : i32
      %dma_wait3A_114 = tpu.memref_slice %arg11[%add3A_25, %dma_wait3A_113] : memref<10240x128xf32, #tpu.memory_space<vmem_shared>> -> memref<128x128xf32, #tpu.memory_space<vmem_shared>>
      tpu.wait_dma2 semaphore(%run_scoped3A : memref<!tpu.dma_semaphore, #tpu.memory_space<semaphore_mem>>) src(%arg9 : memref<128x128xf32, #tpu.memory_space<vmem>>) dst(%dma_wait3A_114 : memref<128x128xf32, #tpu.memory_space<vmem_shared>>)
      tpu.yield
    }) : () -> ()
    %mul3A_26 = arith.constant 640 : i32
    %mul3A_27 = arith.muli %arg1, %mul3A_26 : i32
    %add3A_28 = arith.constant 512 : i32
    %add3A_29 = arith.addi %mul3A_27, %add3A_28 : i32
    "tpu.region"() ({
      %run_scoped3A = tpu.sem_alloc : memref<!tpu.dma_semaphore, #tpu.memory_space<semaphore_mem>>
      %dma_start3A_108 = arith.constant 0 : i32
      %dma_start3A_109 = tpu.memref_slice %arg11[%add3A_29, %dma_start3A_108] : memref<10240x128xf32, #tpu.memory_space<vmem_shared>> -> memref<128x128xf32, #tpu.memory_space<vmem_shared>>
      %dma_start3A_110 = arith.constant 0 : i32
      %dma_start3A_111 = tpu.memref_slice %arg11[%add3A_29, %dma_start3A_110] : memref<10240x128xf32, #tpu.memory_space<vmem_shared>> -> memref<128x128xf32, #tpu.memory_space<vmem_shared>>
      tpu.enqueue_dma source(%arg9 : memref<128x128xf32, #tpu.memory_space<vmem>>) target(%dma_start3A_111 : memref<128x128xf32, #tpu.memory_space<vmem_shared>>) target_semaphore(%run_scoped3A : memref<!tpu.dma_semaphore, #tpu.memory_space<semaphore_mem>>)
      %dma_wait3A = arith.constant 0 : i32
      %dma_wait3A_112 = tpu.memref_slice %arg11[%add3A_29, %dma_wait3A] : memref<10240x128xf32, #tpu.memory_space<vmem_shared>> -> memref<128x128xf32, #tpu.memory_space<vmem_shared>>
      %dma_wait3A_113 = arith.constant 0 : i32
      %dma_wait3A_114 = tpu.memref_slice %arg11[%add3A_29, %dma_wait3A_113] : memref<10240x128xf32, #tpu.memory_space<vmem_shared>> -> memref<128x128xf32, #tpu.memory_space<vmem_shared>>
      tpu.wait_dma2 semaphore(%run_scoped3A : memref<!tpu.dma_semaphore, #tpu.memory_space<semaphore_mem>>) src(%arg9 : memref<128x128xf32, #tpu.memory_space<vmem>>) dst(%dma_wait3A_114 : memref<128x128xf32, #tpu.memory_space<vmem_shared>>)
      tpu.yield
    }) : () -> ()
    %barrier3A = arith.constant 0 : index
    tpu.barrier barrier_id(%barrier3A)
    %add3A_30 = arith.constant 0 : i32
    %add3A_31 = arith.addi %mul3A_2, %add3A_30 : i32
    "tpu.region"() ({
      %run_scoped3A = tpu.sem_alloc : memref<!tpu.dma_semaphore, #tpu.memory_space<semaphore_mem>>
      %dma_start3A_108 = arith.constant 0 : i32
      %dma_start3A_109 = tpu.memref_slice %arg3[%add3A_31, %dma_start3A_108] : memref<2560x128xi32, #tpu.memory_space<hbm>> -> memref<40x128xi32, #tpu.memory_space<hbm>>
      %dma_start3A_110 = arith.constant 0 : i32
      %dma_start3A_111 = tpu.memref_slice %arg3[%add3A_31, %dma_start3A_110] : memref<2560x128xi32, #tpu.memory_space<hbm>> -> memref<40x128xi32, #tpu.memory_space<hbm>>
      tpu.enqueue_dma source(%dma_start3A_111 : memref<40x128xi32, #tpu.memory_space<hbm>>) target(%arg7 : memref<40x128xi32, #tpu.memory_space<vmem>>) target_semaphore(%run_scoped3A : memref<!tpu.dma_semaphore, #tpu.memory_space<semaphore_mem>>)
      %dma_wait3A = arith.constant 0 : i32
      %dma_wait3A_112 = tpu.memref_slice %arg3[%add3A_31, %dma_wait3A] : memref<2560x128xi32, #tpu.memory_space<hbm>> -> memref<40x128xi32, #tpu.memory_space<hbm>>
      %dma_wait3A_113 = arith.constant 0 : i32
      %dma_wait3A_114 = tpu.memref_slice %arg3[%add3A_31, %dma_wait3A_113] : memref<2560x128xi32, #tpu.memory_space<hbm>> -> memref<40x128xi32, #tpu.memory_space<hbm>>
      tpu.wait_dma2 semaphore(%run_scoped3A : memref<!tpu.dma_semaphore, #tpu.memory_space<semaphore_mem>>) src(%dma_wait3A_114 : memref<40x128xi32, #tpu.memory_space<hbm>>) dst(%arg7 : memref<40x128xi32, #tpu.memory_space<vmem>>)
      tpu.yield
    }) : () -> ()
    %scan3A_32 = arith.constant 0 : i32
    %scan3A_33 = arith.constant 0 : i32
    %scan3A_34 = arith.constant 40 : i32
    %scan3A_35 = arith.addi %scan3A_33, %scan3A_34 : i32
    %scan3A_36 = arith.constant 1 : i32
    %scan3A_37 = scf.for %scan3A_108 = %scan3A_33 to %scan3A_35 step %scan3A_36 iter_args(%scan3A_109 = %scan3A_32) -> (i32)  : i32 {
      %get3A = arith.index_cast %scan3A_108 : i32 to index
      %get3A_110 = arith.constant 0 : index
      %get3A_111 = tpu.vector_load %arg7[%get3A, %get3A_110] {strides = array<i32>} : memref<40x128xi32, #tpu.memory_space<vmem>>, vector<16xi32>,
      %mul3A_112 = arith.constant 10000 : i32
      %mul3A_113 = vector.broadcast %mul3A_112 : i32 to vector<16xi32>
      %mul3A_114 = arith.muli %get3A_111, %mul3A_113 : vector<16xi32>
      %swap3A = arith.index_cast %scan3A_108 : i32 to index
      %swap3A_115 = arith.constant 0 : index
      %swap3A_116 = tpu.vector_load %arg8[%swap3A, %swap3A_115] {strides = array<i32>} : memref<40x128xi32, #tpu.memory_space<vmem>>, vector<16xi32>,
      tpu.vector_store %arg8[%swap3A, %swap3A_115], %mul3A_114 {strides = array<i32>} : memref<40x128xi32, #tpu.memory_space<vmem>>, vector<16xi32>,
      %get3A_117 = arith.index_cast %scan3A_108 : i32 to index
      %get3A_118 = arith.constant 16 : index
      %get3A_119 = tpu.vector_load %arg7[%get3A_117, %get3A_118] {strides = array<i32>} : memref<40x128xi32, #tpu.memory_space<vmem>>, vector<16xi32>,
      %mul3A_120 = arith.constant 10000 : i32
      %mul3A_121 = vector.broadcast %mul3A_120 : i32 to vector<16xi32>
      %mul3A_122 = arith.muli %get3A_119, %mul3A_121 : vector<16xi32>
      %swap3A_123 = arith.index_cast %scan3A_108 : i32 to index
      %swap3A_124 = arith.constant 16 : index
      %swap3A_125 = tpu.vector_load %arg8[%swap3A_123, %swap3A_124] {strides = array<i32>} : memref<40x128xi32, #tpu.memory_space<vmem>>, vector<16xi32>,
      tpu.vector_store %arg8[%swap3A_123, %swap3A_124], %mul3A_122 {strides = array<i32>} : memref<40x128xi32, #tpu.memory_space<vmem>>, vector<16xi32>,
      %get3A_126 = arith.index_cast %scan3A_108 : i32 to index
      %get3A_127 = arith.constant 32 : index
      %get3A_128 = tpu.vector_load %arg7[%get3A_126, %get3A_127] {strides = array<i32>} : memref<40x128xi32, #tpu.memory_space<vmem>>, vector<16xi32>,
      %mul3A_129 = arith.constant 10000 : i32
      %mul3A_130 = vector.broadcast %mul3A_129 : i32 to vector<16xi32>
      %mul3A_131 = arith.muli %get3A_128, %mul3A_130 : vector<16xi32>
      %swap3A_132 = arith.index_cast %scan3A_108 : i32 to index
      %swap3A_133 = arith.constant 32 : index
      %swap3A_134 = tpu.vector_load %arg8[%swap3A_132, %swap3A_133] {strides = array<i32>} : memref<40x128xi32, #tpu.memory_space<vmem>>, vector<16xi32>,
      tpu.vector_store %arg8[%swap3A_132, %swap3A_133], %mul3A_131 {strides = array<i32>} : memref<40x128xi32, #tpu.memory_space<vmem>>, vector<16xi32>,
      %get3A_135 = arith.index_cast %scan3A_108 : i32 to index
      %get3A_136 = arith.constant 48 : index
      %get3A_137 = tpu.vector_load %arg7[%get3A_135, %get3A_136] {strides = array<i32>} : memref<40x128xi32, #tpu.memory_space<vmem>>, vector<16xi32>,
      %mul3A_138 = arith.constant 10000 : i32
      %mul3A_139 = vector.broadcast %mul3A_138 : i32 to vector<16xi32>
      %mul3A_140 = arith.muli %get3A_137, %mul3A_139 : vector<16xi32>
      %swap3A_141 = arith.index_cast %scan3A_108 : i32 to index
      %swap3A_142 = arith.constant 48 : index
      %swap3A_143 = tpu.vector_load %arg8[%swap3A_141, %swap3A_142] {strides = array<i32>} : memref<40x128xi32, #tpu.memory_space<vmem>>, vector<16xi32>,
      tpu.vector_store %arg8[%swap3A_141, %swap3A_142], %mul3A_140 {strides = array<i32>} : memref<40x128xi32, #tpu.memory_space<vmem>>, vector<16xi32>,
      %get3A_144 = arith.index_cast %scan3A_108 : i32 to index
      %get3A_145 = arith.constant 64 : index
      %get3A_146 = tpu.vector_load %arg7[%get3A_144, %get3A_145] {strides = array<i32>} : memref<40x128xi32, #tpu.memory_space<vmem>>, vector<16xi32>,
      %mul3A_147 = arith.constant 10000 : i32
      %mul3A_148 = vector.broadcast %mul3A_147 : i32 to vector<16xi32>
      %mul3A_149 = arith.muli %get3A_146, %mul3A_148 : vector<16xi32>
      %swap3A_150 = arith.index_cast %scan3A_108 : i32 to index
      %swap3A_151 = arith.constant 64 : index
      %swap3A_152 = tpu.vector_load %arg8[%swap3A_150, %swap3A_151] {strides = array<i32>} : memref<40x128xi32, #tpu.memory_space<vmem>>, vector<16xi32>,
      tpu.vector_store %arg8[%swap3A_150, %swap3A_151], %mul3A_149 {strides = array<i32>} : memref<40x128xi32, #tpu.memory_space<vmem>>, vector<16xi32>,
      %get3A_153 = arith.index_cast %scan3A_108 : i32 to index
      %get3A_154 = arith.constant 80 : index
      %get3A_155 = tpu.vector_load %arg7[%get3A_153, %get3A_154] {strides = array<i32>} : memref<40x128xi32, #tpu.memory_space<vmem>>, vector<16xi32>,
      %mul3A_156 = arith.constant 10000 : i32
      %mul3A_157 = vector.broadcast %mul3A_156 : i32 to vector<16xi32>
      %mul3A_158 = arith.muli %get3A_155, %mul3A_157 : vector<16xi32>
      %swap3A_159 = arith.index_cast %scan3A_108 : i32 to index
      %swap3A_160 = arith.constant 80 : index
      %swap3A_161 = tpu.vector_load %arg8[%swap3A_159, %swap3A_160] {strides = array<i32>} : memref<40x128xi32, #tpu.memory_space<vmem>>, vector<16xi32>,
      tpu.vector_store %arg8[%swap3A_159, %swap3A_160], %mul3A_158 {strides = array<i32>} : memref<40x128xi32, #tpu.memory_space<vmem>>, vector<16xi32>,
      %get3A_162 = arith.index_cast %scan3A_108 : i32 to index
      %get3A_163 = arith.constant 96 : index
      %get3A_164 = tpu.vector_load %arg7[%get3A_162, %get3A_163] {strides = array<i32>} : memref<40x128xi32, #tpu.memory_space<vmem>>, vector<16xi32>,
      %mul3A_165 = arith.constant 10000 : i32
      %mul3A_166 = vector.broadcast %mul3A_165 : i32 to vector<16xi32>
      %mul3A_167 = arith.muli %get3A_164, %mul3A_166 : vector<16xi32>
      %swap3A_168 = arith.index_cast %scan3A_108 : i32 to index
      %swap3A_169 = arith.constant 96 : index
      %swap3A_170 = tpu.vector_load %arg8[%swap3A_168, %swap3A_169] {strides = array<i32>} : memref<40x128xi32, #tpu.memory_space<vmem>>, vector<16xi32>,
      tpu.vector_store %arg8[%swap3A_168, %swap3A_169], %mul3A_167 {strides = array<i32>} : memref<40x128xi32, #tpu.memory_space<vmem>>, vector<16xi32>,
      %get3A_171 = arith.index_cast %scan3A_108 : i32 to index
      %get3A_172 = arith.constant 112 : index
      %get3A_173 = tpu.vector_load %arg7[%get3A_171, %get3A_172] {strides = array<i32>} : memref<40x128xi32, #tpu.memory_space<vmem>>, vector<16xi32>,
      %mul3A_174 = arith.constant 10000 : i32
      %mul3A_175 = vector.broadcast %mul3A_174 : i32 to vector<16xi32>
      %mul3A_176 = arith.muli %get3A_173, %mul3A_175 : vector<16xi32>
      %swap3A_177 = arith.index_cast %scan3A_108 : i32 to index
      %swap3A_178 = arith.constant 112 : index
      %swap3A_179 = tpu.vector_load %arg8[%swap3A_177, %swap3A_178] {strides = array<i32>} : memref<40x128xi32, #tpu.memory_space<vmem>>, vector<16xi32>,
      tpu.vector_store %arg8[%swap3A_177, %swap3A_178], %mul3A_176 {strides = array<i32>} : memref<40x128xi32, #tpu.memory_space<vmem>>, vector<16xi32>,
      %scan3A_180 = arith.constant 0 : i32
      scf.yield %scan3A_180 : i32
    }
    %scan3A_38 = arith.constant 40 : i32
    "tpu.region"() ({
      %run_scoped3A = tpu.sem_alloc : memref<!tpu.dma_semaphore, #tpu.memory_space<semaphore_mem>>
      %dma_start3A_108 = arith.constant 0 : i32
      %dma_start3A_109 = tpu.memref_slice %arg2[%add3A_31, %dma_start3A_108] : memref<2560x128xi32, #tpu.memory_space<hbm>> -> memref<40x128xi32, #tpu.memory_space<hbm>>
      %dma_start3A_110 = arith.constant 0 : i32
      %dma_start3A_111 = tpu.memref_slice %arg2[%add3A_31, %dma_start3A_110] : memref<2560x128xi32, #tpu.memory_space<hbm>> -> memref<40x128xi32, #tpu.memory_space<hbm>>
      tpu.enqueue_dma source(%dma_start3A_111 : memref<40x128xi32, #tpu.memory_space<hbm>>) target(%arg7 : memref<40x128xi32, #tpu.memory_space<vmem>>) target_semaphore(%run_scoped3A : memref<!tpu.dma_semaphore, #tpu.memory_space<semaphore_mem>>)
      %dma_wait3A = arith.constant 0 : i32
      %dma_wait3A_112 = tpu.memref_slice %arg2[%add3A_31, %dma_wait3A] : memref<2560x128xi32, #tpu.memory_space<hbm>> -> memref<40x128xi32, #tpu.memory_space<hbm>>
      %dma_wait3A_113 = arith.constant 0 : i32
      %dma_wait3A_114 = tpu.memref_slice %arg2[%add3A_31, %dma_wait3A_113] : memref<2560x128xi32, #tpu.memory_space<hbm>> -> memref<40x128xi32, #tpu.memory_space<hbm>>
      tpu.wait_dma2 semaphore(%run_scoped3A : memref<!tpu.dma_semaphore, #tpu.memory_space<semaphore_mem>>) src(%dma_wait3A_114 : memref<40x128xi32, #tpu.memory_space<hbm>>) dst(%arg7 : memref<40x128xi32, #tpu.memory_space<vmem>>)
      tpu.yield
    }) : () -> ()
    %scan3A_39 = arith.constant 0 : i32
    %scan3A_40 = arith.constant 0 : i32
    %scan3A_41 = arith.constant 40 : i32
    %scan3A_42 = arith.addi %scan3A_40, %scan3A_41 : i32
    %scan3A_43 = arith.constant 1 : i32
    %scan3A_44 = scf.for %scan3A_108 = %scan3A_40 to %scan3A_42 step %scan3A_43 iter_args(%scan3A_109 = %scan3A_39) -> (i32)  : i32 {
      %get3A = arith.index_cast %scan3A_108 : i32 to index
      %get3A_110 = arith.constant 0 : index
      %get3A_111 = tpu.vector_load %arg8[%get3A, %get3A_110] {strides = array<i32>} : memref<40x128xi32, #tpu.memory_space<vmem>>, vector<16xi32>,
      %get3A_112 = arith.index_cast %scan3A_108 : i32 to index
      %get3A_113 = arith.constant 0 : index
      %get3A_114 = tpu.vector_load %arg7[%get3A_112, %get3A_113] {strides = array<i32>} : memref<40x128xi32, #tpu.memory_space<vmem>>, vector<16xi32>,
      %add3A_115 = arith.addi %get3A_111, %get3A_114 : vector<16xi32>
      %swap3A = arith.index_cast %scan3A_108 : i32 to index
      %swap3A_116 = arith.constant 0 : index
      %swap3A_117 = tpu.vector_load %arg8[%swap3A, %swap3A_116] {strides = array<i32>} : memref<40x128xi32, #tpu.memory_space<vmem>>, vector<16xi32>,
      tpu.vector_store %arg8[%swap3A, %swap3A_116], %add3A_115 {strides = array<i32>} : memref<40x128xi32, #tpu.memory_space<vmem>>, vector<16xi32>,
      %get3A_118 = arith.index_cast %scan3A_108 : i32 to index
      %get3A_119 = arith.constant 16 : index
      %get3A_120 = tpu.vector_load %arg8[%get3A_118, %get3A_119] {strides = array<i32>} : memref<40x128xi32, #tpu.memory_space<vmem>>, vector<16xi32>,
      %get3A_121 = arith.index_cast %scan3A_108 : i32 to index
      %get3A_122 = arith.constant 16 : index
      %get3A_123 = tpu.vector_load %arg7[%get3A_121, %get3A_122] {strides = array<i32>} : memref<40x128xi32, #tpu.memory_space<vmem>>, vector<16xi32>,
      %add3A_124 = arith.addi %get3A_120, %get3A_123 : vector<16xi32>
      %swap3A_125 = arith.index_cast %scan3A_108 : i32 to index
      %swap3A_126 = arith.constant 16 : index
      %swap3A_127 = tpu.vector_load %arg8[%swap3A_125, %swap3A_126] {strides = array<i32>} : memref<40x128xi32, #tpu.memory_space<vmem>>, vector<16xi32>,
      tpu.vector_store %arg8[%swap3A_125, %swap3A_126], %add3A_124 {strides = array<i32>} : memref<40x128xi32, #tpu.memory_space<vmem>>, vector<16xi32>,
      %get3A_128 = arith.index_cast %scan3A_108 : i32 to index
      %get3A_129 = arith.constant 32 : index
      %get3A_130 = tpu.vector_load %arg8[%get3A_128, %get3A_129] {strides = array<i32>} : memref<40x128xi32, #tpu.memory_space<vmem>>, vector<16xi32>,
      %get3A_131 = arith.index_cast %scan3A_108 : i32 to index
      %get3A_132 = arith.constant 32 : index
      %get3A_133 = tpu.vector_load %arg7[%get3A_131, %get3A_132] {strides = array<i32>} : memref<40x128xi32, #tpu.memory_space<vmem>>, vector<16xi32>,
      %add3A_134 = arith.addi %get3A_130, %get3A_133 : vector<16xi32>
      %swap3A_135 = arith.index_cast %scan3A_108 : i32 to index
      %swap3A_136 = arith.constant 32 : index
      %swap3A_137 = tpu.vector_load %arg8[%swap3A_135, %swap3A_136] {strides = array<i32>} : memref<40x128xi32, #tpu.memory_space<vmem>>, vector<16xi32>,
      tpu.vector_store %arg8[%swap3A_135, %swap3A_136], %add3A_134 {strides = array<i32>} : memref<40x128xi32, #tpu.memory_space<vmem>>, vector<16xi32>,
      %get3A_138 = arith.index_cast %scan3A_108 : i32 to index
      %get3A_139 = arith.constant 48 : index
      %get3A_140 = tpu.vector_load %arg8[%get3A_138, %get3A_139] {strides = array<i32>} : memref<40x128xi32, #tpu.memory_space<vmem>>, vector<16xi32>,
      %get3A_141 = arith.index_cast %scan3A_108 : i32 to index
      %get3A_142 = arith.constant 48 : index
      %get3A_143 = tpu.vector_load %arg7[%get3A_141, %get3A_142] {strides = array<i32>} : memref<40x128xi32, #tpu.memory_space<vmem>>, vector<16xi32>,
      %add3A_144 = arith.addi %get3A_140, %get3A_143 : vector<16xi32>
      %swap3A_145 = arith.index_cast %scan3A_108 : i32 to index
      %swap3A_146 = arith.constant 48 : index
      %swap3A_147 = tpu.vector_load %arg8[%swap3A_145, %swap3A_146] {strides = array<i32>} : memref<40x128xi32, #tpu.memory_space<vmem>>, vector<16xi32>,
      tpu.vector_store %arg8[%swap3A_145, %swap3A_146], %add3A_144 {strides = array<i32>} : memref<40x128xi32, #tpu.memory_space<vmem>>, vector<16xi32>,
      %get3A_148 = arith.index_cast %scan3A_108 : i32 to index
      %get3A_149 = arith.constant 64 : index
      %get3A_150 = tpu.vector_load %arg8[%get3A_148, %get3A_149] {strides = array<i32>} : memref<40x128xi32, #tpu.memory_space<vmem>>, vector<16xi32>,
      %get3A_151 = arith.index_cast %scan3A_108 : i32 to index
      %get3A_152 = arith.constant 64 : index
      %get3A_153 = tpu.vector_load %arg7[%get3A_151, %get3A_152] {strides = array<i32>} : memref<40x128xi32, #tpu.memory_space<vmem>>, vector<16xi32>,
      %add3A_154 = arith.addi %get3A_150, %get3A_153 : vector<16xi32>
      %swap3A_155 = arith.index_cast %scan3A_108 : i32 to index
      %swap3A_156 = arith.constant 64 : index
      %swap3A_157 = tpu.vector_load %arg8[%swap3A_155, %swap3A_156] {strides = array<i32>} : memref<40x128xi32, #tpu.memory_space<vmem>>, vector<16xi32>,
      tpu.vector_store %arg8[%swap3A_155, %swap3A_156], %add3A_154 {strides = array<i32>} : memref<40x128xi32, #tpu.memory_space<vmem>>, vector<16xi32>,
      %get3A_158 = arith.index_cast %scan3A_108 : i32 to index
      %get3A_159 = arith.constant 80 : index
      %get3A_160 = tpu.vector_load %arg8[%get3A_158, %get3A_159] {strides = array<i32>} : memref<40x128xi32, #tpu.memory_space<vmem>>, vector<16xi32>,
      %get3A_161 = arith.index_cast %scan3A_108 : i32 to index
      %get3A_162 = arith.constant 80 : index
      %get3A_163 = tpu.vector_load %arg7[%get3A_161, %get3A_162] {strides = array<i32>} : memref<40x128xi32, #tpu.memory_space<vmem>>, vector<16xi32>,
      %add3A_164 = arith.addi %get3A_160, %get3A_163 : vector<16xi32>
      %swap3A_165 = arith.index_cast %scan3A_108 : i32 to index
      %swap3A_166 = arith.constant 80 : index
      %swap3A_167 = tpu.vector_load %arg8[%swap3A_165, %swap3A_166] {strides = array<i32>} : memref<40x128xi32, #tpu.memory_space<vmem>>, vector<16xi32>,
      tpu.vector_store %arg8[%swap3A_165, %swap3A_166], %add3A_164 {strides = array<i32>} : memref<40x128xi32, #tpu.memory_space<vmem>>, vector<16xi32>,
      %get3A_168 = arith.index_cast %scan3A_108 : i32 to index
      %get3A_169 = arith.constant 96 : index
      %get3A_170 = tpu.vector_load %arg8[%get3A_168, %get3A_169] {strides = array<i32>} : memref<40x128xi32, #tpu.memory_space<vmem>>, vector<16xi32>,
      %get3A_171 = arith.index_cast %scan3A_108 : i32 to index
      %get3A_172 = arith.constant 96 : index
      %get3A_173 = tpu.vector_load %arg7[%get3A_171, %get3A_172] {strides = array<i32>} : memref<40x128xi32, #tpu.memory_space<vmem>>, vector<16xi32>,
      %add3A_174 = arith.addi %get3A_170, %get3A_173 : vector<16xi32>
      %swap3A_175 = arith.index_cast %scan3A_108 : i32 to index
      %swap3A_176 = arith.constant 96 : index
      %swap3A_177 = tpu.vector_load %arg8[%swap3A_175, %swap3A_176] {strides = array<i32>} : memref<40x128xi32, #tpu.memory_space<vmem>>, vector<16xi32>,
      tpu.vector_store %arg8[%swap3A_175, %swap3A_176], %add3A_174 {strides = array<i32>} : memref<40x128xi32, #tpu.memory_space<vmem>>, vector<16xi32>,
      %get3A_178 = arith.index_cast %scan3A_108 : i32 to index
      %get3A_179 = arith.constant 112 : index
      %get3A_180 = tpu.vector_load %arg8[%get3A_178, %get3A_179] {strides = array<i32>} : memref<40x128xi32, #tpu.memory_space<vmem>>, vector<16xi32>,
      %get3A_181 = arith.index_cast %scan3A_108 : i32 to index
      %get3A_182 = arith.constant 112 : index
      %get3A_183 = tpu.vector_load %arg7[%get3A_181, %get3A_182] {strides = array<i32>} : memref<40x128xi32, #tpu.memory_space<vmem>>, vector<16xi32>,
      %add3A_184 = arith.addi %get3A_180, %get3A_183 : vector<16xi32>
      %swap3A_185 = arith.index_cast %scan3A_108 : i32 to index
      %swap3A_186 = arith.constant 112 : index
      %swap3A_187 = tpu.vector_load %arg8[%swap3A_185, %swap3A_186] {strides = array<i32>} : memref<40x128xi32, #tpu.memory_space<vmem>>, vector<16xi32>,
      tpu.vector_store %arg8[%swap3A_185, %swap3A_186], %add3A_184 {strides = array<i32>} : memref<40x128xi32, #tpu.memory_space<vmem>>, vector<16xi32>,
      %scan3A_188 = arith.constant 0 : i32
      scf.yield %scan3A_188 : i32
    }
    %scan3A_45 = arith.constant 40 : i32
    "tpu.region"() ({
      %run_scoped3A = tpu.sem_alloc : memref<!tpu.dma_semaphore, #tpu.memory_space<semaphore_mem>>
      %dma_start3A_108 = arith.constant 0 : i32
      %dma_start3A_109 = tpu.memref_slice %arg4[%add3A_31, %dma_start3A_108] : memref<2560x128xi32, #tpu.memory_space<hbm>> -> memref<40x128xi32, #tpu.memory_space<hbm>>
      %dma_start3A_110 = arith.constant 0 : i32
      %dma_start3A_111 = tpu.memref_slice %arg4[%add3A_31, %dma_start3A_110] : memref<2560x128xi32, #tpu.memory_space<hbm>> -> memref<40x128xi32, #tpu.memory_space<hbm>>
      tpu.enqueue_dma source(%dma_start3A_111 : memref<40x128xi32, #tpu.memory_space<hbm>>) target(%arg7 : memref<40x128xi32, #tpu.memory_space<vmem>>) target_semaphore(%run_scoped3A : memref<!tpu.dma_semaphore, #tpu.memory_space<semaphore_mem>>)
      %dma_wait3A = arith.constant 0 : i32
      %dma_wait3A_112 = tpu.memref_slice %arg4[%add3A_31, %dma_wait3A] : memref<2560x128xi32, #tpu.memory_space<hbm>> -> memref<40x128xi32, #tpu.memory_space<hbm>>
      %dma_wait3A_113 = arith.constant 0 : i32
      %dma_wait3A_114 = tpu.memref_slice %arg4[%add3A_31, %dma_wait3A_113] : memref<2560x128xi32, #tpu.memory_space<hbm>> -> memref<40x128xi32, #tpu.memory_space<hbm>>
      tpu.wait_dma2 semaphore(%run_scoped3A : memref<!tpu.dma_semaphore, #tpu.memory_space<semaphore_mem>>) src(%dma_wait3A_114 : memref<40x128xi32, #tpu.memory_space<hbm>>) dst(%arg7 : memref<40x128xi32, #tpu.memory_space<vmem>>)
      tpu.yield
    }) : () -> ()
    %dma_start3A = arith.constant 0 : i32
    %dma_start3A_46 = arith.constant 0 : i32
    %dma_start3A_47 = tpu.memref_slice %arg8[%dma_start3A, %dma_start3A_46] : memref<40x128xi32, #tpu.memory_space<vmem>> -> memref<1x128xi32, #tpu.memory_space<vmem>>
    %dma_start3A_48 = tpu.memref_squeeze %dma_start3A_47 : memref<1x128xi32, #tpu.memory_space<vmem>> -> memref<128xi32, #tpu.memory_space<vmem>>
    %dma_start3A_49 = arith.constant 0 : i32
    %dma_start3A_50 = arith.constant 0 : i32
    %dma_start3A_51 = tpu.memref_slice %arg5[%dma_start3A_49, %dma_start3A_50] : memref<80000x128xf32, #tpu.memory_space<hbm>> -> memref<80000x128xf32, #tpu.memory_space<hbm>>
    tpu.enqueue_indirect_dma source(%dma_start3A_51 : memref<80000x128xf32, #tpu.memory_space<hbm>>) target(%arg9 : memref<128x128xf32, #tpu.memory_space<vmem>>) offsets(%dma_start3A_48 : memref<128xi32, #tpu.memory_space<vmem>>) semaphore(%arg12 : memref<!tpu.dma_semaphore, #tpu.memory_space<semaphore_mem>>)
    %dma_start3A_52 = arith.constant 1 : i32
    %dma_start3A_53 = arith.constant 0 : i32
    %dma_start3A_54 = tpu.memref_slice %arg8[%dma_start3A_52, %dma_start3A_53] : memref<40x128xi32, #tpu.memory_space<vmem>> -> memref<1x128xi32, #tpu.memory_space<vmem>>
    %dma_start3A_55 = tpu.memref_squeeze %dma_start3A_54 : memref<1x128xi32, #tpu.memory_space<vmem>> -> memref<128xi32, #tpu.memory_space<vmem>>
    %dma_start3A_56 = arith.constant 0 : i32
    %dma_start3A_57 = arith.constant 0 : i32
    %dma_start3A_58 = tpu.memref_slice %arg5[%dma_start3A_56, %dma_start3A_57] : memref<80000x128xf32, #tpu.memory_space<hbm>> -> memref<80000x128xf32, #tpu.memory_space<hbm>>
    tpu.enqueue_indirect_dma source(%dma_start3A_58 : memref<80000x128xf32, #tpu.memory_space<hbm>>) target(%arg10 : memref<128x128xf32, #tpu.memory_space<vmem>>) offsets(%dma_start3A_55 : memref<128xi32, #tpu.memory_space<vmem>>) semaphore(%arg13 : memref<!tpu.dma_semaphore, #tpu.memory_space<semaphore_mem>>)
    %scan3A_59 = arith.constant 0 : i32
    %scan3A_60 = arith.constant 0 : i32
    %scan3A_61 = arith.constant 20 : i32
    %scan3A_62 = arith.addi %scan3A_60, %scan3A_61 : i32
    %scan3A_63 = arith.constant 1 : i32
    %scan3A_64 = scf.for %scan3A_108 = %scan3A_60 to %scan3A_62 step %scan3A_63 iter_args(%scan3A_109 = %scan3A_59) -> (i32)  : i32 {
      %mul3A_110 = arith.constant 2 : i32
      %mul3A_111 = arith.muli %mul3A_110, %scan3A_108 : i32
      %add3A_112 = arith.constant 0 : i32
      %add3A_113 = arith.addi %mul3A_111, %add3A_112 : i32
      %dma_wait3A = arith.constant 0 : i32
      %dma_wait3A_114 = tpu.memref_slice %arg8[%add3A_113, %dma_wait3A] : memref<40x128xi32, #tpu.memory_space<vmem>> -> memref<1x128xi32, #tpu.memory_space<vmem>>
      %dma_wait3A_115 = tpu.memref_squeeze %dma_wait3A_114 : memref<1x128xi32, #tpu.memory_space<vmem>> -> memref<128xi32, #tpu.memory_space<vmem>>
      %dma_wait3A_116 = arith.constant 0 : i32
      %dma_wait3A_117 = arith.constant 0 : i32
      %dma_wait3A_118 = tpu.memref_slice %arg5[%dma_wait3A_116, %dma_wait3A_117] : memref<80000x128xf32, #tpu.memory_space<hbm>> -> memref<80000x128xf32, #tpu.memory_space<hbm>>
      tpu.wait_indirect_dma semaphore(%arg12 : memref<!tpu.dma_semaphore, #tpu.memory_space<semaphore_mem>>) src(%dma_wait3A_118 : memref<80000x128xf32, #tpu.memory_space<hbm>>) dst(%arg9 : memref<128x128xf32, #tpu.memory_space<vmem>>)
      %dma_start3A_119 = arith.constant 0 : i32
      %dma_start3A_120 = tpu.memref_slice %arg7[%add3A_113, %dma_start3A_119] : memref<40x128xi32, #tpu.memory_space<vmem>> -> memref<1x128xi32, #tpu.memory_space<vmem>>
      %dma_start3A_121 = tpu.memref_squeeze %dma_start3A_120 : memref<1x128xi32, #tpu.memory_space<vmem>> -> memref<128xi32, #tpu.memory_space<vmem>>
      %dma_start3A_122 = arith.constant 0 : i32
      %dma_start3A_123 = arith.constant 0 : i32
      %dma_start3A_124 = tpu.memref_slice %arg11[%dma_start3A_122, %dma_start3A_123] : memref<10240x128xf32, #tpu.memory_space<vmem_shared>> -> memref<10240x128xf32, #tpu.memory_space<vmem_shared>>
      tpu.enqueue_indirect_dma source(%arg9 : memref<128x128xf32, #tpu.memory_space<vmem>>) target(%dma_start3A_124 : memref<10240x128xf32, #tpu.memory_space<vmem_shared>>) offsets(%dma_start3A_121 : memref<128xi32, #tpu.memory_space<vmem>>) semaphore(%arg14 : memref<!tpu.dma_semaphore, #tpu.memory_space<semaphore_mem>>) {add = true}
      %mul3A_125 = arith.constant 2 : i32
      %mul3A_126 = arith.muli %mul3A_125, %scan3A_108 : i32
      %add3A_127 = arith.constant 1 : i32
      %add3A_128 = arith.addi %mul3A_126, %add3A_127 : i32
      %dma_wait3A_129 = arith.constant 0 : i32
      %dma_wait3A_130 = tpu.memref_slice %arg8[%add3A_128, %dma_wait3A_129] : memref<40x128xi32, #tpu.memory_space<vmem>> -> memref<1x128xi32, #tpu.memory_space<vmem>>
      %dma_wait3A_131 = tpu.memref_squeeze %dma_wait3A_130 : memref<1x128xi32, #tpu.memory_space<vmem>> -> memref<128xi32, #tpu.memory_space<vmem>>
      %dma_wait3A_132 = arith.constant 0 : i32
      %dma_wait3A_133 = arith.constant 0 : i32
      %dma_wait3A_134 = tpu.memref_slice %arg5[%dma_wait3A_132, %dma_wait3A_133] : memref<80000x128xf32, #tpu.memory_space<hbm>> -> memref<80000x128xf32, #tpu.memory_space<hbm>>
      tpu.wait_indirect_dma semaphore(%arg13 : memref<!tpu.dma_semaphore, #tpu.memory_space<semaphore_mem>>) src(%dma_wait3A_134 : memref<80000x128xf32, #tpu.memory_space<hbm>>) dst(%arg10 : memref<128x128xf32, #tpu.memory_space<vmem>>)
      %dma_start3A_135 = arith.constant 0 : i32
      %dma_start3A_136 = tpu.memref_slice %arg7[%add3A_128, %dma_start3A_135] : memref<40x128xi32, #tpu.memory_space<vmem>> -> memref<1x128xi32, #tpu.memory_space<vmem>>
      %dma_start3A_137 = tpu.memref_squeeze %dma_start3A_136 : memref<1x128xi32, #tpu.memory_space<vmem>> -> memref<128xi32, #tpu.memory_space<vmem>>
      %dma_start3A_138 = arith.constant 0 : i32
      %dma_start3A_139 = arith.constant 0 : i32
      %dma_start3A_140 = tpu.memref_slice %arg11[%dma_start3A_138, %dma_start3A_139] : memref<10240x128xf32, #tpu.memory_space<vmem_shared>> -> memref<10240x128xf32, #tpu.memory_space<vmem_shared>>
      tpu.enqueue_indirect_dma source(%arg10 : memref<128x128xf32, #tpu.memory_space<vmem>>) target(%dma_start3A_140 : memref<10240x128xf32, #tpu.memory_space<vmem_shared>>) offsets(%dma_start3A_137 : memref<128xi32, #tpu.memory_space<vmem>>) semaphore(%arg15 : memref<!tpu.dma_semaphore, #tpu.memory_space<semaphore_mem>>) {add = true}
      %dma_wait3A_141 = arith.constant 0 : i32
      %dma_wait3A_142 = tpu.memref_slice %arg7[%add3A_113, %dma_wait3A_141] : memref<40x128xi32, #tpu.memory_space<vmem>> -> memref<1x128xi32, #tpu.memory_space<vmem>>
      %dma_wait3A_143 = tpu.memref_squeeze %dma_wait3A_142 : memref<1x128xi32, #tpu.memory_space<vmem>> -> memref<128xi32, #tpu.memory_space<vmem>>
      %dma_wait3A_144 = arith.constant 0 : i32
      %dma_wait3A_145 = arith.constant 0 : i32
      %dma_wait3A_146 = tpu.memref_slice %arg11[%dma_wait3A_144, %dma_wait3A_145] : memref<10240x128xf32, #tpu.memory_space<vmem_shared>> -> memref<10240x128xf32, #tpu.memory_space<vmem_shared>>
      tpu.wait_indirect_dma semaphore(%arg14 : memref<!tpu.dma_semaphore, #tpu.memory_space<semaphore_mem>>) src(%arg9 : memref<128x128xf32, #tpu.memory_space<vmem>>) dst(%dma_wait3A_146 : memref<10240x128xf32, #tpu.memory_space<vmem_shared>>)
      %lt3A = arith.constant 19 : i32
      %lt3A_147 = arith.cmpi slt, %scan3A_108, %lt3A : i32
      %convert_element_type3A = arith.extui %lt3A_147 : i1 to i32
      %cond3A = arith.constant 0 : i32
      %cond3A_148 = arith.cmpi ne, %convert_element_type3A, %cond3A : i32
      scf.if %cond3A_148 {
        %mul3A_161 = arith.constant 2 : i32
        %mul3A_162 = arith.muli %mul3A_161, %scan3A_108 : i32
        %add3A_163 = arith.constant 2 : i32
        %add3A_164 = arith.addi %mul3A_162, %add3A_163 : i32
        %add3A_165 = arith.constant 0 : i32
        %add3A_166 = arith.addi %add3A_164, %add3A_165 : i32
        %dma_start3A_167 = arith.constant 0 : i32
        %dma_start3A_168 = tpu.memref_slice %arg8[%add3A_166, %dma_start3A_167] : memref<40x128xi32, #tpu.memory_space<vmem>> -> memref<1x128xi32, #tpu.memory_space<vmem>>
        %dma_start3A_169 = tpu.memref_squeeze %dma_start3A_168 : memref<1x128xi32, #tpu.memory_space<vmem>> -> memref<128xi32, #tpu.memory_space<vmem>>
        %dma_start3A_170 = arith.constant 0 : i32
        %dma_start3A_171 = arith.constant 0 : i32
        %dma_start3A_172 = tpu.memref_slice %arg5[%dma_start3A_170, %dma_start3A_171] : memref<80000x128xf32, #tpu.memory_space<hbm>> -> memref<80000x128xf32, #tpu.memory_space<hbm>>
        tpu.enqueue_indirect_dma source(%dma_start3A_172 : memref<80000x128xf32, #tpu.memory_space<hbm>>) target(%arg9 : memref<128x128xf32, #tpu.memory_space<vmem>>) offsets(%dma_start3A_169 : memref<128xi32, #tpu.memory_space<vmem>>) semaphore(%arg12 : memref<!tpu.dma_semaphore, #tpu.memory_space<semaphore_mem>>)
      } else {
      }
      %dma_wait3A_149 = arith.constant 0 : i32
      %dma_wait3A_150 = tpu.memref_slice %arg7[%add3A_128, %dma_wait3A_149] : memref<40x128xi32, #tpu.memory_space<vmem>> -> memref<1x128xi32, #tpu.memory_space<vmem>>
      %dma_wait3A_151 = tpu.memref_squeeze %dma_wait3A_150 : memref<1x128xi32, #tpu.memory_space<vmem>> -> memref<128xi32, #tpu.memory_space<vmem>>
      %dma_wait3A_152 = arith.constant 0 : i32
      %dma_wait3A_153 = arith.constant 0 : i32
      %dma_wait3A_154 = tpu.memref_slice %arg11[%dma_wait3A_152, %dma_wait3A_153] : memref<10240x128xf32, #tpu.memory_space<vmem_shared>> -> memref<10240x128xf32, #tpu.memory_space<vmem_shared>>
      tpu.wait_indirect_dma semaphore(%arg15 : memref<!tpu.dma_semaphore, #tpu.memory_space<semaphore_mem>>) src(%arg10 : memref<128x128xf32, #tpu.memory_space<vmem>>) dst(%dma_wait3A_154 : memref<10240x128xf32, #tpu.memory_space<vmem_shared>>)
      %lt3A_155 = arith.constant 19 : i32
      %lt3A_156 = arith.cmpi slt, %scan3A_108, %lt3A_155 : i32
      %convert_element_type3A_157 = arith.extui %lt3A_156 : i1 to i32
      %cond3A_158 = arith.constant 0 : i32
      %cond3A_159 = arith.cmpi ne, %convert_element_type3A_157, %cond3A_158 : i32
      scf.if %cond3A_159 {
        %mul3A_161 = arith.constant 2 : i32
        %mul3A_162 = arith.muli %mul3A_161, %scan3A_108 : i32
        %add3A_163 = arith.constant 2 : i32
        %add3A_164 = arith.addi %mul3A_162, %add3A_163 : i32
        %add3A_165 = arith.constant 1 : i32
        %add3A_166 = arith.addi %add3A_164, %add3A_165 : i32
        %dma_start3A_167 = arith.constant 0 : i32
        %dma_start3A_168 = tpu.memref_slice %arg8[%add3A_166, %dma_start3A_167] : memref<40x128xi32, #tpu.memory_space<vmem>> -> memref<1x128xi32, #tpu.memory_space<vmem>>
        %dma_start3A_169 = tpu.memref_squeeze %dma_start3A_168 : memref<1x128xi32, #tpu.memory_space<vmem>> -> memref<128xi32, #tpu.memory_space<vmem>>
        %dma_start3A_170 = arith.constant 0 : i32
        %dma_start3A_171 = arith.constant 0 : i32
        %dma_start3A_172 = tpu.memref_slice %arg5[%dma_start3A_170, %dma_start3A_171] : memref<80000x128xf32, #tpu.memory_space<hbm>> -> memref<80000x128xf32, #tpu.memory_space<hbm>>
        tpu.enqueue_indirect_dma source(%dma_start3A_172 : memref<80000x128xf32, #tpu.memory_space<hbm>>) target(%arg10 : memref<128x128xf32, #tpu.memory_space<vmem>>) offsets(%dma_start3A_169 : memref<128xi32, #tpu.memory_space<vmem>>) semaphore(%arg13 : memref<!tpu.dma_semaphore, #tpu.memory_space<semaphore_mem>>)
      } else {
      }
      %scan3A_160 = arith.constant 0 : i32
      scf.yield %scan3A_160 : i32
    }
    %scan3A_65 = arith.constant 20 : i32
    %add3A_66 = arith.constant 40 : i32
    %add3A_67 = arith.addi %mul3A_2, %add3A_66 : i32
    "tpu.region"() ({
      %run_scoped3A = tpu.sem_alloc : memref<!tpu.dma_semaphore, #tpu.memory_space<semaphore_mem>>
      %dma_start3A_108 = arith.constant 0 : i32
      %dma_start3A_109 = tpu.memref_slice %arg3[%add3A_67, %dma_start3A_108] : memref<2560x128xi32, #tpu.memory_space<hbm>> -> memref<40x128xi32, #tpu.memory_space<hbm>>
      %dma_start3A_110 = arith.constant 0 : i32
      %dma_start3A_111 = tpu.memref_slice %arg3[%add3A_67, %dma_start3A_110] : memref<2560x128xi32, #tpu.memory_space<hbm>> -> memref<40x128xi32, #tpu.memory_space<hbm>>
      tpu.enqueue_dma source(%dma_start3A_111 : memref<40x128xi32, #tpu.memory_space<hbm>>) target(%arg7 : memref<40x128xi32, #tpu.memory_space<vmem>>) target_semaphore(%run_scoped3A : memref<!tpu.dma_semaphore, #tpu.memory_space<semaphore_mem>>)
      %dma_wait3A = arith.constant 0 : i32
      %dma_wait3A_112 = tpu.memref_slice %arg3[%add3A_67, %dma_wait3A] : memref<2560x128xi32, #tpu.memory_space<hbm>> -> memref<40x128xi32, #tpu.memory_space<hbm>>
      %dma_wait3A_113 = arith.constant 0 : i32
      %dma_wait3A_114 = tpu.memref_slice %arg3[%add3A_67, %dma_wait3A_113] : memref<2560x128xi32, #tpu.memory_space<hbm>> -> memref<40x128xi32, #tpu.memory_space<hbm>>
      tpu.wait_dma2 semaphore(%run_scoped3A : memref<!tpu.dma_semaphore, #tpu.memory_space<semaphore_mem>>) src(%dma_wait3A_114 : memref<40x128xi32, #tpu.memory_space<hbm>>) dst(%arg7 : memref<40x128xi32, #tpu.memory_space<vmem>>)
      tpu.yield
    }) : () -> ()
    %scan3A_68 = arith.constant 0 : i32
    %scan3A_69 = arith.constant 0 : i32
    %scan3A_70 = arith.constant 40 : i32
    %scan3A_71 = arith.addi %scan3A_69, %scan3A_70 : i32
    %scan3A_72 = arith.constant 1 : i32
    %scan3A_73 = scf.for %scan3A_108 = %scan3A_69 to %scan3A_71 step %scan3A_72 iter_args(%scan3A_109 = %scan3A_68) -> (i32)  : i32 {
      %get3A = arith.index_cast %scan3A_108 : i32 to index
      %get3A_110 = arith.constant 0 : index
      %get3A_111 = tpu.vector_load %arg7[%get3A, %get3A_110] {strides = array<i32>} : memref<40x128xi32, #tpu.memory_space<vmem>>, vector<16xi32>,
      %mul3A_112 = arith.constant 10000 : i32
      %mul3A_113 = vector.broadcast %mul3A_112 : i32 to vector<16xi32>
      %mul3A_114 = arith.muli %get3A_111, %mul3A_113 : vector<16xi32>
      %swap3A = arith.index_cast %scan3A_108 : i32 to index
      %swap3A_115 = arith.constant 0 : index
      %swap3A_116 = tpu.vector_load %arg8[%swap3A, %swap3A_115] {strides = array<i32>} : memref<40x128xi32, #tpu.memory_space<vmem>>, vector<16xi32>,
      tpu.vector_store %arg8[%swap3A, %swap3A_115], %mul3A_114 {strides = array<i32>} : memref<40x128xi32, #tpu.memory_space<vmem>>, vector<16xi32>,
      %get3A_117 = arith.index_cast %scan3A_108 : i32 to index
      %get3A_118 = arith.constant 16 : index
      %get3A_119 = tpu.vector_load %arg7[%get3A_117, %get3A_118] {strides = array<i32>} : memref<40x128xi32, #tpu.memory_space<vmem>>, vector<16xi32>,
      %mul3A_120 = arith.constant 10000 : i32
      %mul3A_121 = vector.broadcast %mul3A_120 : i32 to vector<16xi32>
      %mul3A_122 = arith.muli %get3A_119, %mul3A_121 : vector<16xi32>
      %swap3A_123 = arith.index_cast %scan3A_108 : i32 to index
      %swap3A_124 = arith.constant 16 : index
      %swap3A_125 = tpu.vector_load %arg8[%swap3A_123, %swap3A_124] {strides = array<i32>} : memref<40x128xi32, #tpu.memory_space<vmem>>, vector<16xi32>,
      tpu.vector_store %arg8[%swap3A_123, %swap3A_124], %mul3A_122 {strides = array<i32>} : memref<40x128xi32, #tpu.memory_space<vmem>>, vector<16xi32>,
      %get3A_126 = arith.index_cast %scan3A_108 : i32 to index
      %get3A_127 = arith.constant 32 : index
      %get3A_128 = tpu.vector_load %arg7[%get3A_126, %get3A_127] {strides = array<i32>} : memref<40x128xi32, #tpu.memory_space<vmem>>, vector<16xi32>,
      %mul3A_129 = arith.constant 10000 : i32
      %mul3A_130 = vector.broadcast %mul3A_129 : i32 to vector<16xi32>
      %mul3A_131 = arith.muli %get3A_128, %mul3A_130 : vector<16xi32>
      %swap3A_132 = arith.index_cast %scan3A_108 : i32 to index
      %swap3A_133 = arith.constant 32 : index
      %swap3A_134 = tpu.vector_load %arg8[%swap3A_132, %swap3A_133] {strides = array<i32>} : memref<40x128xi32, #tpu.memory_space<vmem>>, vector<16xi32>,
      tpu.vector_store %arg8[%swap3A_132, %swap3A_133], %mul3A_131 {strides = array<i32>} : memref<40x128xi32, #tpu.memory_space<vmem>>, vector<16xi32>,
      %get3A_135 = arith.index_cast %scan3A_108 : i32 to index
      %get3A_136 = arith.constant 48 : index
      %get3A_137 = tpu.vector_load %arg7[%get3A_135, %get3A_136] {strides = array<i32>} : memref<40x128xi32, #tpu.memory_space<vmem>>, vector<16xi32>,
      %mul3A_138 = arith.constant 10000 : i32
      %mul3A_139 = vector.broadcast %mul3A_138 : i32 to vector<16xi32>
      %mul3A_140 = arith.muli %get3A_137, %mul3A_139 : vector<16xi32>
      %swap3A_141 = arith.index_cast %scan3A_108 : i32 to index
      %swap3A_142 = arith.constant 48 : index
      %swap3A_143 = tpu.vector_load %arg8[%swap3A_141, %swap3A_142] {strides = array<i32>} : memref<40x128xi32, #tpu.memory_space<vmem>>, vector<16xi32>,
      tpu.vector_store %arg8[%swap3A_141, %swap3A_142], %mul3A_140 {strides = array<i32>} : memref<40x128xi32, #tpu.memory_space<vmem>>, vector<16xi32>,
      %get3A_144 = arith.index_cast %scan3A_108 : i32 to index
      %get3A_145 = arith.constant 64 : index
      %get3A_146 = tpu.vector_load %arg7[%get3A_144, %get3A_145] {strides = array<i32>} : memref<40x128xi32, #tpu.memory_space<vmem>>, vector<16xi32>,
      %mul3A_147 = arith.constant 10000 : i32
      %mul3A_148 = vector.broadcast %mul3A_147 : i32 to vector<16xi32>
      %mul3A_149 = arith.muli %get3A_146, %mul3A_148 : vector<16xi32>
      %swap3A_150 = arith.index_cast %scan3A_108 : i32 to index
      %swap3A_151 = arith.constant 64 : index
      %swap3A_152 = tpu.vector_load %arg8[%swap3A_150, %swap3A_151] {strides = array<i32>} : memref<40x128xi32, #tpu.memory_space<vmem>>, vector<16xi32>,
      tpu.vector_store %arg8[%swap3A_150, %swap3A_151], %mul3A_149 {strides = array<i32>} : memref<40x128xi32, #tpu.memory_space<vmem>>, vector<16xi32>,
      %get3A_153 = arith.index_cast %scan3A_108 : i32 to index
      %get3A_154 = arith.constant 80 : index
      %get3A_155 = tpu.vector_load %arg7[%get3A_153, %get3A_154] {strides = array<i32>} : memref<40x128xi32, #tpu.memory_space<vmem>>, vector<16xi32>,
      %mul3A_156 = arith.constant 10000 : i32
      %mul3A_157 = vector.broadcast %mul3A_156 : i32 to vector<16xi32>
      %mul3A_158 = arith.muli %get3A_155, %mul3A_157 : vector<16xi32>
      %swap3A_159 = arith.index_cast %scan3A_108 : i32 to index
      %swap3A_160 = arith.constant 80 : index
      %swap3A_161 = tpu.vector_load %arg8[%swap3A_159, %swap3A_160] {strides = array<i32>} : memref<40x128xi32, #tpu.memory_space<vmem>>, vector<16xi32>,
      tpu.vector_store %arg8[%swap3A_159, %swap3A_160], %mul3A_158 {strides = array<i32>} : memref<40x128xi32, #tpu.memory_space<vmem>>, vector<16xi32>,
      %get3A_162 = arith.index_cast %scan3A_108 : i32 to index
      %get3A_163 = arith.constant 96 : index
      %get3A_164 = tpu.vector_load %arg7[%get3A_162, %get3A_163] {strides = array<i32>} : memref<40x128xi32, #tpu.memory_space<vmem>>, vector<16xi32>,
      %mul3A_165 = arith.constant 10000 : i32
      %mul3A_166 = vector.broadcast %mul3A_165 : i32 to vector<16xi32>
      %mul3A_167 = arith.muli %get3A_164, %mul3A_166 : vector<16xi32>
      %swap3A_168 = arith.index_cast %scan3A_108 : i32 to index
      %swap3A_169 = arith.constant 96 : index
      %swap3A_170 = tpu.vector_load %arg8[%swap3A_168, %swap3A_169] {strides = array<i32>} : memref<40x128xi32, #tpu.memory_space<vmem>>, vector<16xi32>,
      tpu.vector_store %arg8[%swap3A_168, %swap3A_169], %mul3A_167 {strides = array<i32>} : memref<40x128xi32, #tpu.memory_space<vmem>>, vector<16xi32>,
      %get3A_171 = arith.index_cast %scan3A_108 : i32 to index
      %get3A_172 = arith.constant 112 : index
      %get3A_173 = tpu.vector_load %arg7[%get3A_171, %get3A_172] {strides = array<i32>} : memref<40x128xi32, #tpu.memory_space<vmem>>, vector<16xi32>,
      %mul3A_174 = arith.constant 10000 : i32
      %mul3A_175 = vector.broadcast %mul3A_174 : i32 to vector<16xi32>
      %mul3A_176 = arith.muli %get3A_173, %mul3A_175 : vector<16xi32>
      %swap3A_177 = arith.index_cast %scan3A_108 : i32 to index
      %swap3A_178 = arith.constant 112 : index
      %swap3A_179 = tpu.vector_load %arg8[%swap3A_177, %swap3A_178] {strides = array<i32>} : memref<40x128xi32, #tpu.memory_space<vmem>>, vector<16xi32>,
      tpu.vector_store %arg8[%swap3A_177, %swap3A_178], %mul3A_176 {strides = array<i32>} : memref<40x128xi32, #tpu.memory_space<vmem>>, vector<16xi32>,
      %scan3A_180 = arith.constant 0 : i32
      scf.yield %scan3A_180 : i32
    }
    %scan3A_74 = arith.constant 40 : i32
    "tpu.region"() ({
      %run_scoped3A = tpu.sem_alloc : memref<!tpu.dma_semaphore, #tpu.memory_space<semaphore_mem>>
      %dma_start3A_108 = arith.constant 0 : i32
      %dma_start3A_109 = tpu.memref_slice %arg2[%add3A_67, %dma_start3A_108] : memref<2560x128xi32, #tpu.memory_space<hbm>> -> memref<40x128xi32, #tpu.memory_space<hbm>>
      %dma_start3A_110 = arith.constant 0 : i32
      %dma_start3A_111 = tpu.memref_slice %arg2[%add3A_67, %dma_start3A_110] : memref<2560x128xi32, #tpu.memory_space<hbm>> -> memref<40x128xi32, #tpu.memory_space<hbm>>
      tpu.enqueue_dma source(%dma_start3A_111 : memref<40x128xi32, #tpu.memory_space<hbm>>) target(%arg7 : memref<40x128xi32, #tpu.memory_space<vmem>>) target_semaphore(%run_scoped3A : memref<!tpu.dma_semaphore, #tpu.memory_space<semaphore_mem>>)
      %dma_wait3A = arith.constant 0 : i32
      %dma_wait3A_112 = tpu.memref_slice %arg2[%add3A_67, %dma_wait3A] : memref<2560x128xi32, #tpu.memory_space<hbm>> -> memref<40x128xi32, #tpu.memory_space<hbm>>
      %dma_wait3A_113 = arith.constant 0 : i32
      %dma_wait3A_114 = tpu.memref_slice %arg2[%add3A_67, %dma_wait3A_113] : memref<2560x128xi32, #tpu.memory_space<hbm>> -> memref<40x128xi32, #tpu.memory_space<hbm>>
      tpu.wait_dma2 semaphore(%run_scoped3A : memref<!tpu.dma_semaphore, #tpu.memory_space<semaphore_mem>>) src(%dma_wait3A_114 : memref<40x128xi32, #tpu.memory_space<hbm>>) dst(%arg7 : memref<40x128xi32, #tpu.memory_space<vmem>>)
      tpu.yield
    }) : () -> ()
    %scan3A_75 = arith.constant 0 : i32
    %scan3A_76 = arith.constant 0 : i32
    %scan3A_77 = arith.constant 40 : i32
    %scan3A_78 = arith.addi %scan3A_76, %scan3A_77 : i32
    %scan3A_79 = arith.constant 1 : i32
    %scan3A_80 = scf.for %scan3A_108 = %scan3A_76 to %scan3A_78 step %scan3A_79 iter_args(%scan3A_109 = %scan3A_75) -> (i32)  : i32 {
      %get3A = arith.index_cast %scan3A_108 : i32 to index
      %get3A_110 = arith.constant 0 : index
      %get3A_111 = tpu.vector_load %arg8[%get3A, %get3A_110] {strides = array<i32>} : memref<40x128xi32, #tpu.memory_space<vmem>>, vector<16xi32>,
      %get3A_112 = arith.index_cast %scan3A_108 : i32 to index
      %get3A_113 = arith.constant 0 : index
      %get3A_114 = tpu.vector_load %arg7[%get3A_112, %get3A_113] {strides = array<i32>} : memref<40x128xi32, #tpu.memory_space<vmem>>, vector<16xi32>,
      %add3A_115 = arith.addi %get3A_111, %get3A_114 : vector<16xi32>
      %swap3A = arith.index_cast %scan3A_108 : i32 to index
      %swap3A_116 = arith.constant 0 : index
      %swap3A_117 = tpu.vector_load %arg8[%swap3A, %swap3A_116] {strides = array<i32>} : memref<40x128xi32, #tpu.memory_space<vmem>>, vector<16xi32>,
      tpu.vector_store %arg8[%swap3A, %swap3A_116], %add3A_115 {strides = array<i32>} : memref<40x128xi32, #tpu.memory_space<vmem>>, vector<16xi32>,
      %get3A_118 = arith.index_cast %scan3A_108 : i32 to index
      %get3A_119 = arith.constant 16 : index
      %get3A_120 = tpu.vector_load %arg8[%get3A_118, %get3A_119] {strides = array<i32>} : memref<40x128xi32, #tpu.memory_space<vmem>>, vector<16xi32>,
      %get3A_121 = arith.index_cast %scan3A_108 : i32 to index
      %get3A_122 = arith.constant 16 : index
      %get3A_123 = tpu.vector_load %arg7[%get3A_121, %get3A_122] {strides = array<i32>} : memref<40x128xi32, #tpu.memory_space<vmem>>, vector<16xi32>,
      %add3A_124 = arith.addi %get3A_120, %get3A_123 : vector<16xi32>
      %swap3A_125 = arith.index_cast %scan3A_108 : i32 to index
      %swap3A_126 = arith.constant 16 : index
      %swap3A_127 = tpu.vector_load %arg8[%swap3A_125, %swap3A_126] {strides = array<i32>} : memref<40x128xi32, #tpu.memory_space<vmem>>, vector<16xi32>,
      tpu.vector_store %arg8[%swap3A_125, %swap3A_126], %add3A_124 {strides = array<i32>} : memref<40x128xi32, #tpu.memory_space<vmem>>, vector<16xi32>,
      %get3A_128 = arith.index_cast %scan3A_108 : i32 to index
      %get3A_129 = arith.constant 32 : index
      %get3A_130 = tpu.vector_load %arg8[%get3A_128, %get3A_129] {strides = array<i32>} : memref<40x128xi32, #tpu.memory_space<vmem>>, vector<16xi32>,
      %get3A_131 = arith.index_cast %scan3A_108 : i32 to index
      %get3A_132 = arith.constant 32 : index
      %get3A_133 = tpu.vector_load %arg7[%get3A_131, %get3A_132] {strides = array<i32>} : memref<40x128xi32, #tpu.memory_space<vmem>>, vector<16xi32>,
      %add3A_134 = arith.addi %get3A_130, %get3A_133 : vector<16xi32>
      %swap3A_135 = arith.index_cast %scan3A_108 : i32 to index
      %swap3A_136 = arith.constant 32 : index
      %swap3A_137 = tpu.vector_load %arg8[%swap3A_135, %swap3A_136] {strides = array<i32>} : memref<40x128xi32, #tpu.memory_space<vmem>>, vector<16xi32>,
      tpu.vector_store %arg8[%swap3A_135, %swap3A_136], %add3A_134 {strides = array<i32>} : memref<40x128xi32, #tpu.memory_space<vmem>>, vector<16xi32>,
      %get3A_138 = arith.index_cast %scan3A_108 : i32 to index
      %get3A_139 = arith.constant 48 : index
      %get3A_140 = tpu.vector_load %arg8[%get3A_138, %get3A_139] {strides = array<i32>} : memref<40x128xi32, #tpu.memory_space<vmem>>, vector<16xi32>,
      %get3A_141 = arith.index_cast %scan3A_108 : i32 to index
      %get3A_142 = arith.constant 48 : index
      %get3A_143 = tpu.vector_load %arg7[%get3A_141, %get3A_142] {strides = array<i32>} : memref<40x128xi32, #tpu.memory_space<vmem>>, vector<16xi32>,
      %add3A_144 = arith.addi %get3A_140, %get3A_143 : vector<16xi32>
      %swap3A_145 = arith.index_cast %scan3A_108 : i32 to index
      %swap3A_146 = arith.constant 48 : index
      %swap3A_147 = tpu.vector_load %arg8[%swap3A_145, %swap3A_146] {strides = array<i32>} : memref<40x128xi32, #tpu.memory_space<vmem>>, vector<16xi32>,
      tpu.vector_store %arg8[%swap3A_145, %swap3A_146], %add3A_144 {strides = array<i32>} : memref<40x128xi32, #tpu.memory_space<vmem>>, vector<16xi32>,
      %get3A_148 = arith.index_cast %scan3A_108 : i32 to index
      %get3A_149 = arith.constant 64 : index
      %get3A_150 = tpu.vector_load %arg8[%get3A_148, %get3A_149] {strides = array<i32>} : memref<40x128xi32, #tpu.memory_space<vmem>>, vector<16xi32>,
      %get3A_151 = arith.index_cast %scan3A_108 : i32 to index
      %get3A_152 = arith.constant 64 : index
      %get3A_153 = tpu.vector_load %arg7[%get3A_151, %get3A_152] {strides = array<i32>} : memref<40x128xi32, #tpu.memory_space<vmem>>, vector<16xi32>,
      %add3A_154 = arith.addi %get3A_150, %get3A_153 : vector<16xi32>
      %swap3A_155 = arith.index_cast %scan3A_108 : i32 to index
      %swap3A_156 = arith.constant 64 : index
      %swap3A_157 = tpu.vector_load %arg8[%swap3A_155, %swap3A_156] {strides = array<i32>} : memref<40x128xi32, #tpu.memory_space<vmem>>, vector<16xi32>,
      tpu.vector_store %arg8[%swap3A_155, %swap3A_156], %add3A_154 {strides = array<i32>} : memref<40x128xi32, #tpu.memory_space<vmem>>, vector<16xi32>,
      %get3A_158 = arith.index_cast %scan3A_108 : i32 to index
      %get3A_159 = arith.constant 80 : index
      %get3A_160 = tpu.vector_load %arg8[%get3A_158, %get3A_159] {strides = array<i32>} : memref<40x128xi32, #tpu.memory_space<vmem>>, vector<16xi32>,
      %get3A_161 = arith.index_cast %scan3A_108 : i32 to index
      %get3A_162 = arith.constant 80 : index
      %get3A_163 = tpu.vector_load %arg7[%get3A_161, %get3A_162] {strides = array<i32>} : memref<40x128xi32, #tpu.memory_space<vmem>>, vector<16xi32>,
      %add3A_164 = arith.addi %get3A_160, %get3A_163 : vector<16xi32>
      %swap3A_165 = arith.index_cast %scan3A_108 : i32 to index
      %swap3A_166 = arith.constant 80 : index
      %swap3A_167 = tpu.vector_load %arg8[%swap3A_165, %swap3A_166] {strides = array<i32>} : memref<40x128xi32, #tpu.memory_space<vmem>>, vector<16xi32>,
      tpu.vector_store %arg8[%swap3A_165, %swap3A_166], %add3A_164 {strides = array<i32>} : memref<40x128xi32, #tpu.memory_space<vmem>>, vector<16xi32>,
      %get3A_168 = arith.index_cast %scan3A_108 : i32 to index
      %get3A_169 = arith.constant 96 : index
      %get3A_170 = tpu.vector_load %arg8[%get3A_168, %get3A_169] {strides = array<i32>} : memref<40x128xi32, #tpu.memory_space<vmem>>, vector<16xi32>,
      %get3A_171 = arith.index_cast %scan3A_108 : i32 to index
      %get3A_172 = arith.constant 96 : index
      %get3A_173 = tpu.vector_load %arg7[%get3A_171, %get3A_172] {strides = array<i32>} : memref<40x128xi32, #tpu.memory_space<vmem>>, vector<16xi32>,
      %add3A_174 = arith.addi %get3A_170, %get3A_173 : vector<16xi32>
      %swap3A_175 = arith.index_cast %scan3A_108 : i32 to index
      %swap3A_176 = arith.constant 96 : index
      %swap3A_177 = tpu.vector_load %arg8[%swap3A_175, %swap3A_176] {strides = array<i32>} : memref<40x128xi32, #tpu.memory_space<vmem>>, vector<16xi32>,
      tpu.vector_store %arg8[%swap3A_175, %swap3A_176], %add3A_174 {strides = array<i32>} : memref<40x128xi32, #tpu.memory_space<vmem>>, vector<16xi32>,
      %get3A_178 = arith.index_cast %scan3A_108 : i32 to index
      %get3A_179 = arith.constant 112 : index
      %get3A_180 = tpu.vector_load %arg8[%get3A_178, %get3A_179] {strides = array<i32>} : memref<40x128xi32, #tpu.memory_space<vmem>>, vector<16xi32>,
      %get3A_181 = arith.index_cast %scan3A_108 : i32 to index
      %get3A_182 = arith.constant 112 : index
      %get3A_183 = tpu.vector_load %arg7[%get3A_181, %get3A_182] {strides = array<i32>} : memref<40x128xi32, #tpu.memory_space<vmem>>, vector<16xi32>,
      %add3A_184 = arith.addi %get3A_180, %get3A_183 : vector<16xi32>
      %swap3A_185 = arith.index_cast %scan3A_108 : i32 to index
      %swap3A_186 = arith.constant 112 : index
      %swap3A_187 = tpu.vector_load %arg8[%swap3A_185, %swap3A_186] {strides = array<i32>} : memref<40x128xi32, #tpu.memory_space<vmem>>, vector<16xi32>,
      tpu.vector_store %arg8[%swap3A_185, %swap3A_186], %add3A_184 {strides = array<i32>} : memref<40x128xi32, #tpu.memory_space<vmem>>, vector<16xi32>,
      %scan3A_188 = arith.constant 0 : i32
      scf.yield %scan3A_188 : i32
    }
    %scan3A_81 = arith.constant 40 : i32
    "tpu.region"() ({
      %run_scoped3A = tpu.sem_alloc : memref<!tpu.dma_semaphore, #tpu.memory_space<semaphore_mem>>
      %dma_start3A_108 = arith.constant 0 : i32
      %dma_start3A_109 = tpu.memref_slice %arg4[%add3A_67, %dma_start3A_108] : memref<2560x128xi32, #tpu.memory_space<hbm>> -> memref<40x128xi32, #tpu.memory_space<hbm>>
      %dma_start3A_110 = arith.constant 0 : i32
      %dma_start3A_111 = tpu.memref_slice %arg4[%add3A_67, %dma_start3A_110] : memref<2560x128xi32, #tpu.memory_space<hbm>> -> memref<40x128xi32, #tpu.memory_space<hbm>>
      tpu.enqueue_dma source(%dma_start3A_111 : memref<40x128xi32, #tpu.memory_space<hbm>>) target(%arg7 : memref<40x128xi32, #tpu.memory_space<vmem>>) target_semaphore(%run_scoped3A : memref<!tpu.dma_semaphore, #tpu.memory_space<semaphore_mem>>)
      %dma_wait3A = arith.constant 0 : i32
      %dma_wait3A_112 = tpu.memref_slice %arg4[%add3A_67, %dma_wait3A] : memref<2560x128xi32, #tpu.memory_space<hbm>> -> memref<40x128xi32, #tpu.memory_space<hbm>>
      %dma_wait3A_113 = arith.constant 0 : i32
      %dma_wait3A_114 = tpu.memref_slice %arg4[%add3A_67, %dma_wait3A_113] : memref<2560x128xi32, #tpu.memory_space<hbm>> -> memref<40x128xi32, #tpu.memory_space<hbm>>
      tpu.wait_dma2 semaphore(%run_scoped3A : memref<!tpu.dma_semaphore, #tpu.memory_space<semaphore_mem>>) src(%dma_wait3A_114 : memref<40x128xi32, #tpu.memory_space<hbm>>) dst(%arg7 : memref<40x128xi32, #tpu.memory_space<vmem>>)
      tpu.yield
    }) : () -> ()
    %dma_start3A_82 = arith.constant 0 : i32
    %dma_start3A_83 = arith.constant 0 : i32
    %dma_start3A_84 = tpu.memref_slice %arg8[%dma_start3A_82, %dma_start3A_83] : memref<40x128xi32, #tpu.memory_space<vmem>> -> memref<1x128xi32, #tpu.memory_space<vmem>>
    %dma_start3A_85 = tpu.memref_squeeze %dma_start3A_84 : memref<1x128xi32, #tpu.memory_space<vmem>> -> memref<128xi32, #tpu.memory_space<vmem>>
    %dma_start3A_86 = arith.constant 0 : i32
    %dma_start3A_87 = arith.constant 0 : i32
    %dma_start3A_88 = tpu.memref_slice %arg5[%dma_start3A_86, %dma_start3A_87] : memref<80000x128xf32, #tpu.memory_space<hbm>> -> memref<80000x128xf32, #tpu.memory_space<hbm>>
    tpu.enqueue_indirect_dma source(%dma_start3A_88 : memref<80000x128xf32, #tpu.memory_space<hbm>>) target(%arg9 : memref<128x128xf32, #tpu.memory_space<vmem>>) offsets(%dma_start3A_85 : memref<128xi32, #tpu.memory_space<vmem>>) semaphore(%arg12 : memref<!tpu.dma_semaphore, #tpu.memory_space<semaphore_mem>>)
    %dma_start3A_89 = arith.constant 1 : i32
    %dma_start3A_90 = arith.constant 0 : i32
    %dma_start3A_91 = tpu.memref_slice %arg8[%dma_start3A_89, %dma_start3A_90] : memref<40x128xi32, #tpu.memory_space<vmem>> -> memref<1x128xi32, #tpu.memory_space<vmem>>
    %dma_start3A_92 = tpu.memref_squeeze %dma_start3A_91 : memref<1x128xi32, #tpu.memory_space<vmem>> -> memref<128xi32, #tpu.memory_space<vmem>>
    %dma_start3A_93 = arith.constant 0 : i32
    %dma_start3A_94 = arith.constant 0 : i32
    %dma_start3A_95 = tpu.memref_slice %arg5[%dma_start3A_93, %dma_start3A_94] : memref<80000x128xf32, #tpu.memory_space<hbm>> -> memref<80000x128xf32, #tpu.memory_space<hbm>>
    tpu.enqueue_indirect_dma source(%dma_start3A_95 : memref<80000x128xf32, #tpu.memory_space<hbm>>) target(%arg10 : memref<128x128xf32, #tpu.memory_space<vmem>>) offsets(%dma_start3A_92 : memref<128xi32, #tpu.memory_space<vmem>>) semaphore(%arg13 : memref<!tpu.dma_semaphore, #tpu.memory_space<semaphore_mem>>)
    %scan3A_96 = arith.constant 0 : i32
    %scan3A_97 = arith.constant 0 : i32
    %scan3A_98 = arith.constant 20 : i32
    %scan3A_99 = arith.addi %scan3A_97, %scan3A_98 : i32
    %scan3A_100 = arith.constant 1 : i32
    %scan3A_101 = scf.for %scan3A_108 = %scan3A_97 to %scan3A_99 step %scan3A_100 iter_args(%scan3A_109 = %scan3A_96) -> (i32)  : i32 {
      %mul3A_110 = arith.constant 2 : i32
      %mul3A_111 = arith.muli %mul3A_110, %scan3A_108 : i32
      %add3A_112 = arith.constant 0 : i32
      %add3A_113 = arith.addi %mul3A_111, %add3A_112 : i32
      %dma_wait3A = arith.constant 0 : i32
      %dma_wait3A_114 = tpu.memref_slice %arg8[%add3A_113, %dma_wait3A] : memref<40x128xi32, #tpu.memory_space<vmem>> -> memref<1x128xi32, #tpu.memory_space<vmem>>
      %dma_wait3A_115 = tpu.memref_squeeze %dma_wait3A_114 : memref<1x128xi32, #tpu.memory_space<vmem>> -> memref<128xi32, #tpu.memory_space<vmem>>
      %dma_wait3A_116 = arith.constant 0 : i32
      %dma_wait3A_117 = arith.constant 0 : i32
      %dma_wait3A_118 = tpu.memref_slice %arg5[%dma_wait3A_116, %dma_wait3A_117] : memref<80000x128xf32, #tpu.memory_space<hbm>> -> memref<80000x128xf32, #tpu.memory_space<hbm>>
      tpu.wait_indirect_dma semaphore(%arg12 : memref<!tpu.dma_semaphore, #tpu.memory_space<semaphore_mem>>) src(%dma_wait3A_118 : memref<80000x128xf32, #tpu.memory_space<hbm>>) dst(%arg9 : memref<128x128xf32, #tpu.memory_space<vmem>>)
      %dma_start3A_119 = arith.constant 0 : i32
      %dma_start3A_120 = tpu.memref_slice %arg7[%add3A_113, %dma_start3A_119] : memref<40x128xi32, #tpu.memory_space<vmem>> -> memref<1x128xi32, #tpu.memory_space<vmem>>
      %dma_start3A_121 = tpu.memref_squeeze %dma_start3A_120 : memref<1x128xi32, #tpu.memory_space<vmem>> -> memref<128xi32, #tpu.memory_space<vmem>>
      %dma_start3A_122 = arith.constant 0 : i32
      %dma_start3A_123 = arith.constant 0 : i32
      %dma_start3A_124 = tpu.memref_slice %arg11[%dma_start3A_122, %dma_start3A_123] : memref<10240x128xf32, #tpu.memory_space<vmem_shared>> -> memref<10240x128xf32, #tpu.memory_space<vmem_shared>>
      tpu.enqueue_indirect_dma source(%arg9 : memref<128x128xf32, #tpu.memory_space<vmem>>) target(%dma_start3A_124 : memref<10240x128xf32, #tpu.memory_space<vmem_shared>>) offsets(%dma_start3A_121 : memref<128xi32, #tpu.memory_space<vmem>>) semaphore(%arg14 : memref<!tpu.dma_semaphore, #tpu.memory_space<semaphore_mem>>) {add = true}
      %mul3A_125 = arith.constant 2 : i32
      %mul3A_126 = arith.muli %mul3A_125, %scan3A_108 : i32
      %add3A_127 = arith.constant 1 : i32
      %add3A_128 = arith.addi %mul3A_126, %add3A_127 : i32
      %dma_wait3A_129 = arith.constant 0 : i32
      %dma_wait3A_130 = tpu.memref_slice %arg8[%add3A_128, %dma_wait3A_129] : memref<40x128xi32, #tpu.memory_space<vmem>> -> memref<1x128xi32, #tpu.memory_space<vmem>>
      %dma_wait3A_131 = tpu.memref_squeeze %dma_wait3A_130 : memref<1x128xi32, #tpu.memory_space<vmem>> -> memref<128xi32, #tpu.memory_space<vmem>>
      %dma_wait3A_132 = arith.constant 0 : i32
      %dma_wait3A_133 = arith.constant 0 : i32
      %dma_wait3A_134 = tpu.memref_slice %arg5[%dma_wait3A_132, %dma_wait3A_133] : memref<80000x128xf32, #tpu.memory_space<hbm>> -> memref<80000x128xf32, #tpu.memory_space<hbm>>
      tpu.wait_indirect_dma semaphore(%arg13 : memref<!tpu.dma_semaphore, #tpu.memory_space<semaphore_mem>>) src(%dma_wait3A_134 : memref<80000x128xf32, #tpu.memory_space<hbm>>) dst(%arg10 : memref<128x128xf32, #tpu.memory_space<vmem>>)
      %dma_start3A_135 = arith.constant 0 : i32
      %dma_start3A_136 = tpu.memref_slice %arg7[%add3A_128, %dma_start3A_135] : memref<40x128xi32, #tpu.memory_space<vmem>> -> memref<1x128xi32, #tpu.memory_space<vmem>>
      %dma_start3A_137 = tpu.memref_squeeze %dma_start3A_136 : memref<1x128xi32, #tpu.memory_space<vmem>> -> memref<128xi32, #tpu.memory_space<vmem>>
      %dma_start3A_138 = arith.constant 0 : i32
      %dma_start3A_139 = arith.constant 0 : i32
      %dma_start3A_140 = tpu.memref_slice %arg11[%dma_start3A_138, %dma_start3A_139] : memref<10240x128xf32, #tpu.memory_space<vmem_shared>> -> memref<10240x128xf32, #tpu.memory_space<vmem_shared>>
      tpu.enqueue_indirect_dma source(%arg10 : memref<128x128xf32, #tpu.memory_space<vmem>>) target(%dma_start3A_140 : memref<10240x128xf32, #tpu.memory_space<vmem_shared>>) offsets(%dma_start3A_137 : memref<128xi32, #tpu.memory_space<vmem>>) semaphore(%arg15 : memref<!tpu.dma_semaphore, #tpu.memory_space<semaphore_mem>>) {add = true}
      %dma_wait3A_141 = arith.constant 0 : i32
      %dma_wait3A_142 = tpu.memref_slice %arg7[%add3A_113, %dma_wait3A_141] : memref<40x128xi32, #tpu.memory_space<vmem>> -> memref<1x128xi32, #tpu.memory_space<vmem>>
      %dma_wait3A_143 = tpu.memref_squeeze %dma_wait3A_142 : memref<1x128xi32, #tpu.memory_space<vmem>> -> memref<128xi32, #tpu.memory_space<vmem>>
      %dma_wait3A_144 = arith.constant 0 : i32
      %dma_wait3A_145 = arith.constant 0 : i32
      %dma_wait3A_146 = tpu.memref_slice %arg11[%dma_wait3A_144, %dma_wait3A_145] : memref<10240x128xf32, #tpu.memory_space<vmem_shared>> -> memref<10240x128xf32, #tpu.memory_space<vmem_shared>>
      tpu.wait_indirect_dma semaphore(%arg14 : memref<!tpu.dma_semaphore, #tpu.memory_space<semaphore_mem>>) src(%arg9 : memref<128x128xf32, #tpu.memory_space<vmem>>) dst(%dma_wait3A_146 : memref<10240x128xf32, #tpu.memory_space<vmem_shared>>)
      %lt3A = arith.constant 19 : i32
      %lt3A_147 = arith.cmpi slt, %scan3A_108, %lt3A : i32
      %convert_element_type3A = arith.extui %lt3A_147 : i1 to i32
      %cond3A = arith.constant 0 : i32
      %cond3A_148 = arith.cmpi ne, %convert_element_type3A, %cond3A : i32
      scf.if %cond3A_148 {
        %mul3A_161 = arith.constant 2 : i32
        %mul3A_162 = arith.muli %mul3A_161, %scan3A_108 : i32
        %add3A_163 = arith.constant 2 : i32
        %add3A_164 = arith.addi %mul3A_162, %add3A_163 : i32
        %add3A_165 = arith.constant 0 : i32
        %add3A_166 = arith.addi %add3A_164, %add3A_165 : i32
        %dma_start3A_167 = arith.constant 0 : i32
        %dma_start3A_168 = tpu.memref_slice %arg8[%add3A_166, %dma_start3A_167] : memref<40x128xi32, #tpu.memory_space<vmem>> -> memref<1x128xi32, #tpu.memory_space<vmem>>
        %dma_start3A_169 = tpu.memref_squeeze %dma_start3A_168 : memref<1x128xi32, #tpu.memory_space<vmem>> -> memref<128xi32, #tpu.memory_space<vmem>>
        %dma_start3A_170 = arith.constant 0 : i32
        %dma_start3A_171 = arith.constant 0 : i32
        %dma_start3A_172 = tpu.memref_slice %arg5[%dma_start3A_170, %dma_start3A_171] : memref<80000x128xf32, #tpu.memory_space<hbm>> -> memref<80000x128xf32, #tpu.memory_space<hbm>>
        tpu.enqueue_indirect_dma source(%dma_start3A_172 : memref<80000x128xf32, #tpu.memory_space<hbm>>) target(%arg9 : memref<128x128xf32, #tpu.memory_space<vmem>>) offsets(%dma_start3A_169 : memref<128xi32, #tpu.memory_space<vmem>>) semaphore(%arg12 : memref<!tpu.dma_semaphore, #tpu.memory_space<semaphore_mem>>)
      } else {
      }
      %dma_wait3A_149 = arith.constant 0 : i32
      %dma_wait3A_150 = tpu.memref_slice %arg7[%add3A_128, %dma_wait3A_149] : memref<40x128xi32, #tpu.memory_space<vmem>> -> memref<1x128xi32, #tpu.memory_space<vmem>>
      %dma_wait3A_151 = tpu.memref_squeeze %dma_wait3A_150 : memref<1x128xi32, #tpu.memory_space<vmem>> -> memref<128xi32, #tpu.memory_space<vmem>>
      %dma_wait3A_152 = arith.constant 0 : i32
      %dma_wait3A_153 = arith.constant 0 : i32
      %dma_wait3A_154 = tpu.memref_slice %arg11[%dma_wait3A_152, %dma_wait3A_153] : memref<10240x128xf32, #tpu.memory_space<vmem_shared>> -> memref<10240x128xf32, #tpu.memory_space<vmem_shared>>
      tpu.wait_indirect_dma semaphore(%arg15 : memref<!tpu.dma_semaphore, #tpu.memory_space<semaphore_mem>>) src(%arg10 : memref<128x128xf32, #tpu.memory_space<vmem>>) dst(%dma_wait3A_154 : memref<10240x128xf32, #tpu.memory_space<vmem_shared>>)
      %lt3A_155 = arith.constant 19 : i32
      %lt3A_156 = arith.cmpi slt, %scan3A_108, %lt3A_155 : i32
      %convert_element_type3A_157 = arith.extui %lt3A_156 : i1 to i32
      %cond3A_158 = arith.constant 0 : i32
      %cond3A_159 = arith.cmpi ne, %convert_element_type3A_157, %cond3A_158 : i32
      scf.if %cond3A_159 {
        %mul3A_161 = arith.constant 2 : i32
        %mul3A_162 = arith.muli %mul3A_161, %scan3A_108 : i32
        %add3A_163 = arith.constant 2 : i32
        %add3A_164 = arith.addi %mul3A_162, %add3A_163 : i32
        %add3A_165 = arith.constant 1 : i32
        %add3A_166 = arith.addi %add3A_164, %add3A_165 : i32
        %dma_start3A_167 = arith.constant 0 : i32
        %dma_start3A_168 = tpu.memref_slice %arg8[%add3A_166, %dma_start3A_167] : memref<40x128xi32, #tpu.memory_space<vmem>> -> memref<1x128xi32, #tpu.memory_space<vmem>>
        %dma_start3A_169 = tpu.memref_squeeze %dma_start3A_168 : memref<1x128xi32, #tpu.memory_space<vmem>> -> memref<128xi32, #tpu.memory_space<vmem>>
        %dma_start3A_170 = arith.constant 0 : i32
        %dma_start3A_171 = arith.constant 0 : i32
        %dma_start3A_172 = tpu.memref_slice %arg5[%dma_start3A_170, %dma_start3A_171] : memref<80000x128xf32, #tpu.memory_space<hbm>> -> memref<80000x128xf32, #tpu.memory_space<hbm>>
        tpu.enqueue_indirect_dma source(%dma_start3A_172 : memref<80000x128xf32, #tpu.memory_space<hbm>>) target(%arg10 : memref<128x128xf32, #tpu.memory_space<vmem>>) offsets(%dma_start3A_169 : memref<128xi32, #tpu.memory_space<vmem>>) semaphore(%arg13 : memref<!tpu.dma_semaphore, #tpu.memory_space<semaphore_mem>>)
      } else {
      }
      %scan3A_160 = arith.constant 0 : i32
      scf.yield %scan3A_160 : i32
    }
    %scan3A_102 = arith.constant 20 : i32
    %barrier3A_103 = arith.constant 0 : index
    tpu.barrier barrier_id(%barrier3A_103)
    %mul3A_104 = arith.constant 640 : i32
    %mul3A_105 = arith.muli %arg1, %mul3A_104 : i32
    %mul3A_106 = arith.constant 640 : i32
    %mul3A_107 = arith.muli %arg1, %mul3A_106 : i32
    "tpu.region"() ({
      %run_scoped3A = tpu.sem_alloc : memref<!tpu.dma_semaphore, #tpu.memory_space<semaphore_mem>>
      %dma_start3A_108 = arith.constant 0 : i32
      %dma_start3A_109 = tpu.memref_slice %arg6[%arg0, %mul3A_107, %dma_start3A_108] : memref<2x10240x128xf32, #tpu.memory_space<hbm>> -> memref<1x640x128xf32, #tpu.memory_space<hbm>>
      %dma_start3A_110 = tpu.memref_squeeze %dma_start3A_109 : memref<1x640x128xf32, #tpu.memory_space<hbm>> -> memref<640x128xf32, #tpu.memory_space<hbm>>
      %dma_start3A_111 = arith.constant 0 : i32
      %dma_start3A_112 = tpu.memref_slice %arg11[%mul3A_105, %dma_start3A_111] : memref<10240x128xf32, #tpu.memory_space<vmem_shared>> -> memref<640x128xf32, #tpu.memory_space<vmem_shared>>
      tpu.enqueue_dma source(%dma_start3A_112 : memref<640x128xf32, #tpu.memory_space<vmem_shared>>) target(%dma_start3A_110 : memref<640x128xf32, #tpu.memory_space<hbm>>) target_semaphore(%run_scoped3A : memref<!tpu.dma_semaphore, #tpu.memory_space<semaphore_mem>>)
      %dma_wait3A = arith.constant 0 : i32
      %dma_wait3A_113 = tpu.memref_slice %arg6[%arg0, %mul3A_107, %dma_wait3A] : memref<2x10240x128xf32, #tpu.memory_space<hbm>> -> memref<1x640x128xf32, #tpu.memory_space<hbm>>
      %dma_wait3A_114 = tpu.memref_squeeze %dma_wait3A_113 : memref<1x640x128xf32, #tpu.memory_space<hbm>> -> memref<640x128xf32, #tpu.memory_space<hbm>>
      %dma_wait3A_115 = arith.constant 0 : i32
      %dma_wait3A_116 = tpu.memref_slice %arg11[%mul3A_105, %dma_wait3A_115] : memref<10240x128xf32, #tpu.memory_space<vmem_shared>> -> memref<640x128xf32, #tpu.memory_space<vmem_shared>>
      tpu.wait_dma2 semaphore(%run_scoped3A : memref<!tpu.dma_semaphore, #tpu.memory_space<semaphore_mem>>) src(%dma_wait3A_116 : memref<640x128xf32, #tpu.memory_space<vmem_shared>>) dst(%dma_wait3A_114 : memref<640x128xf32, #tpu.memory_space<hbm>>)
      tpu.yield
    }) : () -> ()
    return
  }
}

#map = affine_map<(d0, d1) -> (0, 0)>
#map1 = affine_map<(d0, d1) -> (0, 0, 0)>
module attributes {stable_mosaic.version = 14 : i64} {
  func.func @body(%arg0: i32, %arg1: i32, %arg2: memref<2560x128xi32, #tpu.memory_space<hbm>>, %arg3: memref<2560x128xi32, #tpu.memory_space<hbm>>, %arg4: memref<2560x128xi32, #tpu.memory_space<hbm>>, %arg5: memref<80000x128xf32, #tpu.memory_space<hbm>>, %arg6: memref<2x10240x128xf32, #tpu.memory_space<hbm>>, %arg7: memref<40x128xi32, #tpu.memory_space<vmem>>, %arg8: memref<40x128xi32, #tpu.memory_space<vmem>>, %arg9: memref<128x128xf32, #tpu.memory_space<vmem>>, %arg10: memref<128x128xf32, #tpu.memory_space<vmem>>, %arg11: memref<10240x128xf32, #tpu.memory_space<vmem_shared>>, %arg12: memref<!tpu.dma_semaphore, #tpu.memory_space<semaphore_mem>>, %arg13: memref<!tpu.dma_semaphore, #tpu.memory_space<semaphore_mem>>, %arg14: memref<!tpu.dma_semaphore, #tpu.memory_space<semaphore_mem>>, %arg15: memref<!tpu.dma_semaphore, #tpu.memory_space<semaphore_mem>>) attributes {dimension_semantics = [#tpu.dimension_semantics<core_parallel>, #tpu.dimension_semantics<subcore_parallel>], iteration_bounds = array<i64: 2, 16>, scalar_prefetch = 0 : i64, scratch_operands = 9 : i64, tpu.core_type = #tpu.core_type<sc_vector_subcore>, window_params = [{transform_indices = #map}, {transform_indices = #map}, {transform_indices = #map}, {transform_indices = #map}, {transform_indices = #map1}]} {
    %mul3A = arith.constant 16 : i32
    %mul3A_0 = arith.muli %arg0, %mul3A : i32
    %add3A = arith.addi %mul3A_0, %arg1 : i32
    %mul3A_1 = arith.constant 80 : i32
    %mul3A_2 = arith.muli %add3A, %mul3A_1 : i32
    %broadcast_in_dim3A = arith.constant 0.000000e+00 : f32
    %broadcast_in_dim3A_3 = vector.broadcast %broadcast_in_dim3A : f32 to vector<16xf32>
    %scan3A = arith.constant 0 : i32
    %scan3A_4 = arith.constant 0 : i32
    %scan3A_5 = arith.constant 128 : i32
    %scan3A_6 = arith.addi %scan3A_4, %scan3A_5 : i32
    %scan3A_7 = arith.constant 1 : i32
    %scan3A_8 = scf.for %scan3A_108 = %scan3A_4 to %scan3A_6 step %scan3A_7 iter_args(%scan3A_109 = %scan3A) -> (i32)  : i32 {
      %swap3A = arith.index_cast %scan3A_108 : i32 to index
      %swap3A_110 = arith.constant 0 : index
      %swap3A_111 = tpu.vector_load %arg9[%swap3A, %swap3A_110] {strides = array<i32>} : memref<128x128xf32, #tpu.memory_space<vmem>>, vector<16xf32>,
      tpu.vector_store %arg9[%swap3A, %swap3A_110], %broadcast_in_dim3A_3 {strides = array<i32>} : memref<128x128xf32, #tpu.memory_space<vmem>>, vector<16xf32>,
      %swap3A_112 = arith.index_cast %scan3A_108 : i32 to index
      %swap3A_113 = arith.constant 16 : index
      %swap3A_114 = tpu.vector_load %arg9[%swap3A_112, %swap3A_113] {strides = array<i32>} : memref<128x128xf32, #tpu.memory_space<vmem>>, vector<16xf32>,
      tpu.vector_store %arg9[%swap3A_112, %swap3A_113], %broadcast_in_dim3A_3 {strides = array<i32>} : memref<128x128xf32, #tpu.memory_space<vmem>>, vector<16xf32>,
      %swap3A_115 = arith.index_cast %scan3A_108 : i32 to index
      %swap3A_116 = arith.constant 32 : index
      %swap3A_117 = tpu.vector_load %arg9[%swap3A_115, %swap3A_116] {strides = array<i32>} : memref<128x128xf32, #tpu.memory_space<vmem>>, vector<16xf32>,
      tpu.vector_store %arg9[%swap3A_115, %swap3A_116], %broadcast_in_dim3A_3 {strides = array<i32>} : memref<128x128xf32, #tpu.memory_space<vmem>>, vector<16xf32>,
      %swap3A_118 = arith.index_cast %scan3A_108 : i32 to index
      %swap3A_119 = arith.constant 48 : index
      %swap3A_120 = tpu.vector_load %arg9[%swap3A_118, %swap3A_119] {strides = array<i32>} : memref<128x128xf32, #tpu.memory_space<vmem>>, vector<16xf32>,
      tpu.vector_store %arg9[%swap3A_118, %swap3A_119], %broadcast_in_dim3A_3 {strides = array<i32>} : memref<128x128xf32, #tpu.memory_space<vmem>>, vector<16xf32>,
      %swap3A_121 = arith.index_cast %scan3A_108 : i32 to index
      %swap3A_122 = arith.constant 64 : index
      %swap3A_123 = tpu.vector_load %arg9[%swap3A_121, %swap3A_122] {strides = array<i32>} : memref<128x128xf32, #tpu.memory_space<vmem>>, vector<16xf32>,
      tpu.vector_store %arg9[%swap3A_121, %swap3A_122], %broadcast_in_dim3A_3 {strides = array<i32>} : memref<128x128xf32, #tpu.memory_space<vmem>>, vector<16xf32>,
      %swap3A_124 = arith.index_cast %scan3A_108 : i32 to index
      %swap3A_125 = arith.constant 80 : index
      %swap3A_126 = tpu.vector_load %arg9[%swap3A_124, %swap3A_125] {strides = array<i32>} : memref<128x128xf32, #tpu.memory_space<vmem>>, vector<16xf32>,
      tpu.vector_store %arg9[%swap3A_124, %swap3A_125], %broadcast_in_dim3A_3 {strides = array<i32>} : memref<128x128xf32, #tpu.memory_space<vmem>>, vector<16xf32>,
      %swap3A_127 = arith.index_cast %scan3A_108 : i32 to index
      %swap3A_128 = arith.constant 96 : index
      %swap3A_129 = tpu.vector_load %arg9[%swap3A_127, %swap3A_128] {strides = array<i32>} : memref<128x128xf32, #tpu.memory_space<vmem>>, vector<16xf32>,
      tpu.vector_store %arg9[%swap3A_127, %swap3A_128], %broadcast_in_dim3A_3 {strides = array<i32>} : memref<128x128xf32, #tpu.memory_space<vmem>>, vector<16xf32>,
      %swap3A_130 = arith.index_cast %scan3A_108 : i32 to index
      %swap3A_131 = arith.constant 112 : index
      %swap3A_132 = tpu.vector_load %arg9[%swap3A_130, %swap3A_131] {strides = array<i32>} : memref<128x128xf32, #tpu.memory_space<vmem>>, vector<16xf32>,
      tpu.vector_store %arg9[%swap3A_130, %swap3A_131], %broadcast_in_dim3A_3 {strides = array<i32>} : memref<128x128xf32, #tpu.memory_space<vmem>>, vector<16xf32>,
      %scan3A_133 = arith.constant 0 : i32
      scf.yield %scan3A_133 : i32
    }
    %scan3A_9 = arith.constant 128 : i32
    %mul3A_10 = arith.constant 640 : i32
    %mul3A_11 = arith.muli %arg1, %mul3A_10 : i32
    %add3A_12 = arith.constant 0 : i32
    %add3A_13 = arith.addi %mul3A_11, %add3A_12 : i32
    "tpu.region"() ({
      %run_scoped3A = tpu.sem_alloc : memref<!tpu.dma_semaphore, #tpu.memory_space<semaphore_mem>>
      %dma_start3A_108 = arith.constant 0 : i32
      %dma_start3A_109 = tpu.memref_slice %arg11[%add3A_13, %dma_start3A_108] : memref<10240x128xf32, #tpu.memory_space<vmem_shared>> -> memref<128x128xf32, #tpu.memory_space<vmem_shared>>
      %dma_start3A_110 = arith.constant 0 : i32
      %dma_start3A_111 = tpu.memref_slice %arg11[%add3A_13, %dma_start3A_110] : memref<10240x128xf32, #tpu.memory_space<vmem_shared>> -> memref<128x128xf32, #tpu.memory_space<vmem_shared>>
      tpu.enqueue_dma source(%arg9 : memref<128x128xf32, #tpu.memory_space<vmem>>) target(%dma_start3A_111 : memref<128x128xf32, #tpu.memory_space<vmem_shared>>) target_semaphore(%run_scoped3A : memref<!tpu.dma_semaphore, #tpu.memory_space<semaphore_mem>>)
      %dma_wait3A = arith.constant 0 : i32
      %dma_wait3A_112 = tpu.memref_slice %arg11[%add3A_13, %dma_wait3A] : memref<10240x128xf32, #tpu.memory_space<vmem_shared>> -> memref<128x128xf32, #tpu.memory_space<vmem_shared>>
      %dma_wait3A_113 = arith.constant 0 : i32
      %dma_wait3A_114 = tpu.memref_slice %arg11[%add3A_13, %dma_wait3A_113] : memref<10240x128xf32, #tpu.memory_space<vmem_shared>> -> memref<128x128xf32, #tpu.memory_space<vmem_shared>>
      tpu.wait_dma2 semaphore(%run_scoped3A : memref<!tpu.dma_semaphore, #tpu.memory_space<semaphore_mem>>) src(%arg9 : memref<128x128xf32, #tpu.memory_space<vmem>>) dst(%dma_wait3A_114 : memref<128x128xf32, #tpu.memory_space<vmem_shared>>)
      tpu.yield
    }) : () -> ()
    %mul3A_14 = arith.constant 640 : i32
    %mul3A_15 = arith.muli %arg1, %mul3A_14 : i32
    %add3A_16 = arith.constant 128 : i32
    %add3A_17 = arith.addi %mul3A_15, %add3A_16 : i32
    "tpu.region"() ({
      %run_scoped3A = tpu.sem_alloc : memref<!tpu.dma_semaphore, #tpu.memory_space<semaphore_mem>>
      %dma_start3A_108 = arith.constant 0 : i32
      %dma_start3A_109 = tpu.memref_slice %arg11[%add3A_17, %dma_start3A_108] : memref<10240x128xf32, #tpu.memory_space<vmem_shared>> -> memref<128x128xf32, #tpu.memory_space<vmem_shared>>
      %dma_start3A_110 = arith.constant 0 : i32
      %dma_start3A_111 = tpu.memref_slice %arg11[%add3A_17, %dma_start3A_110] : memref<10240x128xf32, #tpu.memory_space<vmem_shared>> -> memref<128x128xf32, #tpu.memory_space<vmem_shared>>
      tpu.enqueue_dma source(%arg9 : memref<128x128xf32, #tpu.memory_space<vmem>>) target(%dma_start3A_111 : memref<128x128xf32, #tpu.memory_space<vmem_shared>>) target_semaphore(%run_scoped3A : memref<!tpu.dma_semaphore, #tpu.memory_space<semaphore_mem>>)
      %dma_wait3A = arith.constant 0 : i32
      %dma_wait3A_112 = tpu.memref_slice %arg11[%add3A_17, %dma_wait3A] : memref<10240x128xf32, #tpu.memory_space<vmem_shared>> -> memref<128x128xf32, #tpu.memory_space<vmem_shared>>
      %dma_wait3A_113 = arith.constant 0 : i32
      %dma_wait3A_114 = tpu.memref_slice %arg11[%add3A_17, %dma_wait3A_113] : memref<10240x128xf32, #tpu.memory_space<vmem_shared>> -> memref<128x128xf32, #tpu.memory_space<vmem_shared>>
      tpu.wait_dma2 semaphore(%run_scoped3A : memref<!tpu.dma_semaphore, #tpu.memory_space<semaphore_mem>>) src(%arg9 : memref<128x128xf32, #tpu.memory_space<vmem>>) dst(%dma_wait3A_114 : memref<128x128xf32, #tpu.memory_space<vmem_shared>>)
      tpu.yield
    }) : () -> ()
    %mul3A_18 = arith.constant 640 : i32
    %mul3A_19 = arith.muli %arg1, %mul3A_18 : i32
    %add3A_20 = arith.constant 256 : i32
    %add3A_21 = arith.addi %mul3A_19, %add3A_20 : i32
    "tpu.region"() ({
      %run_scoped3A = tpu.sem_alloc : memref<!tpu.dma_semaphore, #tpu.memory_space<semaphore_mem>>
      %dma_start3A_108 = arith.constant 0 : i32
      %dma_start3A_109 = tpu.memref_slice %arg11[%add3A_21, %dma_start3A_108] : memref<10240x128xf32, #tpu.memory_space<vmem_shared>> -> memref<128x128xf32, #tpu.memory_space<vmem_shared>>
      %dma_start3A_110 = arith.constant 0 : i32
      %dma_start3A_111 = tpu.memref_slice %arg11[%add3A_21, %dma_start3A_110] : memref<10240x128xf32, #tpu.memory_space<vmem_shared>> -> memref<128x128xf32, #tpu.memory_space<vmem_shared>>
      tpu.enqueue_dma source(%arg9 : memref<128x128xf32, #tpu.memory_space<vmem>>) target(%dma_start3A_111 : memref<128x128xf32, #tpu.memory_space<vmem_shared>>) target_semaphore(%run_scoped3A : memref<!tpu.dma_semaphore, #tpu.memory_space<semaphore_mem>>)
      %dma_wait3A = arith.constant 0 : i32
      %dma_wait3A_112 = tpu.memref_slice %arg11[%add3A_21, %dma_wait3A] : memref<10240x128xf32, #tpu.memory_space<vmem_shared>> -> memref<128x128xf32, #tpu.memory_space<vmem_shared>>
      %dma_wait3A_113 = arith.constant 0 : i32
      %dma_wait3A_114 = tpu.memref_slice %arg11[%add3A_21, %dma_wait3A_113] : memref<10240x128xf32, #tpu.memory_space<vmem_shared>> -> memref<128x128xf32, #tpu.memory_space<vmem_shared>>
      tpu.wait_dma2 semaphore(%run_scoped3A : memref<!tpu.dma_semaphore, #tpu.memory_space<semaphore_mem>>) src(%arg9 : memref<128x128xf32, #tpu.memory_space<vmem>>) dst(%dma_wait3A_114 : memref<128x128xf32, #tpu.memory_space<vmem_shared>>)
      tpu.yield
    }) : () -> ()
    %mul3A_22 = arith.constant 640 : i32
    %mul3A_23 = arith.muli %arg1, %mul3A_22 : i32
    %add3A_24 = arith.constant 384 : i32
    %add3A_25 = arith.addi %mul3A_23, %add3A_24 : i32
    "tpu.region"() ({
      %run_scoped3A = tpu.sem_alloc : memref<!tpu.dma_semaphore, #tpu.memory_space<semaphore_mem>>
      %dma_start3A_108 = arith.constant 0 : i32
      %dma_start3A_109 = tpu.memref_slice %arg11[%add3A_25, %dma_start3A_108] : memref<10240x128xf32, #tpu.memory_space<vmem_shared>> -> memref<128x128xf32, #tpu.memory_space<vmem_shared>>
      %dma_start3A_110 = arith.constant 0 : i32
      %dma_start3A_111 = tpu.memref_slice %arg11[%add3A_25, %dma_start3A_110] : memref<10240x128xf32, #tpu.memory_space<vmem_shared>> -> memref<128x128xf32, #tpu.memory_space<vmem_shared>>
      tpu.enqueue_dma source(%arg9 : memref<128x128xf32, #tpu.memory_space<vmem>>) target(%dma_start3A_111 : memref<128x128xf32, #tpu.memory_space<vmem_shared>>) target_semaphore(%run_scoped3A : memref<!tpu.dma_semaphore, #tpu.memory_space<semaphore_mem>>)
      %dma_wait3A = arith.constant 0 : i32
      %dma_wait3A_112 = tpu.memref_slice %arg11[%add3A_25, %dma_wait3A] : memref<10240x128xf32, #tpu.memory_space<vmem_shared>> -> memref<128x128xf32, #tpu.memory_space<vmem_shared>>
      %dma_wait3A_113 = arith.constant 0 : i32
      %dma_wait3A_114 = tpu.memref_slice %arg11[%add3A_25, %dma_wait3A_113] : memref<10240x128xf32, #tpu.memory_space<vmem_shared>> -> memref<128x128xf32, #tpu.memory_space<vmem_shared>>
      tpu.wait_dma2 semaphore(%run_scoped3A : memref<!tpu.dma_semaphore, #tpu.memory_space<semaphore_mem>>) src(%arg9 : memref<128x128xf32, #tpu.memory_space<vmem>>) dst(%dma_wait3A_114 : memref<128x128xf32, #tpu.memory_space<vmem_shared>>)
      tpu.yield
    }) : () -> ()
    %mul3A_26 = arith.constant 640 : i32
    %mul3A_27 = arith.muli %arg1, %mul3A_26 : i32
    %add3A_28 = arith.constant 512 : i32
    %add3A_29 = arith.addi %mul3A_27, %add3A_28 : i32
    "tpu.region"() ({
      %run_scoped3A = tpu.sem_alloc : memref<!tpu.dma_semaphore, #tpu.memory_space<semaphore_mem>>
      %dma_start3A_108 = arith.constant 0 : i32
      %dma_start3A_109 = tpu.memref_slice %arg11[%add3A_29, %dma_start3A_108] : memref<10240x128xf32, #tpu.memory_space<vmem_shared>> -> memref<128x128xf32, #tpu.memory_space<vmem_shared>>
      %dma_start3A_110 = arith.constant 0 : i32
      %dma_start3A_111 = tpu.memref_slice %arg11[%add3A_29, %dma_start3A_110] : memref<10240x128xf32, #tpu.memory_space<vmem_shared>> -> memref<128x128xf32, #tpu.memory_space<vmem_shared>>
      tpu.enqueue_dma source(%arg9 : memref<128x128xf32, #tpu.memory_space<vmem>>) target(%dma_start3A_111 : memref<128x128xf32, #tpu.memory_space<vmem_shared>>) target_semaphore(%run_scoped3A : memref<!tpu.dma_semaphore, #tpu.memory_space<semaphore_mem>>)
      %dma_wait3A = arith.constant 0 : i32
      %dma_wait3A_112 = tpu.memref_slice %arg11[%add3A_29, %dma_wait3A] : memref<10240x128xf32, #tpu.memory_space<vmem_shared>> -> memref<128x128xf32, #tpu.memory_space<vmem_shared>>
      %dma_wait3A_113 = arith.constant 0 : i32
      %dma_wait3A_114 = tpu.memref_slice %arg11[%add3A_29, %dma_wait3A_113] : memref<10240x128xf32, #tpu.memory_space<vmem_shared>> -> memref<128x128xf32, #tpu.memory_space<vmem_shared>>
      tpu.wait_dma2 semaphore(%run_scoped3A : memref<!tpu.dma_semaphore, #tpu.memory_space<semaphore_mem>>) src(%arg9 : memref<128x128xf32, #tpu.memory_space<vmem>>) dst(%dma_wait3A_114 : memref<128x128xf32, #tpu.memory_space<vmem_shared>>)
      tpu.yield
    }) : () -> ()
    %barrier3A = arith.constant 0 : index
    tpu.barrier barrier_id(%barrier3A)
    %add3A_30 = arith.constant 0 : i32
    %add3A_31 = arith.addi %mul3A_2, %add3A_30 : i32
    "tpu.region"() ({
      %run_scoped3A = tpu.sem_alloc : memref<!tpu.dma_semaphore, #tpu.memory_space<semaphore_mem>>
      %dma_start3A_108 = arith.constant 0 : i32
      %dma_start3A_109 = tpu.memref_slice %arg3[%add3A_31, %dma_start3A_108] : memref<2560x128xi32, #tpu.memory_space<hbm>> -> memref<40x128xi32, #tpu.memory_space<hbm>>
      %dma_start3A_110 = arith.constant 0 : i32
      %dma_start3A_111 = tpu.memref_slice %arg3[%add3A_31, %dma_start3A_110] : memref<2560x128xi32, #tpu.memory_space<hbm>> -> memref<40x128xi32, #tpu.memory_space<hbm>>
      tpu.enqueue_dma source(%dma_start3A_111 : memref<40x128xi32, #tpu.memory_space<hbm>>) target(%arg7 : memref<40x128xi32, #tpu.memory_space<vmem>>) target_semaphore(%run_scoped3A : memref<!tpu.dma_semaphore, #tpu.memory_space<semaphore_mem>>)
      %dma_wait3A = arith.constant 0 : i32
      %dma_wait3A_112 = tpu.memref_slice %arg3[%add3A_31, %dma_wait3A] : memref<2560x128xi32, #tpu.memory_space<hbm>> -> memref<40x128xi32, #tpu.memory_space<hbm>>
      %dma_wait3A_113 = arith.constant 0 : i32
      %dma_wait3A_114 = tpu.memref_slice %arg3[%add3A_31, %dma_wait3A_113] : memref<2560x128xi32, #tpu.memory_space<hbm>> -> memref<40x128xi32, #tpu.memory_space<hbm>>
      tpu.wait_dma2 semaphore(%run_scoped3A : memref<!tpu.dma_semaphore, #tpu.memory_space<semaphore_mem>>) src(%dma_wait3A_114 : memref<40x128xi32, #tpu.memory_space<hbm>>) dst(%arg7 : memref<40x128xi32, #tpu.memory_space<vmem>>)
      tpu.yield
    }) : () -> ()
    %scan3A_32 = arith.constant 0 : i32
    %scan3A_33 = arith.constant 0 : i32
    %scan3A_34 = arith.constant 40 : i32
    %scan3A_35 = arith.addi %scan3A_33, %scan3A_34 : i32
    %scan3A_36 = arith.constant 1 : i32
    %scan3A_37 = scf.for %scan3A_108 = %scan3A_33 to %scan3A_35 step %scan3A_36 iter_args(%scan3A_109 = %scan3A_32) -> (i32)  : i32 {
      %get3A = arith.index_cast %scan3A_108 : i32 to index
      %get3A_110 = arith.constant 0 : index
      %get3A_111 = tpu.vector_load %arg7[%get3A, %get3A_110] {strides = array<i32>} : memref<40x128xi32, #tpu.memory_space<vmem>>, vector<16xi32>,
      %mul3A_112 = arith.constant 10000 : i32
      %mul3A_113 = vector.broadcast %mul3A_112 : i32 to vector<16xi32>
      %mul3A_114 = arith.muli %get3A_111, %mul3A_113 : vector<16xi32>
      %swap3A = arith.index_cast %scan3A_108 : i32 to index
      %swap3A_115 = arith.constant 0 : index
      %swap3A_116 = tpu.vector_load %arg8[%swap3A, %swap3A_115] {strides = array<i32>} : memref<40x128xi32, #tpu.memory_space<vmem>>, vector<16xi32>,
      tpu.vector_store %arg8[%swap3A, %swap3A_115], %mul3A_114 {strides = array<i32>} : memref<40x128xi32, #tpu.memory_space<vmem>>, vector<16xi32>,
      %get3A_117 = arith.index_cast %scan3A_108 : i32 to index
      %get3A_118 = arith.constant 16 : index
      %get3A_119 = tpu.vector_load %arg7[%get3A_117, %get3A_118] {strides = array<i32>} : memref<40x128xi32, #tpu.memory_space<vmem>>, vector<16xi32>,
      %mul3A_120 = arith.constant 10000 : i32
      %mul3A_121 = vector.broadcast %mul3A_120 : i32 to vector<16xi32>
      %mul3A_122 = arith.muli %get3A_119, %mul3A_121 : vector<16xi32>
      %swap3A_123 = arith.index_cast %scan3A_108 : i32 to index
      %swap3A_124 = arith.constant 16 : index
      %swap3A_125 = tpu.vector_load %arg8[%swap3A_123, %swap3A_124] {strides = array<i32>} : memref<40x128xi32, #tpu.memory_space<vmem>>, vector<16xi32>,
      tpu.vector_store %arg8[%swap3A_123, %swap3A_124], %mul3A_122 {strides = array<i32>} : memref<40x128xi32, #tpu.memory_space<vmem>>, vector<16xi32>,
      %get3A_126 = arith.index_cast %scan3A_108 : i32 to index
      %get3A_127 = arith.constant 32 : index
      %get3A_128 = tpu.vector_load %arg7[%get3A_126, %get3A_127] {strides = array<i32>} : memref<40x128xi32, #tpu.memory_space<vmem>>, vector<16xi32>,
      %mul3A_129 = arith.constant 10000 : i32
      %mul3A_130 = vector.broadcast %mul3A_129 : i32 to vector<16xi32>
      %mul3A_131 = arith.muli %get3A_128, %mul3A_130 : vector<16xi32>
      %swap3A_132 = arith.index_cast %scan3A_108 : i32 to index
      %swap3A_133 = arith.constant 32 : index
      %swap3A_134 = tpu.vector_load %arg8[%swap3A_132, %swap3A_133] {strides = array<i32>} : memref<40x128xi32, #tpu.memory_space<vmem>>, vector<16xi32>,
      tpu.vector_store %arg8[%swap3A_132, %swap3A_133], %mul3A_131 {strides = array<i32>} : memref<40x128xi32, #tpu.memory_space<vmem>>, vector<16xi32>,
      %get3A_135 = arith.index_cast %scan3A_108 : i32 to index
      %get3A_136 = arith.constant 48 : index
      %get3A_137 = tpu.vector_load %arg7[%get3A_135, %get3A_136] {strides = array<i32>} : memref<40x128xi32, #tpu.memory_space<vmem>>, vector<16xi32>,
      %mul3A_138 = arith.constant 10000 : i32
      %mul3A_139 = vector.broadcast %mul3A_138 : i32 to vector<16xi32>
      %mul3A_140 = arith.muli %get3A_137, %mul3A_139 : vector<16xi32>
      %swap3A_141 = arith.index_cast %scan3A_108 : i32 to index
      %swap3A_142 = arith.constant 48 : index
      %swap3A_143 = tpu.vector_load %arg8[%swap3A_141, %swap3A_142] {strides = array<i32>} : memref<40x128xi32, #tpu.memory_space<vmem>>, vector<16xi32>,
      tpu.vector_store %arg8[%swap3A_141, %swap3A_142], %mul3A_140 {strides = array<i32>} : memref<40x128xi32, #tpu.memory_space<vmem>>, vector<16xi32>,
      %get3A_144 = arith.index_cast %scan3A_108 : i32 to index
      %get3A_145 = arith.constant 64 : index
      %get3A_146 = tpu.vector_load %arg7[%get3A_144, %get3A_145] {strides = array<i32>} : memref<40x128xi32, #tpu.memory_space<vmem>>, vector<16xi32>,
      %mul3A_147 = arith.constant 10000 : i32
      %mul3A_148 = vector.broadcast %mul3A_147 : i32 to vector<16xi32>
      %mul3A_149 = arith.muli %get3A_146, %mul3A_148 : vector<16xi32>
      %swap3A_150 = arith.index_cast %scan3A_108 : i32 to index
      %swap3A_151 = arith.constant 64 : index
      %swap3A_152 = tpu.vector_load %arg8[%swap3A_150, %swap3A_151] {strides = array<i32>} : memref<40x128xi32, #tpu.memory_space<vmem>>, vector<16xi32>,
      tpu.vector_store %arg8[%swap3A_150, %swap3A_151], %mul3A_149 {strides = array<i32>} : memref<40x128xi32, #tpu.memory_space<vmem>>, vector<16xi32>,
      %get3A_153 = arith.index_cast %scan3A_108 : i32 to index
      %get3A_154 = arith.constant 80 : index
      %get3A_155 = tpu.vector_load %arg7[%get3A_153, %get3A_154] {strides = array<i32>} : memref<40x128xi32, #tpu.memory_space<vmem>>, vector<16xi32>,
      %mul3A_156 = arith.constant 10000 : i32
      %mul3A_157 = vector.broadcast %mul3A_156 : i32 to vector<16xi32>
      %mul3A_158 = arith.muli %get3A_155, %mul3A_157 : vector<16xi32>
      %swap3A_159 = arith.index_cast %scan3A_108 : i32 to index
      %swap3A_160 = arith.constant 80 : index
      %swap3A_161 = tpu.vector_load %arg8[%swap3A_159, %swap3A_160] {strides = array<i32>} : memref<40x128xi32, #tpu.memory_space<vmem>>, vector<16xi32>,
      tpu.vector_store %arg8[%swap3A_159, %swap3A_160], %mul3A_158 {strides = array<i32>} : memref<40x128xi32, #tpu.memory_space<vmem>>, vector<16xi32>,
      %get3A_162 = arith.index_cast %scan3A_108 : i32 to index
      %get3A_163 = arith.constant 96 : index
      %get3A_164 = tpu.vector_load %arg7[%get3A_162, %get3A_163] {strides = array<i32>} : memref<40x128xi32, #tpu.memory_space<vmem>>, vector<16xi32>,
      %mul3A_165 = arith.constant 10000 : i32
      %mul3A_166 = vector.broadcast %mul3A_165 : i32 to vector<16xi32>
      %mul3A_167 = arith.muli %get3A_164, %mul3A_166 : vector<16xi32>
      %swap3A_168 = arith.index_cast %scan3A_108 : i32 to index
      %swap3A_169 = arith.constant 96 : index
      %swap3A_170 = tpu.vector_load %arg8[%swap3A_168, %swap3A_169] {strides = array<i32>} : memref<40x128xi32, #tpu.memory_space<vmem>>, vector<16xi32>,
      tpu.vector_store %arg8[%swap3A_168, %swap3A_169], %mul3A_167 {strides = array<i32>} : memref<40x128xi32, #tpu.memory_space<vmem>>, vector<16xi32>,
      %get3A_171 = arith.index_cast %scan3A_108 : i32 to index
      %get3A_172 = arith.constant 112 : index
      %get3A_173 = tpu.vector_load %arg7[%get3A_171, %get3A_172] {strides = array<i32>} : memref<40x128xi32, #tpu.memory_space<vmem>>, vector<16xi32>,
      %mul3A_174 = arith.constant 10000 : i32
      %mul3A_175 = vector.broadcast %mul3A_174 : i32 to vector<16xi32>
      %mul3A_176 = arith.muli %get3A_173, %mul3A_175 : vector<16xi32>
      %swap3A_177 = arith.index_cast %scan3A_108 : i32 to index
      %swap3A_178 = arith.constant 112 : index
      %swap3A_179 = tpu.vector_load %arg8[%swap3A_177, %swap3A_178] {strides = array<i32>} : memref<40x128xi32, #tpu.memory_space<vmem>>, vector<16xi32>,
      tpu.vector_store %arg8[%swap3A_177, %swap3A_178], %mul3A_176 {strides = array<i32>} : memref<40x128xi32, #tpu.memory_space<vmem>>, vector<16xi32>,
      %scan3A_180 = arith.constant 0 : i32
      scf.yield %scan3A_180 : i32
    }
    %scan3A_38 = arith.constant 40 : i32
    "tpu.region"() ({
      %run_scoped3A = tpu.sem_alloc : memref<!tpu.dma_semaphore, #tpu.memory_space<semaphore_mem>>
      %dma_start3A_108 = arith.constant 0 : i32
      %dma_start3A_109 = tpu.memref_slice %arg2[%add3A_31, %dma_start3A_108] : memref<2560x128xi32, #tpu.memory_space<hbm>> -> memref<40x128xi32, #tpu.memory_space<hbm>>
      %dma_start3A_110 = arith.constant 0 : i32
      %dma_start3A_111 = tpu.memref_slice %arg2[%add3A_31, %dma_start3A_110] : memref<2560x128xi32, #tpu.memory_space<hbm>> -> memref<40x128xi32, #tpu.memory_space<hbm>>
      tpu.enqueue_dma source(%dma_start3A_111 : memref<40x128xi32, #tpu.memory_space<hbm>>) target(%arg7 : memref<40x128xi32, #tpu.memory_space<vmem>>) target_semaphore(%run_scoped3A : memref<!tpu.dma_semaphore, #tpu.memory_space<semaphore_mem>>)
      %dma_wait3A = arith.constant 0 : i32
      %dma_wait3A_112 = tpu.memref_slice %arg2[%add3A_31, %dma_wait3A] : memref<2560x128xi32, #tpu.memory_space<hbm>> -> memref<40x128xi32, #tpu.memory_space<hbm>>
      %dma_wait3A_113 = arith.constant 0 : i32
      %dma_wait3A_114 = tpu.memref_slice %arg2[%add3A_31, %dma_wait3A_113] : memref<2560x128xi32, #tpu.memory_space<hbm>> -> memref<40x128xi32, #tpu.memory_space<hbm>>
      tpu.wait_dma2 semaphore(%run_scoped3A : memref<!tpu.dma_semaphore, #tpu.memory_space<semaphore_mem>>) src(%dma_wait3A_114 : memref<40x128xi32, #tpu.memory_space<hbm>>) dst(%arg7 : memref<40x128xi32, #tpu.memory_space<vmem>>)
      tpu.yield
    }) : () -> ()
    %scan3A_39 = arith.constant 0 : i32
    %scan3A_40 = arith.constant 0 : i32
    %scan3A_41 = arith.constant 40 : i32
    %scan3A_42 = arith.addi %scan3A_40, %scan3A_41 : i32
    %scan3A_43 = arith.constant 1 : i32
    %scan3A_44 = scf.for %scan3A_108 = %scan3A_40 to %scan3A_42 step %scan3A_43 iter_args(%scan3A_109 = %scan3A_39) -> (i32)  : i32 {
      %get3A = arith.index_cast %scan3A_108 : i32 to index
      %get3A_110 = arith.constant 0 : index
      %get3A_111 = tpu.vector_load %arg8[%get3A, %get3A_110] {strides = array<i32>} : memref<40x128xi32, #tpu.memory_space<vmem>>, vector<16xi32>,
      %get3A_112 = arith.index_cast %scan3A_108 : i32 to index
      %get3A_113 = arith.constant 0 : index
      %get3A_114 = tpu.vector_load %arg7[%get3A_112, %get3A_113] {strides = array<i32>} : memref<40x128xi32, #tpu.memory_space<vmem>>, vector<16xi32>,
      %add3A_115 = arith.addi %get3A_111, %get3A_114 : vector<16xi32>
      %swap3A = arith.index_cast %scan3A_108 : i32 to index
      %swap3A_116 = arith.constant 0 : index
      %swap3A_117 = tpu.vector_load %arg8[%swap3A, %swap3A_116] {strides = array<i32>} : memref<40x128xi32, #tpu.memory_space<vmem>>, vector<16xi32>,
      tpu.vector_store %arg8[%swap3A, %swap3A_116], %add3A_115 {strides = array<i32>} : memref<40x128xi32, #tpu.memory_space<vmem>>, vector<16xi32>,
      %get3A_118 = arith.index_cast %scan3A_108 : i32 to index
      %get3A_119 = arith.constant 16 : index
      %get3A_120 = tpu.vector_load %arg8[%get3A_118, %get3A_119] {strides = array<i32>} : memref<40x128xi32, #tpu.memory_space<vmem>>, vector<16xi32>,
      %get3A_121 = arith.index_cast %scan3A_108 : i32 to index
      %get3A_122 = arith.constant 16 : index
      %get3A_123 = tpu.vector_load %arg7[%get3A_121, %get3A_122] {strides = array<i32>} : memref<40x128xi32, #tpu.memory_space<vmem>>, vector<16xi32>,
      %add3A_124 = arith.addi %get3A_120, %get3A_123 : vector<16xi32>
      %swap3A_125 = arith.index_cast %scan3A_108 : i32 to index
      %swap3A_126 = arith.constant 16 : index
      %swap3A_127 = tpu.vector_load %arg8[%swap3A_125, %swap3A_126] {strides = array<i32>} : memref<40x128xi32, #tpu.memory_space<vmem>>, vector<16xi32>,
      tpu.vector_store %arg8[%swap3A_125, %swap3A_126], %add3A_124 {strides = array<i32>} : memref<40x128xi32, #tpu.memory_space<vmem>>, vector<16xi32>,
      %get3A_128 = arith.index_cast %scan3A_108 : i32 to index
      %get3A_129 = arith.constant 32 : index
      %get3A_130 = tpu.vector_load %arg8[%get3A_128, %get3A_129] {strides = array<i32>} : memref<40x128xi32, #tpu.memory_space<vmem>>, vector<16xi32>,
      %get3A_131 = arith.index_cast %scan3A_108 : i32 to index
      %get3A_132 = arith.constant 32 : index
      %get3A_133 = tpu.vector_load %arg7[%get3A_131, %get3A_132] {strides = array<i32>} : memref<40x128xi32, #tpu.memory_space<vmem>>, vector<16xi32>,
      %add3A_134 = arith.addi %get3A_130, %get3A_133 : vector<16xi32>
      %swap3A_135 = arith.index_cast %scan3A_108 : i32 to index
      %swap3A_136 = arith.constant 32 : index
      %swap3A_137 = tpu.vector_load %arg8[%swap3A_135, %swap3A_136] {strides = array<i32>} : memref<40x128xi32, #tpu.memory_space<vmem>>, vector<16xi32>,
      tpu.vector_store %arg8[%swap3A_135, %swap3A_136], %add3A_134 {strides = array<i32>} : memref<40x128xi32, #tpu.memory_space<vmem>>, vector<16xi32>,
      %get3A_138 = arith.index_cast %scan3A_108 : i32 to index
      %get3A_139 = arith.constant 48 : index
      %get3A_140 = tpu.vector_load %arg8[%get3A_138, %get3A_139] {strides = array<i32>} : memref<40x128xi32, #tpu.memory_space<vmem>>, vector<16xi32>,
      %get3A_141 = arith.index_cast %scan3A_108 : i32 to index
      %get3A_142 = arith.constant 48 : index
      %get3A_143 = tpu.vector_load %arg7[%get3A_141, %get3A_142] {strides = array<i32>} : memref<40x128xi32, #tpu.memory_space<vmem>>, vector<16xi32>,
      %add3A_144 = arith.addi %get3A_140, %get3A_143 : vector<16xi32>
      %swap3A_145 = arith.index_cast %scan3A_108 : i32 to index
      %swap3A_146 = arith.constant 48 : index
      %swap3A_147 = tpu.vector_load %arg8[%swap3A_145, %swap3A_146] {strides = array<i32>} : memref<40x128xi32, #tpu.memory_space<vmem>>, vector<16xi32>,
      tpu.vector_store %arg8[%swap3A_145, %swap3A_146], %add3A_144 {strides = array<i32>} : memref<40x128xi32, #tpu.memory_space<vmem>>, vector<16xi32>,
      %get3A_148 = arith.index_cast %scan3A_108 : i32 to index
      %get3A_149 = arith.constant 64 : index
      %get3A_150 = tpu.vector_load %arg8[%get3A_148, %get3A_149] {strides = array<i32>} : memref<40x128xi32, #tpu.memory_space<vmem>>, vector<16xi32>,
      %get3A_151 = arith.index_cast %scan3A_108 : i32 to index
      %get3A_152 = arith.constant 64 : index
      %get3A_153 = tpu.vector_load %arg7[%get3A_151, %get3A_152] {strides = array<i32>} : memref<40x128xi32, #tpu.memory_space<vmem>>, vector<16xi32>,
      %add3A_154 = arith.addi %get3A_150, %get3A_153 : vector<16xi32>
      %swap3A_155 = arith.index_cast %scan3A_108 : i32 to index
      %swap3A_156 = arith.constant 64 : index
      %swap3A_157 = tpu.vector_load %arg8[%swap3A_155, %swap3A_156] {strides = array<i32>} : memref<40x128xi32, #tpu.memory_space<vmem>>, vector<16xi32>,
      tpu.vector_store %arg8[%swap3A_155, %swap3A_156], %add3A_154 {strides = array<i32>} : memref<40x128xi32, #tpu.memory_space<vmem>>, vector<16xi32>,
      %get3A_158 = arith.index_cast %scan3A_108 : i32 to index
      %get3A_159 = arith.constant 80 : index
      %get3A_160 = tpu.vector_load %arg8[%get3A_158, %get3A_159] {strides = array<i32>} : memref<40x128xi32, #tpu.memory_space<vmem>>, vector<16xi32>,
      %get3A_161 = arith.index_cast %scan3A_108 : i32 to index
      %get3A_162 = arith.constant 80 : index
      %get3A_163 = tpu.vector_load %arg7[%get3A_161, %get3A_162] {strides = array<i32>} : memref<40x128xi32, #tpu.memory_space<vmem>>, vector<16xi32>,
      %add3A_164 = arith.addi %get3A_160, %get3A_163 : vector<16xi32>
      %swap3A_165 = arith.index_cast %scan3A_108 : i32 to index
      %swap3A_166 = arith.constant 80 : index
      %swap3A_167 = tpu.vector_load %arg8[%swap3A_165, %swap3A_166] {strides = array<i32>} : memref<40x128xi32, #tpu.memory_space<vmem>>, vector<16xi32>,
      tpu.vector_store %arg8[%swap3A_165, %swap3A_166], %add3A_164 {strides = array<i32>} : memref<40x128xi32, #tpu.memory_space<vmem>>, vector<16xi32>,
      %get3A_168 = arith.index_cast %scan3A_108 : i32 to index
      %get3A_169 = arith.constant 96 : index
      %get3A_170 = tpu.vector_load %arg8[%get3A_168, %get3A_169] {strides = array<i32>} : memref<40x128xi32, #tpu.memory_space<vmem>>, vector<16xi32>,
      %get3A_171 = arith.index_cast %scan3A_108 : i32 to index
      %get3A_172 = arith.constant 96 : index
      %get3A_173 = tpu.vector_load %arg7[%get3A_171, %get3A_172] {strides = array<i32>} : memref<40x128xi32, #tpu.memory_space<vmem>>, vector<16xi32>,
      %add3A_174 = arith.addi %get3A_170, %get3A_173 : vector<16xi32>
      %swap3A_175 = arith.index_cast %scan3A_108 : i32 to index
      %swap3A_176 = arith.constant 96 : index
      %swap3A_177 = tpu.vector_load %arg8[%swap3A_175, %swap3A_176] {strides = array<i32>} : memref<40x128xi32, #tpu.memory_space<vmem>>, vector<16xi32>,
      tpu.vector_store %arg8[%swap3A_175, %swap3A_176], %add3A_174 {strides = array<i32>} : memref<40x128xi32, #tpu.memory_space<vmem>>, vector<16xi32>,
      %get3A_178 = arith.index_cast %scan3A_108 : i32 to index
      %get3A_179 = arith.constant 112 : index
      %get3A_180 = tpu.vector_load %arg8[%get3A_178, %get3A_179] {strides = array<i32>} : memref<40x128xi32, #tpu.memory_space<vmem>>, vector<16xi32>,
      %get3A_181 = arith.index_cast %scan3A_108 : i32 to index
      %get3A_182 = arith.constant 112 : index
      %get3A_183 = tpu.vector_load %arg7[%get3A_181, %get3A_182] {strides = array<i32>} : memref<40x128xi32, #tpu.memory_space<vmem>>, vector<16xi32>,
      %add3A_184 = arith.addi %get3A_180, %get3A_183 : vector<16xi32>
      %swap3A_185 = arith.index_cast %scan3A_108 : i32 to index
      %swap3A_186 = arith.constant 112 : index
      %swap3A_187 = tpu.vector_load %arg8[%swap3A_185, %swap3A_186] {strides = array<i32>} : memref<40x128xi32, #tpu.memory_space<vmem>>, vector<16xi32>,
      tpu.vector_store %arg8[%swap3A_185, %swap3A_186], %add3A_184 {strides = array<i32>} : memref<40x128xi32, #tpu.memory_space<vmem>>, vector<16xi32>,
      %scan3A_188 = arith.constant 0 : i32
      scf.yield %scan3A_188 : i32
    }
    %scan3A_45 = arith.constant 40 : i32
    "tpu.region"() ({
      %run_scoped3A = tpu.sem_alloc : memref<!tpu.dma_semaphore, #tpu.memory_space<semaphore_mem>>
      %dma_start3A_108 = arith.constant 0 : i32
      %dma_start3A_109 = tpu.memref_slice %arg4[%add3A_31, %dma_start3A_108] : memref<2560x128xi32, #tpu.memory_space<hbm>> -> memref<40x128xi32, #tpu.memory_space<hbm>>
      %dma_start3A_110 = arith.constant 0 : i32
      %dma_start3A_111 = tpu.memref_slice %arg4[%add3A_31, %dma_start3A_110] : memref<2560x128xi32, #tpu.memory_space<hbm>> -> memref<40x128xi32, #tpu.memory_space<hbm>>
      tpu.enqueue_dma source(%dma_start3A_111 : memref<40x128xi32, #tpu.memory_space<hbm>>) target(%arg7 : memref<40x128xi32, #tpu.memory_space<vmem>>) target_semaphore(%run_scoped3A : memref<!tpu.dma_semaphore, #tpu.memory_space<semaphore_mem>>)
      %dma_wait3A = arith.constant 0 : i32
      %dma_wait3A_112 = tpu.memref_slice %arg4[%add3A_31, %dma_wait3A] : memref<2560x128xi32, #tpu.memory_space<hbm>> -> memref<40x128xi32, #tpu.memory_space<hbm>>
      %dma_wait3A_113 = arith.constant 0 : i32
      %dma_wait3A_114 = tpu.memref_slice %arg4[%add3A_31, %dma_wait3A_113] : memref<2560x128xi32, #tpu.memory_space<hbm>> -> memref<40x128xi32, #tpu.memory_space<hbm>>
      tpu.wait_dma2 semaphore(%run_scoped3A : memref<!tpu.dma_semaphore, #tpu.memory_space<semaphore_mem>>) src(%dma_wait3A_114 : memref<40x128xi32, #tpu.memory_space<hbm>>) dst(%arg7 : memref<40x128xi32, #tpu.memory_space<vmem>>)
      tpu.yield
    }) : () -> ()
    %dma_start3A = arith.constant 0 : i32
    %dma_start3A_46 = arith.constant 0 : i32
    %dma_start3A_47 = tpu.memref_slice %arg8[%dma_start3A, %dma_start3A_46] : memref<40x128xi32, #tpu.memory_space<vmem>> -> memref<1x128xi32, #tpu.memory_space<vmem>>
    %dma_start3A_48 = tpu.memref_squeeze %dma_start3A_47 : memref<1x128xi32, #tpu.memory_space<vmem>> -> memref<128xi32, #tpu.memory_space<vmem>>
    %dma_start3A_49 = arith.constant 0 : i32
    %dma_start3A_50 = arith.constant 0 : i32
    %dma_start3A_51 = tpu.memref_slice %arg5[%dma_start3A_49, %dma_start3A_50] : memref<80000x128xf32, #tpu.memory_space<hbm>> -> memref<80000x128xf32, #tpu.memory_space<hbm>>
    tpu.enqueue_indirect_dma source(%dma_start3A_51 : memref<80000x128xf32, #tpu.memory_space<hbm>>) target(%arg9 : memref<128x128xf32, #tpu.memory_space<vmem>>) offsets(%dma_start3A_48 : memref<128xi32, #tpu.memory_space<vmem>>) semaphore(%arg12 : memref<!tpu.dma_semaphore, #tpu.memory_space<semaphore_mem>>)
    %dma_start3A_52 = arith.constant 1 : i32
    %dma_start3A_53 = arith.constant 0 : i32
    %dma_start3A_54 = tpu.memref_slice %arg8[%dma_start3A_52, %dma_start3A_53] : memref<40x128xi32, #tpu.memory_space<vmem>> -> memref<1x128xi32, #tpu.memory_space<vmem>>
    %dma_start3A_55 = tpu.memref_squeeze %dma_start3A_54 : memref<1x128xi32, #tpu.memory_space<vmem>> -> memref<128xi32, #tpu.memory_space<vmem>>
    %dma_start3A_56 = arith.constant 0 : i32
    %dma_start3A_57 = arith.constant 0 : i32
    %dma_start3A_58 = tpu.memref_slice %arg5[%dma_start3A_56, %dma_start3A_57] : memref<80000x128xf32, #tpu.memory_space<hbm>> -> memref<80000x128xf32, #tpu.memory_space<hbm>>
    tpu.enqueue_indirect_dma source(%dma_start3A_58 : memref<80000x128xf32, #tpu.memory_space<hbm>>) target(%arg10 : memref<128x128xf32, #tpu.memory_space<vmem>>) offsets(%dma_start3A_55 : memref<128xi32, #tpu.memory_space<vmem>>) semaphore(%arg13 : memref<!tpu.dma_semaphore, #tpu.memory_space<semaphore_mem>>)
    %scan3A_59 = arith.constant 0 : i32
    %scan3A_60 = arith.constant 0 : i32
    %scan3A_61 = arith.constant 20 : i32
    %scan3A_62 = arith.addi %scan3A_60, %scan3A_61 : i32
    %scan3A_63 = arith.constant 1 : i32
    %scan3A_64 = scf.for %scan3A_108 = %scan3A_60 to %scan3A_62 step %scan3A_63 iter_args(%scan3A_109 = %scan3A_59) -> (i32)  : i32 {
      %mul3A_110 = arith.constant 2 : i32
      %mul3A_111 = arith.muli %mul3A_110, %scan3A_108 : i32
      %add3A_112 = arith.constant 0 : i32
      %add3A_113 = arith.addi %mul3A_111, %add3A_112 : i32
      %dma_wait3A = arith.constant 0 : i32
      %dma_wait3A_114 = tpu.memref_slice %arg8[%add3A_113, %dma_wait3A] : memref<40x128xi32, #tpu.memory_space<vmem>> -> memref<1x128xi32, #tpu.memory_space<vmem>>
      %dma_wait3A_115 = tpu.memref_squeeze %dma_wait3A_114 : memref<1x128xi32, #tpu.memory_space<vmem>> -> memref<128xi32, #tpu.memory_space<vmem>>
      %dma_wait3A_116 = arith.constant 0 : i32
      %dma_wait3A_117 = arith.constant 0 : i32
      %dma_wait3A_118 = tpu.memref_slice %arg5[%dma_wait3A_116, %dma_wait3A_117] : memref<80000x128xf32, #tpu.memory_space<hbm>> -> memref<80000x128xf32, #tpu.memory_space<hbm>>
      tpu.wait_indirect_dma semaphore(%arg12 : memref<!tpu.dma_semaphore, #tpu.memory_space<semaphore_mem>>) src(%dma_wait3A_118 : memref<80000x128xf32, #tpu.memory_space<hbm>>) dst(%arg9 : memref<128x128xf32, #tpu.memory_space<vmem>>)
      %dma_start3A_119 = arith.constant 0 : i32
      %dma_start3A_120 = tpu.memref_slice %arg7[%add3A_113, %dma_start3A_119] : memref<40x128xi32, #tpu.memory_space<vmem>> -> memref<1x128xi32, #tpu.memory_space<vmem>>
      %dma_start3A_121 = tpu.memref_squeeze %dma_start3A_120 : memref<1x128xi32, #tpu.memory_space<vmem>> -> memref<128xi32, #tpu.memory_space<vmem>>
      %dma_start3A_122 = arith.constant 0 : i32
      %dma_start3A_123 = arith.constant 0 : i32
      %dma_start3A_124 = tpu.memref_slice %arg11[%dma_start3A_122, %dma_start3A_123] : memref<10240x128xf32, #tpu.memory_space<vmem_shared>> -> memref<10240x128xf32, #tpu.memory_space<vmem_shared>>
      tpu.enqueue_indirect_dma source(%arg9 : memref<128x128xf32, #tpu.memory_space<vmem>>) target(%dma_start3A_124 : memref<10240x128xf32, #tpu.memory_space<vmem_shared>>) offsets(%dma_start3A_121 : memref<128xi32, #tpu.memory_space<vmem>>) semaphore(%arg14 : memref<!tpu.dma_semaphore, #tpu.memory_space<semaphore_mem>>) {add = true}
      %mul3A_125 = arith.constant 2 : i32
      %mul3A_126 = arith.muli %mul3A_125, %scan3A_108 : i32
      %add3A_127 = arith.constant 1 : i32
      %add3A_128 = arith.addi %mul3A_126, %add3A_127 : i32
      %dma_wait3A_129 = arith.constant 0 : i32
      %dma_wait3A_130 = tpu.memref_slice %arg8[%add3A_128, %dma_wait3A_129] : memref<40x128xi32, #tpu.memory_space<vmem>> -> memref<1x128xi32, #tpu.memory_space<vmem>>
      %dma_wait3A_131 = tpu.memref_squeeze %dma_wait3A_130 : memref<1x128xi32, #tpu.memory_space<vmem>> -> memref<128xi32, #tpu.memory_space<vmem>>
      %dma_wait3A_132 = arith.constant 0 : i32
      %dma_wait3A_133 = arith.constant 0 : i32
      %dma_wait3A_134 = tpu.memref_slice %arg5[%dma_wait3A_132, %dma_wait3A_133] : memref<80000x128xf32, #tpu.memory_space<hbm>> -> memref<80000x128xf32, #tpu.memory_space<hbm>>
      tpu.wait_indirect_dma semaphore(%arg13 : memref<!tpu.dma_semaphore, #tpu.memory_space<semaphore_mem>>) src(%dma_wait3A_134 : memref<80000x128xf32, #tpu.memory_space<hbm>>) dst(%arg10 : memref<128x128xf32, #tpu.memory_space<vmem>>)
      %dma_start3A_135 = arith.constant 0 : i32
      %dma_start3A_136 = tpu.memref_slice %arg7[%add3A_128, %dma_start3A_135] : memref<40x128xi32, #tpu.memory_space<vmem>> -> memref<1x128xi32, #tpu.memory_space<vmem>>
      %dma_start3A_137 = tpu.memref_squeeze %dma_start3A_136 : memref<1x128xi32, #tpu.memory_space<vmem>> -> memref<128xi32, #tpu.memory_space<vmem>>
      %dma_start3A_138 = arith.constant 0 : i32
      %dma_start3A_139 = arith.constant 0 : i32
      %dma_start3A_140 = tpu.memref_slice %arg11[%dma_start3A_138, %dma_start3A_139] : memref<10240x128xf32, #tpu.memory_space<vmem_shared>> -> memref<10240x128xf32, #tpu.memory_space<vmem_shared>>
      tpu.enqueue_indirect_dma source(%arg10 : memref<128x128xf32, #tpu.memory_space<vmem>>) target(%dma_start3A_140 : memref<10240x128xf32, #tpu.memory_space<vmem_shared>>) offsets(%dma_start3A_137 : memref<128xi32, #tpu.memory_space<vmem>>) semaphore(%arg15 : memref<!tpu.dma_semaphore, #tpu.memory_space<semaphore_mem>>) {add = true}
      %dma_wait3A_141 = arith.constant 0 : i32
      %dma_wait3A_142 = tpu.memref_slice %arg7[%add3A_113, %dma_wait3A_141] : memref<40x128xi32, #tpu.memory_space<vmem>> -> memref<1x128xi32, #tpu.memory_space<vmem>>
      %dma_wait3A_143 = tpu.memref_squeeze %dma_wait3A_142 : memref<1x128xi32, #tpu.memory_space<vmem>> -> memref<128xi32, #tpu.memory_space<vmem>>
      %dma_wait3A_144 = arith.constant 0 : i32
      %dma_wait3A_145 = arith.constant 0 : i32
      %dma_wait3A_146 = tpu.memref_slice %arg11[%dma_wait3A_144, %dma_wait3A_145] : memref<10240x128xf32, #tpu.memory_space<vmem_shared>> -> memref<10240x128xf32, #tpu.memory_space<vmem_shared>>
      tpu.wait_indirect_dma semaphore(%arg14 : memref<!tpu.dma_semaphore, #tpu.memory_space<semaphore_mem>>) src(%arg9 : memref<128x128xf32, #tpu.memory_space<vmem>>) dst(%dma_wait3A_146 : memref<10240x128xf32, #tpu.memory_space<vmem_shared>>)
      %lt3A = arith.constant 19 : i32
      %lt3A_147 = arith.cmpi slt, %scan3A_108, %lt3A : i32
      %convert_element_type3A = arith.extui %lt3A_147 : i1 to i32
      %cond3A = arith.constant 0 : i32
      %cond3A_148 = arith.cmpi ne, %convert_element_type3A, %cond3A : i32
      scf.if %cond3A_148 {
        %mul3A_161 = arith.constant 2 : i32
        %mul3A_162 = arith.muli %mul3A_161, %scan3A_108 : i32
        %add3A_163 = arith.constant 2 : i32
        %add3A_164 = arith.addi %mul3A_162, %add3A_163 : i32
        %add3A_165 = arith.constant 0 : i32
        %add3A_166 = arith.addi %add3A_164, %add3A_165 : i32
        %dma_start3A_167 = arith.constant 0 : i32
        %dma_start3A_168 = tpu.memref_slice %arg8[%add3A_166, %dma_start3A_167] : memref<40x128xi32, #tpu.memory_space<vmem>> -> memref<1x128xi32, #tpu.memory_space<vmem>>
        %dma_start3A_169 = tpu.memref_squeeze %dma_start3A_168 : memref<1x128xi32, #tpu.memory_space<vmem>> -> memref<128xi32, #tpu.memory_space<vmem>>
        %dma_start3A_170 = arith.constant 0 : i32
        %dma_start3A_171 = arith.constant 0 : i32
        %dma_start3A_172 = tpu.memref_slice %arg5[%dma_start3A_170, %dma_start3A_171] : memref<80000x128xf32, #tpu.memory_space<hbm>> -> memref<80000x128xf32, #tpu.memory_space<hbm>>
        tpu.enqueue_indirect_dma source(%dma_start3A_172 : memref<80000x128xf32, #tpu.memory_space<hbm>>) target(%arg9 : memref<128x128xf32, #tpu.memory_space<vmem>>) offsets(%dma_start3A_169 : memref<128xi32, #tpu.memory_space<vmem>>) semaphore(%arg12 : memref<!tpu.dma_semaphore, #tpu.memory_space<semaphore_mem>>)
      } else {
      }
      %dma_wait3A_149 = arith.constant 0 : i32
      %dma_wait3A_150 = tpu.memref_slice %arg7[%add3A_128, %dma_wait3A_149] : memref<40x128xi32, #tpu.memory_space<vmem>> -> memref<1x128xi32, #tpu.memory_space<vmem>>
      %dma_wait3A_151 = tpu.memref_squeeze %dma_wait3A_150 : memref<1x128xi32, #tpu.memory_space<vmem>> -> memref<128xi32, #tpu.memory_space<vmem>>
      %dma_wait3A_152 = arith.constant 0 : i32
      %dma_wait3A_153 = arith.constant 0 : i32
      %dma_wait3A_154 = tpu.memref_slice %arg11[%dma_wait3A_152, %dma_wait3A_153] : memref<10240x128xf32, #tpu.memory_space<vmem_shared>> -> memref<10240x128xf32, #tpu.memory_space<vmem_shared>>
      tpu.wait_indirect_dma semaphore(%arg15 : memref<!tpu.dma_semaphore, #tpu.memory_space<semaphore_mem>>) src(%arg10 : memref<128x128xf32, #tpu.memory_space<vmem>>) dst(%dma_wait3A_154 : memref<10240x128xf32, #tpu.memory_space<vmem_shared>>)
      %lt3A_155 = arith.constant 19 : i32
      %lt3A_156 = arith.cmpi slt, %scan3A_108, %lt3A_155 : i32
      %convert_element_type3A_157 = arith.extui %lt3A_156 : i1 to i32
      %cond3A_158 = arith.constant 0 : i32
      %cond3A_159 = arith.cmpi ne, %convert_element_type3A_157, %cond3A_158 : i32
      scf.if %cond3A_159 {
        %mul3A_161 = arith.constant 2 : i32
        %mul3A_162 = arith.muli %mul3A_161, %scan3A_108 : i32
        %add3A_163 = arith.constant 2 : i32
        %add3A_164 = arith.addi %mul3A_162, %add3A_163 : i32
        %add3A_165 = arith.constant 1 : i32
        %add3A_166 = arith.addi %add3A_164, %add3A_165 : i32
        %dma_start3A_167 = arith.constant 0 : i32
        %dma_start3A_168 = tpu.memref_slice %arg8[%add3A_166, %dma_start3A_167] : memref<40x128xi32, #tpu.memory_space<vmem>> -> memref<1x128xi32, #tpu.memory_space<vmem>>
        %dma_start3A_169 = tpu.memref_squeeze %dma_start3A_168 : memref<1x128xi32, #tpu.memory_space<vmem>> -> memref<128xi32, #tpu.memory_space<vmem>>
        %dma_start3A_170 = arith.constant 0 : i32
        %dma_start3A_171 = arith.constant 0 : i32
        %dma_start3A_172 = tpu.memref_slice %arg5[%dma_start3A_170, %dma_start3A_171] : memref<80000x128xf32, #tpu.memory_space<hbm>> -> memref<80000x128xf32, #tpu.memory_space<hbm>>
        tpu.enqueue_indirect_dma source(%dma_start3A_172 : memref<80000x128xf32, #tpu.memory_space<hbm>>) target(%arg10 : memref<128x128xf32, #tpu.memory_space<vmem>>) offsets(%dma_start3A_169 : memref<128xi32, #tpu.memory_space<vmem>>) semaphore(%arg13 : memref<!tpu.dma_semaphore, #tpu.memory_space<semaphore_mem>>)
      } else {
      }
      %scan3A_160 = arith.constant 0 : i32
      scf.yield %scan3A_160 : i32
    }
    %scan3A_65 = arith.constant 20 : i32
    %add3A_66 = arith.constant 40 : i32
    %add3A_67 = arith.addi %mul3A_2, %add3A_66 : i32
    "tpu.region"() ({
      %run_scoped3A = tpu.sem_alloc : memref<!tpu.dma_semaphore, #tpu.memory_space<semaphore_mem>>
      %dma_start3A_108 = arith.constant 0 : i32
      %dma_start3A_109 = tpu.memref_slice %arg3[%add3A_67, %dma_start3A_108] : memref<2560x128xi32, #tpu.memory_space<hbm>> -> memref<40x128xi32, #tpu.memory_space<hbm>>
      %dma_start3A_110 = arith.constant 0 : i32
      %dma_start3A_111 = tpu.memref_slice %arg3[%add3A_67, %dma_start3A_110] : memref<2560x128xi32, #tpu.memory_space<hbm>> -> memref<40x128xi32, #tpu.memory_space<hbm>>
      tpu.enqueue_dma source(%dma_start3A_111 : memref<40x128xi32, #tpu.memory_space<hbm>>) target(%arg7 : memref<40x128xi32, #tpu.memory_space<vmem>>) target_semaphore(%run_scoped3A : memref<!tpu.dma_semaphore, #tpu.memory_space<semaphore_mem>>)
      %dma_wait3A = arith.constant 0 : i32
      %dma_wait3A_112 = tpu.memref_slice %arg3[%add3A_67, %dma_wait3A] : memref<2560x128xi32, #tpu.memory_space<hbm>> -> memref<40x128xi32, #tpu.memory_space<hbm>>
      %dma_wait3A_113 = arith.constant 0 : i32
      %dma_wait3A_114 = tpu.memref_slice %arg3[%add3A_67, %dma_wait3A_113] : memref<2560x128xi32, #tpu.memory_space<hbm>> -> memref<40x128xi32, #tpu.memory_space<hbm>>
      tpu.wait_dma2 semaphore(%run_scoped3A : memref<!tpu.dma_semaphore, #tpu.memory_space<semaphore_mem>>) src(%dma_wait3A_114 : memref<40x128xi32, #tpu.memory_space<hbm>>) dst(%arg7 : memref<40x128xi32, #tpu.memory_space<vmem>>)
      tpu.yield
    }) : () -> ()
    %scan3A_68 = arith.constant 0 : i32
    %scan3A_69 = arith.constant 0 : i32
    %scan3A_70 = arith.constant 40 : i32
    %scan3A_71 = arith.addi %scan3A_69, %scan3A_70 : i32
    %scan3A_72 = arith.constant 1 : i32
    %scan3A_73 = scf.for %scan3A_108 = %scan3A_69 to %scan3A_71 step %scan3A_72 iter_args(%scan3A_109 = %scan3A_68) -> (i32)  : i32 {
      %get3A = arith.index_cast %scan3A_108 : i32 to index
      %get3A_110 = arith.constant 0 : index
      %get3A_111 = tpu.vector_load %arg7[%get3A, %get3A_110] {strides = array<i32>} : memref<40x128xi32, #tpu.memory_space<vmem>>, vector<16xi32>,
      %mul3A_112 = arith.constant 10000 : i32
      %mul3A_113 = vector.broadcast %mul3A_112 : i32 to vector<16xi32>
      %mul3A_114 = arith.muli %get3A_111, %mul3A_113 : vector<16xi32>
      %swap3A = arith.index_cast %scan3A_108 : i32 to index
      %swap3A_115 = arith.constant 0 : index
      %swap3A_116 = tpu.vector_load %arg8[%swap3A, %swap3A_115] {strides = array<i32>} : memref<40x128xi32, #tpu.memory_space<vmem>>, vector<16xi32>,
      tpu.vector_store %arg8[%swap3A, %swap3A_115], %mul3A_114 {strides = array<i32>} : memref<40x128xi32, #tpu.memory_space<vmem>>, vector<16xi32>,
      %get3A_117 = arith.index_cast %scan3A_108 : i32 to index
      %get3A_118 = arith.constant 16 : index
      %get3A_119 = tpu.vector_load %arg7[%get3A_117, %get3A_118] {strides = array<i32>} : memref<40x128xi32, #tpu.memory_space<vmem>>, vector<16xi32>,
      %mul3A_120 = arith.constant 10000 : i32
      %mul3A_121 = vector.broadcast %mul3A_120 : i32 to vector<16xi32>
      %mul3A_122 = arith.muli %get3A_119, %mul3A_121 : vector<16xi32>
      %swap3A_123 = arith.index_cast %scan3A_108 : i32 to index
      %swap3A_124 = arith.constant 16 : index
      %swap3A_125 = tpu.vector_load %arg8[%swap3A_123, %swap3A_124] {strides = array<i32>} : memref<40x128xi32, #tpu.memory_space<vmem>>, vector<16xi32>,
      tpu.vector_store %arg8[%swap3A_123, %swap3A_124], %mul3A_122 {strides = array<i32>} : memref<40x128xi32, #tpu.memory_space<vmem>>, vector<16xi32>,
      %get3A_126 = arith.index_cast %scan3A_108 : i32 to index
      %get3A_127 = arith.constant 32 : index
      %get3A_128 = tpu.vector_load %arg7[%get3A_126, %get3A_127] {strides = array<i32>} : memref<40x128xi32, #tpu.memory_space<vmem>>, vector<16xi32>,
      %mul3A_129 = arith.constant 10000 : i32
      %mul3A_130 = vector.broadcast %mul3A_129 : i32 to vector<16xi32>
      %mul3A_131 = arith.muli %get3A_128, %mul3A_130 : vector<16xi32>
      %swap3A_132 = arith.index_cast %scan3A_108 : i32 to index
      %swap3A_133 = arith.constant 32 : index
      %swap3A_134 = tpu.vector_load %arg8[%swap3A_132, %swap3A_133] {strides = array<i32>} : memref<40x128xi32, #tpu.memory_space<vmem>>, vector<16xi32>,
      tpu.vector_store %arg8[%swap3A_132, %swap3A_133], %mul3A_131 {strides = array<i32>} : memref<40x128xi32, #tpu.memory_space<vmem>>, vector<16xi32>,
      %get3A_135 = arith.index_cast %scan3A_108 : i32 to index
      %get3A_136 = arith.constant 48 : index
      %get3A_137 = tpu.vector_load %arg7[%get3A_135, %get3A_136] {strides = array<i32>} : memref<40x128xi32, #tpu.memory_space<vmem>>, vector<16xi32>,
      %mul3A_138 = arith.constant 10000 : i32
      %mul3A_139 = vector.broadcast %mul3A_138 : i32 to vector<16xi32>
      %mul3A_140 = arith.muli %get3A_137, %mul3A_139 : vector<16xi32>
      %swap3A_141 = arith.index_cast %scan3A_108 : i32 to index
      %swap3A_142 = arith.constant 48 : index
      %swap3A_143 = tpu.vector_load %arg8[%swap3A_141, %swap3A_142] {strides = array<i32>} : memref<40x128xi32, #tpu.memory_space<vmem>>, vector<16xi32>,
      tpu.vector_store %arg8[%swap3A_141, %swap3A_142], %mul3A_140 {strides = array<i32>} : memref<40x128xi32, #tpu.memory_space<vmem>>, vector<16xi32>,
      %get3A_144 = arith.index_cast %scan3A_108 : i32 to index
      %get3A_145 = arith.constant 64 : index
      %get3A_146 = tpu.vector_load %arg7[%get3A_144, %get3A_145] {strides = array<i32>} : memref<40x128xi32, #tpu.memory_space<vmem>>, vector<16xi32>,
      %mul3A_147 = arith.constant 10000 : i32
      %mul3A_148 = vector.broadcast %mul3A_147 : i32 to vector<16xi32>
      %mul3A_149 = arith.muli %get3A_146, %mul3A_148 : vector<16xi32>
      %swap3A_150 = arith.index_cast %scan3A_108 : i32 to index
      %swap3A_151 = arith.constant 64 : index
      %swap3A_152 = tpu.vector_load %arg8[%swap3A_150, %swap3A_151] {strides = array<i32>} : memref<40x128xi32, #tpu.memory_space<vmem>>, vector<16xi32>,
      tpu.vector_store %arg8[%swap3A_150, %swap3A_151], %mul3A_149 {strides = array<i32>} : memref<40x128xi32, #tpu.memory_space<vmem>>, vector<16xi32>,
      %get3A_153 = arith.index_cast %scan3A_108 : i32 to index
      %get3A_154 = arith.constant 80 : index
      %get3A_155 = tpu.vector_load %arg7[%get3A_153, %get3A_154] {strides = array<i32>} : memref<40x128xi32, #tpu.memory_space<vmem>>, vector<16xi32>,
      %mul3A_156 = arith.constant 10000 : i32
      %mul3A_157 = vector.broadcast %mul3A_156 : i32 to vector<16xi32>
      %mul3A_158 = arith.muli %get3A_155, %mul3A_157 : vector<16xi32>
      %swap3A_159 = arith.index_cast %scan3A_108 : i32 to index
      %swap3A_160 = arith.constant 80 : index
      %swap3A_161 = tpu.vector_load %arg8[%swap3A_159, %swap3A_160] {strides = array<i32>} : memref<40x128xi32, #tpu.memory_space<vmem>>, vector<16xi32>,
      tpu.vector_store %arg8[%swap3A_159, %swap3A_160], %mul3A_158 {strides = array<i32>} : memref<40x128xi32, #tpu.memory_space<vmem>>, vector<16xi32>,
      %get3A_162 = arith.index_cast %scan3A_108 : i32 to index
      %get3A_163 = arith.constant 96 : index
      %get3A_164 = tpu.vector_load %arg7[%get3A_162, %get3A_163] {strides = array<i32>} : memref<40x128xi32, #tpu.memory_space<vmem>>, vector<16xi32>,
      %mul3A_165 = arith.constant 10000 : i32
      %mul3A_166 = vector.broadcast %mul3A_165 : i32 to vector<16xi32>
      %mul3A_167 = arith.muli %get3A_164, %mul3A_166 : vector<16xi32>
      %swap3A_168 = arith.index_cast %scan3A_108 : i32 to index
      %swap3A_169 = arith.constant 96 : index
      %swap3A_170 = tpu.vector_load %arg8[%swap3A_168, %swap3A_169] {strides = array<i32>} : memref<40x128xi32, #tpu.memory_space<vmem>>, vector<16xi32>,
      tpu.vector_store %arg8[%swap3A_168, %swap3A_169], %mul3A_167 {strides = array<i32>} : memref<40x128xi32, #tpu.memory_space<vmem>>, vector<16xi32>,
      %get3A_171 = arith.index_cast %scan3A_108 : i32 to index
      %get3A_172 = arith.constant 112 : index
      %get3A_173 = tpu.vector_load %arg7[%get3A_171, %get3A_172] {strides = array<i32>} : memref<40x128xi32, #tpu.memory_space<vmem>>, vector<16xi32>,
      %mul3A_174 = arith.constant 10000 : i32
      %mul3A_175 = vector.broadcast %mul3A_174 : i32 to vector<16xi32>
      %mul3A_176 = arith.muli %get3A_173, %mul3A_175 : vector<16xi32>
      %swap3A_177 = arith.index_cast %scan3A_108 : i32 to index
      %swap3A_178 = arith.constant 112 : index
      %swap3A_179 = tpu.vector_load %arg8[%swap3A_177, %swap3A_178] {strides = array<i32>} : memref<40x128xi32, #tpu.memory_space<vmem>>, vector<16xi32>,
      tpu.vector_store %arg8[%swap3A_177, %swap3A_178], %mul3A_176 {strides = array<i32>} : memref<40x128xi32, #tpu.memory_space<vmem>>, vector<16xi32>,
      %scan3A_180 = arith.constant 0 : i32
      scf.yield %scan3A_180 : i32
    }
    %scan3A_74 = arith.constant 40 : i32
    "tpu.region"() ({
      %run_scoped3A = tpu.sem_alloc : memref<!tpu.dma_semaphore, #tpu.memory_space<semaphore_mem>>
      %dma_start3A_108 = arith.constant 0 : i32
      %dma_start3A_109 = tpu.memref_slice %arg2[%add3A_67, %dma_start3A_108] : memref<2560x128xi32, #tpu.memory_space<hbm>> -> memref<40x128xi32, #tpu.memory_space<hbm>>
      %dma_start3A_110 = arith.constant 0 : i32
      %dma_start3A_111 = tpu.memref_slice %arg2[%add3A_67, %dma_start3A_110] : memref<2560x128xi32, #tpu.memory_space<hbm>> -> memref<40x128xi32, #tpu.memory_space<hbm>>
      tpu.enqueue_dma source(%dma_start3A_111 : memref<40x128xi32, #tpu.memory_space<hbm>>) target(%arg7 : memref<40x128xi32, #tpu.memory_space<vmem>>) target_semaphore(%run_scoped3A : memref<!tpu.dma_semaphore, #tpu.memory_space<semaphore_mem>>)
      %dma_wait3A = arith.constant 0 : i32
      %dma_wait3A_112 = tpu.memref_slice %arg2[%add3A_67, %dma_wait3A] : memref<2560x128xi32, #tpu.memory_space<hbm>> -> memref<40x128xi32, #tpu.memory_space<hbm>>
      %dma_wait3A_113 = arith.constant 0 : i32
      %dma_wait3A_114 = tpu.memref_slice %arg2[%add3A_67, %dma_wait3A_113] : memref<2560x128xi32, #tpu.memory_space<hbm>> -> memref<40x128xi32, #tpu.memory_space<hbm>>
      tpu.wait_dma2 semaphore(%run_scoped3A : memref<!tpu.dma_semaphore, #tpu.memory_space<semaphore_mem>>) src(%dma_wait3A_114 : memref<40x128xi32, #tpu.memory_space<hbm>>) dst(%arg7 : memref<40x128xi32, #tpu.memory_space<vmem>>)
      tpu.yield
    }) : () -> ()
    %scan3A_75 = arith.constant 0 : i32
    %scan3A_76 = arith.constant 0 : i32
    %scan3A_77 = arith.constant 40 : i32
    %scan3A_78 = arith.addi %scan3A_76, %scan3A_77 : i32
    %scan3A_79 = arith.constant 1 : i32
    %scan3A_80 = scf.for %scan3A_108 = %scan3A_76 to %scan3A_78 step %scan3A_79 iter_args(%scan3A_109 = %scan3A_75) -> (i32)  : i32 {
      %get3A = arith.index_cast %scan3A_108 : i32 to index
      %get3A_110 = arith.constant 0 : index
      %get3A_111 = tpu.vector_load %arg8[%get3A, %get3A_110] {strides = array<i32>} : memref<40x128xi32, #tpu.memory_space<vmem>>, vector<16xi32>,
      %get3A_112 = arith.index_cast %scan3A_108 : i32 to index
      %get3A_113 = arith.constant 0 : index
      %get3A_114 = tpu.vector_load %arg7[%get3A_112, %get3A_113] {strides = array<i32>} : memref<40x128xi32, #tpu.memory_space<vmem>>, vector<16xi32>,
      %add3A_115 = arith.addi %get3A_111, %get3A_114 : vector<16xi32>
      %swap3A = arith.index_cast %scan3A_108 : i32 to index
      %swap3A_116 = arith.constant 0 : index
      %swap3A_117 = tpu.vector_load %arg8[%swap3A, %swap3A_116] {strides = array<i32>} : memref<40x128xi32, #tpu.memory_space<vmem>>, vector<16xi32>,
      tpu.vector_store %arg8[%swap3A, %swap3A_116], %add3A_115 {strides = array<i32>} : memref<40x128xi32, #tpu.memory_space<vmem>>, vector<16xi32>,
      %get3A_118 = arith.index_cast %scan3A_108 : i32 to index
      %get3A_119 = arith.constant 16 : index
      %get3A_120 = tpu.vector_load %arg8[%get3A_118, %get3A_119] {strides = array<i32>} : memref<40x128xi32, #tpu.memory_space<vmem>>, vector<16xi32>,
      %get3A_121 = arith.index_cast %scan3A_108 : i32 to index
      %get3A_122 = arith.constant 16 : index
      %get3A_123 = tpu.vector_load %arg7[%get3A_121, %get3A_122] {strides = array<i32>} : memref<40x128xi32, #tpu.memory_space<vmem>>, vector<16xi32>,
      %add3A_124 = arith.addi %get3A_120, %get3A_123 : vector<16xi32>
      %swap3A_125 = arith.index_cast %scan3A_108 : i32 to index
      %swap3A_126 = arith.constant 16 : index
      %swap3A_127 = tpu.vector_load %arg8[%swap3A_125, %swap3A_126] {strides = array<i32>} : memref<40x128xi32, #tpu.memory_space<vmem>>, vector<16xi32>,
      tpu.vector_store %arg8[%swap3A_125, %swap3A_126], %add3A_124 {strides = array<i32>} : memref<40x128xi32, #tpu.memory_space<vmem>>, vector<16xi32>,
      %get3A_128 = arith.index_cast %scan3A_108 : i32 to index
      %get3A_129 = arith.constant 32 : index
      %get3A_130 = tpu.vector_load %arg8[%get3A_128, %get3A_129] {strides = array<i32>} : memref<40x128xi32, #tpu.memory_space<vmem>>, vector<16xi32>,
      %get3A_131 = arith.index_cast %scan3A_108 : i32 to index
      %get3A_132 = arith.constant 32 : index
      %get3A_133 = tpu.vector_load %arg7[%get3A_131, %get3A_132] {strides = array<i32>} : memref<40x128xi32, #tpu.memory_space<vmem>>, vector<16xi32>,
      %add3A_134 = arith.addi %get3A_130, %get3A_133 : vector<16xi32>
      %swap3A_135 = arith.index_cast %scan3A_108 : i32 to index
      %swap3A_136 = arith.constant 32 : index
      %swap3A_137 = tpu.vector_load %arg8[%swap3A_135, %swap3A_136] {strides = array<i32>} : memref<40x128xi32, #tpu.memory_space<vmem>>, vector<16xi32>,
      tpu.vector_store %arg8[%swap3A_135, %swap3A_136], %add3A_134 {strides = array<i32>} : memref<40x128xi32, #tpu.memory_space<vmem>>, vector<16xi32>,
      %get3A_138 = arith.index_cast %scan3A_108 : i32 to index
      %get3A_139 = arith.constant 48 : index
      %get3A_140 = tpu.vector_load %arg8[%get3A_138, %get3A_139] {strides = array<i32>} : memref<40x128xi32, #tpu.memory_space<vmem>>, vector<16xi32>,
      %get3A_141 = arith.index_cast %scan3A_108 : i32 to index
      %get3A_142 = arith.constant 48 : index
      %get3A_143 = tpu.vector_load %arg7[%get3A_141, %get3A_142] {strides = array<i32>} : memref<40x128xi32, #tpu.memory_space<vmem>>, vector<16xi32>,
      %add3A_144 = arith.addi %get3A_140, %get3A_143 : vector<16xi32>
      %swap3A_145 = arith.index_cast %scan3A_108 : i32 to index
      %swap3A_146 = arith.constant 48 : index
      %swap3A_147 = tpu.vector_load %arg8[%swap3A_145, %swap3A_146] {strides = array<i32>} : memref<40x128xi32, #tpu.memory_space<vmem>>, vector<16xi32>,
      tpu.vector_store %arg8[%swap3A_145, %swap3A_146], %add3A_144 {strides = array<i32>} : memref<40x128xi32, #tpu.memory_space<vmem>>, vector<16xi32>,
      %get3A_148 = arith.index_cast %scan3A_108 : i32 to index
      %get3A_149 = arith.constant 64 : index
      %get3A_150 = tpu.vector_load %arg8[%get3A_148, %get3A_149] {strides = array<i32>} : memref<40x128xi32, #tpu.memory_space<vmem>>, vector<16xi32>,
      %get3A_151 = arith.index_cast %scan3A_108 : i32 to index
      %get3A_152 = arith.constant 64 : index
      %get3A_153 = tpu.vector_load %arg7[%get3A_151, %get3A_152] {strides = array<i32>} : memref<40x128xi32, #tpu.memory_space<vmem>>, vector<16xi32>,
      %add3A_154 = arith.addi %get3A_150, %get3A_153 : vector<16xi32>
      %swap3A_155 = arith.index_cast %scan3A_108 : i32 to index
      %swap3A_156 = arith.constant 64 : index
      %swap3A_157 = tpu.vector_load %arg8[%swap3A_155, %swap3A_156] {strides = array<i32>} : memref<40x128xi32, #tpu.memory_space<vmem>>, vector<16xi32>,
      tpu.vector_store %arg8[%swap3A_155, %swap3A_156], %add3A_154 {strides = array<i32>} : memref<40x128xi32, #tpu.memory_space<vmem>>, vector<16xi32>,
      %get3A_158 = arith.index_cast %scan3A_108 : i32 to index
      %get3A_159 = arith.constant 80 : index
      %get3A_160 = tpu.vector_load %arg8[%get3A_158, %get3A_159] {strides = array<i32>} : memref<40x128xi32, #tpu.memory_space<vmem>>, vector<16xi32>,
      %get3A_161 = arith.index_cast %scan3A_108 : i32 to index
      %get3A_162 = arith.constant 80 : index
      %get3A_163 = tpu.vector_load %arg7[%get3A_161, %get3A_162] {strides = array<i32>} : memref<40x128xi32, #tpu.memory_space<vmem>>, vector<16xi32>,
      %add3A_164 = arith.addi %get3A_160, %get3A_163 : vector<16xi32>
      %swap3A_165 = arith.index_cast %scan3A_108 : i32 to index
      %swap3A_166 = arith.constant 80 : index
      %swap3A_167 = tpu.vector_load %arg8[%swap3A_165, %swap3A_166] {strides = array<i32>} : memref<40x128xi32, #tpu.memory_space<vmem>>, vector<16xi32>,
      tpu.vector_store %arg8[%swap3A_165, %swap3A_166], %add3A_164 {strides = array<i32>} : memref<40x128xi32, #tpu.memory_space<vmem>>, vector<16xi32>,
      %get3A_168 = arith.index_cast %scan3A_108 : i32 to index
      %get3A_169 = arith.constant 96 : index
      %get3A_170 = tpu.vector_load %arg8[%get3A_168, %get3A_169] {strides = array<i32>} : memref<40x128xi32, #tpu.memory_space<vmem>>, vector<16xi32>,
      %get3A_171 = arith.index_cast %scan3A_108 : i32 to index
      %get3A_172 = arith.constant 96 : index
      %get3A_173 = tpu.vector_load %arg7[%get3A_171, %get3A_172] {strides = array<i32>} : memref<40x128xi32, #tpu.memory_space<vmem>>, vector<16xi32>,
      %add3A_174 = arith.addi %get3A_170, %get3A_173 : vector<16xi32>
      %swap3A_175 = arith.index_cast %scan3A_108 : i32 to index
      %swap3A_176 = arith.constant 96 : index
      %swap3A_177 = tpu.vector_load %arg8[%swap3A_175, %swap3A_176] {strides = array<i32>} : memref<40x128xi32, #tpu.memory_space<vmem>>, vector<16xi32>,
      tpu.vector_store %arg8[%swap3A_175, %swap3A_176], %add3A_174 {strides = array<i32>} : memref<40x128xi32, #tpu.memory_space<vmem>>, vector<16xi32>,
      %get3A_178 = arith.index_cast %scan3A_108 : i32 to index
      %get3A_179 = arith.constant 112 : index
      %get3A_180 = tpu.vector_load %arg8[%get3A_178, %get3A_179] {strides = array<i32>} : memref<40x128xi32, #tpu.memory_space<vmem>>, vector<16xi32>,
      %get3A_181 = arith.index_cast %scan3A_108 : i32 to index
      %get3A_182 = arith.constant 112 : index
      %get3A_183 = tpu.vector_load %arg7[%get3A_181, %get3A_182] {strides = array<i32>} : memref<40x128xi32, #tpu.memory_space<vmem>>, vector<16xi32>,
      %add3A_184 = arith.addi %get3A_180, %get3A_183 : vector<16xi32>
      %swap3A_185 = arith.index_cast %scan3A_108 : i32 to index
      %swap3A_186 = arith.constant 112 : index
      %swap3A_187 = tpu.vector_load %arg8[%swap3A_185, %swap3A_186] {strides = array<i32>} : memref<40x128xi32, #tpu.memory_space<vmem>>, vector<16xi32>,
      tpu.vector_store %arg8[%swap3A_185, %swap3A_186], %add3A_184 {strides = array<i32>} : memref<40x128xi32, #tpu.memory_space<vmem>>, vector<16xi32>,
      %scan3A_188 = arith.constant 0 : i32
      scf.yield %scan3A_188 : i32
    }
    %scan3A_81 = arith.constant 40 : i32
    "tpu.region"() ({
      %run_scoped3A = tpu.sem_alloc : memref<!tpu.dma_semaphore, #tpu.memory_space<semaphore_mem>>
      %dma_start3A_108 = arith.constant 0 : i32
      %dma_start3A_109 = tpu.memref_slice %arg4[%add3A_67, %dma_start3A_108] : memref<2560x128xi32, #tpu.memory_space<hbm>> -> memref<40x128xi32, #tpu.memory_space<hbm>>
      %dma_start3A_110 = arith.constant 0 : i32
      %dma_start3A_111 = tpu.memref_slice %arg4[%add3A_67, %dma_start3A_110] : memref<2560x128xi32, #tpu.memory_space<hbm>> -> memref<40x128xi32, #tpu.memory_space<hbm>>
      tpu.enqueue_dma source(%dma_start3A_111 : memref<40x128xi32, #tpu.memory_space<hbm>>) target(%arg7 : memref<40x128xi32, #tpu.memory_space<vmem>>) target_semaphore(%run_scoped3A : memref<!tpu.dma_semaphore, #tpu.memory_space<semaphore_mem>>)
      %dma_wait3A = arith.constant 0 : i32
      %dma_wait3A_112 = tpu.memref_slice %arg4[%add3A_67, %dma_wait3A] : memref<2560x128xi32, #tpu.memory_space<hbm>> -> memref<40x128xi32, #tpu.memory_space<hbm>>
      %dma_wait3A_113 = arith.constant 0 : i32
      %dma_wait3A_114 = tpu.memref_slice %arg4[%add3A_67, %dma_wait3A_113] : memref<2560x128xi32, #tpu.memory_space<hbm>> -> memref<40x128xi32, #tpu.memory_space<hbm>>
      tpu.wait_dma2 semaphore(%run_scoped3A : memref<!tpu.dma_semaphore, #tpu.memory_space<semaphore_mem>>) src(%dma_wait3A_114 : memref<40x128xi32, #tpu.memory_space<hbm>>) dst(%arg7 : memref<40x128xi32, #tpu.memory_space<vmem>>)
      tpu.yield
    }) : () -> ()
    %dma_start3A_82 = arith.constant 0 : i32
    %dma_start3A_83 = arith.constant 0 : i32
    %dma_start3A_84 = tpu.memref_slice %arg8[%dma_start3A_82, %dma_start3A_83] : memref<40x128xi32, #tpu.memory_space<vmem>> -> memref<1x128xi32, #tpu.memory_space<vmem>>
    %dma_start3A_85 = tpu.memref_squeeze %dma_start3A_84 : memref<1x128xi32, #tpu.memory_space<vmem>> -> memref<128xi32, #tpu.memory_space<vmem>>
    %dma_start3A_86 = arith.constant 0 : i32
    %dma_start3A_87 = arith.constant 0 : i32
    %dma_start3A_88 = tpu.memref_slice %arg5[%dma_start3A_86, %dma_start3A_87] : memref<80000x128xf32, #tpu.memory_space<hbm>> -> memref<80000x128xf32, #tpu.memory_space<hbm>>
    tpu.enqueue_indirect_dma source(%dma_start3A_88 : memref<80000x128xf32, #tpu.memory_space<hbm>>) target(%arg9 : memref<128x128xf32, #tpu.memory_space<vmem>>) offsets(%dma_start3A_85 : memref<128xi32, #tpu.memory_space<vmem>>) semaphore(%arg12 : memref<!tpu.dma_semaphore, #tpu.memory_space<semaphore_mem>>)
    %dma_start3A_89 = arith.constant 1 : i32
    %dma_start3A_90 = arith.constant 0 : i32
    %dma_start3A_91 = tpu.memref_slice %arg8[%dma_start3A_89, %dma_start3A_90] : memref<40x128xi32, #tpu.memory_space<vmem>> -> memref<1x128xi32, #tpu.memory_space<vmem>>
    %dma_start3A_92 = tpu.memref_squeeze %dma_start3A_91 : memref<1x128xi32, #tpu.memory_space<vmem>> -> memref<128xi32, #tpu.memory_space<vmem>>
    %dma_start3A_93 = arith.constant 0 : i32
    %dma_start3A_94 = arith.constant 0 : i32
    %dma_start3A_95 = tpu.memref_slice %arg5[%dma_start3A_93, %dma_start3A_94] : memref<80000x128xf32, #tpu.memory_space<hbm>> -> memref<80000x128xf32, #tpu.memory_space<hbm>>
    tpu.enqueue_indirect_dma source(%dma_start3A_95 : memref<80000x128xf32, #tpu.memory_space<hbm>>) target(%arg10 : memref<128x128xf32, #tpu.memory_space<vmem>>) offsets(%dma_start3A_92 : memref<128xi32, #tpu.memory_space<vmem>>) semaphore(%arg13 : memref<!tpu.dma_semaphore, #tpu.memory_space<semaphore_mem>>)
    %scan3A_96 = arith.constant 0 : i32
    %scan3A_97 = arith.constant 0 : i32
    %scan3A_98 = arith.constant 20 : i32
    %scan3A_99 = arith.addi %scan3A_97, %scan3A_98 : i32
    %scan3A_100 = arith.constant 1 : i32
    %scan3A_101 = scf.for %scan3A_108 = %scan3A_97 to %scan3A_99 step %scan3A_100 iter_args(%scan3A_109 = %scan3A_96) -> (i32)  : i32 {
      %mul3A_110 = arith.constant 2 : i32
      %mul3A_111 = arith.muli %mul3A_110, %scan3A_108 : i32
      %add3A_112 = arith.constant 0 : i32
      %add3A_113 = arith.addi %mul3A_111, %add3A_112 : i32
      %dma_wait3A = arith.constant 0 : i32
      %dma_wait3A_114 = tpu.memref_slice %arg8[%add3A_113, %dma_wait3A] : memref<40x128xi32, #tpu.memory_space<vmem>> -> memref<1x128xi32, #tpu.memory_space<vmem>>
      %dma_wait3A_115 = tpu.memref_squeeze %dma_wait3A_114 : memref<1x128xi32, #tpu.memory_space<vmem>> -> memref<128xi32, #tpu.memory_space<vmem>>
      %dma_wait3A_116 = arith.constant 0 : i32
      %dma_wait3A_117 = arith.constant 0 : i32
      %dma_wait3A_118 = tpu.memref_slice %arg5[%dma_wait3A_116, %dma_wait3A_117] : memref<80000x128xf32, #tpu.memory_space<hbm>> -> memref<80000x128xf32, #tpu.memory_space<hbm>>
      tpu.wait_indirect_dma semaphore(%arg12 : memref<!tpu.dma_semaphore, #tpu.memory_space<semaphore_mem>>) src(%dma_wait3A_118 : memref<80000x128xf32, #tpu.memory_space<hbm>>) dst(%arg9 : memref<128x128xf32, #tpu.memory_space<vmem>>)
      %dma_start3A_119 = arith.constant 0 : i32
      %dma_start3A_120 = tpu.memref_slice %arg7[%add3A_113, %dma_start3A_119] : memref<40x128xi32, #tpu.memory_space<vmem>> -> memref<1x128xi32, #tpu.memory_space<vmem>>
      %dma_start3A_121 = tpu.memref_squeeze %dma_start3A_120 : memref<1x128xi32, #tpu.memory_space<vmem>> -> memref<128xi32, #tpu.memory_space<vmem>>
      %dma_start3A_122 = arith.constant 0 : i32
      %dma_start3A_123 = arith.constant 0 : i32
      %dma_start3A_124 = tpu.memref_slice %arg11[%dma_start3A_122, %dma_start3A_123] : memref<10240x128xf32, #tpu.memory_space<vmem_shared>> -> memref<10240x128xf32, #tpu.memory_space<vmem_shared>>
      tpu.enqueue_indirect_dma source(%arg9 : memref<128x128xf32, #tpu.memory_space<vmem>>) target(%dma_start3A_124 : memref<10240x128xf32, #tpu.memory_space<vmem_shared>>) offsets(%dma_start3A_121 : memref<128xi32, #tpu.memory_space<vmem>>) semaphore(%arg14 : memref<!tpu.dma_semaphore, #tpu.memory_space<semaphore_mem>>) {add = true}
      %mul3A_125 = arith.constant 2 : i32
      %mul3A_126 = arith.muli %mul3A_125, %scan3A_108 : i32
      %add3A_127 = arith.constant 1 : i32
      %add3A_128 = arith.addi %mul3A_126, %add3A_127 : i32
      %dma_wait3A_129 = arith.constant 0 : i32
      %dma_wait3A_130 = tpu.memref_slice %arg8[%add3A_128, %dma_wait3A_129] : memref<40x128xi32, #tpu.memory_space<vmem>> -> memref<1x128xi32, #tpu.memory_space<vmem>>
      %dma_wait3A_131 = tpu.memref_squeeze %dma_wait3A_130 : memref<1x128xi32, #tpu.memory_space<vmem>> -> memref<128xi32, #tpu.memory_space<vmem>>
      %dma_wait3A_132 = arith.constant 0 : i32
      %dma_wait3A_133 = arith.constant 0 : i32
      %dma_wait3A_134 = tpu.memref_slice %arg5[%dma_wait3A_132, %dma_wait3A_133] : memref<80000x128xf32, #tpu.memory_space<hbm>> -> memref<80000x128xf32, #tpu.memory_space<hbm>>
      tpu.wait_indirect_dma semaphore(%arg13 : memref<!tpu.dma_semaphore, #tpu.memory_space<semaphore_mem>>) src(%dma_wait3A_134 : memref<80000x128xf32, #tpu.memory_space<hbm>>) dst(%arg10 : memref<128x128xf32, #tpu.memory_space<vmem>>)
      %dma_start3A_135 = arith.constant 0 : i32
      %dma_start3A_136 = tpu.memref_slice %arg7[%add3A_128, %dma_start3A_135] : memref<40x128xi32, #tpu.memory_space<vmem>> -> memref<1x128xi32, #tpu.memory_space<vmem>>
      %dma_start3A_137 = tpu.memref_squeeze %dma_start3A_136 : memref<1x128xi32, #tpu.memory_space<vmem>> -> memref<128xi32, #tpu.memory_space<vmem>>
      %dma_start3A_138 = arith.constant 0 : i32
      %dma_start3A_139 = arith.constant 0 : i32
      %dma_start3A_140 = tpu.memref_slice %arg11[%dma_start3A_138, %dma_start3A_139] : memref<10240x128xf32, #tpu.memory_space<vmem_shared>> -> memref<10240x128xf32, #tpu.memory_space<vmem_shared>>
      tpu.enqueue_indirect_dma source(%arg10 : memref<128x128xf32, #tpu.memory_space<vmem>>) target(%dma_start3A_140 : memref<10240x128xf32, #tpu.memory_space<vmem_shared>>) offsets(%dma_start3A_137 : memref<128xi32, #tpu.memory_space<vmem>>) semaphore(%arg15 : memref<!tpu.dma_semaphore, #tpu.memory_space<semaphore_mem>>) {add = true}
      %dma_wait3A_141 = arith.constant 0 : i32
      %dma_wait3A_142 = tpu.memref_slice %arg7[%add3A_113, %dma_wait3A_141] : memref<40x128xi32, #tpu.memory_space<vmem>> -> memref<1x128xi32, #tpu.memory_space<vmem>>
      %dma_wait3A_143 = tpu.memref_squeeze %dma_wait3A_142 : memref<1x128xi32, #tpu.memory_space<vmem>> -> memref<128xi32, #tpu.memory_space<vmem>>
      %dma_wait3A_144 = arith.constant 0 : i32
      %dma_wait3A_145 = arith.constant 0 : i32
      %dma_wait3A_146 = tpu.memref_slice %arg11[%dma_wait3A_144, %dma_wait3A_145] : memref<10240x128xf32, #tpu.memory_space<vmem_shared>> -> memref<10240x128xf32, #tpu.memory_space<vmem_shared>>
      tpu.wait_indirect_dma semaphore(%arg14 : memref<!tpu.dma_semaphore, #tpu.memory_space<semaphore_mem>>) src(%arg9 : memref<128x128xf32, #tpu.memory_space<vmem>>) dst(%dma_wait3A_146 : memref<10240x128xf32, #tpu.memory_space<vmem_shared>>)
      %lt3A = arith.constant 19 : i32
      %lt3A_147 = arith.cmpi slt, %scan3A_108, %lt3A : i32
      %convert_element_type3A = arith.extui %lt3A_147 : i1 to i32
      %cond3A = arith.constant 0 : i32
      %cond3A_148 = arith.cmpi ne, %convert_element_type3A, %cond3A : i32
      scf.if %cond3A_148 {
        %mul3A_161 = arith.constant 2 : i32
        %mul3A_162 = arith.muli %mul3A_161, %scan3A_108 : i32
        %add3A_163 = arith.constant 2 : i32
        %add3A_164 = arith.addi %mul3A_162, %add3A_163 : i32
        %add3A_165 = arith.constant 0 : i32
        %add3A_166 = arith.addi %add3A_164, %add3A_165 : i32
        %dma_start3A_167 = arith.constant 0 : i32
        %dma_start3A_168 = tpu.memref_slice %arg8[%add3A_166, %dma_start3A_167] : memref<40x128xi32, #tpu.memory_space<vmem>> -> memref<1x128xi32, #tpu.memory_space<vmem>>
        %dma_start3A_169 = tpu.memref_squeeze %dma_start3A_168 : memref<1x128xi32, #tpu.memory_space<vmem>> -> memref<128xi32, #tpu.memory_space<vmem>>
        %dma_start3A_170 = arith.constant 0 : i32
        %dma_start3A_171 = arith.constant 0 : i32
        %dma_start3A_172 = tpu.memref_slice %arg5[%dma_start3A_170, %dma_start3A_171] : memref<80000x128xf32, #tpu.memory_space<hbm>> -> memref<80000x128xf32, #tpu.memory_space<hbm>>
        tpu.enqueue_indirect_dma source(%dma_start3A_172 : memref<80000x128xf32, #tpu.memory_space<hbm>>) target(%arg9 : memref<128x128xf32, #tpu.memory_space<vmem>>) offsets(%dma_start3A_169 : memref<128xi32, #tpu.memory_space<vmem>>) semaphore(%arg12 : memref<!tpu.dma_semaphore, #tpu.memory_space<semaphore_mem>>)
      } else {
      }
      %dma_wait3A_149 = arith.constant 0 : i32
      %dma_wait3A_150 = tpu.memref_slice %arg7[%add3A_128, %dma_wait3A_149] : memref<40x128xi32, #tpu.memory_space<vmem>> -> memref<1x128xi32, #tpu.memory_space<vmem>>
      %dma_wait3A_151 = tpu.memref_squeeze %dma_wait3A_150 : memref<1x128xi32, #tpu.memory_space<vmem>> -> memref<128xi32, #tpu.memory_space<vmem>>
      %dma_wait3A_152 = arith.constant 0 : i32
      %dma_wait3A_153 = arith.constant 0 : i32
      %dma_wait3A_154 = tpu.memref_slice %arg11[%dma_wait3A_152, %dma_wait3A_153] : memref<10240x128xf32, #tpu.memory_space<vmem_shared>> -> memref<10240x128xf32, #tpu.memory_space<vmem_shared>>
      tpu.wait_indirect_dma semaphore(%arg15 : memref<!tpu.dma_semaphore, #tpu.memory_space<semaphore_mem>>) src(%arg10 : memref<128x128xf32, #tpu.memory_space<vmem>>) dst(%dma_wait3A_154 : memref<10240x128xf32, #tpu.memory_space<vmem_shared>>)
      %lt3A_155 = arith.constant 19 : i32
      %lt3A_156 = arith.cmpi slt, %scan3A_108, %lt3A_155 : i32
      %convert_element_type3A_157 = arith.extui %lt3A_156 : i1 to i32
      %cond3A_158 = arith.constant 0 : i32
      %cond3A_159 = arith.cmpi ne, %convert_element_type3A_157, %cond3A_158 : i32
      scf.if %cond3A_159 {
        %mul3A_161 = arith.constant 2 : i32
        %mul3A_162 = arith.muli %mul3A_161, %scan3A_108 : i32
        %add3A_163 = arith.constant 2 : i32
        %add3A_164 = arith.addi %mul3A_162, %add3A_163 : i32
        %add3A_165 = arith.constant 1 : i32
        %add3A_166 = arith.addi %add3A_164, %add3A_165 : i32
        %dma_start3A_167 = arith.constant 0 : i32
        %dma_start3A_168 = tpu.memref_slice %arg8[%add3A_166, %dma_start3A_167] : memref<40x128xi32, #tpu.memory_space<vmem>> -> memref<1x128xi32, #tpu.memory_space<vmem>>
        %dma_start3A_169 = tpu.memref_squeeze %dma_start3A_168 : memref<1x128xi32, #tpu.memory_space<vmem>> -> memref<128xi32, #tpu.memory_space<vmem>>
        %dma_start3A_170 = arith.constant 0 : i32
        %dma_start3A_171 = arith.constant 0 : i32
        %dma_start3A_172 = tpu.memref_slice %arg5[%dma_start3A_170, %dma_start3A_171] : memref<80000x128xf32, #tpu.memory_space<hbm>> -> memref<80000x128xf32, #tpu.memory_space<hbm>>
        tpu.enqueue_indirect_dma source(%dma_start3A_172 : memref<80000x128xf32, #tpu.memory_space<hbm>>) target(%arg10 : memref<128x128xf32, #tpu.memory_space<vmem>>) offsets(%dma_start3A_169 : memref<128xi32, #tpu.memory_space<vmem>>) semaphore(%arg13 : memref<!tpu.dma_semaphore, #tpu.memory_space<semaphore_mem>>)
      } else {
      }
      %scan3A_160 = arith.constant 0 : i32
      scf.yield %scan3A_160 : i32
    }
    %scan3A_102 = arith.constant 20 : i32
    %barrier3A_103 = arith.constant 0 : index
    tpu.barrier barrier_id(%barrier3A_103)
    %mul3A_104 = arith.constant 640 : i32
    %mul3A_105 = arith.muli %arg1, %mul3A_104 : i32
    %mul3A_106 = arith.constant 640 : i32
    %mul3A_107 = arith.muli %arg1, %mul3A_106 : i32
    "tpu.region"() ({
      %run_scoped3A = tpu.sem_alloc : memref<!tpu.dma_semaphore, #tpu.memory_space<semaphore_mem>>
      %dma_start3A_108 = arith.constant 0 : i32
      %dma_start3A_109 = tpu.memref_slice %arg6[%arg0, %mul3A_107, %dma_start3A_108] : memref<2x10240x128xf32, #tpu.memory_space<hbm>> -> memref<1x640x128xf32, #tpu.memory_space<hbm>>
      %dma_start3A_110 = tpu.memref_squeeze %dma_start3A_109 : memref<1x640x128xf32, #tpu.memory_space<hbm>> -> memref<640x128xf32, #tpu.memory_space<hbm>>
      %dma_start3A_111 = arith.constant 0 : i32
      %dma_start3A_112 = tpu.memref_slice %arg11[%mul3A_105, %dma_start3A_111] : memref<10240x128xf32, #tpu.memory_space<vmem_shared>> -> memref<640x128xf32, #tpu.memory_space<vmem_shared>>
      tpu.enqueue_dma source(%dma_start3A_112 : memref<640x128xf32, #tpu.memory_space<vmem_shared>>) target(%dma_start3A_110 : memref<640x128xf32, #tpu.memory_space<hbm>>) target_semaphore(%run_scoped3A : memref<!tpu.dma_semaphore, #tpu.memory_space<semaphore_mem>>)
      %dma_wait3A = arith.constant 0 : i32
      %dma_wait3A_113 = tpu.memref_slice %arg6[%arg0, %mul3A_107, %dma_wait3A] : memref<2x10240x128xf32, #tpu.memory_space<hbm>> -> memref<1x640x128xf32, #tpu.memory_space<hbm>>
      %dma_wait3A_114 = tpu.memref_squeeze %dma_wait3A_113 : memref<1x640x128xf32, #tpu.memory_space<hbm>> -> memref<640x128xf32, #tpu.memory_space<hbm>>
      %dma_wait3A_115 = arith.constant 0 : i32
      %dma_wait3A_116 = tpu.memref_slice %arg11[%mul3A_105, %dma_wait3A_115] : memref<10240x128xf32, #tpu.memory_space<vmem_shared>> -> memref<640x128xf32, #tpu.memory_space<vmem_shared>>
      tpu.wait_dma2 semaphore(%run_scoped3A : memref<!tpu.dma_semaphore, #tpu.memory_space<semaphore_mem>>) src(%dma_wait3A_116 : memref<640x128xf32, #tpu.memory_space<vmem_shared>>) dst(%dma_wait3A_114 : memref<640x128xf32, #tpu.memory_space<hbm>>)
      tpu.yield
    }) : () -> ()
    return
  }
}

module attributes {stable_mosaic.version = 14 : i64} {
  func.func @body(%arg0: i32, %arg1: memref<8x8xf32, #tpu.memory_space<vmem>>, %arg2: memref<8x128x128xf32, #tpu.memory_space<vmem>>, %arg3: memref<128x128xf32, #tpu.memory_space<vmem>>) attributes {dimension_semantics = [#tpu.dimension_semantics<arbitrary>], iteration_bounds = array<i64: 8>, scalar_prefetch = 0 : i64, scratch_operands = 0 : i64, tpu.core_type = #tpu.core_type<tc>, window_params = [{pipeline_mode = #tpu.pipeline_mode<synchronous>, transform_indices = @transform_0, window_bounds = array<i64: 8, 8>}, {pipeline_mode = #tpu.pipeline_mode<synchronous>, transform_indices = @transform_1, window_bounds = array<i64: 8, 128, 128>}, {transform_indices = @transform_2, window_bounds = array<i64: 128, 128>}]} {
    %get3A = arith.index_cast %arg0 : i32 to index
    %get3A_0 = arith.constant 0 : index
    %get3A_1 = vector.load %arg1[%get3A, %get3A_0] : memref<8x8xf32, #tpu.memory_space<vmem>>, vector<1x1xf32>
    %get3A_2 = vector.extract %get3A_1[0, 0] : f32 from vector<1x1xf32>
    %get3A_3 = arith.constant 0 : index
    %get3A_4 = arith.constant 0 : index
    %get3A_5 = arith.constant 0 : index
    %get3A_6 = vector.load %arg2[%get3A_3, %get3A_4, %get3A_5] : memref<8x128x128xf32, #tpu.memory_space<vmem>>, vector<1x128x128xf32>
    %get3A_7 = vector.shape_cast %get3A_6 : vector<1x128x128xf32> to vector<128x128xf32>
    %mul3A = vector.broadcast %get3A_2 : f32 to vector<128x128xf32>
    %mul3A_8 = arith.mulf %mul3A, %get3A_7 : vector<128x128xf32>
    %get3A_9 = arith.index_cast %arg0 : i32 to index
    %get3A_10 = arith.constant 1 : index
    %get3A_11 = vector.load %arg1[%get3A_9, %get3A_10] : memref<8x8xf32, #tpu.memory_space<vmem>>, vector<1x1xf32>
    %get3A_12 = vector.extract %get3A_11[0, 0] : f32 from vector<1x1xf32>
    %get3A_13 = arith.constant 1 : index
    %get3A_14 = arith.constant 0 : index
    %get3A_15 = arith.constant 0 : index
    %get3A_16 = vector.load %arg2[%get3A_13, %get3A_14, %get3A_15] : memref<8x128x128xf32, #tpu.memory_space<vmem>>, vector<1x128x128xf32>
    %get3A_17 = vector.shape_cast %get3A_16 : vector<1x128x128xf32> to vector<128x128xf32>
    %mul3A_18 = vector.broadcast %get3A_12 : f32 to vector<128x128xf32>
    %mul3A_19 = arith.mulf %mul3A_18, %get3A_17 : vector<128x128xf32>
    %add3A = arith.addf %mul3A_8, %mul3A_19 : vector<128x128xf32>
    %get3A_20 = arith.index_cast %arg0 : i32 to index
    %get3A_21 = arith.constant 2 : index
    %get3A_22 = vector.load %arg1[%get3A_20, %get3A_21] : memref<8x8xf32, #tpu.memory_space<vmem>>, vector<1x1xf32>
    %get3A_23 = vector.extract %get3A_22[0, 0] : f32 from vector<1x1xf32>
    %get3A_24 = arith.constant 2 : index
    %get3A_25 = arith.constant 0 : index
    %get3A_26 = arith.constant 0 : index
    %get3A_27 = vector.load %arg2[%get3A_24, %get3A_25, %get3A_26] : memref<8x128x128xf32, #tpu.memory_space<vmem>>, vector<1x128x128xf32>
    %get3A_28 = vector.shape_cast %get3A_27 : vector<1x128x128xf32> to vector<128x128xf32>
    %mul3A_29 = vector.broadcast %get3A_23 : f32 to vector<128x128xf32>
    %mul3A_30 = arith.mulf %mul3A_29, %get3A_28 : vector<128x128xf32>
    %add3A_31 = arith.addf %add3A, %mul3A_30 : vector<128x128xf32>
    %get3A_32 = arith.index_cast %arg0 : i32 to index
    %get3A_33 = arith.constant 3 : index
    %get3A_34 = vector.load %arg1[%get3A_32, %get3A_33] : memref<8x8xf32, #tpu.memory_space<vmem>>, vector<1x1xf32>
    %get3A_35 = vector.extract %get3A_34[0, 0] : f32 from vector<1x1xf32>
    %get3A_36 = arith.constant 3 : index
    %get3A_37 = arith.constant 0 : index
    %get3A_38 = arith.constant 0 : index
    %get3A_39 = vector.load %arg2[%get3A_36, %get3A_37, %get3A_38] : memref<8x128x128xf32, #tpu.memory_space<vmem>>, vector<1x128x128xf32>
    %get3A_40 = vector.shape_cast %get3A_39 : vector<1x128x128xf32> to vector<128x128xf32>
    %mul3A_41 = vector.broadcast %get3A_35 : f32 to vector<128x128xf32>
    %mul3A_42 = arith.mulf %mul3A_41, %get3A_40 : vector<128x128xf32>
    %add3A_43 = arith.addf %add3A_31, %mul3A_42 : vector<128x128xf32>
    %get3A_44 = arith.index_cast %arg0 : i32 to index
    %get3A_45 = arith.constant 4 : index
    %get3A_46 = vector.load %arg1[%get3A_44, %get3A_45] : memref<8x8xf32, #tpu.memory_space<vmem>>, vector<1x1xf32>
    %get3A_47 = vector.extract %get3A_46[0, 0] : f32 from vector<1x1xf32>
    %get3A_48 = arith.constant 4 : index
    %get3A_49 = arith.constant 0 : index
    %get3A_50 = arith.constant 0 : index
    %get3A_51 = vector.load %arg2[%get3A_48, %get3A_49, %get3A_50] : memref<8x128x128xf32, #tpu.memory_space<vmem>>, vector<1x128x128xf32>
    %get3A_52 = vector.shape_cast %get3A_51 : vector<1x128x128xf32> to vector<128x128xf32>
    %mul3A_53 = vector.broadcast %get3A_47 : f32 to vector<128x128xf32>
    %mul3A_54 = arith.mulf %mul3A_53, %get3A_52 : vector<128x128xf32>
    %add3A_55 = arith.addf %add3A_43, %mul3A_54 : vector<128x128xf32>
    %get3A_56 = arith.index_cast %arg0 : i32 to index
    %get3A_57 = arith.constant 5 : index
    %get3A_58 = vector.load %arg1[%get3A_56, %get3A_57] : memref<8x8xf32, #tpu.memory_space<vmem>>, vector<1x1xf32>
    %get3A_59 = vector.extract %get3A_58[0, 0] : f32 from vector<1x1xf32>
    %get3A_60 = arith.constant 5 : index
    %get3A_61 = arith.constant 0 : index
    %get3A_62 = arith.constant 0 : index
    %get3A_63 = vector.load %arg2[%get3A_60, %get3A_61, %get3A_62] : memref<8x128x128xf32, #tpu.memory_space<vmem>>, vector<1x128x128xf32>
    %get3A_64 = vector.shape_cast %get3A_63 : vector<1x128x128xf32> to vector<128x128xf32>
    %mul3A_65 = vector.broadcast %get3A_59 : f32 to vector<128x128xf32>
    %mul3A_66 = arith.mulf %mul3A_65, %get3A_64 : vector<128x128xf32>
    %add3A_67 = arith.addf %add3A_55, %mul3A_66 : vector<128x128xf32>
    %get3A_68 = arith.index_cast %arg0 : i32 to index
    %get3A_69 = arith.constant 6 : index
    %get3A_70 = vector.load %arg1[%get3A_68, %get3A_69] : memref<8x8xf32, #tpu.memory_space<vmem>>, vector<1x1xf32>
    %get3A_71 = vector.extract %get3A_70[0, 0] : f32 from vector<1x1xf32>
    %get3A_72 = arith.constant 6 : index
    %get3A_73 = arith.constant 0 : index
    %get3A_74 = arith.constant 0 : index
    %get3A_75 = vector.load %arg2[%get3A_72, %get3A_73, %get3A_74] : memref<8x128x128xf32, #tpu.memory_space<vmem>>, vector<1x128x128xf32>
    %get3A_76 = vector.shape_cast %get3A_75 : vector<1x128x128xf32> to vector<128x128xf32>
    %mul3A_77 = vector.broadcast %get3A_71 : f32 to vector<128x128xf32>
    %mul3A_78 = arith.mulf %mul3A_77, %get3A_76 : vector<128x128xf32>
    %add3A_79 = arith.addf %add3A_67, %mul3A_78 : vector<128x128xf32>
    %get3A_80 = arith.index_cast %arg0 : i32 to index
    %get3A_81 = arith.constant 7 : index
    %get3A_82 = vector.load %arg1[%get3A_80, %get3A_81] : memref<8x8xf32, #tpu.memory_space<vmem>>, vector<1x1xf32>
    %get3A_83 = vector.extract %get3A_82[0, 0] : f32 from vector<1x1xf32>
    %get3A_84 = arith.constant 7 : index
    %get3A_85 = arith.constant 0 : index
    %get3A_86 = arith.constant 0 : index
    %get3A_87 = vector.load %arg2[%get3A_84, %get3A_85, %get3A_86] : memref<8x128x128xf32, #tpu.memory_space<vmem>>, vector<1x128x128xf32>
    %get3A_88 = vector.shape_cast %get3A_87 : vector<1x128x128xf32> to vector<128x128xf32>
    %mul3A_89 = vector.broadcast %get3A_83 : f32 to vector<128x128xf32>
    %mul3A_90 = arith.mulf %mul3A_89, %get3A_88 : vector<128x128xf32>
    %add3A_91 = arith.addf %add3A_79, %mul3A_90 : vector<128x128xf32>
    %swap3A = arith.constant 0 : index
    %swap3A_92 = arith.constant 0 : index
    %swap3A_93 = vector.load %arg3[%swap3A, %swap3A_92] : memref<128x128xf32, #tpu.memory_space<vmem>>, vector<128x128xf32>
    tpu.vector_store %arg3[%swap3A, %swap3A_92], %add3A_91 {strides = array<i32>} : memref<128x128xf32, #tpu.memory_space<vmem>>, vector<128x128xf32>,
    return
  }
  func.func @transform_0(%arg0: i32) -> (i32, i32) {
    %c0_i32 = arith.constant 0 : i32
    %c0_i32_0 = arith.constant 0 : i32
    %c0_i32_1 = arith.constant 0 : i32
    return %c0_i32, %c0_i32_0 : i32, i32
  }
  func.func @transform_1(%arg0: i32) -> (i32, i32, i32) {
    %c0_i32 = arith.constant 0 : i32
    %c0_i32_0 = arith.constant 0 : i32
    %c0_i32_1 = arith.constant 0 : i32
    %c0_i32_2 = arith.constant 0 : i32
    return %c0_i32, %c0_i32_0, %c0_i32_1 : i32, i32, i32
  }
  func.func @transform_2(%arg0: i32) -> (i32, i32) {
    %c0_i32 = arith.constant 0 : i32
    %c0_i32_0 = arith.constant 0 : i32
    return %c0_i32, %arg0 : i32, i32
  }
}

module attributes {stable_mosaic.version = 14 : i64} {
  func.func @body(%arg0: i32, %arg1: memref<1000x128xf32, #tpu.memory_space<vmem>>, %arg2: memref<128x1024xf32, #tpu.memory_space<vmem>>, %arg3: memref<8x1000x128xf32, #tpu.memory_space<vmem>>) attributes {dimension_semantics = [#tpu.dimension_semantics<arbitrary>], iteration_bounds = array<i64: 10>, scalar_prefetch = 0 : i64, scratch_operands = 0 : i64, tpu.core_type = #tpu.core_type<tc>, window_params = [{transform_indices = @transform_0, window_bounds = array<i64: 1000, 128>}, {pipeline_mode = #tpu.pipeline_mode<synchronous>, transform_indices = @transform_1, window_bounds = array<i64: 128, 1024>}, {transform_indices = @transform_2, window_bounds = array<i64: 8, 1000, 128>}]} {
    %get3A = arith.constant 0 : index
    %get3A_0 = arith.constant 0 : index
    %get3A_1 = vector.load %arg1[%get3A, %get3A_0] : memref<1000x128xf32, #tpu.memory_space<vmem>>, vector<1000x128xf32>
    %convert_element_type3A = arith.truncf %get3A_1 : vector<1000x128xf32> to vector<1000x128xbf16>
    %get3A_2 = arith.constant 0 : index
    %get3A_3 = arith.constant 0 : index
    %get3A_4 = vector.load %arg2[%get3A_2, %get3A_3] : memref<128x1024xf32, #tpu.memory_space<vmem>>, vector<128x1024xf32>
    %convert_element_type3A_5 = arith.truncf %get3A_4 : vector<128x1024xf32> to vector<128x1024xbf16>
    %dot_general3A = arith.constant dense<0.000000e+00> : vector<1000x1024xf32>
    %dot_general3A_6 = tpu.matmul %convert_element_type3A, %convert_element_type3A_5, %dot_general3A {dimension_numbers = #tpu.dot_dimension_numbers<[1], [0], [0], [1], [0, 0, 1, 1], [], []>, transpose_lhs_hint = false} : vector<1000x128xbf16>, vector<128x1024xbf16>, vector<1000x1024xf32> -> vector<1000x1024xf32>
    %slice3A = vector.extract_strided_slice %dot_general3A_6 {offsets = [0, 0], sizes = [1000, 128], strides = [1, 1]} : vector<1000x1024xf32> to vector<1000x128xf32>
    %swap3A = arith.constant 0 : index
    %swap3A_7 = arith.constant 0 : index
    %swap3A_8 = arith.constant 0 : index
    %swap3A_9 = vector.load %arg3[%swap3A, %swap3A_7, %swap3A_8] : memref<8x1000x128xf32, #tpu.memory_space<vmem>>, vector<1x1000x128xf32>
    %swap3A_10 = vector.shape_cast %swap3A_9 : vector<1x1000x128xf32> to vector<1000x128xf32>
    %swap3A_11 = vector.shape_cast %slice3A : vector<1000x128xf32> to vector<1x1000x128xf32>
    tpu.vector_store %arg3[%swap3A, %swap3A_7, %swap3A_8], %swap3A_11 {strides = array<i32>} : memref<8x1000x128xf32, #tpu.memory_space<vmem>>, vector<1x1000x128xf32>,
    %slice3A_12 = vector.extract_strided_slice %dot_general3A_6 {offsets = [0, 128], sizes = [1000, 128], strides = [1, 1]} : vector<1000x1024xf32> to vector<1000x128xf32>
    %swap3A_13 = arith.constant 1 : index
    %swap3A_14 = arith.constant 0 : index
    %swap3A_15 = arith.constant 0 : index
    %swap3A_16 = vector.load %arg3[%swap3A_13, %swap3A_14, %swap3A_15] : memref<8x1000x128xf32, #tpu.memory_space<vmem>>, vector<1x1000x128xf32>
    %swap3A_17 = vector.shape_cast %swap3A_16 : vector<1x1000x128xf32> to vector<1000x128xf32>
    %swap3A_18 = vector.shape_cast %slice3A_12 : vector<1000x128xf32> to vector<1x1000x128xf32>
    tpu.vector_store %arg3[%swap3A_13, %swap3A_14, %swap3A_15], %swap3A_18 {strides = array<i32>} : memref<8x1000x128xf32, #tpu.memory_space<vmem>>, vector<1x1000x128xf32>,
    %slice3A_19 = vector.extract_strided_slice %dot_general3A_6 {offsets = [0, 256], sizes = [1000, 128], strides = [1, 1]} : vector<1000x1024xf32> to vector<1000x128xf32>
    %swap3A_20 = arith.constant 2 : index
    %swap3A_21 = arith.constant 0 : index
    %swap3A_22 = arith.constant 0 : index
    %swap3A_23 = vector.load %arg3[%swap3A_20, %swap3A_21, %swap3A_22] : memref<8x1000x128xf32, #tpu.memory_space<vmem>>, vector<1x1000x128xf32>
    %swap3A_24 = vector.shape_cast %swap3A_23 : vector<1x1000x128xf32> to vector<1000x128xf32>
    %swap3A_25 = vector.shape_cast %slice3A_19 : vector<1000x128xf32> to vector<1x1000x128xf32>
    tpu.vector_store %arg3[%swap3A_20, %swap3A_21, %swap3A_22], %swap3A_25 {strides = array<i32>} : memref<8x1000x128xf32, #tpu.memory_space<vmem>>, vector<1x1000x128xf32>,
    %slice3A_26 = vector.extract_strided_slice %dot_general3A_6 {offsets = [0, 384], sizes = [1000, 128], strides = [1, 1]} : vector<1000x1024xf32> to vector<1000x128xf32>
    %swap3A_27 = arith.constant 3 : index
    %swap3A_28 = arith.constant 0 : index
    %swap3A_29 = arith.constant 0 : index
    %swap3A_30 = vector.load %arg3[%swap3A_27, %swap3A_28, %swap3A_29] : memref<8x1000x128xf32, #tpu.memory_space<vmem>>, vector<1x1000x128xf32>
    %swap3A_31 = vector.shape_cast %swap3A_30 : vector<1x1000x128xf32> to vector<1000x128xf32>
    %swap3A_32 = vector.shape_cast %slice3A_26 : vector<1000x128xf32> to vector<1x1000x128xf32>
    tpu.vector_store %arg3[%swap3A_27, %swap3A_28, %swap3A_29], %swap3A_32 {strides = array<i32>} : memref<8x1000x128xf32, #tpu.memory_space<vmem>>, vector<1x1000x128xf32>,
    %slice3A_33 = vector.extract_strided_slice %dot_general3A_6 {offsets = [0, 512], sizes = [1000, 128], strides = [1, 1]} : vector<1000x1024xf32> to vector<1000x128xf32>
    %swap3A_34 = arith.constant 4 : index
    %swap3A_35 = arith.constant 0 : index
    %swap3A_36 = arith.constant 0 : index
    %swap3A_37 = vector.load %arg3[%swap3A_34, %swap3A_35, %swap3A_36] : memref<8x1000x128xf32, #tpu.memory_space<vmem>>, vector<1x1000x128xf32>
    %swap3A_38 = vector.shape_cast %swap3A_37 : vector<1x1000x128xf32> to vector<1000x128xf32>
    %swap3A_39 = vector.shape_cast %slice3A_33 : vector<1000x128xf32> to vector<1x1000x128xf32>
    tpu.vector_store %arg3[%swap3A_34, %swap3A_35, %swap3A_36], %swap3A_39 {strides = array<i32>} : memref<8x1000x128xf32, #tpu.memory_space<vmem>>, vector<1x1000x128xf32>,
    %slice3A_40 = vector.extract_strided_slice %dot_general3A_6 {offsets = [0, 640], sizes = [1000, 128], strides = [1, 1]} : vector<1000x1024xf32> to vector<1000x128xf32>
    %swap3A_41 = arith.constant 5 : index
    %swap3A_42 = arith.constant 0 : index
    %swap3A_43 = arith.constant 0 : index
    %swap3A_44 = vector.load %arg3[%swap3A_41, %swap3A_42, %swap3A_43] : memref<8x1000x128xf32, #tpu.memory_space<vmem>>, vector<1x1000x128xf32>
    %swap3A_45 = vector.shape_cast %swap3A_44 : vector<1x1000x128xf32> to vector<1000x128xf32>
    %swap3A_46 = vector.shape_cast %slice3A_40 : vector<1000x128xf32> to vector<1x1000x128xf32>
    tpu.vector_store %arg3[%swap3A_41, %swap3A_42, %swap3A_43], %swap3A_46 {strides = array<i32>} : memref<8x1000x128xf32, #tpu.memory_space<vmem>>, vector<1x1000x128xf32>,
    %slice3A_47 = vector.extract_strided_slice %dot_general3A_6 {offsets = [0, 768], sizes = [1000, 128], strides = [1, 1]} : vector<1000x1024xf32> to vector<1000x128xf32>
    %swap3A_48 = arith.constant 6 : index
    %swap3A_49 = arith.constant 0 : index
    %swap3A_50 = arith.constant 0 : index
    %swap3A_51 = vector.load %arg3[%swap3A_48, %swap3A_49, %swap3A_50] : memref<8x1000x128xf32, #tpu.memory_space<vmem>>, vector<1x1000x128xf32>
    %swap3A_52 = vector.shape_cast %swap3A_51 : vector<1x1000x128xf32> to vector<1000x128xf32>
    %swap3A_53 = vector.shape_cast %slice3A_47 : vector<1000x128xf32> to vector<1x1000x128xf32>
    tpu.vector_store %arg3[%swap3A_48, %swap3A_49, %swap3A_50], %swap3A_53 {strides = array<i32>} : memref<8x1000x128xf32, #tpu.memory_space<vmem>>, vector<1x1000x128xf32>,
    %slice3A_54 = vector.extract_strided_slice %dot_general3A_6 {offsets = [0, 896], sizes = [1000, 128], strides = [1, 1]} : vector<1000x1024xf32> to vector<1000x128xf32>
    %swap3A_55 = arith.constant 7 : index
    %swap3A_56 = arith.constant 0 : index
    %swap3A_57 = arith.constant 0 : index
    %swap3A_58 = vector.load %arg3[%swap3A_55, %swap3A_56, %swap3A_57] : memref<8x1000x128xf32, #tpu.memory_space<vmem>>, vector<1x1000x128xf32>
    %swap3A_59 = vector.shape_cast %swap3A_58 : vector<1x1000x128xf32> to vector<1000x128xf32>
    %swap3A_60 = vector.shape_cast %slice3A_54 : vector<1000x128xf32> to vector<1x1000x128xf32>
    tpu.vector_store %arg3[%swap3A_55, %swap3A_56, %swap3A_57], %swap3A_60 {strides = array<i32>} : memref<8x1000x128xf32, #tpu.memory_space<vmem>>, vector<1x1000x128xf32>,
    return
  }
  func.func @transform_0(%arg0: i32) -> (i32, i32) {
    %c0_i32 = arith.constant 0 : i32
    %c0_i32_0 = arith.constant 0 : i32
    return %arg0, %c0_i32 : i32, i32
  }
  func.func @transform_1(%arg0: i32) -> (i32, i32) {
    %c0_i32 = arith.constant 0 : i32
    %c0_i32_0 = arith.constant 0 : i32
    %c0_i32_1 = arith.constant 0 : i32
    return %c0_i32, %c0_i32_0 : i32, i32
  }
  func.func @transform_2(%arg0: i32) -> (i32, i32, i32) {
    %c0_i32 = arith.constant 0 : i32
    %c0_i32_0 = arith.constant 0 : i32
    %c0_i32_1 = arith.constant 0 : i32
    return %c0_i32, %arg0, %c0_i32_0 : i32, i32, i32
  }
}

module attributes {stable_mosaic.version = 14 : i64} {
  func.func @body(%arg0: i32, %arg1: memref<2x1000x128xf32, #tpu.memory_space<vmem>>, %arg2: memref<2x1000x1xf32, #tpu.memory_space<vmem>>, %arg3: memref<1000x128xf32, #tpu.memory_space<vmem>>, %arg4: memref<128x128xf32, #tpu.memory_space<vmem>>, %arg5: memref<1x128xf32, #tpu.memory_space<vmem>>, %arg6: memref<1000x128xf32, #tpu.memory_space<vmem>>) attributes {dimension_semantics = [#tpu.dimension_semantics<arbitrary>], iteration_bounds = array<i64: 10>, scalar_prefetch = 0 : i64, scratch_operands = 0 : i64, tpu.core_type = #tpu.core_type<tc>, window_params = [{transform_indices = @transform_0, window_bounds = array<i64: 2, 1000, 128>}, {transform_indices = @transform_1, window_bounds = array<i64: 2, 1000, 1>}, {transform_indices = @transform_2, window_bounds = array<i64: 1000, 128>}, {pipeline_mode = #tpu.pipeline_mode<synchronous>, transform_indices = @transform_3, window_bounds = array<i64: 128, 128>}, {pipeline_mode = #tpu.pipeline_mode<synchronous>, transform_indices = @transform_4, window_bounds = array<i64: 1, 128>}, {transform_indices = @transform_5, window_bounds = array<i64: 1000, 128>}]} {
    %get3A = arith.constant 0 : index
    %get3A_0 = arith.constant 0 : index
    %get3A_1 = arith.constant 0 : index
    %get3A_2 = vector.load %arg1[%get3A, %get3A_0, %get3A_1] : memref<2x1000x128xf32, #tpu.memory_space<vmem>>, vector<1x1000x128xf32>
    %get3A_3 = vector.shape_cast %get3A_2 : vector<1x1000x128xf32> to vector<1000x128xf32>
    %get3A_4 = arith.constant 1 : index
    %get3A_5 = arith.constant 0 : index
    %get3A_6 = arith.constant 0 : index
    %get3A_7 = vector.load %arg1[%get3A_4, %get3A_5, %get3A_6] : memref<2x1000x128xf32, #tpu.memory_space<vmem>>, vector<1x1000x128xf32>
    %get3A_8 = vector.shape_cast %get3A_7 : vector<1x1000x128xf32> to vector<1000x128xf32>
    %add3A = arith.addf %get3A_3, %get3A_8 : vector<1000x128xf32>
    %get3A_9 = arith.constant 0 : index
    %get3A_10 = arith.constant 0 : index
    %get3A_11 = arith.constant 0 : index
    %get3A_12 = vector.load %arg2[%get3A_9, %get3A_10, %get3A_11] : memref<2x1000x1xf32, #tpu.memory_space<vmem>>, vector<1x1000x1xf32>
    %get3A_13 = vector.shape_cast %get3A_12 : vector<1x1000x1xf32> to vector<1000x1xf32>
    %get3A_14 = arith.constant 1 : index
    %get3A_15 = arith.constant 0 : index
    %get3A_16 = arith.constant 0 : index
    %get3A_17 = vector.load %arg2[%get3A_14, %get3A_15, %get3A_16] : memref<2x1000x1xf32, #tpu.memory_space<vmem>>, vector<1x1000x1xf32>
    %get3A_18 = vector.shape_cast %get3A_17 : vector<1x1000x1xf32> to vector<1000x1xf32>
    %add3A_19 = arith.addf %get3A_13, %get3A_18 : vector<1000x1xf32>
    %gt3A = arith.constant 0.000000e+00 : f32
    %gt3A_20 = vector.broadcast %gt3A : f32 to vector<1000x1xf32>
    %gt3A_21 = arith.cmpf ogt, %add3A_19, %gt3A_20 : vector<1000x1xf32>
    %max3A = arith.constant 1.000000e+00 : f32
    %max3A_22 = vector.broadcast %max3A : f32 to vector<1000x1xf32>
    %max3A_23 = arith.maximumf %add3A_19, %max3A_22 : vector<1000x1xf32>
    %div3A = arith.constant 1.000000e+00 : f32
    %div3A_24 = vector.broadcast %div3A : f32 to vector<1000x1xf32>
    %div3A_25 = arith.divf %div3A_24, %max3A_23 : vector<1000x1xf32>
    %jit3A = arith.constant 0.000000e+00 : f32
    %broadcast_in_dim3A = vector.broadcast %jit3A : f32 to vector<1000x1xf32>
    %select_n3A = arith.select %gt3A_21, %div3A_25, %broadcast_in_dim3A : vector<1000x1xi1>, vector<1000x1xf32>
    %mul3A = vector.broadcast %select_n3A : vector<1000x1xf32> to vector<1000x128xf32>
    %mul3A_26 = arith.mulf %add3A, %mul3A : vector<1000x128xf32>
    %get3A_27 = arith.constant 0 : index
    %get3A_28 = arith.constant 0 : index
    %get3A_29 = vector.load %arg3[%get3A_27, %get3A_28] : memref<1000x128xf32, #tpu.memory_space<vmem>>, vector<1000x128xf32>
    %get3A_30 = arith.constant 0 : index
    %get3A_31 = arith.constant 0 : index
    %get3A_32 = vector.load %arg4[%get3A_30, %get3A_31] : memref<128x128xf32, #tpu.memory_space<vmem>>, vector<128x128xf32>
    %dot_general3A = arith.constant dense<0.000000e+00> : vector<1000x128xf32>
    %dot_general3A_33 = tpu.matmul %get3A_29, %get3A_32, %dot_general3A {dimension_numbers = #tpu.dot_dimension_numbers<[1], [0], [0], [1], [0, 0, 1, 1], [], []>, transpose_lhs_hint = false} : vector<1000x128xf32>, vector<128x128xf32>, vector<1000x128xf32> -> vector<1000x128xf32>
    %add3A_34 = arith.addf %mul3A_26, %dot_general3A_33 : vector<1000x128xf32>
    %get3A_35 = arith.constant 0 : index
    %get3A_36 = arith.constant 0 : index
    %get3A_37 = vector.load %arg5[%get3A_35, %get3A_36] : memref<1x128xf32, #tpu.memory_space<vmem>>, vector<1x128xf32>
    %add3A_38 = vector.broadcast %get3A_37 : vector<1x128xf32> to vector<1000x128xf32>
    %add3A_39 = arith.addf %add3A_34, %add3A_38 : vector<1000x128xf32>
    %max3A_40 = arith.constant 0.000000e+00 : f32
    %max3A_41 = vector.broadcast %max3A_40 : f32 to vector<1000x128xf32>
    %max3A_42 = arith.maximumf %add3A_39, %max3A_41 : vector<1000x128xf32>
    %swap3A = arith.constant 0 : index
    %swap3A_43 = arith.constant 0 : index
    %swap3A_44 = vector.load %arg6[%swap3A, %swap3A_43] : memref<1000x128xf32, #tpu.memory_space<vmem>>, vector<1000x128xf32>
    tpu.vector_store %arg6[%swap3A, %swap3A_43], %max3A_42 {strides = array<i32>} : memref<1000x128xf32, #tpu.memory_space<vmem>>, vector<1000x128xf32>,
    return
  }
  func.func @transform_0(%arg0: i32) -> (i32, i32, i32) {
    %c0_i32 = arith.constant 0 : i32
    %c0_i32_0 = arith.constant 0 : i32
    %c0_i32_1 = arith.constant 0 : i32
    return %c0_i32, %arg0, %c0_i32_0 : i32, i32, i32
  }
  func.func @transform_1(%arg0: i32) -> (i32, i32, i32) {
    %c0_i32 = arith.constant 0 : i32
    %c0_i32_0 = arith.constant 0 : i32
    %c0_i32_1 = arith.constant 0 : i32
    return %c0_i32, %arg0, %c0_i32_0 : i32, i32, i32
  }
  func.func @transform_2(%arg0: i32) -> (i32, i32) {
    %c0_i32 = arith.constant 0 : i32
    %c0_i32_0 = arith.constant 0 : i32
    return %arg0, %c0_i32 : i32, i32
  }
  func.func @transform_3(%arg0: i32) -> (i32, i32) {
    %c0_i32 = arith.constant 0 : i32
    %c0_i32_0 = arith.constant 0 : i32
    %c0_i32_1 = arith.constant 0 : i32
    return %c0_i32, %c0_i32_0 : i32, i32
  }
  func.func @transform_4(%arg0: i32) -> (i32, i32) {
    %c0_i32 = arith.constant 0 : i32
    %c0_i32_0 = arith.constant 0 : i32
    %c0_i32_1 = arith.constant 0 : i32
    return %c0_i32, %c0_i32_0 : i32, i32
  }
  func.func @transform_5(%arg0: i32) -> (i32, i32) {
    %c0_i32 = arith.constant 0 : i32
    %c0_i32_0 = arith.constant 0 : i32
    return %arg0, %c0_i32 : i32, i32
  }
}

module attributes {stable_mosaic.version = 14 : i64} {
  func.func @body(%arg0: i32, %arg1: memref<2x1000x128xf32, #tpu.memory_space<vmem>>, %arg2: memref<2x1000x1xf32, #tpu.memory_space<vmem>>, %arg3: memref<1000x128xf32, #tpu.memory_space<vmem>>, %arg4: memref<128x128xf32, #tpu.memory_space<vmem>>, %arg5: memref<1x128xf32, #tpu.memory_space<vmem>>, %arg6: memref<1000x128xf32, #tpu.memory_space<vmem>>) attributes {dimension_semantics = [#tpu.dimension_semantics<arbitrary>], iteration_bounds = array<i64: 10>, scalar_prefetch = 0 : i64, scratch_operands = 0 : i64, tpu.core_type = #tpu.core_type<tc>, window_params = [{transform_indices = @transform_0, window_bounds = array<i64: 2, 1000, 128>}, {transform_indices = @transform_1, window_bounds = array<i64: 2, 1000, 1>}, {transform_indices = @transform_2, window_bounds = array<i64: 1000, 128>}, {pipeline_mode = #tpu.pipeline_mode<synchronous>, transform_indices = @transform_3, window_bounds = array<i64: 128, 128>}, {pipeline_mode = #tpu.pipeline_mode<synchronous>, transform_indices = @transform_4, window_bounds = array<i64: 1, 128>}, {transform_indices = @transform_5, window_bounds = array<i64: 1000, 128>}]} {
    %get3A = arith.constant 0 : index
    %get3A_0 = arith.constant 0 : index
    %get3A_1 = arith.constant 0 : index
    %get3A_2 = vector.load %arg1[%get3A, %get3A_0, %get3A_1] : memref<2x1000x128xf32, #tpu.memory_space<vmem>>, vector<1x1000x128xf32>
    %get3A_3 = vector.shape_cast %get3A_2 : vector<1x1000x128xf32> to vector<1000x128xf32>
    %get3A_4 = arith.constant 1 : index
    %get3A_5 = arith.constant 0 : index
    %get3A_6 = arith.constant 0 : index
    %get3A_7 = vector.load %arg1[%get3A_4, %get3A_5, %get3A_6] : memref<2x1000x128xf32, #tpu.memory_space<vmem>>, vector<1x1000x128xf32>
    %get3A_8 = vector.shape_cast %get3A_7 : vector<1x1000x128xf32> to vector<1000x128xf32>
    %add3A = arith.addf %get3A_3, %get3A_8 : vector<1000x128xf32>
    %get3A_9 = arith.constant 0 : index
    %get3A_10 = arith.constant 0 : index
    %get3A_11 = arith.constant 0 : index
    %get3A_12 = vector.load %arg2[%get3A_9, %get3A_10, %get3A_11] : memref<2x1000x1xf32, #tpu.memory_space<vmem>>, vector<1x1000x1xf32>
    %get3A_13 = vector.shape_cast %get3A_12 : vector<1x1000x1xf32> to vector<1000x1xf32>
    %get3A_14 = arith.constant 1 : index
    %get3A_15 = arith.constant 0 : index
    %get3A_16 = arith.constant 0 : index
    %get3A_17 = vector.load %arg2[%get3A_14, %get3A_15, %get3A_16] : memref<2x1000x1xf32, #tpu.memory_space<vmem>>, vector<1x1000x1xf32>
    %get3A_18 = vector.shape_cast %get3A_17 : vector<1x1000x1xf32> to vector<1000x1xf32>
    %add3A_19 = arith.addf %get3A_13, %get3A_18 : vector<1000x1xf32>
    %gt3A = arith.constant 0.000000e+00 : f32
    %gt3A_20 = vector.broadcast %gt3A : f32 to vector<1000x1xf32>
    %gt3A_21 = arith.cmpf ogt, %add3A_19, %gt3A_20 : vector<1000x1xf32>
    %max3A = arith.constant 1.000000e+00 : f32
    %max3A_22 = vector.broadcast %max3A : f32 to vector<1000x1xf32>
    %max3A_23 = arith.maximumf %add3A_19, %max3A_22 : vector<1000x1xf32>
    %div3A = arith.constant 1.000000e+00 : f32
    %div3A_24 = vector.broadcast %div3A : f32 to vector<1000x1xf32>
    %div3A_25 = arith.divf %div3A_24, %max3A_23 : vector<1000x1xf32>
    %jit3A = arith.constant 0.000000e+00 : f32
    %broadcast_in_dim3A = vector.broadcast %jit3A : f32 to vector<1000x1xf32>
    %select_n3A = arith.select %gt3A_21, %div3A_25, %broadcast_in_dim3A : vector<1000x1xi1>, vector<1000x1xf32>
    %mul3A = vector.broadcast %select_n3A : vector<1000x1xf32> to vector<1000x128xf32>
    %mul3A_26 = arith.mulf %add3A, %mul3A : vector<1000x128xf32>
    %get3A_27 = arith.constant 0 : index
    %get3A_28 = arith.constant 0 : index
    %get3A_29 = vector.load %arg3[%get3A_27, %get3A_28] : memref<1000x128xf32, #tpu.memory_space<vmem>>, vector<1000x128xf32>
    %get3A_30 = arith.constant 0 : index
    %get3A_31 = arith.constant 0 : index
    %get3A_32 = vector.load %arg4[%get3A_30, %get3A_31] : memref<128x128xf32, #tpu.memory_space<vmem>>, vector<128x128xf32>
    %dot_general3A = arith.constant dense<0.000000e+00> : vector<1000x128xf32>
    %dot_general3A_33 = tpu.matmul %get3A_29, %get3A_32, %dot_general3A {dimension_numbers = #tpu.dot_dimension_numbers<[1], [0], [0], [1], [0, 0, 1, 1], [], []>, transpose_lhs_hint = false} : vector<1000x128xf32>, vector<128x128xf32>, vector<1000x128xf32> -> vector<1000x128xf32>
    %add3A_34 = arith.addf %mul3A_26, %dot_general3A_33 : vector<1000x128xf32>
    %get3A_35 = arith.constant 0 : index
    %get3A_36 = arith.constant 0 : index
    %get3A_37 = vector.load %arg5[%get3A_35, %get3A_36] : memref<1x128xf32, #tpu.memory_space<vmem>>, vector<1x128xf32>
    %add3A_38 = vector.broadcast %get3A_37 : vector<1x128xf32> to vector<1000x128xf32>
    %add3A_39 = arith.addf %add3A_34, %add3A_38 : vector<1000x128xf32>
    %swap3A = arith.constant 0 : index
    %swap3A_40 = arith.constant 0 : index
    %swap3A_41 = vector.load %arg6[%swap3A, %swap3A_40] : memref<1000x128xf32, #tpu.memory_space<vmem>>, vector<1000x128xf32>
    tpu.vector_store %arg6[%swap3A, %swap3A_40], %add3A_39 {strides = array<i32>} : memref<1000x128xf32, #tpu.memory_space<vmem>>, vector<1000x128xf32>,
    return
  }
  func.func @transform_0(%arg0: i32) -> (i32, i32, i32) {
    %c0_i32 = arith.constant 0 : i32
    %c0_i32_0 = arith.constant 0 : i32
    %c0_i32_1 = arith.constant 0 : i32
    return %c0_i32, %arg0, %c0_i32_0 : i32, i32, i32
  }
  func.func @transform_1(%arg0: i32) -> (i32, i32, i32) {
    %c0_i32 = arith.constant 0 : i32
    %c0_i32_0 = arith.constant 0 : i32
    %c0_i32_1 = arith.constant 0 : i32
    return %c0_i32, %arg0, %c0_i32_0 : i32, i32, i32
  }
  func.func @transform_2(%arg0: i32) -> (i32, i32) {
    %c0_i32 = arith.constant 0 : i32
    %c0_i32_0 = arith.constant 0 : i32
    return %arg0, %c0_i32 : i32, i32
  }
  func.func @transform_3(%arg0: i32) -> (i32, i32) {
    %c0_i32 = arith.constant 0 : i32
    %c0_i32_0 = arith.constant 0 : i32
    %c0_i32_1 = arith.constant 0 : i32
    return %c0_i32, %c0_i32_0 : i32, i32
  }
  func.func @transform_4(%arg0: i32) -> (i32, i32) {
    %c0_i32 = arith.constant 0 : i32
    %c0_i32_0 = arith.constant 0 : i32
    %c0_i32_1 = arith.constant 0 : i32
    return %c0_i32, %c0_i32_0 : i32, i32
  }
  func.func @transform_5(%arg0: i32) -> (i32, i32) {
    %c0_i32 = arith.constant 0 : i32
    %c0_i32_0 = arith.constant 0 : i32
    return %arg0, %c0_i32 : i32, i32
  }
}

</mosaic_0001>

<sc_bundles>
// kernel: kernel.11.cloned.1.call-start
scs
__scs_entry_jumppad:
0x0: {  	(pc) =	sbr.rel $0x88, $3  }
0x1: {  	(tag) =	ssettag $0x0;
	lr =	simm.s32 $0x1  }
0x2: {  	[smem:$0x3F96] =	sst lr;
	_ =	strace $0xD0000000  }
0x3: {  	_ = 	snop  }
0x4: {  	_ = 	snop  }
0x5: {  	_ = 	snop  }
0x6: {  	_ = 	snop  }
0x7: {  	_ = 	snop  }
__scs_overlays_trampoline_lowered:
0x8: {  	[smem:$0x3FA5] =	sst s0  }
0x9: {  	[smem:$0x3FA6] =	sst s1  }
0xa: {  	[smem:$0x3FA7] =	sst s2  }
0xb: {  	[smem:$0x3FA8] =	sst s3  }
0xc: {  	[smem:$0x3FA9] =	sst s4  }
0xd: {  	[smem:$0x3FAA] =	sst s5  }
0xe: {  	[smem:$0x3FAB] =	sst s6  }
0xf: {  	[smem:$0x3FAC] =	sst s7  }
0x10: {  	[smem:$0x3FAD] =	sst s8  }
0x11: {  	[smem:$0x3FAE] =	sst s9;
	s0 =	simm.s32 @!p0 $0x0  }
0x12: {  	s1 =	sld [smem:$0x3F94];
	s0 =	simm.s32 @p0 $0x1  }
0x13: {  	[smem:$0x3FAF] =	sst s0;
	s0 =	simm.s32 @!p1 $0x0  }
0x14: {  	s2 =	sld [smem:$0x3F93];
	s0 =	simm.s32 @p1 $0x1  }
0x15: {  	[smem:$0x3FB0] =	sst s0;
	s0 =	simm.s32 @!p2 $0x0  }
0x16: {  	s3 =	sld [smem:$0x3FDB];
	s0 =	simm.s32 @p2 $0x1  }
0x17: {  	s4 =	simm.s32 $0x1BF5;
	[smem:$0x3FB2] =	sst s0  }
0x18: {  	s0 =	sld [smem:$0x3F95];
	_ =	swait.ge [sflag:s4], $0x0  }
0x19: {  	s7 =	sld [smem:$0x3F96]  }
0x1a: {  	s8 =	sadd.s32 $0xFFFFE003, lr  }
0x1b: {  	s9 =	sadd.s32 $0xFFFFFEF7, lr;
	s5 =	simm.s32 $0xFFFFFFFF;
	p2 =	slt.u32 s8, $0xFFFFF086  }
0x1c: {  	p1 =	slt.u32 s9, $0xF7A;
	s5 =	simm.s32 @!p2 $0x0  }
0x1d: {  	s5 =	simm.s32 @p1 $0x1;
	p0 =	seq.s32 s7, s2  }
0x1e: {  	s7 =	smul.u32 @!p0 $0xF7A, s2;
	p2 =	seq.s32 @!p0 s5, $0x0  }
0x1f: {  	s9 =	smul.u32 $0xF7A, s1;
	s8 =	simm.s32 @!p0 $0x1BF5;
	p2 =	por !p2, p0  }
0x20: {  	[sflag:s8] =	ssyncset.s32 @!p0 $0xFFFFF086;
	s6 =	sadd.s32 @!p0 s3, s7;
	s7 =	simm.s32 @!p0 $0x108  }
0x21: {  	s3 =	sadd.s32 s3, s9;
	s6 =	sadd.s32 @!p0 $0x88, s6;
	s7 =	simm.s32 @p2 $0x1082  }
0x22: {  	[simem:s7], [sflag:s8] =	dma.local @!p0 [hbm:s6], $0xF7A  }
0x23: {  	s9 =	sor.u32 $0xD0000000, s2;
	s6 =	simm.s32 $0x108;
	_ =	swait.ge @!p0 [sflag:s8], $0x0  }
0x24: {  	s3 =	sadd.s32 $0x88, s3;
	s6 =	simm.s32 @!p1 $0x1082;
	[sflag:s4] =	ssyncset.s32 $0xFFFFF086  }
0x25: {  	[simem:s6], [sflag:s4] =	dma.local [hbm:s3], $0xF7A  }
0x26: {  	[smem:$0x3F96] =	sst s1;
	(tag) =	ssettag s2;
	_ =	strace s9  }
0x27: {  	s1 =	sld [smem:$0x3FA6]  }
0x28: {  	s2 =	sld [smem:$0x3FA7]  }
0x29: {  	s4 =	sld [smem:$0x3FA9]  }
0x2a: {  	p0 =	seq.s32 s5, $0x0;
	s5 =	sld [smem:$0x3FAA]  }
0x2b: {  	s6 =	sld [smem:$0x3FAB]  }
0x2c: {  	s7 =	sld [smem:$0x3FAC]  }
0x2d: {  	s3 =	simm.s32 $0x108;
	s8 =	sld [smem:$0x3FAD]  }
0x2e: {  	s3 =	simm.s32 @!p0 $0x1082;
	s9 =	sld [smem:$0x3FAE]  }
0x2f: {  	lr =	sadd.s32 s0, s3;
	s0 =	sld [smem:$0x3FA5]  }
0x30: {  	s3 =	sld [smem:$0x3FA8]  }
0x31: {  	[smem:$0x3FB1] =	sst s10  }
0x32: {  	s10 =	sld [smem:$0x3FAF];
	_ =	sdelay $0x3  }
0x33: {  	p0 =	seq.s32 s10, $0x1;
	s10 =	sld [smem:$0x3FB1];
	_ =	sdelay $0x3  }
0x34: {  	[smem:$0x3FB1] =	sst s10  }
0x35: {  	s10 =	sld [smem:$0x3FB0];
	_ =	sdelay $0x3  }
0x36: {  	p1 =	seq.s32 s10, $0x1;
	s10 =	sld [smem:$0x3FB1];
	_ =	sdelay $0x3  }
0x37: {  	[smem:$0x3FB1] =	sst s10  }
0x38: {  	s10 =	sld [smem:$0x3FB2]  }
0x39: {  	_ = 	snop;
	(pc) =	sbr.ind lr, $3  }
0x3a: {  	_ = 	snop  }
0x3b: {  	_ = 	snop  }
0x3c: {  	p2 =	seq.s32 s10, $0x1;
	s10 =	sld [smem:$0x3FB1]  }
0x3d: {  	_ =	shalt  }
0x3e: {  	_ =	shalt  }
0x3f: {  	_ =	shalt  }
0x40: {  	_ =	shalt  }
0x41: {  	_ =	shalt  }
0x42: {  	_ =	shalt  }
0x43: {  	_ =	shalt  }
0x44: {  	_ =	shalt  }
0x45: {  	_ =	shalt  }
0x46: {  	_ =	shalt  }
0x47: {  	_ =	shalt  }
0x48: {  	_ =	shalt  }
0x49: {  	_ =	shalt  }
0x4a: {  	_ =	shalt  }
0x4b: {  	_ =	shalt  }
0x4c: {  	_ =	shalt  }
0x4d: {  	_ =	shalt  }
0x4e: {  	_ =	shalt  }
0x4f: {  	_ =	shalt  }
0x50: {  	_ =	shalt  }
0x51: {  	_ =	shalt  }
0x52: {  	_ =	shalt  }
0x53: {  	_ =	shalt  }
0x54: {  	_ =	shalt  }
0x55: {  	_ =	shalt  }
0x56: {  	_ =	shalt  }
0x57: {  	_ =	shalt  }
0x58: {  	_ =	shalt  }
0x59: {  	_ =	shalt  }
0x5a: {  	_ =	shalt  }
0x5b: {  	_ =	shalt  }
0x5c: {  	_ =	shalt  }
0x5d: {  	_ =	shalt  }
0x5e: {  	_ =	shalt  }
0x5f: {  	_ =	shalt  }
0x60: {  	_ =	shalt  }
0x61: {  	_ =	shalt  }
0x62: {  	_ =	shalt  }
0x63: {  	_ =	shalt  }
0x64: {  	_ =	shalt  }
0x65: {  	_ =	shalt  }
0x66: {  	_ =	shalt  }
0x67: {  	_ =	shalt  }
0x68: {  	_ =	shalt  }
0x69: {  	_ =	shalt  }
0x6a: {  	_ =	shalt  }
0x6b: {  	_ =	shalt  }
0x6c: {  	_ =	shalt  }
0x6d: {  	_ =	shalt  }
0x6e: {  	_ =	shalt  }
0x6f: {  	_ =	shalt  }
0x70: {  	_ =	shalt  }
0x71: {  	_ =	shalt  }
0x72: {  	_ =	shalt  }
0x73: {  	_ =	shalt  }
0x74: {  	_ =	shalt  }
0x75: {  	_ =	shalt  }
0x76: {  	_ =	shalt  }
0x77: {  	_ =	shalt  }
0x78: {  	_ =	shalt  }
0x79: {  	_ =	shalt  }
0x7a: {  	_ =	shalt  }
0x7b: {  	_ =	shalt  }
0x7c: {  	_ =	shalt  }
0x7d: {  	_ =	shalt  }
0x7e: {  	_ =	shalt  }
0x7f: {  	_ =	shalt  }
0x80: {  	_ =	shalt  }
0x81: {  	_ =	shalt  }
0x82: {  	_ =	shalt  }
0x83: {  	_ =	shalt  }
0x84: {  	_ =	shalt  }
0x85: {  	_ =	shalt  }
0x86: {  	_ =	shalt  }
0x87: {  	_ =	shalt  }
.Lfunc_end0:
.L_simem_size_0:
called_computation_lowered:
.L_overlay_start_0:
0x88: {  	s2 =	sld [smem:$0x3FD9]  }
0x89: {  	s3 =	sld [smem:$0x3FFE];
	_ =	sdelay $0x1  }
0x8a: {  	s1 =	srdreg.scid  }
0x8b: {  	s0 =	sand.u32 $0x1, s1  }
0x8c: {  	s16 =	sshll.u32 s0, $0xA;
	s2 =	sadd.s32 s3, s2  }
0x8d: {  	s2 =	sadd.s32 s2, s16  }
0x8e: {  	[smem:$0x3FBD] =	sst s2  }
0x8f: {  	_ = 	snop  }
0x90: {  	(tm) =	ssettm $0x1  }
0x91: {  	s17 =	sld [smem:$0x3FFB];
	_ =	sdelay $0x3  }
0x92: {  	_ =	strace s17  }
0x93: {  	s2 =	sld [smem:$0x3FFC];
	_ =	sdelay $0x3  }
0x94: {  	_ =	strace s2  }
0x95: {  	s2 =	sld [smem:$0x3FFD];
	_ =	sdelay $0x3  }
0x96: {  	_ =	strace s2  }
0x97: {  	_ =	strace $0x8FFFFFFF  }
0x98: {  	s18 =	sld [smem:$0x3FDB];
	_ =	sdelay $0x1  }
0x99: {  	s19 =	simm.s32 $_scs_section_size  }
0x9a: {  	s4 =	simm.s32 $_size__tile_overlayer_lowered;
	s5 =	simm.s32 $_tile_overlayer_lowered  }
0x9b: {  	s22 =	simm.s32 $0x1BFF;
	s21 =	sshll.u32 s5, $0x1;
	s2 =	sadd.s32 s19, s18  }
0x9c: {  	s6 =	simm.s32 $0x0;
	s20 =	sshll.u32 s4, $0x1;
	s4 =	sadd.s32 s21, s2  }
0x9d: {  	[timem:s6], [sflag:s22] =	dma.local [hbm:s4], s20  }
0x9e: {  	_ =	swait.ge [sflag:s22], s20  }
0x9f: {  	s3 =	ssub.s32 $0x0, s20;
	[sflag:s22] =	ssyncset.done $0x0  }
0xa0: {  	[sflag:s22] =	ssyncadd.s32 s3;
	_ =	sdelay $0x1  }
0xa1: {  	s23 =	simm.s32 $0x1B8B  }
0xa2: {  	_ =	swait.ge [sflag:s23], $0x1  }
0xa3: {  	[sflag:s23] =	ssyncset.done $0x0  }
0xa4: {  	s25 =	simm.s32 $0x1B8E;
	s24 =	sld [smem:$0x3FFE];
	[sflag:s23] =	ssyncadd.s32 $0xFFFFFFFF  }
0xa5: {  	s26 =	simm.s32 $execute0_lowered;
	[smem:$0x3FD2] =	sst s25  }
0xa6: {  	s4 =	sshll.u32 s26, $0x1;
	_ =	strace $0x80000046;
	[dreg:$0x1] =	wrdreg $0xFFFFFFFF  }
0xa7: {  	s28 =	simm.s32 $_size_execute0_lowered;
	s2 =	sadd.s32 s2, s4;
	[dreg:$0x0] =	wrdreg $0x0  }
0xa8: {  	s4 =	sshll.u32 s28, $0x1;
	[dreg:$0x2] =	wrdreg s2  }
0xa9: {  	[dreg:$0x3] =	wrdreg s4  }
0xaa: {  	[dreg:$0x4] =	wrdreg $0xC0  }
0xab: {  	_ =	task [dreg:s6], $0x5FFFF  }
0xac: {  	[dreg:$0x1] =	wrdreg $0xFFFFFFFF  }
0xad: {  	[dreg:$0x0] =	wrdreg $0x60  }
0xae: {  	[dreg:$0x2] =	wrdreg s24  }
0xaf: {  	[dreg:$0x3] =	wrdreg $0x50800  }
0xb0: {  	[dreg:$0x4] =	wrdreg $0x9  }
0xb1: {  	_ =	task.clear_ibuf [dreg:s6], $0x5FFFF;
	_ =	strace $0x90000046  }
0xb2: {  	s29 =	simm.s32 $0x9;
	_ =	strace $0x80000048  }
0xb3: {  	_ =	swait.ge [sflag:s29], $0x1  }
0xb4: {  	[sflag:s29] =	ssyncadd.s32 $0xFFFFFFFF  }
0xb5: {  	_ =	strace $0x90000048  }
0xb6: {  	_ =	sfence  }
0xb7: {  	s30 =	sld [smem:$0x0];
	_ =	sdelay $0x2  }
0xb8: {  	s31 =	sshll.u32 s1, $0xD;
	s1 =	sshrl.u32 s1, $0x2  }
0xb9: {  	s3 =	sand.u32 $0x4000, s31;
	s1 =	sadd.s32 s1, s30  }
0xba: {  	s0 =	sor.u32 s3, s0;
	s1 =	sshll.u32 s1, $0x11  }
0xbb: {  	s0 =	sor.u32 s1, s0  }
0xbc: {  	s0 =	sadd.s32 $0x8F2B, s0  }
0xbd: {  	[sflag:s0] =	ssyncadd.remote.s32 $0x1  }
0xbe: {  	_ =	sfence.sel $0xFFFF  }
0xbf: {  	[dreg:$0x0] =	wrdreg $0xFFFFFFFF;
	(pc) =	sbr.abs _section_cstart, $3  }
0xc0: {  	[dreg:$0x1] =	wrdreg $0xFFFFFFFF  }
0xc1: {  	_ =	task.clear_ibuf [dreg:s6], $0x2FFFF;
	_ =	strace $0x9FFFFFFF  }
0xc2: {  	(tm) =	ssettm $0x7FFFFFFF  }
0xc3: {  	_ =	shalt  }
tec
execute0_lowered:
.L_overlay_start_1:
0x0: {  	(tag) =	ssettag $0x1  }
0x1: {  	s4 =	rddreg [dreg:$0x0]  }
0x2: {  	s1 =	rddreg [dreg:$0x1];
	s2 =	srdreg.scid  }
0x3: {  	s0 =	rddreg [dreg:$0x2];
	s3 =	simm.s32 $0x0;
	s10 =	simm.s32 $0x50  }
0x4: {  	s11 =	simm.s32 $0x5000;
	s5 =	sand.u32 $0x1, s2;
	s2 =	stileid.u32  }
0x5: {  	[smem:$0x7FF] =	sst s3;
	s6 =	sshll.u32 s5, $0x4;
	s7 =	smul.u32 $0x2800, s5  }
0x6: {  	s8 =	sshll.u32 s2, $0xA;
	s5 =	ssub.s32 $0x2, s5;
	_ =	strace $0x80000047  }
0x7: {  	p0 =	sgt.u32 s2, $0x9;
	s6 =	sor.u32 s2, s6;
	s9 =	sshrl.u32 s5, $0x1  }
0x8: {  	s12 =	sshll.u32 @!p0 s2, $0x6;
	s6 =	smul.u32 $0x500, s6;
	s7 =	sadd.s32 s8, s7  }
0x9: {  	s9 =	ssub.s32 s5, s9;
	s12 =	sor.u32 @!p0 $0x1C01, s12;
	s7 =	sshrl.u32 s7, $0x3  }
0xa: {  	v0 =	vlaneseq.u32;
	s6 =	sadd.s32 s6, s4;
	s7 =	sadd.s32 s7, s4;
	s4 =	sadd.s32 s8, s1  }
0xb: {  	v1 =	vimm.f32 $0.0e+00;
	v6 =	vimm.f32 $1.000000000e+00;
	v2 =	vor.u32 $0x10, v0;
	s8 =	simm.s32 $0x1;
	s5 =	sadd.s32 $0x2400, s6;
	s6 =	sadd.s32 $0xC400, s7  }
0xc: {  	v3 =	vor.u32 $0x20, v0;
	v4 =	vor.u32 $0x30, v0;
	v5 =	vor.u32 $0x40, v0;
	s7 =	smax.u32 s9, $0x1;
	s9 =	simm.s32 $0x2800;
	s13 =	sshrl.u32 @!p0 s4, $0x3  }
.LBB2_1:
0xd: {  	s14 =	simm.s32 $0x0;
	s15 =	simm.s32 $0x200  }
.LBB2_2:
0xe: {  	p1 =	sne.s32 s15, $0x9E00;
	[tilespmem:s14+$0x2870] =	vst v1  }
0xf: {  	[tilespmem:s14+$0x2800] =	vst v1  }
0x10: {  	[tilespmem:s14+$0x2810] =	vst v1  }
.Ltmp0:
0x11: {  	[tilespmem:s14+$0x2820] =	vst v1;
	(pc) =	sbr.rel @p1 .LBB2_2-.Ltmp0, $4  }
0x12: {  	[tilespmem:s14+$0x2830] =	vst v1  }
0x13: {  	[tilespmem:s14+$0x2840] =	vst v1  }
0x14: {  	[tilespmem:s14+$0x2850] =	vst v1  }
0x15: {  	[tilespmem:s14+$0x2860] =	vst v1;
	s14 =	sshra.s32 s15, $0x2;
	s15 =	sadd.s32 $0x200, s15  }
0x16: {  	[tilespmem:s14+$0x2870] =	vst v1  }
0x17: {  	[tilespmem:s14+$0x2800] =	vst v1  }
0x18: {  	[tilespmem:s14+$0x2810] =	vst v1  }
0x19: {  	[tilespmem:s14+$0x2820] =	vst v1  }
0x1a: {  	[tilespmem:s14+$0x2830] =	vst v1  }
0x1b: {  	[tilespmem:s14+$0x2840] =	vst v1  }
0x1c: {  	[tilespmem:s14+$0x2850] =	vst v1  }
0x1d: {  	[tilespmem:s14+$0x2860] =	vst v1  }
0x1e: {  	[tilespmem:$0x5000] =	vst v0  }
0x1f: {  	[tilespmem:$0x5010] =	vst v2  }
0x20: {  	[tilespmem:$0x5020] =	vst v3  }
0x21: {  	[tilespmem:$0x5030] =	vst v4  }
0x22: {  	s14 =	simm.s32 @!p0 $0x2800;
	[tilespmem:$0x5040] =	vst v5  }
0x23: {  	[spmem:s4] =	stream.linear.scatter @!p0 [tilespmem:s14], [sflag:$0x1], $0x400, $0x38;
	[tilespmem:$0x5300] =	vst v63  }
0x24: {  	s14 =	simm.s32 @!p0 $0x1  }
0x25: {  	_ =	swait.ge @!p0 [sflag:s14], $0x400  }
0x26: {  	[sflag:s14] =	ssyncset.done @!p0 $0x0  }
0x27: {  	[sflag:s14] =	ssyncadd.s32 @!p0 $0xFFFFFC00  }
0x28: {  	s14 =	simm.s32 $0x0;
	[bflag:$0x0] =	sbarrier.arrive $0xFFFF  }
0x29: {  	[tilespmem:s14], [sflag:$0x1] =	stream.linear.gather [hbm4b:s5+s14], $0x2800, $0x38;
	[tilespmem:$0x5300] =	vst v63  }
0x2a: {  	_ =	swait.ge [sflag:s8], $0x2800  }
0x2b: {  	[sflag:s8] =	ssyncset.done $0x0  }
0x2c: {  	[sflag:s8] =	ssyncadd.s32 $0xFFFFD800  }
.LBB2_4:
0x2d: {  	s15 =	sshra.s32 s14, $0x2  }
0x2e: {  	v7 =	vld [tilespmem:s15+$0x0];
	_ =	sdelay $0x7  }
0x2f: {  	[tilespmem:v7+s9+$0x0] =	vst.idx.add.f32.msk $0xffff, v6  }
0x30: {  	v7 =	vld [tilespmem:s15+$0x10];
	_ =	sdelay $0x7  }
0x31: {  	[tilespmem:v7+s9+$0x0] =	vst.idx.add.f32.msk $0xffff, v6  }
0x32: {  	v7 =	vld [tilespmem:s15+$0x20];
	_ =	sdelay $0x7  }
0x33: {  	[tilespmem:v7+s9+$0x0] =	vst.idx.add.f32.msk $0xffff, v6  }
0x34: {  	v7 =	vld [tilespmem:s15+$0x30];
	_ =	sdelay $0x7  }
0x35: {  	[tilespmem:v7+s9+$0x0] =	vst.idx.add.f32.msk $0xffff, v6  }
0x36: {  	v7 =	vld [tilespmem:s15+$0x40];
	_ =	sdelay $0x7  }
0x37: {  	[tilespmem:v7+s9+$0x0] =	vst.idx.add.f32.msk $0xffff, v6  }
0x38: {  	v7 =	vld [tilespmem:s15+$0x50];
	_ =	sdelay $0x7  }
0x39: {  	[tilespmem:v7+s9+$0x0] =	vst.idx.add.f32.msk $0xffff, v6  }
0x3a: {  	v7 =	vld [tilespmem:s15+$0x60];
	_ =	sdelay $0x7  }
0x3b: {  	[tilespmem:v7+s9+$0x0] =	vst.idx.add.f32.msk $0xffff, v6  }
0x3c: {  	v7 =	vld [tilespmem:s15+$0x70];
	_ =	sdelay $0x2  }
0x3d: {  	p1 =	sne.s32 s14, $0x9E00  }
.Ltmp1:
0x3e: {  	_ = 	snop;
	(pc) =	sbr.rel @p1 .LBB2_4-.Ltmp1, $2  }
0x3f: {  	_ =	sdelay $0x2  }
0x40: {  	s14 =	sadd.s32 $0x200, s14;
	[tilespmem:v7+s9+$0x0] =	vst.idx.add.f32.msk $0xffff, v6  }
0x41: {  	[spmem:s1] =	stream.indirect.scatter.add.f32 [tilespmem:s9], [sflag:$0x1], $0x80, s11, s10, $0xb8;
	[tilespmem:$0x5300] =	vst v63  }
0x42: {  	_ =	swait.ge [sflag:s8], $0x2800  }
0x43: {  	s3 =	sadd.s32 $0x1, s3;
	[sflag:s8] =	ssyncset.done $0x0  }
0x44: {  	p1 =	sne.s32 s3, s7;
	[sflag:s8] =	ssyncadd.s32 $0xFFFFD800  }
.Ltmp2:
0x45: {  	s14 =	simm.s32 @!p0 $0x1;
	[bflag:$0x0] =	sbarrier.arrive $0xFFFF;
	(pc) =	sbr.rel @p1 .LBB2_1-.Ltmp2, $4  }
0x46: {  	[hbm:s6], [sflag:s12] =	dma.local @!p0 [spmem:s13], $0x80  }
0x47: {  	_ =	swait.ge @!p0 [sflag:s14], $0x80  }
0x48: {  	[sflag:s14] =	ssyncset.done @!p0 $0x0  }
0x49: {  	[sflag:s14] =	ssyncadd.s32 @!p0 $0xFFFFFF80  }
0x4a: {  	_ =	sfence.sel $0x180000  }
0x4b: {  	[bflag:$0x0] =	sbarrier.arrive $0xFFFF  }
0x4c: {  	p0 =	sne.s32 s2, $0x0;
	_ =	strace $0x90000047  }
0x4d: {  	s0 =	sadd.s32 @!p0 $0x100000, s0;
	[bflag:$0x2] =	sbarrier.arrive $0xFFFF  }
0x4e: {  	[sflag:s0] =	ssyncadd.tile.s32 @!p0 $0x1;
	_ =	shalt  }
.Lfunc_end2:
_tile_overlayer_lowered:
.L_overlay_start_2:
0x4f: {  	(tag) =	ssettag $0x2  }
0x50: {  	s0 =	rddreg [dreg:$0x0];
	s2 =	stileid.u32  }
0x51: {  	s1 =	rddreg [dreg:$0x1];
	p0 =	sne.s32 s2, $0x0  }
0x52: {  	s3 =	rddreg [dreg:$0x2];
	[bflag:$0x3] =	sbarrier.arrive $0xFFFF;
	s2 =	simm.s32 @!p0 $0x1C01  }
0x53: {  	[timem:s3], [sflag:s2] =	dma.local @!p0 [hbm:s0], s1  }
0x54: {  	s0 =	simm.s32 @!p0 $0x1  }
0x55: {  	_ =	swait.ge @!p0 [sflag:s0], s1  }
0x56: {  	s1 =	ssub.s32 @!p0 $0x0, s1;
	[sflag:s0] =	ssyncset.done @!p0 $0x0  }
0x57: {  	[sflag:s0] =	ssyncadd.s32 @!p0 s1  }
0x58: {  	[bflag:$0x3] =	sbarrier.arrive $0xFFFF  }
0x59: {  	_ =	shalt  }

// kernel: kernel.14.cloned.1.call-start
scs
__scs_entry_jumppad:
0x0: {  	(pc) =	sbr.rel $0x88, $3  }
0x1: {  	(tag) =	ssettag $0x0;
	lr =	simm.s32 $0x1  }
0x2: {  	[smem:$0x3F96] =	sst lr;
	_ =	strace $0xD0000000  }
0x3: {  	_ = 	snop  }
0x4: {  	_ = 	snop  }
0x5: {  	_ = 	snop  }
0x6: {  	_ = 	snop  }
0x7: {  	_ = 	snop  }
__scs_overlays_trampoline_lowered:
0x8: {  	[smem:$0x3FA5] =	sst s0  }
0x9: {  	[smem:$0x3FA6] =	sst s1  }
0xa: {  	[smem:$0x3FA7] =	sst s2  }
0xb: {  	[smem:$0x3FA8] =	sst s3  }
0xc: {  	[smem:$0x3FA9] =	sst s4  }
0xd: {  	[smem:$0x3FAA] =	sst s5  }
0xe: {  	[smem:$0x3FAB] =	sst s6  }
0xf: {  	[smem:$0x3FAC] =	sst s7  }
0x10: {  	[smem:$0x3FAD] =	sst s8  }
0x11: {  	[smem:$0x3FAE] =	sst s9;
	s0 =	simm.s32 @!p0 $0x0  }
0x12: {  	s1 =	sld [smem:$0x3F94];
	s0 =	simm.s32 @p0 $0x1  }
0x13: {  	[smem:$0x3FAF] =	sst s0;
	s0 =	simm.s32 @!p1 $0x0  }
0x14: {  	s2 =	sld [smem:$0x3F93];
	s0 =	simm.s32 @p1 $0x1  }
0x15: {  	[smem:$0x3FB0] =	sst s0;
	s0 =	simm.s32 @!p2 $0x0  }
0x16: {  	s3 =	sld [smem:$0x3FDB];
	s0 =	simm.s32 @p2 $0x1  }
0x17: {  	s4 =	simm.s32 $0x1BF5;
	[smem:$0x3FB2] =	sst s0  }
0x18: {  	s0 =	sld [smem:$0x3F95];
	_ =	swait.ge [sflag:s4], $0x0  }
0x19: {  	s7 =	sld [smem:$0x3F96]  }
0x1a: {  	s8 =	sadd.s32 $0xFFFFE003, lr  }
0x1b: {  	s9 =	sadd.s32 $0xFFFFFEF7, lr;
	s5 =	simm.s32 $0xFFFFFFFF;
	p2 =	slt.u32 s8, $0xFFFFF086  }
0x1c: {  	p1 =	slt.u32 s9, $0xF7A;
	s5 =	simm.s32 @!p2 $0x0  }
0x1d: {  	s5 =	simm.s32 @p1 $0x1;
	p0 =	seq.s32 s7, s2  }
0x1e: {  	s7 =	smul.u32 @!p0 $0xF7A, s2;
	p2 =	seq.s32 @!p0 s5, $0x0  }
0x1f: {  	s9 =	smul.u32 $0xF7A, s1;
	s8 =	simm.s32 @!p0 $0x1BF5;
	p2 =	por !p2, p0  }
0x20: {  	[sflag:s8] =	ssyncset.s32 @!p0 $0xFFFFF086;
	s6 =	sadd.s32 @!p0 s3, s7;
	s7 =	simm.s32 @!p0 $0x108  }
0x21: {  	s3 =	sadd.s32 s3, s9;
	s6 =	sadd.s32 @!p0 $0x88, s6;
	s7 =	simm.s32 @p2 $0x1082  }
0x22: {  	[simem:s7], [sflag:s8] =	dma.local @!p0 [hbm:s6], $0xF7A  }
0x23: {  	s9 =	sor.u32 $0xD0000000, s2;
	s6 =	simm.s32 $0x108;
	_ =	swait.ge @!p0 [sflag:s8], $0x0  }
0x24: {  	s3 =	sadd.s32 $0x88, s3;
	s6 =	simm.s32 @!p1 $0x1082;
	[sflag:s4] =	ssyncset.s32 $0xFFFFF086  }
0x25: {  	[simem:s6], [sflag:s4] =	dma.local [hbm:s3], $0xF7A  }
0x26: {  	[smem:$0x3F96] =	sst s1;
	(tag) =	ssettag s2;
	_ =	strace s9  }
0x27: {  	s1 =	sld [smem:$0x3FA6]  }
0x28: {  	s2 =	sld [smem:$0x3FA7]  }
0x29: {  	s4 =	sld [smem:$0x3FA9]  }
0x2a: {  	p0 =	seq.s32 s5, $0x0;
	s5 =	sld [smem:$0x3FAA]  }
0x2b: {  	s6 =	sld [smem:$0x3FAB]  }
0x2c: {  	s7 =	sld [smem:$0x3FAC]  }
0x2d: {  	s3 =	simm.s32 $0x108;
	s8 =	sld [smem:$0x3FAD]  }
0x2e: {  	s3 =	simm.s32 @!p0 $0x1082;
	s9 =	sld [smem:$0x3FAE]  }
0x2f: {  	lr =	sadd.s32 s0, s3;
	s0 =	sld [smem:$0x3FA5]  }
0x30: {  	s3 =	sld [smem:$0x3FA8]  }
0x31: {  	[smem:$0x3FB1] =	sst s10  }
0x32: {  	s10 =	sld [smem:$0x3FAF];
	_ =	sdelay $0x3  }
0x33: {  	p0 =	seq.s32 s10, $0x1;
	s10 =	sld [smem:$0x3FB1];
	_ =	sdelay $0x3  }
0x34: {  	[smem:$0x3FB1] =	sst s10  }
0x35: {  	s10 =	sld [smem:$0x3FB0];
	_ =	sdelay $0x3  }
0x36: {  	p1 =	seq.s32 s10, $0x1;
	s10 =	sld [smem:$0x3FB1];
	_ =	sdelay $0x3  }
0x37: {  	[smem:$0x3FB1] =	sst s10  }
0x38: {  	s10 =	sld [smem:$0x3FB2]  }
0x39: {  	_ = 	snop;
	(pc) =	sbr.ind lr, $3  }
0x3a: {  	_ = 	snop  }
0x3b: {  	_ = 	snop  }
0x3c: {  	p2 =	seq.s32 s10, $0x1;
	s10 =	sld [smem:$0x3FB1]  }
0x3d: {  	_ =	shalt  }
0x3e: {  	_ =	shalt  }
0x3f: {  	_ =	shalt  }
0x40: {  	_ =	shalt  }
0x41: {  	_ =	shalt  }
0x42: {  	_ =	shalt  }
0x43: {  	_ =	shalt  }
0x44: {  	_ =	shalt  }
0x45: {  	_ =	shalt  }
0x46: {  	_ =	shalt  }
0x47: {  	_ =	shalt  }
0x48: {  	_ =	shalt  }
0x49: {  	_ =	shalt  }
0x4a: {  	_ =	shalt  }
0x4b: {  	_ =	shalt  }
0x4c: {  	_ =	shalt  }
0x4d: {  	_ =	shalt  }
0x4e: {  	_ =	shalt  }
0x4f: {  	_ =	shalt  }
0x50: {  	_ =	shalt  }
0x51: {  	_ =	shalt  }
0x52: {  	_ =	shalt  }
0x53: {  	_ =	shalt  }
0x54: {  	_ =	shalt  }
0x55: {  	_ =	shalt  }
0x56: {  	_ =	shalt  }
0x57: {  	_ =	shalt  }
0x58: {  	_ =	shalt  }
0x59: {  	_ =	shalt  }
0x5a: {  	_ =	shalt  }
0x5b: {  	_ =	shalt  }
0x5c: {  	_ =	shalt  }
0x5d: {  	_ =	shalt  }
0x5e: {  	_ =	shalt  }
0x5f: {  	_ =	shalt  }
0x60: {  	_ =	shalt  }
0x61: {  	_ =	shalt  }
0x62: {  	_ =	shalt  }
0x63: {  	_ =	shalt  }
0x64: {  	_ =	shalt  }
0x65: {  	_ =	shalt  }
0x66: {  	_ =	shalt  }
0x67: {  	_ =	shalt  }
0x68: {  	_ =	shalt  }
0x69: {  	_ =	shalt  }
0x6a: {  	_ =	shalt  }
0x6b: {  	_ =	shalt  }
0x6c: {  	_ =	shalt  }
0x6d: {  	_ =	shalt  }
0x6e: {  	_ =	shalt  }
0x6f: {  	_ =	shalt  }
0x70: {  	_ =	shalt  }
0x71: {  	_ =	shalt  }
0x72: {  	_ =	shalt  }
0x73: {  	_ =	shalt  }
0x74: {  	_ =	shalt  }
0x75: {  	_ =	shalt  }
0x76: {  	_ =	shalt  }
0x77: {  	_ =	shalt  }
0x78: {  	_ =	shalt  }
0x79: {  	_ =	shalt  }
0x7a: {  	_ =	shalt  }
0x7b: {  	_ =	shalt  }
0x7c: {  	_ =	shalt  }
0x7d: {  	_ =	shalt  }
0x7e: {  	_ =	shalt  }
0x7f: {  	_ =	shalt  }
0x80: {  	_ =	shalt  }
0x81: {  	_ =	shalt  }
0x82: {  	_ =	shalt  }
0x83: {  	_ =	shalt  }
0x84: {  	_ =	shalt  }
0x85: {  	_ =	shalt  }
0x86: {  	_ =	shalt  }
0x87: {  	_ =	shalt  }
.Lfunc_end0:
.L_simem_size_0:
called_computation.1_lowered:
.L_overlay_start_0:
0x88: {  	s2 =	sld [smem:$0x3FD9]  }
0x89: {  	s3 =	sld [smem:$0x3FFE];
	_ =	sdelay $0x1  }
0x8a: {  	s1 =	srdreg.scid  }
0x8b: {  	s0 =	sand.u32 $0x1, s1  }
0x8c: {  	s17 =	sshll.u32 s0, $0xA;
	s2 =	sadd.s32 s3, s2  }
0x8d: {  	s2 =	sadd.s32 s2, s17  }
0x8e: {  	[smem:$0x3FBD] =	sst s2  }
0x8f: {  	_ = 	snop  }
0x90: {  	s18 =	sld [smem:$0x3FD0];
	(tm) =	ssettm $0x1  }
0x91: {  	s19 =	sld [smem:$0x3FFB];
	_ =	sdelay $0x3  }
0x92: {  	_ =	strace s19  }
0x93: {  	s2 =	sld [smem:$0x3FFC];
	_ =	sdelay $0x3  }
0x94: {  	_ =	strace s2  }
0x95: {  	s2 =	sld [smem:$0x3FFD];
	_ =	sdelay $0x3  }
0x96: {  	_ =	strace s2  }
0x97: {  	_ =	strace $0x8FFFFFFF  }
0x98: {  	s20 =	sld [smem:$0x3FDB];
	_ =	sdelay $0x1  }
0x99: {  	s4 =	simm.s32 $_scs_section_size  }
0x9a: {  	s5 =	simm.s32 $_size__tile_overlayer_lowered;
	s6 =	simm.s32 $_tile_overlayer_lowered  }
0x9b: {  	s7 =	simm.s32 $0x1BFF;
	s21 =	sshll.u32 s6, $0x1;
	s4 =	sadd.s32 s4, s20  }
0x9c: {  	s22 =	simm.s32 $0x0;
	s5 =	sshll.u32 s5, $0x1;
	s6 =	sadd.s32 s21, s4  }
0x9d: {  	[timem:s22], [sflag:s7] =	dma.local [hbm:s6], s5  }
0x9e: {  	_ =	swait.ge [sflag:s7], s5  }
0x9f: {  	s5 =	ssub.s32 $0x0, s5;
	[sflag:s7] =	ssyncset.done $0x0  }
0xa0: {  	[sflag:s7] =	ssyncadd.s32 s5;
	_ =	sdelay $0x1  }
0xa1: {  	s23 =	simm.s32 $0x1B8B  }
0xa2: {  	_ =	swait.ge [sflag:s23], $0x1  }
0xa3: {  	[sflag:s23] =	ssyncset.done $0x0  }
0xa4: {  	[sflag:s23] =	ssyncadd.s32 $0xFFFFFFFF  }
0xa5: {  	s5 =	sld [smem:$0x0]  }
0xa6: {  	s6 =	sand.u32 $0xFFFFFFFE, s1  }
0xa7: {  	p0 =	sne.s32 s1, s6  }
0xa8: {  	s6 =	sshll.u32 @p0 s6, $0xE  }
0xa9: {  	s6 =	sadd.s32 @p0 $0x11B8D, s6;
	s7 =	sshll.u32 @p0 s5, $0x11  }
0xaa: {  	s6 =	sor.u32 @p0 s7, s6  }
0xab: {  	[sflag:s6] =	ssyncadd.remote.s32 @p0 $0x1;
	_ =	sdelay $0x1  }
0xac: {  	s6 =	simm.s32 @p0 $0x1B8D  }
0xad: {  	_ =	swait.eq @p0 [sflag:s6], $0x1  }
0xae: {  	[sflag:s6] =	ssyncadd.s32 @p0 $0xFFFFFFFF  }
0xaf: {  	s7 =	sshll.u32 @!p0 s1, $0xE  }
0xb0: {  	s7 =	sor.u32 @!p0 $0x4000, s7;
	s6 =	simm.s32 @!p0 $0x1B8D  }
0xb1: {  	s5 =	sshll.u32 @!p0 s5, $0x11;
	s7 =	sadd.s32 @!p0 $0x11B8D, s7;
	_ =	swait.eq @!p0 [sflag:s6], $0x1  }
0xb2: {  	s5 =	sor.u32 @!p0 s5, s7;
	[sflag:s6] =	ssyncadd.s32 @!p0 $0xFFFFFFFF  }
0xb3: {  	s25 =	simm.s32 $0x1B8E;
	s24 =	sld [smem:$0x3FFE];
	[sflag:s5] =	ssyncadd.remote.s32 @!p0 $0x1  }
0xb4: {  	s26 =	simm.s32 $execute0_lowered;
	[smem:$0x3FD2] =	sst s25  }
0xb5: {  	s6 =	sshll.u32 s26, $0x1;
	_ =	strace $0x80000049;
	[dreg:$0x1] =	wrdreg $0xFFFFFFFF  }
0xb6: {  	s28 =	simm.s32 $_size_execute0_lowered;
	s4 =	sadd.s32 s4, s6;
	[dreg:$0x0] =	wrdreg $0x0  }
0xb7: {  	s6 =	sshll.u32 s28, $0x1;
	[dreg:$0x2] =	wrdreg s4  }
0xb8: {  	[dreg:$0x3] =	wrdreg s6  }
0xb9: {  	[dreg:$0x4] =	wrdreg $0xC0  }
0xba: {  	_ =	task [dreg:s22], $0x5FFFF  }
0xbb: {  	[dreg:$0x1] =	wrdreg $0xFFFFFFFF  }
0xbc: {  	[dreg:$0x0] =	wrdreg $0x60  }
0xbd: {  	[dreg:$0x2] =	wrdreg s18  }
0xbe: {  	[dreg:$0x3] =	wrdreg s24  }
0xbf: {  	[dreg:$0x4] =	wrdreg $0xA8000  }
0xc0: {  	[dreg:$0x5] =	wrdreg $0xA  }
0xc1: {  	_ =	task.clear_ibuf [dreg:s22], $0x6FFFF;
	_ =	strace $0x90000049  }
0xc2: {  	s29 =	simm.s32 $0xA;
	_ =	strace $0x8000004B  }
0xc3: {  	_ =	swait.ge [sflag:s29], $0x1  }
0xc4: {  	[sflag:s29] =	ssyncadd.s32 $0xFFFFFFFF  }
0xc5: {  	_ =	strace $0x9000004B  }
0xc6: {  	_ =	sfence  }
0xc7: {  	s30 =	sld [smem:$0x0];
	_ =	sdelay $0x2  }
0xc8: {  	s31 =	sshll.u32 s1, $0xD;
	s1 =	sshrl.u32 s1, $0x2  }
0xc9: {  	s4 =	sand.u32 $0x4000, s31;
	s1 =	sadd.s32 s1, s30  }
0xca: {  	s0 =	sor.u32 s4, s0;
	s1 =	sshll.u32 s1, $0x11  }
0xcb: {  	s0 =	sor.u32 s1, s0  }
0xcc: {  	s0 =	sadd.s32 $0x8F2B, s0  }
0xcd: {  	[sflag:s0] =	ssyncadd.remote.s32 $0x1  }
0xce: {  	_ =	sfence.sel $0xFFFF  }
0xcf: {  	[dreg:$0x0] =	wrdreg $0xFFFFFFFF;
	(pc) =	sbr.abs _section_cstart, $3  }
0xd0: {  	[dreg:$0x1] =	wrdreg $0xFFFFFFFF  }
0xd1: {  	_ =	task.clear_ibuf [dreg:s22], $0x2FFFF;
	_ =	strace $0x9FFFFFFF  }
0xd2: {  	(tm) =	ssettm $0x7FFFFFFF  }
0xd3: {  	_ =	shalt  }
tec
execute0_lowered:
.L_overlay_start_1:
0x0: {  	(tag) =	ssettag $0x1  }
0x1: {  	s0 =	rddreg [dreg:$0x0]  }
0x2: {  	s2 =	rddreg [dreg:$0x1]  }
0x3: {  	s1 =	rddreg [dreg:$0x2]  }
0x4: {  	s3 =	srdreg.scid;
	s9 =	stileid.u32  }
0x5: {  	s18 =	simm.s32 $0x2800;
	s19 =	simm.s32 $0x5;
	s20 =	simm.s32 $0x80  }
0x6: {  	s21 =	simm.s32 $0x1400;
	s22 =	simm.s32 $0x1480;
	s23 =	simm.s32 $0x6800  }
0x7: {  	s24 =	simm.s32 $0x1;
	s25 =	simm.s32 $0x2;
	s28 =	simm.s32 $0x4  }
0x8: {  	s29 =	simm.s32 $0x1300;
	s30 =	simm.s32 $0x1380;
	s6 =	smul.u32 $0x14000, s9  }
0x9: {  	s5 =	sand.u32 $0x1, s3;
	s3 =	simm.s32 $0x0;
	s7 =	smul.u32 $0x50000, s9  }
0xa: {  	s13 =	sadd.s32 $0x145600, s2;
	s15 =	sadd.s32 $0x2400, s2;
	s4 =	smul.u32 $0x140000, s5  }
0xb: {  	[smem:$0x7FF] =	sst s3;
	s26 =	ssub.s32 $0x2, s5;
	s5 =	sshll.u32 s5, $0x4  }
0xc: {  	_ =	strace $0x8000004A;
	s8 =	sshrl.u32 s26, $0x1;
	s9 =	sor.u32 s9, s5  }
0xd: {  	s31 =	sshrl.u32 s7, $0x2;
	s6 =	sadd.s32 s6, s4;
	s4 =	sadd.s32 $0xCE00, s2  }
0xe: {  	s17 =	ssub.s32 s26, s8;
	s5 =	sadd.s32 s31, s1;
	s10 =	smul.u32 $0x2800, s9  }
0xf: {  	s12 =	smul.u32 $0x500, s9;
	s26 =	simm.s32 $0x3;
	s6 =	sshrl.u32 s6, $0x3  }
0x10: {  	s7 =	sadd.s32 $0x8000, s5;
	s8 =	sadd.s32 $0xC000, s5;
	s9 =	sadd.s32 $0x10000, s5  }
0x11: {  	s17 =	smax.u32 s17, $0x1;
	s2 =	sadd.s32 s6, s2;
	s14 =	sshrl.u32 s10, $0x3  }
0x12: {  	s6 =	sadd.s32 $0x4000, s5;
	s10 =	sadd.s32 s13, s12;
	s16 =	sadd.s32 $0x280, s14  }
0x13: {  	s11 =	sadd.s32 s0, s12;
	s12 =	sadd.s32 s15, s12;
	s13 =	sadd.s32 s13, s16  }
0x14: {  	v0 =	vimm.f32 $0.0e+00;
	s14 =	sadd.s32 s0, s16;
	s15 =	sadd.s32 s15, s16;
	s16 =	sadd.s32 $0x14F600, s2  }
.LBB2_1:
0x15: {  	s0 =	simm.s32 $0x0;
	s2 =	simm.s32 $0x200  }
.LBB2_2:
0x16: {  	p0 =	sne.s32 s2, $0xFE00;
	[tilespmem:s0+$0x2870] =	vst v0  }
0x17: {  	[tilespmem:s0+$0x2800] =	vst v0  }
0x18: {  	[tilespmem:s0+$0x2810] =	vst v0  }
.Ltmp0:
0x19: {  	[tilespmem:s0+$0x2820] =	vst v0;
	(pc) =	sbr.rel @p0 .LBB2_2-.Ltmp0, $4  }
0x1a: {  	[tilespmem:s0+$0x2830] =	vst v0  }
0x1b: {  	[tilespmem:s0+$0x2840] =	vst v0  }
0x1c: {  	[tilespmem:s0+$0x2850] =	vst v0  }
0x1d: {  	[tilespmem:s0+$0x2860] =	vst v0;
	s0 =	sshra.s32 s2, $0x2;
	s2 =	sadd.s32 $0x200, s2  }
0x1e: {  	[tilespmem:s0+$0x2870] =	vst v0  }
0x1f: {  	[tilespmem:s0+$0x2800] =	vst v0  }
0x20: {  	[tilespmem:s0+$0x2810] =	vst v0  }
0x21: {  	[tilespmem:s0+$0x2820] =	vst v0  }
0x22: {  	[tilespmem:s0+$0x2830] =	vst v0  }
0x23: {  	[tilespmem:s0+$0x2840] =	vst v0  }
0x24: {  	[tilespmem:s0+$0x2850] =	vst v0  }
0x25: {  	[tilespmem:s0+$0x2860] =	vst v0  }
0x26: {  	[spmem:s5] =	stream.linear.scatter [tilespmem:s18], [sflag:$0x5], $0x4000, $0x38;
	[tilespmem:$0x1E800] =	vst v63  }
0x27: {  	_ =	swait.ge [sflag:s19], $0x4000  }
0x28: {  	[sflag:s19] =	ssyncset.done $0x0  }
0x29: {  	[sflag:s19] =	ssyncadd.s32 $0xFFFFC000  }
0x2a: {  	[spmem:s6] =	stream.linear.scatter [tilespmem:s18], [sflag:$0x5], $0x4000, $0x38;
	[tilespmem:$0x1E800] =	vst v63  }
0x2b: {  	_ =	swait.ge [sflag:s19], $0x4000  }
0x2c: {  	[sflag:s19] =	ssyncset.done $0x0  }
0x2d: {  	[sflag:s19] =	ssyncadd.s32 $0xFFFFC000  }
0x2e: {  	[spmem:s7] =	stream.linear.scatter [tilespmem:s18], [sflag:$0x5], $0x4000, $0x38;
	[tilespmem:$0x1E800] =	vst v63  }
0x2f: {  	_ =	swait.ge [sflag:s19], $0x4000  }
0x30: {  	[sflag:s19] =	ssyncset.done $0x0  }
0x31: {  	[sflag:s19] =	ssyncadd.s32 $0xFFFFC000  }
0x32: {  	[spmem:s8] =	stream.linear.scatter [tilespmem:s18], [sflag:$0x5], $0x4000, $0x38;
	[tilespmem:$0x1E800] =	vst v63  }
0x33: {  	_ =	swait.ge [sflag:s19], $0x4000  }
0x34: {  	[sflag:s19] =	ssyncset.done $0x0  }
0x35: {  	[sflag:s19] =	ssyncadd.s32 $0xFFFFC000  }
0x36: {  	[spmem:s9] =	stream.linear.scatter [tilespmem:s18], [sflag:$0x5], $0x4000, $0x38;
	[tilespmem:$0x1E800] =	vst v63  }
0x37: {  	_ =	swait.ge [sflag:s19], $0x4000  }
0x38: {  	[sflag:s19] =	ssyncset.done $0x0  }
0x39: {  	[sflag:s19] =	ssyncadd.s32 $0xFFFFC000  }
0x3a: {  	s2 =	simm.s32 $0x0;
	[bflag:$0x0] =	sbarrier.arrive $0xFFFF  }
0x3b: {  	[tilespmem:s2], [sflag:$0x5] =	stream.linear.gather [hbm4b:s10+s2], $0x1400, $0x38;
	[tilespmem:$0x1E800] =	vst v63  }
0x3c: {  	_ =	swait.ge [sflag:s19], $0x1400  }
0x3d: {  	[sflag:s19] =	ssyncset.done $0x0  }
0x3e: {  	s0 =	simm.s32 $0x0;
	[sflag:s19] =	ssyncadd.s32 $0xFFFFEC00  }
0x3f: {  	v2 =	vld [tilespmem:s0+$0x70]  }
0x40: {  	v6 =	vld [tilespmem:s0+$0x0]  }
0x41: {  	v7 =	vld [tilespmem:s0+$0x10]  }
0x42: {  	v5 =	vld [tilespmem:s0+$0x20]  }
0x43: {  	v4 =	vld [tilespmem:s0+$0x30]  }
0x44: {  	v1 =	vld [tilespmem:s0+$0x40];
	v8 =	vmul.u32 $0x2710, v2  }
0x45: {  	v2 =	vld [tilespmem:s0+$0x50];
	v6 =	vmul.u32 $0x2710, v6  }
0x46: {  	s31 =	simm.s32 $0x80;
	s2 =	simm.s32 $0x400;
	v3 =	vld [tilespmem:s0+$0x60];
	v7 =	vmul.u32 $0x2710, v7;
	[tilespmem:s0+$0x1470] =	vst v8  }
.LBB2_4:
0x47: {  	p0 =	sne.s32 s2, $0x4E00;
	v8 =	vld [tilespmem:s31+$0x70];
	[tilespmem:s0+$0x1400] =	vst v6;
	v5 =	vmul.u32 $0x2710, v5  }
0x48: {  	v6 =	vld [tilespmem:s31+$0x0];
	[tilespmem:s0+$0x1410] =	vst v7;
	v4 =	vmul.u32 $0x2710, v4  }
0x49: {  	v7 =	vld [tilespmem:s31+$0x10];
	[tilespmem:s0+$0x1420] =	vst v5;
	v1 =	vmul.u32 $0x2710, v1  }
.Ltmp1:
0x4a: {  	v5 =	vld [tilespmem:s31+$0x20];
	[tilespmem:s0+$0x1430] =	vst v4;
	v2 =	vmul.u32 $0x2710, v2;
	(pc) =	sbr.rel @p0 .LBB2_4-.Ltmp1, $4  }
0x4b: {  	v4 =	vld [tilespmem:s31+$0x30];
	[tilespmem:s0+$0x1440] =	vst v1;
	v3 =	vmul.u32 $0x2710, v3  }
0x4c: {  	v1 =	vld [tilespmem:s31+$0x40];
	v8 =	vmul.u32 $0x2710, v8;
	[tilespmem:s0+$0x1450] =	vst v2  }
0x4d: {  	v6 =	vmul.u32 $0x2710, v6;
	v2 =	vld [tilespmem:s31+$0x50];
	[tilespmem:s0+$0x1460] =	vst v3;
	s0 =	smov.u32 s31  }
0x4e: {  	s31 =	sshra.s32 s2, $0x2;
	s2 =	sadd.s32 $0x200, s2;
	v7 =	vmul.u32 $0x2710, v7;
	v3 =	vld [tilespmem:s0+$0x60];
	[tilespmem:s0+$0x1470] =	vst v8  }
0x4f: {  	v8 =	vld [tilespmem:s31+$0x70];
	[tilespmem:s0+$0x1400] =	vst v6;
	v5 =	vmul.u32 $0x2710, v5  }
0x50: {  	v6 =	vld [tilespmem:s31+$0x0];
	[tilespmem:s0+$0x1410] =	vst v7;
	v4 =	vmul.u32 $0x2710, v4  }
0x51: {  	v7 =	vld [tilespmem:s31+$0x10];
	[tilespmem:s0+$0x1420] =	vst v5;
	v1 =	vmul.u32 $0x2710, v1  }
0x52: {  	v5 =	vld [tilespmem:s31+$0x20];
	[tilespmem:s0+$0x1430] =	vst v4;
	v2 =	vmul.u32 $0x2710, v2  }
0x53: {  	v4 =	vld [tilespmem:s31+$0x30];
	[tilespmem:s0+$0x1440] =	vst v1;
	v3 =	vmul.u32 $0x2710, v3  }
0x54: {  	v1 =	vld [tilespmem:s31+$0x40];
	[tilespmem:s0+$0x1450] =	vst v2;
	v8 =	vmul.u32 $0x2710, v8  }
0x55: {  	v2 =	vld [tilespmem:s31+$0x50];
	[tilespmem:s0+$0x1460] =	vst v3;
	v3 =	vmul.u32 $0x2710, v6  }
0x56: {  	v6 =	vld [tilespmem:s31+$0x60];
	v7 =	vmul.u32 $0x2710, v7;
	[tilespmem:s31+$0x1470] =	vst v8  }
0x57: {  	[tilespmem:s31+$0x1400] =	vst v3;
	v3 =	vmul.u32 $0x2710, v5  }
0x58: {  	[tilespmem:s31+$0x1410] =	vst v7;
	v4 =	vmul.u32 $0x2710, v4  }
0x59: {  	[tilespmem:s31+$0x1420] =	vst v3;
	v1 =	vmul.u32 $0x2710, v1  }
0x5a: {  	[tilespmem:s31+$0x1430] =	vst v4;
	v2 =	vmul.u32 $0x2710, v2  }
0x5b: {  	[tilespmem:s31+$0x1440] =	vst v1;
	v1 =	vmul.u32 $0x2710, v6  }
0x5c: {  	[tilespmem:s31+$0x1450] =	vst v2  }
0x5d: {  	s2 =	simm.s32 $0x0;
	[tilespmem:s31+$0x1460] =	vst v1  }
0x5e: {  	[tilespmem:s2], [sflag:$0x5] =	stream.linear.gather [hbm4b:s11+s2], $0x1400, $0x38;
	[tilespmem:$0x1E800] =	vst v63  }
0x5f: {  	_ =	swait.ge [sflag:s19], $0x1400  }
0x60: {  	[sflag:s19] =	ssyncset.done $0x0  }
0x61: {  	s31 =	simm.s32 $0x0;
	[sflag:s19] =	ssyncadd.s32 $0xFFFFEC00  }
0x62: {  	v7 =	vld [tilespmem:s31+$0x0]  }
0x63: {  	v9 =	vld [tilespmem:s31+$0x10]  }
0x64: {  	v6 =	vld [tilespmem:s31+$0x20]  }
0x65: {  	v5 =	vld [tilespmem:s31+$0x30]  }
0x66: {  	v4 =	vld [tilespmem:s31+$0x40]  }
0x67: {  	v3 =	vld [tilespmem:s31+$0x50]  }
0x68: {  	v2 =	vld [tilespmem:s31+$0x60]  }
0x69: {  	v1 =	vld [tilespmem:s31+$0x70]  }
0x6a: {  	v12 =	vld [tilespmem:s31+$0x1400]  }
0x6b: {  	v13 =	vld [tilespmem:s31+$0x1410]  }
0x6c: {  	v11 =	vld [tilespmem:s31+$0x1420]  }
0x6d: {  	v10 =	vld [tilespmem:s31+$0x1430]  }
0x6e: {  	v8 =	vld [tilespmem:s31+$0x1440]  }
0x6f: {  	v12 =	vadd.s32 v12, v7;
	v7 =	vld [tilespmem:s31+$0x1450]  }
0x70: {  	s0 =	simm.s32 $0x200;
	[tilespmem:s31+$0x1400] =	vst v12;
	v12 =	vadd.s32 v13, v9;
	v9 =	vld [tilespmem:s31+$0x1460]  }
.LBB2_6:
0x71: {  	s2 =	sshra.s32 s0, $0x2;
	p0 =	sne.s32 s0, $0x4E00;
	[tilespmem:s31+$0x1410] =	vst v12;
	v6 =	vadd.s32 v11, v6;
	v11 =	vld [tilespmem:s31+$0x1470]  }
0x72: {  	v12 =	vld [tilespmem:s2+$0x0];
	[tilespmem:s31+$0x1420] =	vst v6;
	v5 =	vadd.s32 v10, v5  }
0x73: {  	v13 =	vld [tilespmem:s2+$0x10];
	[tilespmem:s31+$0x1430] =	vst v5;
	v4 =	vadd.s32 v8, v4  }
0x74: {  	v6 =	vld [tilespmem:s2+$0x20];
	[tilespmem:s31+$0x1440] =	vst v4;
	v3 =	vadd.s32 v7, v3  }
0x75: {  	v5 =	vld [tilespmem:s2+$0x30];
	[tilespmem:s31+$0x1450] =	vst v3;
	v2 =	vadd.s32 v9, v2  }
0x76: {  	v4 =	vld [tilespmem:s2+$0x40];
	[tilespmem:s31+$0x1460] =	vst v2;
	v1 =	vadd.s32 v11, v1  }
0x77: {  	v3 =	vld [tilespmem:s2+$0x50];
	[tilespmem:s31+$0x1470] =	vst v1;
	s31 =	smov.u32 s2  }
0x78: {  	v2 =	vld [tilespmem:s31+$0x60]  }
0x79: {  	v1 =	vld [tilespmem:s31+$0x70]  }
0x7a: {  	v7 =	vld [tilespmem:s31+$0x1400]  }
0x7b: {  	v9 =	vld [tilespmem:s31+$0x1410]  }
.Ltmp2:
0x7c: {  	v11 =	vld [tilespmem:s31+$0x1420];
	(pc) =	sbr.rel @p0 .LBB2_6-.Ltmp2, $4  }
0x7d: {  	v10 =	vld [tilespmem:s31+$0x1430]  }
0x7e: {  	v8 =	vld [tilespmem:s31+$0x1440]  }
0x7f: {  	v12 =	vadd.s32 v7, v12;
	v7 =	vld [tilespmem:s31+$0x1450]  }
0x80: {  	s0 =	sadd.s32 $0x200, s0;
	[tilespmem:s31+$0x1400] =	vst v12;
	v12 =	vadd.s32 v9, v13;
	v9 =	vld [tilespmem:s31+$0x1460]  }
0x81: {  	[tilespmem:s31+$0x1410] =	vst v12;
	v6 =	vadd.s32 v11, v6;
	v63 =	vld [tilespmem:s31+$0x1470]  }
0x82: {  	[tilespmem:s31+$0x1420] =	vst v6;
	v5 =	vadd.s32 v10, v5  }
0x83: {  	[tilespmem:s31+$0x1430] =	vst v5;
	v4 =	vadd.s32 v8, v4  }
0x84: {  	[tilespmem:s31+$0x1440] =	vst v4;
	v3 =	vadd.s32 v7, v3  }
0x85: {  	[tilespmem:s31+$0x1450] =	vst v3;
	v2 =	vadd.s32 v9, v2  }
0x86: {  	[tilespmem:s31+$0x1460] =	vst v2;
	v1 =	vadd.s32 v63, v1  }
0x87: {  	s0 =	simm.s32 $0x0;
	[tilespmem:s31+$0x1470] =	vst v1  }
0x88: {  	[tilespmem:s0], [sflag:$0x5] =	stream.linear.gather [hbm4b:s12+s0], $0x1400, $0x38;
	[tilespmem:$0x1E800] =	vst v63  }
0x89: {  	_ =	swait.ge [sflag:s19], $0x1400  }
0x8a: {  	[sflag:s19] =	ssyncset.done $0x0  }
0x8b: {  	[sflag:s19] =	ssyncadd.s32 $0xFFFFEC00  }
0x8c: {  	[tilespmem:s18], [sflag:$0x1] =	stream.indirect.gather [hbm4b:s4+s20], $0x80, s21, s20, $0xb8;
	[tilespmem:$0x1E800] =	vst v63  }
0x8d: {  	_ = 	snop  }
0x8e: {  	[tilespmem:s23], [sflag:$0x2] =	stream.indirect.gather [hbm4b:s4+s20], $0x80, s22, s20, $0xb8;
	[tilespmem:$0x1E800] =	vst v63  }
0x8f: {  	_ =	swait.ge [sflag:s24], $0x4000  }
0x90: {  	[sflag:s24] =	ssyncset.done $0x0  }
0x91: {  	s31 =	simm.s32 $0x0;
	[sflag:s24] =	ssyncadd.s32 $0xFFFFC000  }
0x92: {  	[spmem:s1] =	stream.indirect.scatter.add.f32 [tilespmem:s18], [sflag:$0x3], $0x80, s31, s20, $0xb8;
	[tilespmem:$0x1E800] =	vst v63  }
0x93: {  	_ =	swait.ge [sflag:s25], $0x4000  }
0x94: {  	[sflag:s25] =	ssyncset.done $0x0  }
0x95: {  	s2 =	simm.s32 $0x80;
	[sflag:s25] =	ssyncadd.s32 $0xFFFFC000  }
0x96: {  	[spmem:s1] =	stream.indirect.scatter.add.f32 [tilespmem:s23], [sflag:$0x4], $0x80, s2, s20, $0xb8;
	[tilespmem:$0x1E800] =	vst v63  }
0x97: {  	_ =	swait.ge [sflag:s26], $0x4000  }
0x98: {  	[sflag:s26] =	ssyncset.done $0x0  }
0x99: {  	s31 =	simm.s32 $0x1500;
	[sflag:s26] =	ssyncadd.s32 $0xFFFFC000  }
0x9a: {  	[tilespmem:s18], [sflag:$0x1] =	stream.indirect.gather [hbm4b:s4+s20], $0x80, s31, s20, $0xb8;
	[tilespmem:$0x1E800] =	vst v63  }
0x9b: {  	_ =	swait.ge [sflag:s28], $0x4000  }
0x9c: {  	[sflag:s28] =	ssyncset.done $0x0  }
0x9d: {  	s0 =	simm.s32 $0x400;
	s2 =	simm.s32 $0x1580;
	[sflag:s28] =	ssyncadd.s32 $0xFFFFC000  }
.LBB2_8:
0x9e: {  	[tilespmem:s23], [sflag:$0x2] =	stream.indirect.gather [hbm4b:s4+s20], $0x80, s2, s20, $0xb8;
	[tilespmem:$0x1E800] =	vst v63  }
0x9f: {  	s2 =	smov.u32 s0  }
0xa0: {  	p0 =	sne.s32 s0, $0x4800;
	s0 =	sadd.s32 $0x400, s0;
	_ =	swait.ge [sflag:s24], $0x4000  }
0xa1: {  	[sflag:s24] =	ssyncset.done $0x0  }
0xa2: {  	s2 =	sshra.s32 s2, $0x2;
	[sflag:s24] =	ssyncadd.s32 $0xFFFFC000  }
0xa3: {  	[spmem:s1] =	stream.indirect.scatter.add.f32 [tilespmem:s18], [sflag:$0x3], $0x80, s2, s20, $0xb8;
	[tilespmem:$0x1E800] =	vst v63  }
0xa4: {  	_ =	swait.ge [sflag:s25], $0x4000  }
0xa5: {  	[sflag:s25] =	ssyncset.done $0x0  }
0xa6: {  	s31 =	sadd.s32 $0x80, s2;
	[sflag:s25] =	ssyncadd.s32 $0xFFFFC000  }
0xa7: {  	[spmem:s1] =	stream.indirect.scatter.add.f32 [tilespmem:s23], [sflag:$0x4], $0x80, s31, s20, $0xb8;
	[tilespmem:$0x1E800] =	vst v63  }
0xa8: {  	_ =	swait.ge [sflag:s26], $0x4000  }
0xa9: {  	[sflag:s26] =	ssyncset.done $0x0  }
.Ltmp3:
0xaa: {  	s31 =	sadd.s32 $0x1500, s2;
	[sflag:s26] =	ssyncadd.s32 $0xFFFFC000;
	(pc) =	sbr.rel @p0 .LBB2_8-.Ltmp3, $4  }
0xab: {  	[tilespmem:s18], [sflag:$0x1] =	stream.indirect.gather [hbm4b:s4+s20], $0x80, s31, s20, $0xb8;
	[tilespmem:$0x1E800] =	vst v63  }
0xac: {  	_ =	swait.ge [sflag:s28], $0x4000  }
0xad: {  	[sflag:s28] =	ssyncset.done $0x0  }
0xae: {  	s2 =	sadd.s32 $0x1580, s2;
	[sflag:s28] =	ssyncadd.s32 $0xFFFFC000  }
0xaf: {  	[tilespmem:s23], [sflag:$0x2] =	stream.indirect.gather [hbm4b:s4+s20], $0x80, s2, s20, $0xb8;
	[tilespmem:$0x1E800] =	vst v63  }
0xb0: {  	_ =	swait.ge [sflag:s24], $0x4000  }
0xb1: {  	[sflag:s24] =	ssyncset.done $0x0  }
0xb2: {  	[sflag:s24] =	ssyncadd.s32 $0xFFFFC000  }
0xb3: {  	[spmem:s1] =	stream.indirect.scatter.add.f32 [tilespmem:s18], [sflag:$0x3], $0x80, s29, s20, $0xb8;
	[tilespmem:$0x1E800] =	vst v63  }
0xb4: {  	_ =	swait.ge [sflag:s25], $0x4000  }
0xb5: {  	[sflag:s25] =	ssyncset.done $0x0  }
0xb6: {  	[sflag:s25] =	ssyncadd.s32 $0xFFFFC000  }
0xb7: {  	[spmem:s1] =	stream.indirect.scatter.add.f32 [tilespmem:s23], [sflag:$0x4], $0x80, s30, s20, $0xb8;
	[tilespmem:$0x1E800] =	vst v63  }
0xb8: {  	_ =	swait.ge [sflag:s26], $0x4000  }
0xb9: {  	[sflag:s26] =	ssyncset.done $0x0  }
0xba: {  	[sflag:s26] =	ssyncadd.s32 $0xFFFFC000  }
0xbb: {  	_ =	swait.ge [sflag:s28], $0x4000  }
0xbc: {  	[sflag:s28] =	ssyncset.done $0x0  }
0xbd: {  	s0 =	simm.s32 $0x0;
	[sflag:s28] =	ssyncadd.s32 $0xFFFFC000  }
0xbe: {  	[tilespmem:s0], [sflag:$0x5] =	stream.linear.gather [hbm4b:s13+s0], $0x1400, $0x38;
	[tilespmem:$0x1E800] =	vst v63  }
0xbf: {  	_ =	swait.ge [sflag:s19], $0x1400  }
0xc0: {  	[sflag:s19] =	ssyncset.done $0x0  }
0xc1: {  	s0 =	simm.s32 $0x0;
	[sflag:s19] =	ssyncadd.s32 $0xFFFFEC00  }
0xc2: {  	v2 =	vld [tilespmem:s0+$0x70]  }
0xc3: {  	v6 =	vld [tilespmem:s0+$0x0]  }
0xc4: {  	v7 =	vld [tilespmem:s0+$0x10]  }
0xc5: {  	v5 =	vld [tilespmem:s0+$0x20]  }
0xc6: {  	v4 =	vld [tilespmem:s0+$0x30]  }
0xc7: {  	v1 =	vld [tilespmem:s0+$0x40];
	v8 =	vmul.u32 $0x2710, v2  }
0xc8: {  	v2 =	vld [tilespmem:s0+$0x50];
	v6 =	vmul.u32 $0x2710, v6  }
0xc9: {  	s31 =	simm.s32 $0x80;
	s2 =	simm.s32 $0x400;
	v3 =	vld [tilespmem:s0+$0x60];
	v7 =	vmul.u32 $0x2710, v7;
	[tilespmem:s0+$0x1470] =	vst v8  }
.LBB2_10:
0xca: {  	p0 =	sne.s32 s2, $0x4E00;
	v8 =	vld [tilespmem:s31+$0x70];
	[tilespmem:s0+$0x1400] =	vst v6;
	v5 =	vmul.u32 $0x2710, v5  }
0xcb: {  	v6 =	vld [tilespmem:s31+$0x0];
	[tilespmem:s0+$0x1410] =	vst v7;
	v4 =	vmul.u32 $0x2710, v4  }
0xcc: {  	v7 =	vld [tilespmem:s31+$0x10];
	[tilespmem:s0+$0x1420] =	vst v5;
	v1 =	vmul.u32 $0x2710, v1  }
.Ltmp4:
0xcd: {  	v5 =	vld [tilespmem:s31+$0x20];
	[tilespmem:s0+$0x1430] =	vst v4;
	v2 =	vmul.u32 $0x2710, v2;
	(pc) =	sbr.rel @p0 .LBB2_10-.Ltmp4, $4  }
0xce: {  	v4 =	vld [tilespmem:s31+$0x30];
	[tilespmem:s0+$0x1440] =	vst v1;
	v3 =	vmul.u32 $0x2710, v3  }
0xcf: {  	v1 =	vld [tilespmem:s31+$0x40];
	v8 =	vmul.u32 $0x2710, v8;
	[tilespmem:s0+$0x1450] =	vst v2  }
0xd0: {  	v6 =	vmul.u32 $0x2710, v6;
	v2 =	vld [tilespmem:s31+$0x50];
	[tilespmem:s0+$0x1460] =	vst v3;
	s0 =	smov.u32 s31  }
0xd1: {  	s31 =	sshra.s32 s2, $0x2;
	s2 =	sadd.s32 $0x200, s2;
	v7 =	vmul.u32 $0x2710, v7;
	v3 =	vld [tilespmem:s0+$0x60];
	[tilespmem:s0+$0x1470] =	vst v8  }
0xd2: {  	v8 =	vld [tilespmem:s31+$0x70];
	[tilespmem:s0+$0x1400] =	vst v6;
	v5 =	vmul.u32 $0x2710, v5  }
0xd3: {  	v6 =	vld [tilespmem:s31+$0x0];
	[tilespmem:s0+$0x1410] =	vst v7;
	v4 =	vmul.u32 $0x2710, v4  }
0xd4: {  	v7 =	vld [tilespmem:s31+$0x10];
	[tilespmem:s0+$0x1420] =	vst v5;
	v1 =	vmul.u32 $0x2710, v1  }
0xd5: {  	v5 =	vld [tilespmem:s31+$0x20];
	[tilespmem:s0+$0x1430] =	vst v4;
	v2 =	vmul.u32 $0x2710, v2  }
0xd6: {  	v4 =	vld [tilespmem:s31+$0x30];
	[tilespmem:s0+$0x1440] =	vst v1;
	v3 =	vmul.u32 $0x2710, v3  }
0xd7: {  	v1 =	vld [tilespmem:s31+$0x40];
	[tilespmem:s0+$0x1450] =	vst v2;
	v8 =	vmul.u32 $0x2710, v8  }
0xd8: {  	v2 =	vld [tilespmem:s31+$0x50];
	[tilespmem:s0+$0x1460] =	vst v3;
	v3 =	vmul.u32 $0x2710, v6  }
0xd9: {  	v6 =	vld [tilespmem:s31+$0x60];
	v7 =	vmul.u32 $0x2710, v7;
	[tilespmem:s31+$0x1470] =	vst v8  }
0xda: {  	[tilespmem:s31+$0x1400] =	vst v3;
	v3 =	vmul.u32 $0x2710, v5  }
0xdb: {  	[tilespmem:s31+$0x1410] =	vst v7;
	v4 =	vmul.u32 $0x2710, v4  }
0xdc: {  	[tilespmem:s31+$0x1420] =	vst v3;
	v1 =	vmul.u32 $0x2710, v1  }
0xdd: {  	[tilespmem:s31+$0x1430] =	vst v4;
	v2 =	vmul.u32 $0x2710, v2  }
0xde: {  	[tilespmem:s31+$0x1440] =	vst v1;
	v1 =	vmul.u32 $0x2710, v6  }
0xdf: {  	[tilespmem:s31+$0x1450] =	vst v2  }
0xe0: {  	s2 =	simm.s32 $0x0;
	[tilespmem:s31+$0x1460] =	vst v1  }
0xe1: {  	[tilespmem:s2], [sflag:$0x5] =	stream.linear.gather [hbm4b:s14+s2], $0x1400, $0x38;
	[tilespmem:$0x1E800] =	vst v63  }
0xe2: {  	_ =	swait.ge [sflag:s19], $0x1400  }
0xe3: {  	[sflag:s19] =	ssyncset.done $0x0  }
0xe4: {  	s31 =	simm.s32 $0x0;
	[sflag:s19] =	ssyncadd.s32 $0xFFFFEC00  }
0xe5: {  	v7 =	vld [tilespmem:s31+$0x0]  }
0xe6: {  	v9 =	vld [tilespmem:s31+$0x10]  }
0xe7: {  	v6 =	vld [tilespmem:s31+$0x20]  }
0xe8: {  	v5 =	vld [tilespmem:s31+$0x30]  }
0xe9: {  	v4 =	vld [tilespmem:s31+$0x40]  }
0xea: {  	v3 =	vld [tilespmem:s31+$0x50]  }
0xeb: {  	v2 =	vld [tilespmem:s31+$0x60]  }
0xec: {  	v1 =	vld [tilespmem:s31+$0x70]  }
0xed: {  	v12 =	vld [tilespmem:s31+$0x1400]  }
0xee: {  	v13 =	vld [tilespmem:s31+$0x1410]  }
0xef: {  	v11 =	vld [tilespmem:s31+$0x1420]  }
0xf0: {  	v10 =	vld [tilespmem:s31+$0x1430]  }
0xf1: {  	v8 =	vld [tilespmem:s31+$0x1440]  }
0xf2: {  	v12 =	vadd.s32 v12, v7;
	v7 =	vld [tilespmem:s31+$0x1450]  }
0xf3: {  	s0 =	simm.s32 $0x200;
	[tilespmem:s31+$0x1400] =	vst v12;
	v12 =	vadd.s32 v13, v9;
	v9 =	vld [tilespmem:s31+$0x1460]  }
.LBB2_12:
0xf4: {  	s2 =	sshra.s32 s0, $0x2;
	p0 =	sne.s32 s0, $0x4E00;
	[tilespmem:s31+$0x1410] =	vst v12;
	v6 =	vadd.s32 v11, v6;
	v11 =	vld [tilespmem:s31+$0x1470]  }
0xf5: {  	v12 =	vld [tilespmem:s2+$0x0];
	[tilespmem:s31+$0x1420] =	vst v6;
	v5 =	vadd.s32 v10, v5  }
0xf6: {  	v13 =	vld [tilespmem:s2+$0x10];
	[tilespmem:s31+$0x1430] =	vst v5;
	v4 =	vadd.s32 v8, v4  }
0xf7: {  	v6 =	vld [tilespmem:s2+$0x20];
	[tilespmem:s31+$0x1440] =	vst v4;
	v3 =	vadd.s32 v7, v3  }
0xf8: {  	v5 =	vld [tilespmem:s2+$0x30];
	[tilespmem:s31+$0x1450] =	vst v3;
	v2 =	vadd.s32 v9, v2  }
0xf9: {  	v4 =	vld [tilespmem:s2+$0x40];
	[tilespmem:s31+$0x1460] =	vst v2;
	v1 =	vadd.s32 v11, v1  }
0xfa: {  	v3 =	vld [tilespmem:s2+$0x50];
	[tilespmem:s31+$0x1470] =	vst v1;
	s31 =	smov.u32 s2  }
0xfb: {  	v2 =	vld [tilespmem:s31+$0x60]  }
0xfc: {  	v1 =	vld [tilespmem:s31+$0x70]  }
0xfd: {  	v7 =	vld [tilespmem:s31+$0x1400]  }
0xfe: {  	v9 =	vld [tilespmem:s31+$0x1410]  }
.Ltmp5:
0xff: {  	v11 =	vld [tilespmem:s31+$0x1420];
	(pc) =	sbr.rel @p0 .LBB2_12-.Ltmp5, $4  }
0x100: {  	v10 =	vld [tilespmem:s31+$0x1430]  }
0x101: {  	v8 =	vld [tilespmem:s31+$0x1440]  }
0x102: {  	v12 =	vadd.s32 v7, v12;
	v7 =	vld [tilespmem:s31+$0x1450]  }
0x103: {  	s0 =	sadd.s32 $0x200, s0;
	[tilespmem:s31+$0x1400] =	vst v12;
	v12 =	vadd.s32 v9, v13;
	v9 =	vld [tilespmem:s31+$0x1460]  }
0x104: {  	[tilespmem:s31+$0x1410] =	vst v12;
	v6 =	vadd.s32 v11, v6;
	v63 =	vld [tilespmem:s31+$0x1470]  }
0x105: {  	[tilespmem:s31+$0x1420] =	vst v6;
	v5 =	vadd.s32 v10, v5  }
0x106: {  	[tilespmem:s31+$0x1430] =	vst v5;
	v4 =	vadd.s32 v8, v4  }
0x107: {  	[tilespmem:s31+$0x1440] =	vst v4;
	v3 =	vadd.s32 v7, v3  }
0x108: {  	[tilespmem:s31+$0x1450] =	vst v3;
	v2 =	vadd.s32 v9, v2  }
0x109: {  	[tilespmem:s31+$0x1460] =	vst v2;
	v1 =	vadd.s32 v63, v1  }
0x10a: {  	s0 =	simm.s32 $0x0;
	[tilespmem:s31+$0x1470] =	vst v1  }
0x10b: {  	[tilespmem:s0], [sflag:$0x5] =	stream.linear.gather [hbm4b:s15+s0], $0x1400, $0x38;
	[tilespmem:$0x1E800] =	vst v63  }
0x10c: {  	_ =	swait.ge [sflag:s19], $0x1400  }
0x10d: {  	[sflag:s19] =	ssyncset.done $0x0  }
0x10e: {  	[sflag:s19] =	ssyncadd.s32 $0xFFFFEC00  }
0x10f: {  	[tilespmem:s18], [sflag:$0x1] =	stream.indirect.gather [hbm4b:s4+s20], $0x80, s21, s20, $0xb8;
	[tilespmem:$0x1E800] =	vst v63  }
0x110: {  	_ = 	snop  }
0x111: {  	[tilespmem:s23], [sflag:$0x2] =	stream.indirect.gather [hbm4b:s4+s20], $0x80, s22, s20, $0xb8;
	[tilespmem:$0x1E800] =	vst v63  }
0x112: {  	_ =	swait.ge [sflag:s24], $0x4000  }
0x113: {  	[sflag:s24] =	ssyncset.done $0x0  }
0x114: {  	s31 =	simm.s32 $0x0;
	[sflag:s24] =	ssyncadd.s32 $0xFFFFC000  }
0x115: {  	[spmem:s1] =	stream.indirect.scatter.add.f32 [tilespmem:s18], [sflag:$0x3], $0x80, s31, s20, $0xb8;
	[tilespmem:$0x1E800] =	vst v63  }
0x116: {  	_ =	swait.ge [sflag:s25], $0x4000  }
0x117: {  	[sflag:s25] =	ssyncset.done $0x0  }
0x118: {  	s2 =	simm.s32 $0x80;
	[sflag:s25] =	ssyncadd.s32 $0xFFFFC000  }
0x119: {  	[spmem:s1] =	stream.indirect.scatter.add.f32 [tilespmem:s23], [sflag:$0x4], $0x80, s2, s20, $0xb8;
	[tilespmem:$0x1E800] =	vst v63  }
0x11a: {  	_ =	swait.ge [sflag:s26], $0x4000  }
0x11b: {  	[sflag:s26] =	ssyncset.done $0x0  }
0x11c: {  	s31 =	simm.s32 $0x1500;
	[sflag:s26] =	ssyncadd.s32 $0xFFFFC000  }
0x11d: {  	[tilespmem:s18], [sflag:$0x1] =	stream.indirect.gather [hbm4b:s4+s20], $0x80, s31, s20, $0xb8;
	[tilespmem:$0x1E800] =	vst v63  }
0x11e: {  	_ =	swait.ge [sflag:s28], $0x4000  }
0x11f: {  	[sflag:s28] =	ssyncset.done $0x0  }
0x120: {  	s0 =	simm.s32 $0x400;
	s2 =	simm.s32 $0x1580;
	[sflag:s28] =	ssyncadd.s32 $0xFFFFC000  }
.LBB2_14:
0x121: {  	[tilespmem:s23], [sflag:$0x2] =	stream.indirect.gather [hbm4b:s4+s20], $0x80, s2, s20, $0xb8;
	[tilespmem:$0x1E800] =	vst v63  }
0x122: {  	s2 =	smov.u32 s0  }
0x123: {  	p0 =	sne.s32 s0, $0x4800;
	s0 =	sadd.s32 $0x400, s0;
	_ =	swait.ge [sflag:s24], $0x4000  }
0x124: {  	[sflag:s24] =	ssyncset.done $0x0  }
0x125: {  	s2 =	sshra.s32 s2, $0x2;
	[sflag:s24] =	ssyncadd.s32 $0xFFFFC000  }
0x126: {  	[spmem:s1] =	stream.indirect.scatter.add.f32 [tilespmem:s18], [sflag:$0x3], $0x80, s2, s20, $0xb8;
	[tilespmem:$0x1E800] =	vst v63  }
0x127: {  	_ =	swait.ge [sflag:s25], $0x4000  }
0x128: {  	[sflag:s25] =	ssyncset.done $0x0  }
0x129: {  	s31 =	sadd.s32 $0x80, s2;
	[sflag:s25] =	ssyncadd.s32 $0xFFFFC000  }
0x12a: {  	[spmem:s1] =	stream.indirect.scatter.add.f32 [tilespmem:s23], [sflag:$0x4], $0x80, s31, s20, $0xb8;
	[tilespmem:$0x1E800] =	vst v63  }
0x12b: {  	_ =	swait.ge [sflag:s26], $0x4000  }
0x12c: {  	[sflag:s26] =	ssyncset.done $0x0  }
.Ltmp6:
0x12d: {  	s31 =	sadd.s32 $0x1500, s2;
	[sflag:s26] =	ssyncadd.s32 $0xFFFFC000;
	(pc) =	sbr.rel @p0 .LBB2_14-.Ltmp6, $4  }
0x12e: {  	[tilespmem:s18], [sflag:$0x1] =	stream.indirect.gather [hbm4b:s4+s20], $0x80, s31, s20, $0xb8;
	[tilespmem:$0x1E800] =	vst v63  }
0x12f: {  	_ =	swait.ge [sflag:s28], $0x4000  }
0x130: {  	[sflag:s28] =	ssyncset.done $0x0  }
0x131: {  	s2 =	sadd.s32 $0x1580, s2;
	[sflag:s28] =	ssyncadd.s32 $0xFFFFC000  }
0x132: {  	[tilespmem:s23], [sflag:$0x2] =	stream.indirect.gather [hbm4b:s4+s20], $0x80, s2, s20, $0xb8;
	[tilespmem:$0x1E800] =	vst v63  }
0x133: {  	_ =	swait.ge [sflag:s24], $0x4000  }
0x134: {  	[sflag:s24] =	ssyncset.done $0x0  }
0x135: {  	[sflag:s24] =	ssyncadd.s32 $0xFFFFC000  }
0x136: {  	[spmem:s1] =	stream.indirect.scatter.add.f32 [tilespmem:s18], [sflag:$0x3], $0x80, s29, s20, $0xb8;
	[tilespmem:$0x1E800] =	vst v63  }
0x137: {  	_ =	swait.ge [sflag:s25], $0x4000  }
0x138: {  	[sflag:s25] =	ssyncset.done $0x0  }
0x139: {  	[sflag:s25] =	ssyncadd.s32 $0xFFFFC000  }
0x13a: {  	[spmem:s1] =	stream.indirect.scatter.add.f32 [tilespmem:s23], [sflag:$0x4], $0x80, s30, s20, $0xb8;
	[tilespmem:$0x1E800] =	vst v63  }
0x13b: {  	_ =	swait.ge [sflag:s26], $0x4000  }
0x13c: {  	[sflag:s26] =	ssyncset.done $0x0  }
0x13d: {  	[sflag:s26] =	ssyncadd.s32 $0xFFFFC000  }
0x13e: {  	s0 =	stileid.u32;
	_ =	swait.ge [sflag:s28], $0x4000  }
0x13f: {  	s31 =	sshrl.u32 s5, $0x3;
	s3 =	sadd.s32 $0x1, s3;
	[sflag:s28] =	ssyncset.done $0x0  }
0x140: {  	s0 =	sshll.u32 s0, $0x6;
	p0 =	sne.s32 s3, s17;
	[sflag:s28] =	ssyncadd.s32 $0xFFFFC000  }
.Ltmp7:
0x141: {  	s0 =	sor.u32 $0x1C05, s0;
	[bflag:$0x0] =	sbarrier.arrive $0xFFFF;
	(pc) =	sbr.rel @p0 .LBB2_1-.Ltmp7, $4  }
0x142: {  	[hbm:s16], [sflag:s0] =	dma.local [spmem:s31], $0x2800  }
0x143: {  	_ =	swait.ge [sflag:s19], $0x2800  }
0x144: {  	[sflag:s19] =	ssyncset.done $0x0  }
0x145: {  	[sflag:s19] =	ssyncadd.s32 $0xFFFFD800  }
0x146: {  	_ =	sfence.sel $0x180000  }
0x147: {  	[bflag:$0x0] =	sbarrier.arrive $0xFFFF  }
0x148: {  	_ =	strace $0x9000004A  }
0x149: {  	s0 =	stileid.u32;
	[bflag:$0x2] =	sbarrier.arrive $0xFFFF  }
0x14a: {  	p0 =	sne.s32 s0, $0x0;
	s0 =	rddreg [dreg:$0x3]  }
0x14b: {  	s0 =	sadd.s32 @!p0 $0x100000, s0  }
0x14c: {  	[sflag:s0] =	ssyncadd.tile.s32 @!p0 $0x1;
	_ =	shalt  }
.Lfunc_end2:
_tile_overlayer_lowered:
.L_overlay_start_2:
0x14d: {  	(tag) =	ssettag $0x2  }
0x14e: {  	s0 =	rddreg [dreg:$0x0];
	s2 =	stileid.u32  }
0x14f: {  	s1 =	rddreg [dreg:$0x1];
	p0 =	sne.s32 s2, $0x0  }
0x150: {  	s3 =	rddreg [dreg:$0x2];
	[bflag:$0x3] =	sbarrier.arrive $0xFFFF;
	s2 =	simm.s32 @!p0 $0x1C05  }
0x151: {  	[timem:s3], [sflag:s2] =	dma.local @!p0 [hbm:s0], s1  }
0x152: {  	s0 =	simm.s32 @!p0 $0x5  }
0x153: {  	_ =	swait.ge @!p0 [sflag:s0], s1  }
0x154: {  	s1 =	ssub.s32 @!p0 $0x0, s1;
	[sflag:s0] =	ssyncset.done @!p0 $0x0  }
0x155: {  	[sflag:s0] =	ssyncadd.s32 @!p0 s1  }
0x156: {  	[bflag:$0x3] =	sbarrier.arrive $0xFFFF  }
0x157: {  	_ =	shalt  }

// kernel: kernel.17.cloned.1.call-start
scs
__scs_entry_jumppad:
0x0: {  	(pc) =	sbr.rel $0x88, $3  }
0x1: {  	(tag) =	ssettag $0x0;
	lr =	simm.s32 $0x1  }
0x2: {  	[smem:$0x3F96] =	sst lr;
	_ =	strace $0xD0000000  }
0x3: {  	_ = 	snop  }
0x4: {  	_ = 	snop  }
0x5: {  	_ = 	snop  }
0x6: {  	_ = 	snop  }
0x7: {  	_ = 	snop  }
__scs_overlays_trampoline_lowered:
0x8: {  	[smem:$0x3FA5] =	sst s0  }
0x9: {  	[smem:$0x3FA6] =	sst s1  }
0xa: {  	[smem:$0x3FA7] =	sst s2  }
0xb: {  	[smem:$0x3FA8] =	sst s3  }
0xc: {  	[smem:$0x3FA9] =	sst s4  }
0xd: {  	[smem:$0x3FAA] =	sst s5  }
0xe: {  	[smem:$0x3FAB] =	sst s6  }
0xf: {  	[smem:$0x3FAC] =	sst s7  }
0x10: {  	[smem:$0x3FAD] =	sst s8  }
0x11: {  	[smem:$0x3FAE] =	sst s9;
	s0 =	simm.s32 @!p0 $0x0  }
0x12: {  	s1 =	sld [smem:$0x3F94];
	s0 =	simm.s32 @p0 $0x1  }
0x13: {  	[smem:$0x3FAF] =	sst s0;
	s0 =	simm.s32 @!p1 $0x0  }
0x14: {  	s2 =	sld [smem:$0x3F93];
	s0 =	simm.s32 @p1 $0x1  }
0x15: {  	[smem:$0x3FB0] =	sst s0;
	s0 =	simm.s32 @!p2 $0x0  }
0x16: {  	s3 =	sld [smem:$0x3FDB];
	s0 =	simm.s32 @p2 $0x1  }
0x17: {  	s4 =	simm.s32 $0x1BF5;
	[smem:$0x3FB2] =	sst s0  }
0x18: {  	s0 =	sld [smem:$0x3F95];
	_ =	swait.ge [sflag:s4], $0x0  }
0x19: {  	s7 =	sld [smem:$0x3F96]  }
0x1a: {  	s8 =	sadd.s32 $0xFFFFE003, lr  }
0x1b: {  	s9 =	sadd.s32 $0xFFFFFEF7, lr;
	s5 =	simm.s32 $0xFFFFFFFF;
	p2 =	slt.u32 s8, $0xFFFFF086  }
0x1c: {  	p1 =	slt.u32 s9, $0xF7A;
	s5 =	simm.s32 @!p2 $0x0  }
0x1d: {  	s5 =	simm.s32 @p1 $0x1;
	p0 =	seq.s32 s7, s2  }
0x1e: {  	s7 =	smul.u32 @!p0 $0xF7A, s2;
	p2 =	seq.s32 @!p0 s5, $0x0  }
0x1f: {  	s9 =	smul.u32 $0xF7A, s1;
	s8 =	simm.s32 @!p0 $0x1BF5;
	p2 =	por !p2, p0  }
0x20: {  	[sflag:s8] =	ssyncset.s32 @!p0 $0xFFFFF086;
	s6 =	sadd.s32 @!p0 s3, s7;
	s7 =	simm.s32 @!p0 $0x108  }
0x21: {  	s3 =	sadd.s32 s3, s9;
	s6 =	sadd.s32 @!p0 $0x88, s6;
	s7 =	simm.s32 @p2 $0x1082  }
0x22: {  	[simem:s7], [sflag:s8] =	dma.local @!p0 [hbm:s6], $0xF7A  }
0x23: {  	s9 =	sor.u32 $0xD0000000, s2;
	s6 =	simm.s32 $0x108;
	_ =	swait.ge @!p0 [sflag:s8], $0x0  }
0x24: {  	s3 =	sadd.s32 $0x88, s3;
	s6 =	simm.s32 @!p1 $0x1082;
	[sflag:s4] =	ssyncset.s32 $0xFFFFF086  }
0x25: {  	[simem:s6], [sflag:s4] =	dma.local [hbm:s3], $0xF7A  }
0x26: {  	[smem:$0x3F96] =	sst s1;
	(tag) =	ssettag s2;
	_ =	strace s9  }
0x27: {  	s1 =	sld [smem:$0x3FA6]  }
0x28: {  	s2 =	sld [smem:$0x3FA7]  }
0x29: {  	s4 =	sld [smem:$0x3FA9]  }
0x2a: {  	p0 =	seq.s32 s5, $0x0;
	s5 =	sld [smem:$0x3FAA]  }
0x2b: {  	s6 =	sld [smem:$0x3FAB]  }
0x2c: {  	s7 =	sld [smem:$0x3FAC]  }
0x2d: {  	s3 =	simm.s32 $0x108;
	s8 =	sld [smem:$0x3FAD]  }
0x2e: {  	s3 =	simm.s32 @!p0 $0x1082;
	s9 =	sld [smem:$0x3FAE]  }
0x2f: {  	lr =	sadd.s32 s0, s3;
	s0 =	sld [smem:$0x3FA5]  }
0x30: {  	s3 =	sld [smem:$0x3FA8]  }
0x31: {  	[smem:$0x3FB1] =	sst s10  }
0x32: {  	s10 =	sld [smem:$0x3FAF];
	_ =	sdelay $0x3  }
0x33: {  	p0 =	seq.s32 s10, $0x1;
	s10 =	sld [smem:$0x3FB1];
	_ =	sdelay $0x3  }
0x34: {  	[smem:$0x3FB1] =	sst s10  }
0x35: {  	s10 =	sld [smem:$0x3FB0];
	_ =	sdelay $0x3  }
0x36: {  	p1 =	seq.s32 s10, $0x1;
	s10 =	sld [smem:$0x3FB1];
	_ =	sdelay $0x3  }
0x37: {  	[smem:$0x3FB1] =	sst s10  }
0x38: {  	s10 =	sld [smem:$0x3FB2]  }
0x39: {  	_ = 	snop;
	(pc) =	sbr.ind lr, $3  }
0x3a: {  	_ = 	snop  }
0x3b: {  	_ = 	snop  }
0x3c: {  	p2 =	seq.s32 s10, $0x1;
	s10 =	sld [smem:$0x3FB1]  }
0x3d: {  	_ =	shalt  }
0x3e: {  	_ =	shalt  }
0x3f: {  	_ =	shalt  }
0x40: {  	_ =	shalt  }
0x41: {  	_ =	shalt  }
0x42: {  	_ =	shalt  }
0x43: {  	_ =	shalt  }
0x44: {  	_ =	shalt  }
0x45: {  	_ =	shalt  }
0x46: {  	_ =	shalt  }
0x47: {  	_ =	shalt  }
0x48: {  	_ =	shalt  }
0x49: {  	_ =	shalt  }
0x4a: {  	_ =	shalt  }
0x4b: {  	_ =	shalt  }
0x4c: {  	_ =	shalt  }
0x4d: {  	_ =	shalt  }
0x4e: {  	_ =	shalt  }
0x4f: {  	_ =	shalt  }
0x50: {  	_ =	shalt  }
0x51: {  	_ =	shalt  }
0x52: {  	_ =	shalt  }
0x53: {  	_ =	shalt  }
0x54: {  	_ =	shalt  }
0x55: {  	_ =	shalt  }
0x56: {  	_ =	shalt  }
0x57: {  	_ =	shalt  }
0x58: {  	_ =	shalt  }
0x59: {  	_ =	shalt  }
0x5a: {  	_ =	shalt  }
0x5b: {  	_ =	shalt  }
0x5c: {  	_ =	shalt  }
0x5d: {  	_ =	shalt  }
0x5e: {  	_ =	shalt  }
0x5f: {  	_ =	shalt  }
0x60: {  	_ =	shalt  }
0x61: {  	_ =	shalt  }
0x62: {  	_ =	shalt  }
0x63: {  	_ =	shalt  }
0x64: {  	_ =	shalt  }
0x65: {  	_ =	shalt  }
0x66: {  	_ =	shalt  }
0x67: {  	_ =	shalt  }
0x68: {  	_ =	shalt  }
0x69: {  	_ =	shalt  }
0x6a: {  	_ =	shalt  }
0x6b: {  	_ =	shalt  }
0x6c: {  	_ =	shalt  }
0x6d: {  	_ =	shalt  }
0x6e: {  	_ =	shalt  }
0x6f: {  	_ =	shalt  }
0x70: {  	_ =	shalt  }
0x71: {  	_ =	shalt  }
0x72: {  	_ =	shalt  }
0x73: {  	_ =	shalt  }
0x74: {  	_ =	shalt  }
0x75: {  	_ =	shalt  }
0x76: {  	_ =	shalt  }
0x77: {  	_ =	shalt  }
0x78: {  	_ =	shalt  }
0x79: {  	_ =	shalt  }
0x7a: {  	_ =	shalt  }
0x7b: {  	_ =	shalt  }
0x7c: {  	_ =	shalt  }
0x7d: {  	_ =	shalt  }
0x7e: {  	_ =	shalt  }
0x7f: {  	_ =	shalt  }
0x80: {  	_ =	shalt  }
0x81: {  	_ =	shalt  }
0x82: {  	_ =	shalt  }
0x83: {  	_ =	shalt  }
0x84: {  	_ =	shalt  }
0x85: {  	_ =	shalt  }
0x86: {  	_ =	shalt  }
0x87: {  	_ =	shalt  }
.Lfunc_end0:
.L_simem_size_0:
called_computation.2_lowered:
.L_overlay_start_0:
0x88: {  	s2 =	sld [smem:$0x3FD9]  }
0x89: {  	s3 =	sld [smem:$0x3FFE];
	_ =	sdelay $0x1  }
0x8a: {  	s1 =	srdreg.scid  }
0x8b: {  	s0 =	sand.u32 $0x1, s1  }
0x8c: {  	s17 =	sshll.u32 s0, $0xA;
	s2 =	sadd.s32 s3, s2  }
0x8d: {  	s2 =	sadd.s32 s2, s17  }
0x8e: {  	[smem:$0x3FBD] =	sst s2  }
0x8f: {  	_ = 	snop  }
0x90: {  	s2 =	sld [smem:$0x3FD0];
	(tm) =	ssettm $0x1  }
0x91: {  	s18 =	sld [smem:$0x3FFB];
	_ =	sdelay $0x3  }
0x92: {  	_ =	strace s18  }
0x93: {  	s3 =	sld [smem:$0x3FFC];
	_ =	sdelay $0x3  }
0x94: {  	_ =	strace s3  }
0x95: {  	s3 =	sld [smem:$0x3FFD];
	_ =	sdelay $0x3  }
0x96: {  	_ =	strace s3  }
0x97: {  	_ =	strace $0x8FFFFFFF  }
0x98: {  	s19 =	sld [smem:$0x3FDB];
	_ =	sdelay $0x1  }
0x99: {  	s4 =	simm.s32 $_scs_section_size  }
0x9a: {  	s5 =	simm.s32 $_size__tile_overlayer_lowered;
	s6 =	simm.s32 $_tile_overlayer_lowered  }
0x9b: {  	s22 =	simm.s32 $0x1BFF;
	s21 =	sshll.u32 s6, $0x1;
	s3 =	sadd.s32 s4, s19  }
0x9c: {  	s7 =	simm.s32 $0x0;
	s20 =	sshll.u32 s5, $0x1;
	s5 =	sadd.s32 s21, s3  }
0x9d: {  	[timem:s7], [sflag:s22] =	dma.local [hbm:s5], s20  }
0x9e: {  	_ =	swait.ge [sflag:s22], s20  }
0x9f: {  	s4 =	ssub.s32 $0x0, s20;
	[sflag:s22] =	ssyncset.done $0x0  }
0xa0: {  	[sflag:s22] =	ssyncadd.s32 s4;
	_ =	sdelay $0x1  }
0xa1: {  	s23 =	simm.s32 $0x1B8B  }
0xa2: {  	_ =	swait.ge [sflag:s23], $0x1  }
0xa3: {  	[sflag:s23] =	ssyncset.done $0x0  }
0xa4: {  	s25 =	simm.s32 $0x1B8E;
	s24 =	sld [smem:$0x3FFE];
	[sflag:s23] =	ssyncadd.s32 $0xFFFFFFFF  }
0xa5: {  	s26 =	simm.s32 $execute0_lowered;
	[smem:$0x3FD2] =	sst s25  }
0xa6: {  	s5 =	sshll.u32 s26, $0x1;
	_ =	strace $0x8000004C;
	[dreg:$0x1] =	wrdreg $0xFFFFFFFF  }
0xa7: {  	s28 =	simm.s32 $_size_execute0_lowered;
	s3 =	sadd.s32 s3, s5;
	[dreg:$0x0] =	wrdreg $0x0  }
0xa8: {  	s5 =	sshll.u32 s28, $0x1;
	[dreg:$0x2] =	wrdreg s3  }
0xa9: {  	[dreg:$0x3] =	wrdreg s5  }
0xaa: {  	[dreg:$0x4] =	wrdreg $0xC0  }
0xab: {  	_ =	task [dreg:s7], $0x5FFFF  }
0xac: {  	[dreg:$0x1] =	wrdreg $0xFFFFFFFF  }
0xad: {  	[dreg:$0x0] =	wrdreg $0x60  }
0xae: {  	[dreg:$0x2] =	wrdreg s2  }
0xaf: {  	[dreg:$0x3] =	wrdreg s24  }
0xb0: {  	[dreg:$0x4] =	wrdreg $0xA8000  }
0xb1: {  	[dreg:$0x5] =	wrdreg $0x9  }
0xb2: {  	_ =	task.clear_ibuf [dreg:s7], $0x6FFFF;
	_ =	strace $0x9000004C  }
0xb3: {  	s29 =	simm.s32 $0x9;
	_ =	strace $0x8000004E  }
0xb4: {  	_ =	swait.ge [sflag:s29], $0x1  }
0xb5: {  	[sflag:s29] =	ssyncadd.s32 $0xFFFFFFFF  }
0xb6: {  	_ =	strace $0x9000004E  }
0xb7: {  	_ =	sfence  }
0xb8: {  	s30 =	sld [smem:$0x0];
	_ =	sdelay $0x2  }
0xb9: {  	s31 =	sshll.u32 s1, $0xD;
	s1 =	sshrl.u32 s1, $0x2  }
0xba: {  	s3 =	sand.u32 $0x4000, s31;
	s1 =	sadd.s32 s1, s30  }
0xbb: {  	s0 =	sor.u32 s3, s0;
	s1 =	sshll.u32 s1, $0x11  }
0xbc: {  	s0 =	sor.u32 s1, s0  }
0xbd: {  	s0 =	sadd.s32 $0x8F2B, s0  }
0xbe: {  	[sflag:s0] =	ssyncadd.remote.s32 $0x1  }
0xbf: {  	_ =	sfence.sel $0xFFFF  }
0xc0: {  	[dreg:$0x0] =	wrdreg $0xFFFFFFFF;
	(pc) =	sbr.abs _section_cstart, $3  }
0xc1: {  	[dreg:$0x1] =	wrdreg $0xFFFFFFFF  }
0xc2: {  	_ =	task.clear_ibuf [dreg:s7], $0x2FFFF;
	_ =	strace $0x9FFFFFFF  }
0xc3: {  	(tm) =	ssettm $0x7FFFFFFF  }
tec
execute0_lowered:
.L_overlay_start_1:
0x0: {  	(tag) =	ssettag $0x1  }
0x1: {  	s0 =	rddreg [dreg:$0x0]  }
0x2: {  	s2 =	rddreg [dreg:$0x1]  }
0x3: {  	s1 =	rddreg [dreg:$0x2]  }
0x4: {  	s3 =	srdreg.scid;
	s9 =	stileid.u32  }
0x5: {  	s18 =	simm.s32 $0x2800;
	s19 =	simm.s32 $0x5;
	s20 =	simm.s32 $0x80  }
0x6: {  	s21 =	simm.s32 $0x1400;
	s22 =	simm.s32 $0x1480;
	s23 =	simm.s32 $0x6800  }
0x7: {  	s24 =	simm.s32 $0x1;
	s25 =	simm.s32 $0x2;
	s28 =	simm.s32 $0x4  }
0x8: {  	s29 =	simm.s32 $0x1300;
	s30 =	simm.s32 $0x1380;
	s6 =	smul.u32 $0x14000, s9  }
0x9: {  	s5 =	sand.u32 $0x1, s3;
	s3 =	simm.s32 $0x0;
	s7 =	smul.u32 $0x50000, s9  }
0xa: {  	s13 =	sadd.s32 $0x145600, s2;
	s15 =	sadd.s32 $0x2400, s2;
	s4 =	smul.u32 $0x140000, s5  }
0xb: {  	[smem:$0x7FF] =	sst s3;
	s26 =	ssub.s32 $0x2, s5;
	s5 =	sshll.u32 s5, $0x4  }
0xc: {  	_ =	strace $0x8000004D;
	s8 =	sshrl.u32 s26, $0x1;
	s9 =	sor.u32 s9, s5  }
0xd: {  	s31 =	sshrl.u32 s7, $0x2;
	s6 =	sadd.s32 s6, s4;
	s4 =	sadd.s32 $0xC400, s2  }
0xe: {  	s17 =	ssub.s32 s26, s8;
	s5 =	sadd.s32 s31, s1;
	s10 =	smul.u32 $0x2800, s9  }
0xf: {  	s12 =	smul.u32 $0x500, s9;
	s26 =	simm.s32 $0x3;
	s6 =	sshrl.u32 s6, $0x3  }
0x10: {  	s7 =	sadd.s32 $0x8000, s5;
	s8 =	sadd.s32 $0xC000, s5;
	s9 =	sadd.s32 $0x10000, s5  }
0x11: {  	s17 =	smax.u32 s17, $0x1;
	s2 =	sadd.s32 s6, s2;
	s14 =	sshrl.u32 s10, $0x3  }
0x12: {  	s6 =	sadd.s32 $0x4000, s5;
	s10 =	sadd.s32 s13, s12;
	s16 =	sadd.s32 $0x280, s14  }
0x13: {  	s11 =	sadd.s32 s0, s12;
	s12 =	sadd.s32 s15, s12;
	s13 =	sadd.s32 s13, s16  }
0x14: {  	v0 =	vimm.f32 $0.0e+00;
	s14 =	sadd.s32 s0, s16;
	s15 =	sadd.s32 s15, s16;
	s16 =	sadd.s32 $0x14F600, s2  }
.LBB2_1:
0x15: {  	s0 =	simm.s32 $0x0;
	s2 =	simm.s32 $0x200  }
.LBB2_2:
0x16: {  	p0 =	sne.s32 s2, $0xFE00;
	[tilespmem:s0+$0x2870] =	vst v0  }
0x17: {  	[tilespmem:s0+$0x2800] =	vst v0  }
0x18: {  	[tilespmem:s0+$0x2810] =	vst v0  }
.Ltmp0:
0x19: {  	[tilespmem:s0+$0x2820] =	vst v0;
	(pc) =	sbr.rel @p0 .LBB2_2-.Ltmp0, $4  }
0x1a: {  	[tilespmem:s0+$0x2830] =	vst v0  }
0x1b: {  	[tilespmem:s0+$0x2840] =	vst v0  }
0x1c: {  	[tilespmem:s0+$0x2850] =	vst v0  }
0x1d: {  	[tilespmem:s0+$0x2860] =	vst v0;
	s0 =	sshra.s32 s2, $0x2;
	s2 =	sadd.s32 $0x200, s2  }
0x1e: {  	[tilespmem:s0+$0x2870] =	vst v0  }
0x1f: {  	[tilespmem:s0+$0x2800] =	vst v0  }
0x20: {  	[tilespmem:s0+$0x2810] =	vst v0  }
0x21: {  	[tilespmem:s0+$0x2820] =	vst v0  }
0x22: {  	[tilespmem:s0+$0x2830] =	vst v0  }
0x23: {  	[tilespmem:s0+$0x2840] =	vst v0  }
0x24: {  	[tilespmem:s0+$0x2850] =	vst v0  }
0x25: {  	[tilespmem:s0+$0x2860] =	vst v0  }
0x26: {  	[spmem:s5] =	stream.linear.scatter [tilespmem:s18], [sflag:$0x5], $0x4000, $0x38;
	[tilespmem:$0x1E800] =	vst v63  }
0x27: {  	_ =	swait.ge [sflag:s19], $0x4000  }
0x28: {  	[sflag:s19] =	ssyncset.done $0x0  }
0x29: {  	[sflag:s19] =	ssyncadd.s32 $0xFFFFC000  }
0x2a: {  	[spmem:s6] =	stream.linear.scatter [tilespmem:s18], [sflag:$0x5], $0x4000, $0x38;
	[tilespmem:$0x1E800] =	vst v63  }
0x2b: {  	_ =	swait.ge [sflag:s19], $0x4000  }
0x2c: {  	[sflag:s19] =	ssyncset.done $0x0  }
0x2d: {  	[sflag:s19] =	ssyncadd.s32 $0xFFFFC000  }
0x2e: {  	[spmem:s7] =	stream.linear.scatter [tilespmem:s18], [sflag:$0x5], $0x4000, $0x38;
	[tilespmem:$0x1E800] =	vst v63  }
0x2f: {  	_ =	swait.ge [sflag:s19], $0x4000  }
0x30: {  	[sflag:s19] =	ssyncset.done $0x0  }
0x31: {  	[sflag:s19] =	ssyncadd.s32 $0xFFFFC000  }
0x32: {  	[spmem:s8] =	stream.linear.scatter [tilespmem:s18], [sflag:$0x5], $0x4000, $0x38;
	[tilespmem:$0x1E800] =	vst v63  }
0x33: {  	_ =	swait.ge [sflag:s19], $0x4000  }
0x34: {  	[sflag:s19] =	ssyncset.done $0x0  }
0x35: {  	[sflag:s19] =	ssyncadd.s32 $0xFFFFC000  }
0x36: {  	[spmem:s9] =	stream.linear.scatter [tilespmem:s18], [sflag:$0x5], $0x4000, $0x38;
	[tilespmem:$0x1E800] =	vst v63  }
0x37: {  	_ =	swait.ge [sflag:s19], $0x4000  }
0x38: {  	[sflag:s19] =	ssyncset.done $0x0  }
0x39: {  	[sflag:s19] =	ssyncadd.s32 $0xFFFFC000  }
0x3a: {  	s2 =	simm.s32 $0x0;
	[bflag:$0x0] =	sbarrier.arrive $0xFFFF  }
0x3b: {  	[tilespmem:s2], [sflag:$0x5] =	stream.linear.gather [hbm4b:s10+s2], $0x1400, $0x38;
	[tilespmem:$0x1E800] =	vst v63  }
0x3c: {  	_ =	swait.ge [sflag:s19], $0x1400  }
0x3d: {  	[sflag:s19] =	ssyncset.done $0x0  }
0x3e: {  	s0 =	simm.s32 $0x0;
	[sflag:s19] =	ssyncadd.s32 $0xFFFFEC00  }
0x3f: {  	v2 =	vld [tilespmem:s0+$0x70]  }
0x40: {  	v6 =	vld [tilespmem:s0+$0x0]  }
0x41: {  	v7 =	vld [tilespmem:s0+$0x10]  }
0x42: {  	v5 =	vld [tilespmem:s0+$0x20]  }
0x43: {  	v4 =	vld [tilespmem:s0+$0x30]  }
0x44: {  	v1 =	vld [tilespmem:s0+$0x40];
	v8 =	vmul.u32 $0x2710, v2  }
0x45: {  	v2 =	vld [tilespmem:s0+$0x50];
	v6 =	vmul.u32 $0x2710, v6  }
0x46: {  	s31 =	simm.s32 $0x80;
	s2 =	simm.s32 $0x400;
	v3 =	vld [tilespmem:s0+$0x60];
	v7 =	vmul.u32 $0x2710, v7;
	[tilespmem:s0+$0x1470] =	vst v8  }
.LBB2_4:
0x47: {  	p0 =	sne.s32 s2, $0x4E00;
	v8 =	vld [tilespmem:s31+$0x70];
	[tilespmem:s0+$0x1400] =	vst v6;
	v5 =	vmul.u32 $0x2710, v5  }
0x48: {  	v6 =	vld [tilespmem:s31+$0x0];
	[tilespmem:s0+$0x1410] =	vst v7;
	v4 =	vmul.u32 $0x2710, v4  }
0x49: {  	v7 =	vld [tilespmem:s31+$0x10];
	[tilespmem:s0+$0x1420] =	vst v5;
	v1 =	vmul.u32 $0x2710, v1  }
.Ltmp1:
0x4a: {  	v5 =	vld [tilespmem:s31+$0x20];
	[tilespmem:s0+$0x1430] =	vst v4;
	v2 =	vmul.u32 $0x2710, v2;
	(pc) =	sbr.rel @p0 .LBB2_4-.Ltmp1, $4  }
0x4b: {  	v4 =	vld [tilespmem:s31+$0x30];
	[tilespmem:s0+$0x1440] =	vst v1;
	v3 =	vmul.u32 $0x2710, v3  }
0x4c: {  	v1 =	vld [tilespmem:s31+$0x40];
	v8 =	vmul.u32 $0x2710, v8;
	[tilespmem:s0+$0x1450] =	vst v2  }
0x4d: {  	v6 =	vmul.u32 $0x2710, v6;
	v2 =	vld [tilespmem:s31+$0x50];
	[tilespmem:s0+$0x1460] =	vst v3;
	s0 =	smov.u32 s31  }
0x4e: {  	s31 =	sshra.s32 s2, $0x2;
	s2 =	sadd.s32 $0x200, s2;
	v7 =	vmul.u32 $0x2710, v7;
	v3 =	vld [tilespmem:s0+$0x60];
	[tilespmem:s0+$0x1470] =	vst v8  }
0x4f: {  	v8 =	vld [tilespmem:s31+$0x70];
	[tilespmem:s0+$0x1400] =	vst v6;
	v5 =	vmul.u32 $0x2710, v5  }
0x50: {  	v6 =	vld [tilespmem:s31+$0x0];
	[tilespmem:s0+$0x1410] =	vst v7;
	v4 =	vmul.u32 $0x2710, v4  }
0x51: {  	v7 =	vld [tilespmem:s31+$0x10];
	[tilespmem:s0+$0x1420] =	vst v5;
	v1 =	vmul.u32 $0x2710, v1  }
0x52: {  	v5 =	vld [tilespmem:s31+$0x20];
	[tilespmem:s0+$0x1430] =	vst v4;
	v2 =	vmul.u32 $0x2710, v2  }
0x53: {  	v4 =	vld [tilespmem:s31+$0x30];
	[tilespmem:s0+$0x1440] =	vst v1;
	v3 =	vmul.u32 $0x2710, v3  }
0x54: {  	v1 =	vld [tilespmem:s31+$0x40];
	[tilespmem:s0+$0x1450] =	vst v2;
	v8 =	vmul.u32 $0x2710, v8  }
0x55: {  	v2 =	vld [tilespmem:s31+$0x50];
	[tilespmem:s0+$0x1460] =	vst v3;
	v3 =	vmul.u32 $0x2710, v6  }
0x56: {  	v6 =	vld [tilespmem:s31+$0x60];
	v7 =	vmul.u32 $0x2710, v7;
	[tilespmem:s31+$0x1470] =	vst v8  }
0x57: {  	[tilespmem:s31+$0x1400] =	vst v3;
	v3 =	vmul.u32 $0x2710, v5  }
0x58: {  	[tilespmem:s31+$0x1410] =	vst v7;
	v4 =	vmul.u32 $0x2710, v4  }
0x59: {  	[tilespmem:s31+$0x1420] =	vst v3;
	v1 =	vmul.u32 $0x2710, v1  }
0x5a: {  	[tilespmem:s31+$0x1430] =	vst v4;
	v2 =	vmul.u32 $0x2710, v2  }
0x5b: {  	[tilespmem:s31+$0x1440] =	vst v1;
	v1 =	vmul.u32 $0x2710, v6  }
0x5c: {  	[tilespmem:s31+$0x1450] =	vst v2  }
0x5d: {  	s2 =	simm.s32 $0x0;
	[tilespmem:s31+$0x1460] =	vst v1  }
0x5e: {  	[tilespmem:s2], [sflag:$0x5] =	stream.linear.gather [hbm4b:s11+s2], $0x1400, $0x38;
	[tilespmem:$0x1E800] =	vst v63  }
0x5f: {  	_ =	swait.ge [sflag:s19], $0x1400  }
0x60: {  	[sflag:s19] =	ssyncset.done $0x0  }
0x61: {  	s31 =	simm.s32 $0x0;
	[sflag:s19] =	ssyncadd.s32 $0xFFFFEC00  }
0x62: {  	v7 =	vld [tilespmem:s31+$0x0]  }
0x63: {  	v9 =	vld [tilespmem:s31+$0x10]  }
0x64: {  	v6 =	vld [tilespmem:s31+$0x20]  }
0x65: {  	v5 =	vld [tilespmem:s31+$0x30]  }
0x66: {  	v4 =	vld [tilespmem:s31+$0x40]  }
0x67: {  	v3 =	vld [tilespmem:s31+$0x50]  }
0x68: {  	v2 =	vld [tilespmem:s31+$0x60]  }
0x69: {  	v1 =	vld [tilespmem:s31+$0x70]  }
0x6a: {  	v12 =	vld [tilespmem:s31+$0x1400]  }
0x6b: {  	v13 =	vld [tilespmem:s31+$0x1410]  }
0x6c: {  	v11 =	vld [tilespmem:s31+$0x1420]  }
0x6d: {  	v10 =	vld [tilespmem:s31+$0x1430]  }
0x6e: {  	v8 =	vld [tilespmem:s31+$0x1440]  }
0x6f: {  	v12 =	vadd.s32 v12, v7;
	v7 =	vld [tilespmem:s31+$0x1450]  }
0x70: {  	s0 =	simm.s32 $0x200;
	[tilespmem:s31+$0x1400] =	vst v12;
	v12 =	vadd.s32 v13, v9;
	v9 =	vld [tilespmem:s31+$0x1460]  }
.LBB2_6:
0x71: {  	s2 =	sshra.s32 s0, $0x2;
	p0 =	sne.s32 s0, $0x4E00;
	[tilespmem:s31+$0x1410] =	vst v12;
	v6 =	vadd.s32 v11, v6;
	v11 =	vld [tilespmem:s31+$0x1470]  }
0x72: {  	v12 =	vld [tilespmem:s2+$0x0];
	[tilespmem:s31+$0x1420] =	vst v6;
	v5 =	vadd.s32 v10, v5  }
0x73: {  	v13 =	vld [tilespmem:s2+$0x10];
	[tilespmem:s31+$0x1430] =	vst v5;
	v4 =	vadd.s32 v8, v4  }
0x74: {  	v6 =	vld [tilespmem:s2+$0x20];
	[tilespmem:s31+$0x1440] =	vst v4;
	v3 =	vadd.s32 v7, v3  }
0x75: {  	v5 =	vld [tilespmem:s2+$0x30];
	[tilespmem:s31+$0x1450] =	vst v3;
	v2 =	vadd.s32 v9, v2  }
0x76: {  	v4 =	vld [tilespmem:s2+$0x40];
	[tilespmem:s31+$0x1460] =	vst v2;
	v1 =	vadd.s32 v11, v1  }
0x77: {  	v3 =	vld [tilespmem:s2+$0x50];
	[tilespmem:s31+$0x1470] =	vst v1;
	s31 =	smov.u32 s2  }
0x78: {  	v2 =	vld [tilespmem:s31+$0x60]  }
0x79: {  	v1 =	vld [tilespmem:s31+$0x70]  }
0x7a: {  	v7 =	vld [tilespmem:s31+$0x1400]  }
0x7b: {  	v9 =	vld [tilespmem:s31+$0x1410]  }
.Ltmp2:
0x7c: {  	v11 =	vld [tilespmem:s31+$0x1420];
	(pc) =	sbr.rel @p0 .LBB2_6-.Ltmp2, $4  }
0x7d: {  	v10 =	vld [tilespmem:s31+$0x1430]  }
0x7e: {  	v8 =	vld [tilespmem:s31+$0x1440]  }
0x7f: {  	v12 =	vadd.s32 v7, v12;
	v7 =	vld [tilespmem:s31+$0x1450]  }
0x80: {  	s0 =	sadd.s32 $0x200, s0;
	[tilespmem:s31+$0x1400] =	vst v12;
	v12 =	vadd.s32 v9, v13;
	v9 =	vld [tilespmem:s31+$0x1460]  }
0x81: {  	[tilespmem:s31+$0x1410] =	vst v12;
	v6 =	vadd.s32 v11, v6;
	v63 =	vld [tilespmem:s31+$0x1470]  }
0x82: {  	[tilespmem:s31+$0x1420] =	vst v6;
	v5 =	vadd.s32 v10, v5  }
0x83: {  	[tilespmem:s31+$0x1430] =	vst v5;
	v4 =	vadd.s32 v8, v4  }
0x84: {  	[tilespmem:s31+$0x1440] =	vst v4;
	v3 =	vadd.s32 v7, v3  }
0x85: {  	[tilespmem:s31+$0x1450] =	vst v3;
	v2 =	vadd.s32 v9, v2  }
0x86: {  	[tilespmem:s31+$0x1460] =	vst v2;
	v1 =	vadd.s32 v63, v1  }
0x87: {  	s0 =	simm.s32 $0x0;
	[tilespmem:s31+$0x1470] =	vst v1  }
0x88: {  	[tilespmem:s0], [sflag:$0x5] =	stream.linear.gather [hbm4b:s12+s0], $0x1400, $0x38;
	[tilespmem:$0x1E800] =	vst v63  }
0x89: {  	_ =	swait.ge [sflag:s19], $0x1400  }
0x8a: {  	[sflag:s19] =	ssyncset.done $0x0  }
0x8b: {  	[sflag:s19] =	ssyncadd.s32 $0xFFFFEC00  }
0x8c: {  	[tilespmem:s18], [sflag:$0x1] =	stream.indirect.gather [hbm4b:s4+s20], $0x80, s21, s20, $0xb8;
	[tilespmem:$0x1E800] =	vst v63  }
0x8d: {  	_ = 	snop  }
0x8e: {  	[tilespmem:s23], [sflag:$0x2] =	stream.indirect.gather [hbm4b:s4+s20], $0x80, s22, s20, $0xb8;
	[tilespmem:$0x1E800] =	vst v63  }
0x8f: {  	_ =	swait.ge [sflag:s24], $0x4000  }
0x90: {  	[sflag:s24] =	ssyncset.done $0x0  }
0x91: {  	s31 =	simm.s32 $0x0;
	[sflag:s24] =	ssyncadd.s32 $0xFFFFC000  }
0x92: {  	[spmem:s1] =	stream.indirect.scatter.add.f32 [tilespmem:s18], [sflag:$0x3], $0x80, s31, s20, $0xb8;
	[tilespmem:$0x1E800] =	vst v63  }
0x93: {  	_ =	swait.ge [sflag:s25], $0x4000  }
0x94: {  	[sflag:s25] =	ssyncset.done $0x0  }
0x95: {  	s2 =	simm.s32 $0x80;
	[sflag:s25] =	ssyncadd.s32 $0xFFFFC000  }
0x96: {  	[spmem:s1] =	stream.indirect.scatter.add.f32 [tilespmem:s23], [sflag:$0x4], $0x80, s2, s20, $0xb8;
	[tilespmem:$0x1E800] =	vst v63  }
0x97: {  	_ =	swait.ge [sflag:s26], $0x4000  }
0x98: {  	[sflag:s26] =	ssyncset.done $0x0  }
0x99: {  	s31 =	simm.s32 $0x1500;
	[sflag:s26] =	ssyncadd.s32 $0xFFFFC000  }
0x9a: {  	[tilespmem:s18], [sflag:$0x1] =	stream.indirect.gather [hbm4b:s4+s20], $0x80, s31, s20, $0xb8;
	[tilespmem:$0x1E800] =	vst v63  }
0x9b: {  	_ =	swait.ge [sflag:s28], $0x4000  }
0x9c: {  	[sflag:s28] =	ssyncset.done $0x0  }
0x9d: {  	s0 =	simm.s32 $0x400;
	s2 =	simm.s32 $0x1580;
	[sflag:s28] =	ssyncadd.s32 $0xFFFFC000  }
.LBB2_8:
0x9e: {  	[tilespmem:s23], [sflag:$0x2] =	stream.indirect.gather [hbm4b:s4+s20], $0x80, s2, s20, $0xb8;
	[tilespmem:$0x1E800] =	vst v63  }
0x9f: {  	s2 =	smov.u32 s0  }
0xa0: {  	p0 =	sne.s32 s0, $0x4800;
	s0 =	sadd.s32 $0x400, s0;
	_ =	swait.ge [sflag:s24], $0x4000  }
0xa1: {  	[sflag:s24] =	ssyncset.done $0x0  }
0xa2: {  	s2 =	sshra.s32 s2, $0x2;
	[sflag:s24] =	ssyncadd.s32 $0xFFFFC000  }
0xa3: {  	[spmem:s1] =	stream.indirect.scatter.add.f32 [tilespmem:s18], [sflag:$0x3], $0x80, s2, s20, $0xb8;
	[tilespmem:$0x1E800] =	vst v63  }
0xa4: {  	_ =	swait.ge [sflag:s25], $0x4000  }
0xa5: {  	[sflag:s25] =	ssyncset.done $0x0  }
0xa6: {  	s31 =	sadd.s32 $0x80, s2;
	[sflag:s25] =	ssyncadd.s32 $0xFFFFC000  }
0xa7: {  	[spmem:s1] =	stream.indirect.scatter.add.f32 [tilespmem:s23], [sflag:$0x4], $0x80, s31, s20, $0xb8;
	[tilespmem:$0x1E800] =	vst v63  }
0xa8: {  	_ =	swait.ge [sflag:s26], $0x4000  }
0xa9: {  	[sflag:s26] =	ssyncset.done $0x0  }
.Ltmp3:
0xaa: {  	s31 =	sadd.s32 $0x1500, s2;
	[sflag:s26] =	ssyncadd.s32 $0xFFFFC000;
	(pc) =	sbr.rel @p0 .LBB2_8-.Ltmp3, $4  }
0xab: {  	[tilespmem:s18], [sflag:$0x1] =	stream.indirect.gather [hbm4b:s4+s20], $0x80, s31, s20, $0xb8;
	[tilespmem:$0x1E800] =	vst v63  }
0xac: {  	_ =	swait.ge [sflag:s28], $0x4000  }
0xad: {  	[sflag:s28] =	ssyncset.done $0x0  }
0xae: {  	s2 =	sadd.s32 $0x1580, s2;
	[sflag:s28] =	ssyncadd.s32 $0xFFFFC000  }
0xaf: {  	[tilespmem:s23], [sflag:$0x2] =	stream.indirect.gather [hbm4b:s4+s20], $0x80, s2, s20, $0xb8;
	[tilespmem:$0x1E800] =	vst v63  }
0xb0: {  	_ =	swait.ge [sflag:s24], $0x4000  }
0xb1: {  	[sflag:s24] =	ssyncset.done $0x0  }
0xb2: {  	[sflag:s24] =	ssyncadd.s32 $0xFFFFC000  }
0xb3: {  	[spmem:s1] =	stream.indirect.scatter.add.f32 [tilespmem:s18], [sflag:$0x3], $0x80, s29, s20, $0xb8;
	[tilespmem:$0x1E800] =	vst v63  }
0xb4: {  	_ =	swait.ge [sflag:s25], $0x4000  }
0xb5: {  	[sflag:s25] =	ssyncset.done $0x0  }
0xb6: {  	[sflag:s25] =	ssyncadd.s32 $0xFFFFC000  }
0xb7: {  	[spmem:s1] =	stream.indirect.scatter.add.f32 [tilespmem:s23], [sflag:$0x4], $0x80, s30, s20, $0xb8;
	[tilespmem:$0x1E800] =	vst v63  }
0xb8: {  	_ =	swait.ge [sflag:s26], $0x4000  }
0xb9: {  	[sflag:s26] =	ssyncset.done $0x0  }
0xba: {  	[sflag:s26] =	ssyncadd.s32 $0xFFFFC000  }
0xbb: {  	_ =	swait.ge [sflag:s28], $0x4000  }
0xbc: {  	[sflag:s28] =	ssyncset.done $0x0  }
0xbd: {  	s0 =	simm.s32 $0x0;
	[sflag:s28] =	ssyncadd.s32 $0xFFFFC000  }
0xbe: {  	[tilespmem:s0], [sflag:$0x5] =	stream.linear.gather [hbm4b:s13+s0], $0x1400, $0x38;
	[tilespmem:$0x1E800] =	vst v63  }
0xbf: {  	_ =	swait.ge [sflag:s19], $0x1400  }
0xc0: {  	[sflag:s19] =	ssyncset.done $0x0  }
0xc1: {  	s0 =	simm.s32 $0x0;
	[sflag:s19] =	ssyncadd.s32 $0xFFFFEC00  }
0xc2: {  	v2 =	vld [tilespmem:s0+$0x70]  }
0xc3: {  	v6 =	vld [tilespmem:s0+$0x0]  }
0xc4: {  	v7 =	vld [tilespmem:s0+$0x10]  }
0xc5: {  	v5 =	vld [tilespmem:s0+$0x20]  }
0xc6: {  	v4 =	vld [tilespmem:s0+$0x30]  }
0xc7: {  	v1 =	vld [tilespmem:s0+$0x40];
	v8 =	vmul.u32 $0x2710, v2  }
0xc8: {  	v2 =	vld [tilespmem:s0+$0x50];
	v6 =	vmul.u32 $0x2710, v6  }
0xc9: {  	s31 =	simm.s32 $0x80;
	s2 =	simm.s32 $0x400;
	v3 =	vld [tilespmem:s0+$0x60];
	v7 =	vmul.u32 $0x2710, v7;
	[tilespmem:s0+$0x1470] =	vst v8  }
.LBB2_10:
0xca: {  	p0 =	sne.s32 s2, $0x4E00;
	v8 =	vld [tilespmem:s31+$0x70];
	[tilespmem:s0+$0x1400] =	vst v6;
	v5 =	vmul.u32 $0x2710, v5  }
0xcb: {  	v6 =	vld [tilespmem:s31+$0x0];
	[tilespmem:s0+$0x1410] =	vst v7;
	v4 =	vmul.u32 $0x2710, v4  }
0xcc: {  	v7 =	vld [tilespmem:s31+$0x10];
	[tilespmem:s0+$0x1420] =	vst v5;
	v1 =	vmul.u32 $0x2710, v1  }
.Ltmp4:
0xcd: {  	v5 =	vld [tilespmem:s31+$0x20];
	[tilespmem:s0+$0x1430] =	vst v4;
	v2 =	vmul.u32 $0x2710, v2;
	(pc) =	sbr.rel @p0 .LBB2_10-.Ltmp4, $4  }
0xce: {  	v4 =	vld [tilespmem:s31+$0x30];
	[tilespmem:s0+$0x1440] =	vst v1;
	v3 =	vmul.u32 $0x2710, v3  }
0xcf: {  	v1 =	vld [tilespmem:s31+$0x40];
	v8 =	vmul.u32 $0x2710, v8;
	[tilespmem:s0+$0x1450] =	vst v2  }
0xd0: {  	v6 =	vmul.u32 $0x2710, v6;
	v2 =	vld [tilespmem:s31+$0x50];
	[tilespmem:s0+$0x1460] =	vst v3;
	s0 =	smov.u32 s31  }
0xd1: {  	s31 =	sshra.s32 s2, $0x2;
	s2 =	sadd.s32 $0x200, s2;
	v7 =	vmul.u32 $0x2710, v7;
	v3 =	vld [tilespmem:s0+$0x60];
	[tilespmem:s0+$0x1470] =	vst v8  }
0xd2: {  	v8 =	vld [tilespmem:s31+$0x70];
	[tilespmem:s0+$0x1400] =	vst v6;
	v5 =	vmul.u32 $0x2710, v5  }
0xd3: {  	v6 =	vld [tilespmem:s31+$0x0];
	[tilespmem:s0+$0x1410] =	vst v7;
	v4 =	vmul.u32 $0x2710, v4  }
0xd4: {  	v7 =	vld [tilespmem:s31+$0x10];
	[tilespmem:s0+$0x1420] =	vst v5;
	v1 =	vmul.u32 $0x2710, v1  }
0xd5: {  	v5 =	vld [tilespmem:s31+$0x20];
	[tilespmem:s0+$0x1430] =	vst v4;
	v2 =	vmul.u32 $0x2710, v2  }
0xd6: {  	v4 =	vld [tilespmem:s31+$0x30];
	[tilespmem:s0+$0x1440] =	vst v1;
	v3 =	vmul.u32 $0x2710, v3  }
0xd7: {  	v1 =	vld [tilespmem:s31+$0x40];
	[tilespmem:s0+$0x1450] =	vst v2;
	v8 =	vmul.u32 $0x2710, v8  }
0xd8: {  	v2 =	vld [tilespmem:s31+$0x50];
	[tilespmem:s0+$0x1460] =	vst v3;
	v3 =	vmul.u32 $0x2710, v6  }
0xd9: {  	v6 =	vld [tilespmem:s31+$0x60];
	v7 =	vmul.u32 $0x2710, v7;
	[tilespmem:s31+$0x1470] =	vst v8  }
0xda: {  	[tilespmem:s31+$0x1400] =	vst v3;
	v3 =	vmul.u32 $0x2710, v5  }
0xdb: {  	[tilespmem:s31+$0x1410] =	vst v7;
	v4 =	vmul.u32 $0x2710, v4  }
0xdc: {  	[tilespmem:s31+$0x1420] =	vst v3;
	v1 =	vmul.u32 $0x2710, v1  }
0xdd: {  	[tilespmem:s31+$0x1430] =	vst v4;
	v2 =	vmul.u32 $0x2710, v2  }
0xde: {  	[tilespmem:s31+$0x1440] =	vst v1;
	v1 =	vmul.u32 $0x2710, v6  }
0xdf: {  	[tilespmem:s31+$0x1450] =	vst v2  }
0xe0: {  	s2 =	simm.s32 $0x0;
	[tilespmem:s31+$0x1460] =	vst v1  }
0xe1: {  	[tilespmem:s2], [sflag:$0x5] =	stream.linear.gather [hbm4b:s14+s2], $0x1400, $0x38;
	[tilespmem:$0x1E800] =	vst v63  }
0xe2: {  	_ =	swait.ge [sflag:s19], $0x1400  }
0xe3: {  	[sflag:s19] =	ssyncset.done $0x0  }
0xe4: {  	s31 =	simm.s32 $0x0;
	[sflag:s19] =	ssyncadd.s32 $0xFFFFEC00  }
0xe5: {  	v7 =	vld [tilespmem:s31+$0x0]  }
0xe6: {  	v9 =	vld [tilespmem:s31+$0x10]  }
0xe7: {  	v6 =	vld [tilespmem:s31+$0x20]  }
0xe8: {  	v5 =	vld [tilespmem:s31+$0x30]  }
0xe9: {  	v4 =	vld [tilespmem:s31+$0x40]  }
0xea: {  	v3 =	vld [tilespmem:s31+$0x50]  }
0xeb: {  	v2 =	vld [tilespmem:s31+$0x60]  }
0xec: {  	v1 =	vld [tilespmem:s31+$0x70]  }
0xed: {  	v12 =	vld [tilespmem:s31+$0x1400]  }
0xee: {  	v13 =	vld [tilespmem:s31+$0x1410]  }
0xef: {  	v11 =	vld [tilespmem:s31+$0x1420]  }
0xf0: {  	v10 =	vld [tilespmem:s31+$0x1430]  }
0xf1: {  	v8 =	vld [tilespmem:s31+$0x1440]  }
0xf2: {  	v12 =	vadd.s32 v12, v7;
	v7 =	vld [tilespmem:s31+$0x1450]  }
0xf3: {  	s0 =	simm.s32 $0x200;
	[tilespmem:s31+$0x1400] =	vst v12;
	v12 =	vadd.s32 v13, v9;
	v9 =	vld [tilespmem:s31+$0x1460]  }
.LBB2_12:
0xf4: {  	s2 =	sshra.s32 s0, $0x2;
	p0 =	sne.s32 s0, $0x4E00;
	[tilespmem:s31+$0x1410] =	vst v12;
	v6 =	vadd.s32 v11, v6;
	v11 =	vld [tilespmem:s31+$0x1470]  }
0xf5: {  	v12 =	vld [tilespmem:s2+$0x0];
	[tilespmem:s31+$0x1420] =	vst v6;
	v5 =	vadd.s32 v10, v5  }
0xf6: {  	v13 =	vld [tilespmem:s2+$0x10];
	[tilespmem:s31+$0x1430] =	vst v5;
	v4 =	vadd.s32 v8, v4  }
0xf7: {  	v6 =	vld [tilespmem:s2+$0x20];
	[tilespmem:s31+$0x1440] =	vst v4;
	v3 =	vadd.s32 v7, v3  }
0xf8: {  	v5 =	vld [tilespmem:s2+$0x30];
	[tilespmem:s31+$0x1450] =	vst v3;
	v2 =	vadd.s32 v9, v2  }
0xf9: {  	v4 =	vld [tilespmem:s2+$0x40];
	[tilespmem:s31+$0x1460] =	vst v2;
	v1 =	vadd.s32 v11, v1  }
0xfa: {  	v3 =	vld [tilespmem:s2+$0x50];
	[tilespmem:s31+$0x1470] =	vst v1;
	s31 =	smov.u32 s2  }
0xfb: {  	v2 =	vld [tilespmem:s31+$0x60]  }
0xfc: {  	v1 =	vld [tilespmem:s31+$0x70]  }
0xfd: {  	v7 =	vld [tilespmem:s31+$0x1400]  }
0xfe: {  	v9 =	vld [tilespmem:s31+$0x1410]  }
.Ltmp5:
0xff: {  	v11 =	vld [tilespmem:s31+$0x1420];
	(pc) =	sbr.rel @p0 .LBB2_12-.Ltmp5, $4  }
0x100: {  	v10 =	vld [tilespmem:s31+$0x1430]  }
0x101: {  	v8 =	vld [tilespmem:s31+$0x1440]  }
0x102: {  	v12 =	vadd.s32 v7, v12;
	v7 =	vld [tilespmem:s31+$0x1450]  }
0x103: {  	s0 =	sadd.s32 $0x200, s0;
	[tilespmem:s31+$0x1400] =	vst v12;
	v12 =	vadd.s32 v9, v13;
	v9 =	vld [tilespmem:s31+$0x1460]  }
0x104: {  	[tilespmem:s31+$0x1410] =	vst v12;
	v6 =	vadd.s32 v11, v6;
	v63 =	vld [tilespmem:s31+$0x1470]  }
0x105: {  	[tilespmem:s31+$0x1420] =	vst v6;
	v5 =	vadd.s32 v10, v5  }
0x106: {  	[tilespmem:s31+$0x1430] =	vst v5;
	v4 =	vadd.s32 v8, v4  }
0x107: {  	[tilespmem:s31+$0x1440] =	vst v4;
	v3 =	vadd.s32 v7, v3  }
0x108: {  	[tilespmem:s31+$0x1450] =	vst v3;
	v2 =	vadd.s32 v9, v2  }
0x109: {  	[tilespmem:s31+$0x1460] =	vst v2;
	v1 =	vadd.s32 v63, v1  }
0x10a: {  	s0 =	simm.s32 $0x0;
	[tilespmem:s31+$0x1470] =	vst v1  }
0x10b: {  	[tilespmem:s0], [sflag:$0x5] =	stream.linear.gather [hbm4b:s15+s0], $0x1400, $0x38;
	[tilespmem:$0x1E800] =	vst v63  }
0x10c: {  	_ =	swait.ge [sflag:s19], $0x1400  }
0x10d: {  	[sflag:s19] =	ssyncset.done $0x0  }
0x10e: {  	[sflag:s19] =	ssyncadd.s32 $0xFFFFEC00  }
0x10f: {  	[tilespmem:s18], [sflag:$0x1] =	stream.indirect.gather [hbm4b:s4+s20], $0x80, s21, s20, $0xb8;
	[tilespmem:$0x1E800] =	vst v63  }
0x110: {  	_ = 	snop  }
0x111: {  	[tilespmem:s23], [sflag:$0x2] =	stream.indirect.gather [hbm4b:s4+s20], $0x80, s22, s20, $0xb8;
	[tilespmem:$0x1E800] =	vst v63  }
0x112: {  	_ =	swait.ge [sflag:s24], $0x4000  }
0x113: {  	[sflag:s24] =	ssyncset.done $0x0  }
0x114: {  	s31 =	simm.s32 $0x0;
	[sflag:s24] =	ssyncadd.s32 $0xFFFFC000  }
0x115: {  	[spmem:s1] =	stream.indirect.scatter.add.f32 [tilespmem:s18], [sflag:$0x3], $0x80, s31, s20, $0xb8;
	[tilespmem:$0x1E800] =	vst v63  }
0x116: {  	_ =	swait.ge [sflag:s25], $0x4000  }
0x117: {  	[sflag:s25] =	ssyncset.done $0x0  }
0x118: {  	s2 =	simm.s32 $0x80;
	[sflag:s25] =	ssyncadd.s32 $0xFFFFC000  }
0x119: {  	[spmem:s1] =	stream.indirect.scatter.add.f32 [tilespmem:s23], [sflag:$0x4], $0x80, s2, s20, $0xb8;
	[tilespmem:$0x1E800] =	vst v63  }
0x11a: {  	_ =	swait.ge [sflag:s26], $0x4000  }
0x11b: {  	[sflag:s26] =	ssyncset.done $0x0  }
0x11c: {  	s31 =	simm.s32 $0x1500;
	[sflag:s26] =	ssyncadd.s32 $0xFFFFC000  }
0x11d: {  	[tilespmem:s18], [sflag:$0x1] =	stream.indirect.gather [hbm4b:s4+s20], $0x80, s31, s20, $0xb8;
	[tilespmem:$0x1E800] =	vst v63  }
0x11e: {  	_ =	swait.ge [sflag:s28], $0x4000  }
0x11f: {  	[sflag:s28] =	ssyncset.done $0x0  }
0x120: {  	s0 =	simm.s32 $0x400;
	s2 =	simm.s32 $0x1580;
	[sflag:s28] =	ssyncadd.s32 $0xFFFFC000  }
.LBB2_14:
0x121: {  	[tilespmem:s23], [sflag:$0x2] =	stream.indirect.gather [hbm4b:s4+s20], $0x80, s2, s20, $0xb8;
	[tilespmem:$0x1E800] =	vst v63  }
0x122: {  	s2 =	smov.u32 s0  }
0x123: {  	p0 =	sne.s32 s0, $0x4800;
	s0 =	sadd.s32 $0x400, s0;
	_ =	swait.ge [sflag:s24], $0x4000  }
0x124: {  	[sflag:s24] =	ssyncset.done $0x0  }
0x125: {  	s2 =	sshra.s32 s2, $0x2;
	[sflag:s24] =	ssyncadd.s32 $0xFFFFC000  }
0x126: {  	[spmem:s1] =	stream.indirect.scatter.add.f32 [tilespmem:s18], [sflag:$0x3], $0x80, s2, s20, $0xb8;
	[tilespmem:$0x1E800] =	vst v63  }
0x127: {  	_ =	swait.ge [sflag:s25], $0x4000  }
0x128: {  	[sflag:s25] =	ssyncset.done $0x0  }
0x129: {  	s31 =	sadd.s32 $0x80, s2;
	[sflag:s25] =	ssyncadd.s32 $0xFFFFC000  }
0x12a: {  	[spmem:s1] =	stream.indirect.scatter.add.f32 [tilespmem:s23], [sflag:$0x4], $0x80, s31, s20, $0xb8;
	[tilespmem:$0x1E800] =	vst v63  }
0x12b: {  	_ =	swait.ge [sflag:s26], $0x4000  }
0x12c: {  	[sflag:s26] =	ssyncset.done $0x0  }
.Ltmp6:
0x12d: {  	s31 =	sadd.s32 $0x1500, s2;
	[sflag:s26] =	ssyncadd.s32 $0xFFFFC000;
	(pc) =	sbr.rel @p0 .LBB2_14-.Ltmp6, $4  }
0x12e: {  	[tilespmem:s18], [sflag:$0x1] =	stream.indirect.gather [hbm4b:s4+s20], $0x80, s31, s20, $0xb8;
	[tilespmem:$0x1E800] =	vst v63  }
0x12f: {  	_ =	swait.ge [sflag:s28], $0x4000  }
0x130: {  	[sflag:s28] =	ssyncset.done $0x0  }
0x131: {  	s2 =	sadd.s32 $0x1580, s2;
	[sflag:s28] =	ssyncadd.s32 $0xFFFFC000  }
0x132: {  	[tilespmem:s23], [sflag:$0x2] =	stream.indirect.gather [hbm4b:s4+s20], $0x80, s2, s20, $0xb8;
	[tilespmem:$0x1E800] =	vst v63  }
0x133: {  	_ =	swait.ge [sflag:s24], $0x4000  }
0x134: {  	[sflag:s24] =	ssyncset.done $0x0  }
0x135: {  	[sflag:s24] =	ssyncadd.s32 $0xFFFFC000  }
0x136: {  	[spmem:s1] =	stream.indirect.scatter.add.f32 [tilespmem:s18], [sflag:$0x3], $0x80, s29, s20, $0xb8;
	[tilespmem:$0x1E800] =	vst v63  }
0x137: {  	_ =	swait.ge [sflag:s25], $0x4000  }
0x138: {  	[sflag:s25] =	ssyncset.done $0x0  }
0x139: {  	[sflag:s25] =	ssyncadd.s32 $0xFFFFC000  }
0x13a: {  	[spmem:s1] =	stream.indirect.scatter.add.f32 [tilespmem:s23], [sflag:$0x4], $0x80, s30, s20, $0xb8;
	[tilespmem:$0x1E800] =	vst v63  }
0x13b: {  	_ =	swait.ge [sflag:s26], $0x4000  }
0x13c: {  	[sflag:s26] =	ssyncset.done $0x0  }
0x13d: {  	[sflag:s26] =	ssyncadd.s32 $0xFFFFC000  }
0x13e: {  	s0 =	stileid.u32;
	_ =	swait.ge [sflag:s28], $0x4000  }
0x13f: {  	s31 =	sshrl.u32 s5, $0x3;
	s3 =	sadd.s32 $0x1, s3;
	[sflag:s28] =	ssyncset.done $0x0  }
0x140: {  	s0 =	sshll.u32 s0, $0x6;
	p0 =	sne.s32 s3, s17;
	[sflag:s28] =	ssyncadd.s32 $0xFFFFC000  }
.Ltmp7:
0x141: {  	s0 =	sor.u32 $0x1C05, s0;
	[bflag:$0x0] =	sbarrier.arrive $0xFFFF;
	(pc) =	sbr.rel @p0 .LBB2_1-.Ltmp7, $4  }
0x142: {  	[hbm:s16], [sflag:s0] =	dma.local [spmem:s31], $0x2800  }
0x143: {  	_ =	swait.ge [sflag:s19], $0x2800  }
0x144: {  	[sflag:s19] =	ssyncset.done $0x0  }
0x145: {  	[sflag:s19] =	ssyncadd.s32 $0xFFFFD800  }
0x146: {  	_ =	sfence.sel $0x180000  }
0x147: {  	[bflag:$0x0] =	sbarrier.arrive $0xFFFF  }
0x148: {  	_ =	strace $0x9000004D  }
0x149: {  	s0 =	stileid.u32;
	[bflag:$0x2] =	sbarrier.arrive $0xFFFF  }
0x14a: {  	p0 =	sne.s32 s0, $0x0;
	s0 =	rddreg [dreg:$0x3]  }
0x14b: {  	s0 =	sadd.s32 @!p0 $0x100000, s0  }
0x14c: {  	[sflag:s0] =	ssyncadd.tile.s32 @!p0 $0x1;
	_ =	shalt  }
.Lfunc_end2:
_tile_overlayer_lowered:
.L_overlay_start_2:
0x14d: {  	(tag) =	ssettag $0x2  }
0x14e: {  	s0 =	rddreg [dreg:$0x0];
	s2 =	stileid.u32  }
0x14f: {  	s1 =	rddreg [dreg:$0x1];
	p0 =	sne.s32 s2, $0x0  }
0x150: {  	s3 =	rddreg [dreg:$0x2];
	[bflag:$0x3] =	sbarrier.arrive $0xFFFF;
	s2 =	simm.s32 @!p0 $0x1C05  }
0x151: {  	[timem:s3], [sflag:s2] =	dma.local @!p0 [hbm:s0], s1  }
0x152: {  	s0 =	simm.s32 @!p0 $0x5  }
0x153: {  	_ =	swait.ge @!p0 [sflag:s0], s1  }
0x154: {  	s1 =	ssub.s32 @!p0 $0x0, s1;
	[sflag:s0] =	ssyncset.done @!p0 $0x0  }
0x155: {  	[sflag:s0] =	ssyncadd.s32 @!p0 s1  }
0x156: {  	[bflag:$0x3] =	sbarrier.arrive $0xFFFF  }
0x157: {  	_ =	shalt  }

</sc_bundles>
